<compile_context>
chip_gen: v7x
topology: tpu7x:2x2x1
jax: 0.10.2.dev20260603
libtpu: 0.0.44.dev20260713+nightly
codegen_flags: <defaults>
</compile_context>

<pallas_src>
import jax
import jax.numpy as jnp
from jax import lax
from jax.experimental import pallas as pl
from jax.experimental.pallas import tpu as pltpu
from jax.experimental.pallas import tpu_sc as plsc

N_NODES = 100000
N_LINKS = 6400000
NW = 32
LINKS_PER_W = N_LINKS // NW
C = 2000
NCHUNK = LINKS_PER_W // C
G = NCHUNK // 2
U = 5
NP = 100352
RSL = NP // 16
RSL4 = RSL // 4


def _i32(x):
    return jnp.int32(x)


def _sc_body(tail, head, vel, flen, ctrl, field,
             partial,
             sel_hbm, ff_hbm, accs,
             big, ti0, ti1, hi0, hi1, si0, si1,
             vf0, vf1, wf0, wf1, ff0, ff1,
             isem0, isem1, osem0, osem1):
    cid = lax.axis_index("c").astype(jnp.int32)
    sid = lax.axis_index("s").astype(jnp.int32)
    wid = cid * _i32(16) + sid
    lbase = wid * _i32(LINKS_PER_W)

    tis = (ti0, ti1)
    his = (hi0, hi1)
    sis = (si0, si1)
    vfs = (vf0, vf1)
    wfs = (wf0, wf1)
    ffs = (ff0, ff1)
    isems = (isem0, isem1)
    osems = (osem0, osem1)

    def run_phase(start_in, wait_in, compute, start_out, wait_out):
        start_in(_i32(0), 0)

        def body(g, carry):
            c0 = g * _i32(2)
            c1 = c0 + _i32(1)
            start_in(c1, 1)
            wait_in(c0, 0)
            if wait_out is not None:
                @pl.when(g > _i32(0))
                def _():
                    wait_out(c0 - _i32(2), 0)
            compute(0)
            if start_out is not None:
                start_out(c0, 0)

            @pl.when(g < _i32(G - 1))
            def _():
                start_in(c0 + _i32(2), 0)

            wait_in(c1, 1)
            if wait_out is not None:
                @pl.when(g > _i32(0))
                def _():
                    wait_out(c1 - _i32(2), 1)
            compute(1)
            if start_out is not None:
                start_out(c1, 1)
            return carry

        lax.fori_loop(_i32(0), _i32(G), body, _i32(0))
        if wait_out is not None:
            wait_out(_i32(NCHUNK - 2), 0)
            wait_out(_i32(NCHUNK - 1), 1)

    pltpu.sync_copy(ctrl, big.at[pl.ds(0, N_NODES)])

    nmax = jnp.full((16,), N_NODES - 1, jnp.int32)
    nzero = jnp.zeros((16,), jnp.int32)

    def p1_start_in(ci, s):
        cb = lbase + ci * _i32(C)
        pltpu.async_copy(tail.at[pl.ds(cb, C)], tis[s], isems[s])
        pltpu.async_copy(head.at[pl.ds(cb, C)], his[s], isems[s])

    def p1_wait_in(ci, s):
        cb = lbase + ci * _i32(C)
        pltpu.make_async_copy(tail.at[pl.ds(cb, C)], tis[s],
                              isems[s]).wait()
        pltpu.make_async_copy(head.at[pl.ds(cb, C)], his[s],
                              isems[s]).wait()

    def p1_compute(s):
        tb, hb, sb = tis[s], his[s], sis[s]

        def inner(j, c2):
            ob = j * _i32(16 * U)
            for k in range(U):
                o = ob + _i32(16 * k)
                t = tb[pl.ds(o, 16)]
                h = hb[pl.ds(o, 16)]
                t = jnp.minimum(jnp.maximum(t, nzero), nmax)
                h = jnp.minimum(jnp.maximum(h, nzero), nmax)
                ct = plsc.load_gather(big, [t])
                ch = plsc.load_gather(big, [h])
                sb[pl.ds(o, 16)] = jnp.where(ch > ct, h, t)
            return c2

        lax.fori_loop(_i32(0), _i32(C // (16 * U)), inner, _i32(0))

    def p1_start_out(ci, s):
        cb = lbase + ci * _i32(C)
        pltpu.async_copy(sis[s], sel_hbm.at[pl.ds(cb, C)], osems[s])

    def p1_wait_out(ci, s):
        cb = lbase + ci * _i32(C)
        pltpu.make_async_copy(sis[s], sel_hbm.at[pl.ds(cb, C)],
                              osems[s]).wait()

    run_phase(p1_start_in, p1_wait_in, p1_compute, p1_start_out, p1_wait_out)

    pltpu.sync_copy(field, big.at[pl.ds(0, N_NODES)])

    def p2_start_in(ci, s):
        cb = lbase + ci * _i32(C)
        pltpu.async_copy(sel_hbm.at[pl.ds(cb, C)], sis[s], isems[s])
        pltpu.async_copy(vel.at[pl.ds(cb, C)], vfs[s], isems[s])
        pltpu.async_copy(flen.at[pl.ds(cb, C)], wfs[s], isems[s])

    def p2_wait_in(ci, s):
        cb = lbase + ci * _i32(C)
        pltpu.make_async_copy(sel_hbm.at[pl.ds(cb, C)], sis[s],
                              isems[s]).wait()
        pltpu.make_async_copy(vel.at[pl.ds(cb, C)], vfs[s], isems[s]).wait()
        pltpu.make_async_copy(flen.at[pl.ds(cb, C)], wfs[s], isems[s]).wait()

    def p2_compute(s):
        sb, vb, wb, fb = sis[s], vfs[s], wfs[s], ffs[s]

        def inner(j, c2):
            ob = j * _i32(16 * U)
            for k in range(U):
                o = ob + _i32(16 * k)
                sidx = sb[pl.ds(o, 16)]
                fv = plsc.load_gather(big, [sidx])
                fb[pl.ds(o, 16)] = fv * vb[pl.ds(o, 16)] * wb[pl.ds(o, 16)]
            return c2

        lax.fori_loop(_i32(0), _i32(C // (16 * U)), inner, _i32(0))

    def p2_start_out(ci, s):
        cb = lbase + ci * _i32(C)
        pltpu.async_copy(ffs[s], ff_hbm.at[pl.ds(cb, C)], osems[s])

    def p2_wait_out(ci, s):
        cb = lbase + ci * _i32(C)
        pltpu.make_async_copy(ffs[s], ff_hbm.at[pl.ds(cb, C)],
                              osems[s]).wait()

    run_phase(p2_start_in, p2_wait_in, p2_compute, p2_start_out, p2_wait_out)

    def zero(j, carry):
        ob = j * _i32(128)
        for k in range(8):
            big[pl.ds(ob + _i32(16 * k), 16)] = jnp.zeros((16,), jnp.float32)
        return carry

    lax.fori_loop(_i32(0), _i32(NP // 128), zero, _i32(0))

    def p3_start_in(ci, s):
        cb = lbase + ci * _i32(C)
        pltpu.async_copy(tail.at[pl.ds(cb, C)], tis[s], isems[s])
        pltpu.async_copy(head.at[pl.ds(cb, C)], his[s], isems[s])
        pltpu.async_copy(ff_hbm.at[pl.ds(cb, C)], ffs[s], isems[s])

    def p3_wait_in(ci, s):
        cb = lbase + ci * _i32(C)
        pltpu.make_async_copy(tail.at[pl.ds(cb, C)], tis[s],
                              isems[s]).wait()
        pltpu.make_async_copy(head.at[pl.ds(cb, C)], his[s],
                              isems[s]).wait()
        pltpu.make_async_copy(ff_hbm.at[pl.ds(cb, C)], ffs[s],
                              isems[s]).wait()

    def p3_compute(s):
        tb, hb, fb = tis[s], his[s], ffs[s]

        def inner(j, c2):
            ob = j * _i32(16 * U)
            for k in range(U):
                o = ob + _i32(16 * k)
                t = tb[pl.ds(o, 16)]
                h = hb[pl.ds(o, 16)]
                t = jnp.minimum(jnp.maximum(t, nzero), nmax)
                h = jnp.minimum(jnp.maximum(h, nzero), nmax)
                ffv = fb[pl.ds(o, 16)]
                plsc.addupdate_scatter(big, [t], ffv)
                plsc.addupdate_scatter(big, [h], -ffv)
            return c2

        lax.fori_loop(_i32(0), _i32(C // (16 * U)), inner, _i32(0))

    run_phase(p3_start_in, p3_wait_in, p3_compute, None, None)

    pltpu.sync_copy(big, accs.at[pl.ds(wid * _i32(NP), NP)])
    plsc.subcore_barrier()
    for r in range(4):
        rb = sid * _i32(RSL) + _i32(r * RSL4)
        pltpu.sync_copy(accs.at[pl.ds(cid * _i32(16 * NP) + rb, RSL4)],
                        vf0.at[pl.ds(0, RSL4)])

        def red_one(k, carry):
            off = (cid * _i32(16) + k) * _i32(NP) + rb
            pltpu.sync_copy(accs.at[pl.ds(off, RSL4)], wf0.at[pl.ds(0, RSL4)])

            def add16(j, c2):
                ob = j * _i32(112)
                for k2 in range(7):
                    o = ob + _i32(16 * k2)
                    vf0[pl.ds(o, 16)] = vf0[pl.ds(o, 16)] + wf0[pl.ds(o, 16)]
                return c2

            lax.fori_loop(_i32(0), _i32(RSL4 // 112), add16, _i32(0))
            return carry

        lax.fori_loop(_i32(1), _i32(16), red_one, _i32(0))
        pltpu.sync_copy(vf0.at[pl.ds(0, RSL4)],
                        partial.at[pl.ds(cid * _i32(NP) + rb, RSL4)])


@jax.jit
def _sc_part(tail, head, vel, flen, ctrl, field):
    mesh = plsc.VectorSubcoreMesh(core_axis_name="c", subcore_axis_name="s")
    f = pl.kernel(
        _sc_body,
        out_type=[
            jax.ShapeDtypeStruct((2 * NP,), jnp.float32),
        ],
        mesh=mesh,
        compiler_params=pltpu.CompilerParams(needs_layout_passes=False),
        scratch_types=[
            pltpu.HBM((N_LINKS,), jnp.int32),
            pltpu.HBM((N_LINKS,), jnp.float32),
            pltpu.HBM((NW * NP,), jnp.float32),
            pltpu.VMEM((NP,), jnp.float32),
            pltpu.VMEM((C,), jnp.int32),
            pltpu.VMEM((C,), jnp.int32),
            pltpu.VMEM((C,), jnp.int32),
            pltpu.VMEM((C,), jnp.int32),
            pltpu.VMEM((C,), jnp.int32),
            pltpu.VMEM((C,), jnp.int32),
            pltpu.VMEM((C,), jnp.float32),
            pltpu.VMEM((C,), jnp.float32),
            pltpu.VMEM((C,), jnp.float32),
            pltpu.VMEM((C,), jnp.float32),
            pltpu.VMEM((C,), jnp.float32),
            pltpu.VMEM((C,), jnp.float32),
            pltpu.SemaphoreType.DMA,
            pltpu.SemaphoreType.DMA,
            pltpu.SemaphoreType.DMA,
            pltpu.SemaphoreType.DMA,
        ],
    )
    return f(tail, head, vel, flen, ctrl, field)


def _tc_combine_body(f_ref, a_ref, p0_ref, p1_ref, dt_ref, o_ref):
    dt = dt_ref[0]
    o_ref[...] = f_ref[...] - dt * (p0_ref[...] + p1_ref[...]) / a_ref[...]


@jax.jit
def _tc_combine(fp, ap, p0, p1, dt):
    return pl.pallas_call(
        _tc_combine_body,
        out_shape=jax.ShapeDtypeStruct((NP // 1024, 1024), jnp.float32),
        in_specs=[
            pl.BlockSpec(memory_space=pltpu.MemorySpace.VMEM),
            pl.BlockSpec(memory_space=pltpu.MemorySpace.VMEM),
            pl.BlockSpec(memory_space=pltpu.MemorySpace.VMEM),
            pl.BlockSpec(memory_space=pltpu.MemorySpace.VMEM),
            pl.BlockSpec(memory_space=pltpu.MemorySpace.SMEM),
        ],
        out_specs=pl.BlockSpec(memory_space=pltpu.MemorySpace.VMEM),
    )(fp, ap, p0, p1, dt)


def kernel(field, control, velocity, edge_index, length_of_face,
           cell_area_at_node, dt):
    tail = edge_index[0].astype(jnp.int32)
    head = edge_index[1].astype(jnp.int32)
    (partial,) = _sc_part(tail, head, velocity, length_of_face,
                          control, field)
    pad = NP - N_NODES
    fp = jnp.reshape(jnp.pad(field, (0, pad)), (NP // 1024, 1024))
    ap = jnp.reshape(jnp.pad(cell_area_at_node, (0, pad),
                             constant_values=jnp.float32(1.0)),
                     (NP // 1024, 1024))
    p0 = jnp.reshape(partial[:NP], (NP // 1024, 1024))
    p1 = jnp.reshape(partial[NP:], (NP // 1024, 1024))
    dt_arr = jnp.reshape(dt.astype(jnp.float32), (1,))
    out = _tc_combine(fp, ap, p0, p1, dt_arr)
    return jnp.reshape(out, (NP,))[:N_NODES]

# --- scband reference (transcript-rebuilt; emitter-appended) ---
"""Pipeline reference for scband-upwind-advection-7112465842843 (READ-ONLY COPY).

The authoritative reference and input builder live on the scoring server;
editing this copy changes nothing except your own understanding.
"""

import jax, jax.numpy as jnp
import numpy as np
jax.config.update('jax_enable_x64', True)

N_NODES = 100000
N_LINKS = 6400000

def setup_inputs(seed: int = 0) -> dict:
    key = jax.random.key(seed)
    ks = jax.random.split(key, 7)
    field = jax.random.normal(ks[0], (N_NODES,), dtype=jnp.float32)
    control = jax.random.normal(ks[1], (N_NODES,), dtype=jnp.float32)
    velocity = jax.random.normal(ks[2], (N_LINKS,), dtype=jnp.float32)
    # edge_index[0] = node_at_link_tail, edge_index[1] = node_at_link_head
    edge_index = jax.random.randint(ks[3], (2, N_LINKS), 0, N_NODES, dtype=jnp.int64)
    # face widths are positive lengths
    length_of_face = jax.random.uniform(ks[4], (N_LINKS,), dtype=jnp.float32, minval=0.5, maxval=1.5)
    # cell areas kept away from zero to avoid blow-up in the divergence division
    cell_area_at_node = jax.random.uniform(ks[5], (N_NODES,), dtype=jnp.float32, minval=0.5, maxval=1.5)
    dt = jnp.asarray(0.1, dtype=jnp.float32)
    return {
        'field': field,
        'control': control,
        'velocity': velocity,
        'edge_index': edge_index,
        'length_of_face': length_of_face,
        'cell_area_at_node': cell_area_at_node,
        'dt': dt,
    }


def _map_value_at_max_node_to_link(control, field, tail, head):
    # For each link, take the field value at whichever end node has the larger
    # control value (upwind selection).
    ctrl_tail = control[tail]
    ctrl_head = control[head]
    return jnp.where(ctrl_head > ctrl_tail, field[head], field[tail])


def _calc_flux_div_at_node(flux, tail, head, length_of_face, cell_area_at_node, n_nodes):
    # Net outflow per node: flux (defined positive tail->head) times face width,
    # scatter-added with +1 at the tail (leaving) and -1 at the head (entering),
    # normalized by cell area.
    flux_face = flux * length_of_face
    net_out = jnp.zeros((n_nodes,), dtype=flux.dtype)
    net_out = net_out.at[tail].add(flux_face)
    net_out = net_out.at[head].add(-flux_face)
    return net_out / cell_area_at_node


def reference(field, control, velocity, edge_index, length_of_face, cell_area_at_node, dt):
    tail = edge_index[0]
    head = edge_index[1]
    # UpwindAdvection.calc_rate_of_change
    upwind_field = _map_value_at_max_node_to_link(control, field, tail, head)
    flux = upwind_field * velocity
    div = _calc_flux_div_at_node(flux, tail, head, length_of_face, cell_area_at_node, field.shape[0])
    rate_of_change = -div
    # UpwindAdvection.update(dt)
    new_field = field + rate_of_change * dt
    return new_field


if False:  # reference __main__ guard neutralized (emitter)
    out = reference(**setup_inputs())
    print(out.shape, out.dtype)

if __name__ == "__main__":
    import jax
    _d = setup_inputs()
    print(jax.jit(kernel)(*tuple(_d.values())))

</pallas_src>

<mosaic_0001>
#map = affine_map<(d0, d1) -> (0)>
module attributes {stable_mosaic.version = 14 : i64} {
  func.func @_sc_body(%arg0: i32, %arg1: i32, %arg2: memref<6400000xi32, #tpu.memory_space<hbm>>, %arg3: memref<6400000xi32, #tpu.memory_space<hbm>>, %arg4: memref<6400000xf32, #tpu.memory_space<hbm>>, %arg5: memref<6400000xf32, #tpu.memory_space<hbm>>, %arg6: memref<100000xf32, #tpu.memory_space<hbm>>, %arg7: memref<100000xf32, #tpu.memory_space<hbm>>, %arg8: memref<200704xf32, #tpu.memory_space<hbm>>, %arg9: memref<6400000xi32, #tpu.memory_space<hbm>>, %arg10: memref<6400000xf32, #tpu.memory_space<hbm>>, %arg11: memref<3211264xf32, #tpu.memory_space<hbm>>, %arg12: memref<100352xf32, #tpu.memory_space<vmem>>, %arg13: memref<2000xi32, #tpu.memory_space<vmem>>, %arg14: memref<2000xi32, #tpu.memory_space<vmem>>, %arg15: memref<2000xi32, #tpu.memory_space<vmem>>, %arg16: memref<2000xi32, #tpu.memory_space<vmem>>, %arg17: memref<2000xi32, #tpu.memory_space<vmem>>, %arg18: memref<2000xi32, #tpu.memory_space<vmem>>, %arg19: memref<2000xf32, #tpu.memory_space<vmem>>, %arg20: memref<2000xf32, #tpu.memory_space<vmem>>, %arg21: memref<2000xf32, #tpu.memory_space<vmem>>, %arg22: memref<2000xf32, #tpu.memory_space<vmem>>, %arg23: memref<2000xf32, #tpu.memory_space<vmem>>, %arg24: memref<2000xf32, #tpu.memory_space<vmem>>, %arg25: memref<!tpu.dma_semaphore, #tpu.memory_space<semaphore_mem>>, %arg26: memref<!tpu.dma_semaphore, #tpu.memory_space<semaphore_mem>>, %arg27: memref<!tpu.dma_semaphore, #tpu.memory_space<semaphore_mem>>, %arg28: memref<!tpu.dma_semaphore, #tpu.memory_space<semaphore_mem>>) attributes {dimension_semantics = [#tpu.dimension_semantics<core_parallel>, #tpu.dimension_semantics<subcore_parallel>], iteration_bounds = array<i64: 2, 16>, scalar_prefetch = 0 : i64, scratch_operands = 20 : i64, tpu.core_type = #tpu.core_type<sc_vector_subcore>, window_params = [{transform_indices = #map}, {transform_indices = #map}, {transform_indices = #map}, {transform_indices = #map}, {transform_indices = #map}, {transform_indices = #map}, {transform_indices = #map}]} {
    %mul3A = arith.constant 16 : i32
    %mul3A_0 = arith.muli %arg0, %mul3A : i32
    %add3A = arith.addi %mul3A_0, %arg1 : i32
    %mul3A_1 = arith.constant 200000 : i32
    %mul3A_2 = arith.muli %add3A, %mul3A_1 : i32
    "tpu.region"() ({
      %run_scoped3A = tpu.sem_alloc : memref<!tpu.dma_semaphore, #tpu.memory_space<semaphore_mem>>
      %dma_start3A_185 = arith.constant 0 : i32
      %dma_start3A_186 = tpu.memref_slice %arg12[%dma_start3A_185] : memref<100352xf32, #tpu.memory_space<vmem>> -> memref<100000xf32, #tpu.memory_space<vmem>>
      %dma_start3A_187 = arith.constant 0 : i32
      %dma_start3A_188 = tpu.memref_slice %arg12[%dma_start3A_187] : memref<100352xf32, #tpu.memory_space<vmem>> -> memref<100000xf32, #tpu.memory_space<vmem>>
      tpu.enqueue_dma source(%arg6 : memref<100000xf32, #tpu.memory_space<hbm>>) target(%dma_start3A_188 : memref<100000xf32, #tpu.memory_space<vmem>>) target_semaphore(%run_scoped3A : memref<!tpu.dma_semaphore, #tpu.memory_space<semaphore_mem>>)
      %dma_wait3A_189 = arith.constant 0 : i32
      %dma_wait3A_190 = tpu.memref_slice %arg12[%dma_wait3A_189] : memref<100352xf32, #tpu.memory_space<vmem>> -> memref<100000xf32, #tpu.memory_space<vmem>>
      %dma_wait3A_191 = arith.constant 0 : i32
      %dma_wait3A_192 = tpu.memref_slice %arg12[%dma_wait3A_191] : memref<100352xf32, #tpu.memory_space<vmem>> -> memref<100000xf32, #tpu.memory_space<vmem>>
      tpu.wait_dma2 semaphore(%run_scoped3A : memref<!tpu.dma_semaphore, #tpu.memory_space<semaphore_mem>>) src(%arg6 : memref<100000xf32, #tpu.memory_space<hbm>>) dst(%dma_wait3A_192 : memref<100000xf32, #tpu.memory_space<vmem>>)
      tpu.yield
    }) : () -> ()
    %broadcast_in_dim3A = arith.constant 99999 : i32
    %broadcast_in_dim3A_3 = vector.broadcast %broadcast_in_dim3A : i32 to vector<16xi32>
    %broadcast_in_dim3A_4 = arith.constant 0 : i32
    %broadcast_in_dim3A_5 = vector.broadcast %broadcast_in_dim3A_4 : i32 to vector<16xi32>
    %mul3A_6 = arith.constant 0 : i32
    %mul3A_7 = arith.constant 2000 : i32
    %mul3A_8 = arith.muli %mul3A_6, %mul3A_7 : i32
    %add3A_9 = arith.addi %mul3A_2, %mul3A_8 : i32
    %dma_start3A = tpu.memref_slice %arg2[%add3A_9] : memref<6400000xi32, #tpu.memory_space<hbm>> -> memref<2000xi32, #tpu.memory_space<hbm>>
    %dma_start3A_10 = tpu.memref_slice %arg2[%add3A_9] : memref<6400000xi32, #tpu.memory_space<hbm>> -> memref<2000xi32, #tpu.memory_space<hbm>>
    tpu.enqueue_dma source(%dma_start3A_10 : memref<2000xi32, #tpu.memory_space<hbm>>) target(%arg13 : memref<2000xi32, #tpu.memory_space<vmem>>) target_semaphore(%arg25 : memref<!tpu.dma_semaphore, #tpu.memory_space<semaphore_mem>>)
    %dma_start3A_11 = tpu.memref_slice %arg3[%add3A_9] : memref<6400000xi32, #tpu.memory_space<hbm>> -> memref<2000xi32, #tpu.memory_space<hbm>>
    %dma_start3A_12 = tpu.memref_slice %arg3[%add3A_9] : memref<6400000xi32, #tpu.memory_space<hbm>> -> memref<2000xi32, #tpu.memory_space<hbm>>
    tpu.enqueue_dma source(%dma_start3A_12 : memref<2000xi32, #tpu.memory_space<hbm>>) target(%arg15 : memref<2000xi32, #tpu.memory_space<vmem>>) target_semaphore(%arg25 : memref<!tpu.dma_semaphore, #tpu.memory_space<semaphore_mem>>)
    %while3A = arith.constant 0 : i32
    %while3A_13 = arith.constant 0 : i32
    %while3A_14 = arith.constant 50 : i32
    %while3A_15 = arith.subi %while3A_14, %while3A_13 : i32
    %while3A_16 = arith.addi %while3A_13, %while3A_15 : i32
    %while3A_17 = arith.constant 1 : i32
    %while3A_18 = arith.divsi %while3A_15, %while3A_17 : i32
    %while3A_19 = arith.muli %while3A_18, %while3A_17 : i32
    %while3A_20 = arith.addi %while3A_13, %while3A_19 : i32
    %while3A_21 = arith.constant 1 : i32
    scf.for %while3A_185 = %while3A_13 to %while3A_20 step %while3A_21  : i32 {
      %mul3A_186 = arith.constant 2 : i32
      %mul3A_187 = arith.muli %while3A_185, %mul3A_186 : i32
      %add3A_188 = arith.constant 1 : i32
      %add3A_189 = arith.addi %mul3A_187, %add3A_188 : i32
      %mul3A_190 = arith.constant 2000 : i32
      %mul3A_191 = arith.muli %add3A_189, %mul3A_190 : i32
      %add3A_192 = arith.addi %mul3A_2, %mul3A_191 : i32
      %dma_start3A_193 = tpu.memref_slice %arg2[%add3A_192] : memref<6400000xi32, #tpu.memory_space<hbm>> -> memref<2000xi32, #tpu.memory_space<hbm>>
      %dma_start3A_194 = tpu.memref_slice %arg2[%add3A_192] : memref<6400000xi32, #tpu.memory_space<hbm>> -> memref<2000xi32, #tpu.memory_space<hbm>>
      tpu.enqueue_dma source(%dma_start3A_194 : memref<2000xi32, #tpu.memory_space<hbm>>) target(%arg14 : memref<2000xi32, #tpu.memory_space<vmem>>) target_semaphore(%arg26 : memref<!tpu.dma_semaphore, #tpu.memory_space<semaphore_mem>>)
      %dma_start3A_195 = tpu.memref_slice %arg3[%add3A_192] : memref<6400000xi32, #tpu.memory_space<hbm>> -> memref<2000xi32, #tpu.memory_space<hbm>>
      %dma_start3A_196 = tpu.memref_slice %arg3[%add3A_192] : memref<6400000xi32, #tpu.memory_space<hbm>> -> memref<2000xi32, #tpu.memory_space<hbm>>
      tpu.enqueue_dma source(%dma_start3A_196 : memref<2000xi32, #tpu.memory_space<hbm>>) target(%arg16 : memref<2000xi32, #tpu.memory_space<vmem>>) target_semaphore(%arg26 : memref<!tpu.dma_semaphore, #tpu.memory_space<semaphore_mem>>)
      %mul3A_197 = arith.constant 2000 : i32
      %mul3A_198 = arith.muli %mul3A_187, %mul3A_197 : i32
      %add3A_199 = arith.addi %mul3A_2, %mul3A_198 : i32
      %dma_wait3A_200 = tpu.memref_slice %arg2[%add3A_199] : memref<6400000xi32, #tpu.memory_space<hbm>> -> memref<2000xi32, #tpu.memory_space<hbm>>
      %dma_wait3A_201 = tpu.memref_slice %arg2[%add3A_199] : memref<6400000xi32, #tpu.memory_space<hbm>> -> memref<2000xi32, #tpu.memory_space<hbm>>
      tpu.wait_dma2 semaphore(%arg25 : memref<!tpu.dma_semaphore, #tpu.memory_space<semaphore_mem>>) src(%dma_wait3A_201 : memref<2000xi32, #tpu.memory_space<hbm>>) dst(%arg13 : memref<2000xi32, #tpu.memory_space<vmem>>)
      %dma_wait3A_202 = tpu.memref_slice %arg3[%add3A_199] : memref<6400000xi32, #tpu.memory_space<hbm>> -> memref<2000xi32, #tpu.memory_space<hbm>>
      %dma_wait3A_203 = tpu.memref_slice %arg3[%add3A_199] : memref<6400000xi32, #tpu.memory_space<hbm>> -> memref<2000xi32, #tpu.memory_space<hbm>>
      tpu.wait_dma2 semaphore(%arg25 : memref<!tpu.dma_semaphore, #tpu.memory_space<semaphore_mem>>) src(%dma_wait3A_203 : memref<2000xi32, #tpu.memory_space<hbm>>) dst(%arg15 : memref<2000xi32, #tpu.memory_space<vmem>>)
      %gt3A = arith.constant 0 : i32
      %gt3A_204 = arith.cmpi sgt, %while3A_185, %gt3A : i32
      %convert_element_type3A = arith.extui %gt3A_204 : i1 to i32
      %cond3A = arith.constant 0 : i32
      %cond3A_205 = arith.cmpi ne, %convert_element_type3A, %cond3A : i32
      scf.if %cond3A_205 {
        %sub3A = arith.constant 2 : i32
        %sub3A_254 = arith.subi %mul3A_187, %sub3A : i32
        %mul3A_255 = arith.constant 2000 : i32
        %mul3A_256 = arith.muli %sub3A_254, %mul3A_255 : i32
        %add3A_257 = arith.addi %mul3A_2, %mul3A_256 : i32
        %dma_wait3A_258 = tpu.memref_slice %arg9[%add3A_257] : memref<6400000xi32, #tpu.memory_space<hbm>> -> memref<2000xi32, #tpu.memory_space<hbm>>
        %dma_wait3A_259 = tpu.memref_slice %arg9[%add3A_257] : memref<6400000xi32, #tpu.memory_space<hbm>> -> memref<2000xi32, #tpu.memory_space<hbm>>
        tpu.wait_dma2 semaphore(%arg27 : memref<!tpu.dma_semaphore, #tpu.memory_space<semaphore_mem>>) src(%arg17 : memref<2000xi32, #tpu.memory_space<vmem>>) dst(%dma_wait3A_259 : memref<2000xi32, #tpu.memory_space<hbm>>)
      } else {
      }
      %while3A_206 = arith.constant 0 : i32
      %while3A_207 = arith.constant 0 : i32
      %while3A_208 = arith.constant 25 : i32
      %while3A_209 = arith.subi %while3A_208, %while3A_207 : i32
      %while3A_210 = arith.addi %while3A_207, %while3A_209 : i32
      %while3A_211 = arith.constant 1 : i32
      %while3A_212 = arith.divsi %while3A_209, %while3A_211 : i32
      %while3A_213 = arith.muli %while3A_212, %while3A_211 : i32
      %while3A_214 = arith.addi %while3A_207, %while3A_213 : i32
      %while3A_215 = arith.constant 1 : i32
      scf.for %while3A_254 = %while3A_207 to %while3A_214 step %while3A_215  : i32 {
        %mul3A_255 = arith.constant 80 : i32
        %mul3A_256 = arith.muli %while3A_254, %mul3A_255 : i32
        %add3A_257 = arith.constant 0 : i32
        %add3A_258 = arith.addi %mul3A_256, %add3A_257 : i32
        %get3A = arith.index_cast %add3A_258 : i32 to index
        %get3A_259 = tpu.vector_load %arg13[%get3A] {strides = array<i32>} : memref<2000xi32, #tpu.memory_space<vmem>>, vector<16xi32>,
        %get3A_260 = arith.index_cast %add3A_258 : i32 to index
        %get3A_261 = tpu.vector_load %arg15[%get3A_260] {strides = array<i32>} : memref<2000xi32, #tpu.memory_space<vmem>>, vector<16xi32>,
        %max3A = arith.maxsi %get3A_259, %broadcast_in_dim3A_5 : vector<16xi32>
        %min3A = arith.minsi %max3A, %broadcast_in_dim3A_3 : vector<16xi32>
        %max3A_262 = arith.maxsi %get3A_261, %broadcast_in_dim3A_5 : vector<16xi32>
        %min3A_263 = arith.minsi %max3A_262, %broadcast_in_dim3A_3 : vector<16xi32>
        %gather3A = tpu.vector_load_idx %arg12[%min3A] : memref<100352xf32, #tpu.memory_space<vmem>>[vector<16xi32>], vector<16xf32>,
        %gather3A_264 = tpu.vector_load_idx %arg12[%min3A_263] : memref<100352xf32, #tpu.memory_space<vmem>>[vector<16xi32>], vector<16xf32>,
        %gt3A_265 = arith.cmpf ogt, %gather3A_264, %gather3A : vector<16xf32>
        %select_n3A = arith.select %gt3A_265, %min3A_263, %min3A : vector<16xi1>, vector<16xi32>
        %swap3A = arith.index_cast %add3A_258 : i32 to index
        %swap3A_266 = tpu.vector_load %arg17[%swap3A] {strides = array<i32>} : memref<2000xi32, #tpu.memory_space<vmem>>, vector<16xi32>,
        tpu.vector_store %arg17[%swap3A], %select_n3A {strides = array<i32>} : memref<2000xi32, #tpu.memory_space<vmem>>, vector<16xi32>,
        %add3A_267 = arith.constant 16 : i32
        %add3A_268 = arith.addi %mul3A_256, %add3A_267 : i32
        %get3A_269 = arith.index_cast %add3A_268 : i32 to index
        %get3A_270 = tpu.vector_load %arg13[%get3A_269] {strides = array<i32>} : memref<2000xi32, #tpu.memory_space<vmem>>, vector<16xi32>,
        %get3A_271 = arith.index_cast %add3A_268 : i32 to index
        %get3A_272 = tpu.vector_load %arg15[%get3A_271] {strides = array<i32>} : memref<2000xi32, #tpu.memory_space<vmem>>, vector<16xi32>,
        %max3A_273 = arith.maxsi %get3A_270, %broadcast_in_dim3A_5 : vector<16xi32>
        %min3A_274 = arith.minsi %max3A_273, %broadcast_in_dim3A_3 : vector<16xi32>
        %max3A_275 = arith.maxsi %get3A_272, %broadcast_in_dim3A_5 : vector<16xi32>
        %min3A_276 = arith.minsi %max3A_275, %broadcast_in_dim3A_3 : vector<16xi32>
        %gather3A_277 = tpu.vector_load_idx %arg12[%min3A_274] : memref<100352xf32, #tpu.memory_space<vmem>>[vector<16xi32>], vector<16xf32>,
        %gather3A_278 = tpu.vector_load_idx %arg12[%min3A_276] : memref<100352xf32, #tpu.memory_space<vmem>>[vector<16xi32>], vector<16xf32>,
        %gt3A_279 = arith.cmpf ogt, %gather3A_278, %gather3A_277 : vector<16xf32>
        %select_n3A_280 = arith.select %gt3A_279, %min3A_276, %min3A_274 : vector<16xi1>, vector<16xi32>
        %swap3A_281 = arith.index_cast %add3A_268 : i32 to index
        %swap3A_282 = tpu.vector_load %arg17[%swap3A_281] {strides = array<i32>} : memref<2000xi32, #tpu.memory_space<vmem>>, vector<16xi32>,
        tpu.vector_store %arg17[%swap3A_281], %select_n3A_280 {strides = array<i32>} : memref<2000xi32, #tpu.memory_space<vmem>>, vector<16xi32>,
        %add3A_283 = arith.constant 32 : i32
        %add3A_284 = arith.addi %mul3A_256, %add3A_283 : i32
        %get3A_285 = arith.index_cast %add3A_284 : i32 to index
        %get3A_286 = tpu.vector_load %arg13[%get3A_285] {strides = array<i32>} : memref<2000xi32, #tpu.memory_space<vmem>>, vector<16xi32>,
        %get3A_287 = arith.index_cast %add3A_284 : i32 to index
        %get3A_288 = tpu.vector_load %arg15[%get3A_287] {strides = array<i32>} : memref<2000xi32, #tpu.memory_space<vmem>>, vector<16xi32>,
        %max3A_289 = arith.maxsi %get3A_286, %broadcast_in_dim3A_5 : vector<16xi32>
        %min3A_290 = arith.minsi %max3A_289, %broadcast_in_dim3A_3 : vector<16xi32>
        %max3A_291 = arith.maxsi %get3A_288, %broadcast_in_dim3A_5 : vector<16xi32>
        %min3A_292 = arith.minsi %max3A_291, %broadcast_in_dim3A_3 : vector<16xi32>
        %gather3A_293 = tpu.vector_load_idx %arg12[%min3A_290] : memref<100352xf32, #tpu.memory_space<vmem>>[vector<16xi32>], vector<16xf32>,
        %gather3A_294 = tpu.vector_load_idx %arg12[%min3A_292] : memref<100352xf32, #tpu.memory_space<vmem>>[vector<16xi32>], vector<16xf32>,
        %gt3A_295 = arith.cmpf ogt, %gather3A_294, %gather3A_293 : vector<16xf32>
        %select_n3A_296 = arith.select %gt3A_295, %min3A_292, %min3A_290 : vector<16xi1>, vector<16xi32>
        %swap3A_297 = arith.index_cast %add3A_284 : i32 to index
        %swap3A_298 = tpu.vector_load %arg17[%swap3A_297] {strides = array<i32>} : memref<2000xi32, #tpu.memory_space<vmem>>, vector<16xi32>,
        tpu.vector_store %arg17[%swap3A_297], %select_n3A_296 {strides = array<i32>} : memref<2000xi32, #tpu.memory_space<vmem>>, vector<16xi32>,
        %add3A_299 = arith.constant 48 : i32
        %add3A_300 = arith.addi %mul3A_256, %add3A_299 : i32
        %get3A_301 = arith.index_cast %add3A_300 : i32 to index
        %get3A_302 = tpu.vector_load %arg13[%get3A_301] {strides = array<i32>} : memref<2000xi32, #tpu.memory_space<vmem>>, vector<16xi32>,
        %get3A_303 = arith.index_cast %add3A_300 : i32 to index
        %get3A_304 = tpu.vector_load %arg15[%get3A_303] {strides = array<i32>} : memref<2000xi32, #tpu.memory_space<vmem>>, vector<16xi32>,
        %max3A_305 = arith.maxsi %get3A_302, %broadcast_in_dim3A_5 : vector<16xi32>
        %min3A_306 = arith.minsi %max3A_305, %broadcast_in_dim3A_3 : vector<16xi32>
        %max3A_307 = arith.maxsi %get3A_304, %broadcast_in_dim3A_5 : vector<16xi32>
        %min3A_308 = arith.minsi %max3A_307, %broadcast_in_dim3A_3 : vector<16xi32>
        %gather3A_309 = tpu.vector_load_idx %arg12[%min3A_306] : memref<100352xf32, #tpu.memory_space<vmem>>[vector<16xi32>], vector<16xf32>,
        %gather3A_310 = tpu.vector_load_idx %arg12[%min3A_308] : memref<100352xf32, #tpu.memory_space<vmem>>[vector<16xi32>], vector<16xf32>,
        %gt3A_311 = arith.cmpf ogt, %gather3A_310, %gather3A_309 : vector<16xf32>
        %select_n3A_312 = arith.select %gt3A_311, %min3A_308, %min3A_306 : vector<16xi1>, vector<16xi32>
        %swap3A_313 = arith.index_cast %add3A_300 : i32 to index
        %swap3A_314 = tpu.vector_load %arg17[%swap3A_313] {strides = array<i32>} : memref<2000xi32, #tpu.memory_space<vmem>>, vector<16xi32>,
        tpu.vector_store %arg17[%swap3A_313], %select_n3A_312 {strides = array<i32>} : memref<2000xi32, #tpu.memory_space<vmem>>, vector<16xi32>,
        %add3A_315 = arith.constant 64 : i32
        %add3A_316 = arith.addi %mul3A_256, %add3A_315 : i32
        %get3A_317 = arith.index_cast %add3A_316 : i32 to index
        %get3A_318 = tpu.vector_load %arg13[%get3A_317] {strides = array<i32>} : memref<2000xi32, #tpu.memory_space<vmem>>, vector<16xi32>,
        %get3A_319 = arith.index_cast %add3A_316 : i32 to index
        %get3A_320 = tpu.vector_load %arg15[%get3A_319] {strides = array<i32>} : memref<2000xi32, #tpu.memory_space<vmem>>, vector<16xi32>,
        %max3A_321 = arith.maxsi %get3A_318, %broadcast_in_dim3A_5 : vector<16xi32>
        %min3A_322 = arith.minsi %max3A_321, %broadcast_in_dim3A_3 : vector<16xi32>
        %max3A_323 = arith.maxsi %get3A_320, %broadcast_in_dim3A_5 : vector<16xi32>
        %min3A_324 = arith.minsi %max3A_323, %broadcast_in_dim3A_3 : vector<16xi32>
        %gather3A_325 = tpu.vector_load_idx %arg12[%min3A_322] : memref<100352xf32, #tpu.memory_space<vmem>>[vector<16xi32>], vector<16xf32>,
        %gather3A_326 = tpu.vector_load_idx %arg12[%min3A_324] : memref<100352xf32, #tpu.memory_space<vmem>>[vector<16xi32>], vector<16xf32>,
        %gt3A_327 = arith.cmpf ogt, %gather3A_326, %gather3A_325 : vector<16xf32>
        %select_n3A_328 = arith.select %gt3A_327, %min3A_324, %min3A_322 : vector<16xi1>, vector<16xi32>
        %swap3A_329 = arith.index_cast %add3A_316 : i32 to index
        %swap3A_330 = tpu.vector_load %arg17[%swap3A_329] {strides = array<i32>} : memref<2000xi32, #tpu.memory_space<vmem>>, vector<16xi32>,
        tpu.vector_store %arg17[%swap3A_329], %select_n3A_328 {strides = array<i32>} : memref<2000xi32, #tpu.memory_space<vmem>>, vector<16xi32>,
      }
      %while3A_216 = arith.constant 1 : i32
      scf.for %while3A_254 = %while3A_214 to %while3A_210 step %while3A_216  : i32 {
        %mul3A_255 = arith.constant 80 : i32
        %mul3A_256 = arith.muli %while3A_254, %mul3A_255 : i32
        %add3A_257 = arith.constant 0 : i32
        %add3A_258 = arith.addi %mul3A_256, %add3A_257 : i32
        %get3A = arith.index_cast %add3A_258 : i32 to index
        %get3A_259 = tpu.vector_load %arg13[%get3A] {strides = array<i32>} : memref<2000xi32, #tpu.memory_space<vmem>>, vector<16xi32>,
        %get3A_260 = arith.index_cast %add3A_258 : i32 to index
        %get3A_261 = tpu.vector_load %arg15[%get3A_260] {strides = array<i32>} : memref<2000xi32, #tpu.memory_space<vmem>>, vector<16xi32>,
        %max3A = arith.maxsi %get3A_259, %broadcast_in_dim3A_5 : vector<16xi32>
        %min3A = arith.minsi %max3A, %broadcast_in_dim3A_3 : vector<16xi32>
        %max3A_262 = arith.maxsi %get3A_261, %broadcast_in_dim3A_5 : vector<16xi32>
        %min3A_263 = arith.minsi %max3A_262, %broadcast_in_dim3A_3 : vector<16xi32>
        %gather3A = tpu.vector_load_idx %arg12[%min3A] : memref<100352xf32, #tpu.memory_space<vmem>>[vector<16xi32>], vector<16xf32>,
        %gather3A_264 = tpu.vector_load_idx %arg12[%min3A_263] : memref<100352xf32, #tpu.memory_space<vmem>>[vector<16xi32>], vector<16xf32>,
        %gt3A_265 = arith.cmpf ogt, %gather3A_264, %gather3A : vector<16xf32>
        %select_n3A = arith.select %gt3A_265, %min3A_263, %min3A : vector<16xi1>, vector<16xi32>
        %swap3A = arith.index_cast %add3A_258 : i32 to index
        %swap3A_266 = tpu.vector_load %arg17[%swap3A] {strides = array<i32>} : memref<2000xi32, #tpu.memory_space<vmem>>, vector<16xi32>,
        tpu.vector_store %arg17[%swap3A], %select_n3A {strides = array<i32>} : memref<2000xi32, #tpu.memory_space<vmem>>, vector<16xi32>,
        %add3A_267 = arith.constant 16 : i32
        %add3A_268 = arith.addi %mul3A_256, %add3A_267 : i32
        %get3A_269 = arith.index_cast %add3A_268 : i32 to index
        %get3A_270 = tpu.vector_load %arg13[%get3A_269] {strides = array<i32>} : memref<2000xi32, #tpu.memory_space<vmem>>, vector<16xi32>,
        %get3A_271 = arith.index_cast %add3A_268 : i32 to index
        %get3A_272 = tpu.vector_load %arg15[%get3A_271] {strides = array<i32>} : memref<2000xi32, #tpu.memory_space<vmem>>, vector<16xi32>,
        %max3A_273 = arith.maxsi %get3A_270, %broadcast_in_dim3A_5 : vector<16xi32>
        %min3A_274 = arith.minsi %max3A_273, %broadcast_in_dim3A_3 : vector<16xi32>
        %max3A_275 = arith.maxsi %get3A_272, %broadcast_in_dim3A_5 : vector<16xi32>
        %min3A_276 = arith.minsi %max3A_275, %broadcast_in_dim3A_3 : vector<16xi32>
        %gather3A_277 = tpu.vector_load_idx %arg12[%min3A_274] : memref<100352xf32, #tpu.memory_space<vmem>>[vector<16xi32>], vector<16xf32>,
        %gather3A_278 = tpu.vector_load_idx %arg12[%min3A_276] : memref<100352xf32, #tpu.memory_space<vmem>>[vector<16xi32>], vector<16xf32>,
        %gt3A_279 = arith.cmpf ogt, %gather3A_278, %gather3A_277 : vector<16xf32>
        %select_n3A_280 = arith.select %gt3A_279, %min3A_276, %min3A_274 : vector<16xi1>, vector<16xi32>
        %swap3A_281 = arith.index_cast %add3A_268 : i32 to index
        %swap3A_282 = tpu.vector_load %arg17[%swap3A_281] {strides = array<i32>} : memref<2000xi32, #tpu.memory_space<vmem>>, vector<16xi32>,
        tpu.vector_store %arg17[%swap3A_281], %select_n3A_280 {strides = array<i32>} : memref<2000xi32, #tpu.memory_space<vmem>>, vector<16xi32>,
        %add3A_283 = arith.constant 32 : i32
        %add3A_284 = arith.addi %mul3A_256, %add3A_283 : i32
        %get3A_285 = arith.index_cast %add3A_284 : i32 to index
        %get3A_286 = tpu.vector_load %arg13[%get3A_285] {strides = array<i32>} : memref<2000xi32, #tpu.memory_space<vmem>>, vector<16xi32>,
        %get3A_287 = arith.index_cast %add3A_284 : i32 to index
        %get3A_288 = tpu.vector_load %arg15[%get3A_287] {strides = array<i32>} : memref<2000xi32, #tpu.memory_space<vmem>>, vector<16xi32>,
        %max3A_289 = arith.maxsi %get3A_286, %broadcast_in_dim3A_5 : vector<16xi32>
        %min3A_290 = arith.minsi %max3A_289, %broadcast_in_dim3A_3 : vector<16xi32>
        %max3A_291 = arith.maxsi %get3A_288, %broadcast_in_dim3A_5 : vector<16xi32>
        %min3A_292 = arith.minsi %max3A_291, %broadcast_in_dim3A_3 : vector<16xi32>
        %gather3A_293 = tpu.vector_load_idx %arg12[%min3A_290] : memref<100352xf32, #tpu.memory_space<vmem>>[vector<16xi32>], vector<16xf32>,
        %gather3A_294 = tpu.vector_load_idx %arg12[%min3A_292] : memref<100352xf32, #tpu.memory_space<vmem>>[vector<16xi32>], vector<16xf32>,
        %gt3A_295 = arith.cmpf ogt, %gather3A_294, %gather3A_293 : vector<16xf32>
        %select_n3A_296 = arith.select %gt3A_295, %min3A_292, %min3A_290 : vector<16xi1>, vector<16xi32>
        %swap3A_297 = arith.index_cast %add3A_284 : i32 to index
        %swap3A_298 = tpu.vector_load %arg17[%swap3A_297] {strides = array<i32>} : memref<2000xi32, #tpu.memory_space<vmem>>, vector<16xi32>,
        tpu.vector_store %arg17[%swap3A_297], %select_n3A_296 {strides = array<i32>} : memref<2000xi32, #tpu.memory_space<vmem>>, vector<16xi32>,
        %add3A_299 = arith.constant 48 : i32
        %add3A_300 = arith.addi %mul3A_256, %add3A_299 : i32
        %get3A_301 = arith.index_cast %add3A_300 : i32 to index
        %get3A_302 = tpu.vector_load %arg13[%get3A_301] {strides = array<i32>} : memref<2000xi32, #tpu.memory_space<vmem>>, vector<16xi32>,
        %get3A_303 = arith.index_cast %add3A_300 : i32 to index
        %get3A_304 = tpu.vector_load %arg15[%get3A_303] {strides = array<i32>} : memref<2000xi32, #tpu.memory_space<vmem>>, vector<16xi32>,
        %max3A_305 = arith.maxsi %get3A_302, %broadcast_in_dim3A_5 : vector<16xi32>
        %min3A_306 = arith.minsi %max3A_305, %broadcast_in_dim3A_3 : vector<16xi32>
        %max3A_307 = arith.maxsi %get3A_304, %broadcast_in_dim3A_5 : vector<16xi32>
        %min3A_308 = arith.minsi %max3A_307, %broadcast_in_dim3A_3 : vector<16xi32>
        %gather3A_309 = tpu.vector_load_idx %arg12[%min3A_306] : memref<100352xf32, #tpu.memory_space<vmem>>[vector<16xi32>], vector<16xf32>,
        %gather3A_310 = tpu.vector_load_idx %arg12[%min3A_308] : memref<100352xf32, #tpu.memory_space<vmem>>[vector<16xi32>], vector<16xf32>,
        %gt3A_311 = arith.cmpf ogt, %gather3A_310, %gather3A_309 : vector<16xf32>
        %select_n3A_312 = arith.select %gt3A_311, %min3A_308, %min3A_306 : vector<16xi1>, vector<16xi32>
        %swap3A_313 = arith.index_cast %add3A_300 : i32 to index
        %swap3A_314 = tpu.vector_load %arg17[%swap3A_313] {strides = array<i32>} : memref<2000xi32, #tpu.memory_space<vmem>>, vector<16xi32>,
        tpu.vector_store %arg17[%swap3A_313], %select_n3A_312 {strides = array<i32>} : memref<2000xi32, #tpu.memory_space<vmem>>, vector<16xi32>,
        %add3A_315 = arith.constant 64 : i32
        %add3A_316 = arith.addi %mul3A_256, %add3A_315 : i32
        %get3A_317 = arith.index_cast %add3A_316 : i32 to index
        %get3A_318 = tpu.vector_load %arg13[%get3A_317] {strides = array<i32>} : memref<2000xi32, #tpu.memory_space<vmem>>, vector<16xi32>,
        %get3A_319 = arith.index_cast %add3A_316 : i32 to index
        %get3A_320 = tpu.vector_load %arg15[%get3A_319] {strides = array<i32>} : memref<2000xi32, #tpu.memory_space<vmem>>, vector<16xi32>,
        %max3A_321 = arith.maxsi %get3A_318, %broadcast_in_dim3A_5 : vector<16xi32>
        %min3A_322 = arith.minsi %max3A_321, %broadcast_in_dim3A_3 : vector<16xi32>
        %max3A_323 = arith.maxsi %get3A_320, %broadcast_in_dim3A_5 : vector<16xi32>
        %min3A_324 = arith.minsi %max3A_323, %broadcast_in_dim3A_3 : vector<16xi32>
        %gather3A_325 = tpu.vector_load_idx %arg12[%min3A_322] : memref<100352xf32, #tpu.memory_space<vmem>>[vector<16xi32>], vector<16xf32>,
        %gather3A_326 = tpu.vector_load_idx %arg12[%min3A_324] : memref<100352xf32, #tpu.memory_space<vmem>>[vector<16xi32>], vector<16xf32>,
        %gt3A_327 = arith.cmpf ogt, %gather3A_326, %gather3A_325 : vector<16xf32>
        %select_n3A_328 = arith.select %gt3A_327, %min3A_324, %min3A_322 : vector<16xi1>, vector<16xi32>
        %swap3A_329 = arith.index_cast %add3A_316 : i32 to index
        %swap3A_330 = tpu.vector_load %arg17[%swap3A_329] {strides = array<i32>} : memref<2000xi32, #tpu.memory_space<vmem>>, vector<16xi32>,
        tpu.vector_store %arg17[%swap3A_329], %select_n3A_328 {strides = array<i32>} : memref<2000xi32, #tpu.memory_space<vmem>>, vector<16xi32>,
      }
      %mul3A_217 = arith.constant 2000 : i32
      %mul3A_218 = arith.muli %mul3A_187, %mul3A_217 : i32
      %add3A_219 = arith.addi %mul3A_2, %mul3A_218 : i32
      %dma_start3A_220 = tpu.memref_slice %arg9[%add3A_219] : memref<6400000xi32, #tpu.memory_space<hbm>> -> memref<2000xi32, #tpu.memory_space<hbm>>
      %dma_start3A_221 = tpu.memref_slice %arg9[%add3A_219] : memref<6400000xi32, #tpu.memory_space<hbm>> -> memref<2000xi32, #tpu.memory_space<hbm>>
      tpu.enqueue_dma source(%arg17 : memref<2000xi32, #tpu.memory_space<vmem>>) target(%dma_start3A_221 : memref<2000xi32, #tpu.memory_space<hbm>>) target_semaphore(%arg27 : memref<!tpu.dma_semaphore, #tpu.memory_space<semaphore_mem>>)
      %lt3A = arith.constant 49 : i32
      %lt3A_222 = arith.cmpi slt, %while3A_185, %lt3A : i32
      %convert_element_type3A_223 = arith.extui %lt3A_222 : i1 to i32
      %cond3A_224 = arith.constant 0 : i32
      %cond3A_225 = arith.cmpi ne, %convert_element_type3A_223, %cond3A_224 : i32
      scf.if %cond3A_225 {
        %add3A_254 = arith.constant 2 : i32
        %add3A_255 = arith.addi %mul3A_187, %add3A_254 : i32
        %mul3A_256 = arith.constant 2000 : i32
        %mul3A_257 = arith.muli %add3A_255, %mul3A_256 : i32
        %add3A_258 = arith.addi %mul3A_2, %mul3A_257 : i32
        %dma_start3A_259 = tpu.memref_slice %arg2[%add3A_258] : memref<6400000xi32, #tpu.memory_space<hbm>> -> memref<2000xi32, #tpu.memory_space<hbm>>
        %dma_start3A_260 = tpu.memref_slice %arg2[%add3A_258] : memref<6400000xi32, #tpu.memory_space<hbm>> -> memref<2000xi32, #tpu.memory_space<hbm>>
        tpu.enqueue_dma source(%dma_start3A_260 : memref<2000xi32, #tpu.memory_space<hbm>>) target(%arg13 : memref<2000xi32, #tpu.memory_space<vmem>>) target_semaphore(%arg25 : memref<!tpu.dma_semaphore, #tpu.memory_space<semaphore_mem>>)
        %dma_start3A_261 = tpu.memref_slice %arg3[%add3A_258] : memref<6400000xi32, #tpu.memory_space<hbm>> -> memref<2000xi32, #tpu.memory_space<hbm>>
        %dma_start3A_262 = tpu.memref_slice %arg3[%add3A_258] : memref<6400000xi32, #tpu.memory_space<hbm>> -> memref<2000xi32, #tpu.memory_space<hbm>>
        tpu.enqueue_dma source(%dma_start3A_262 : memref<2000xi32, #tpu.memory_space<hbm>>) target(%arg15 : memref<2000xi32, #tpu.memory_space<vmem>>) target_semaphore(%arg25 : memref<!tpu.dma_semaphore, #tpu.memory_space<semaphore_mem>>)
      } else {
      }
      %mul3A_226 = arith.constant 2000 : i32
      %mul3A_227 = arith.muli %add3A_189, %mul3A_226 : i32
      %add3A_228 = arith.addi %mul3A_2, %mul3A_227 : i32
      %dma_wait3A_229 = tpu.memref_slice %arg2[%add3A_228] : memref<6400000xi32, #tpu.memory_space<hbm>> -> memref<2000xi32, #tpu.memory_space<hbm>>
      %dma_wait3A_230 = tpu.memref_slice %arg2[%add3A_228] : memref<6400000xi32, #tpu.memory_space<hbm>> -> memref<2000xi32, #tpu.memory_space<hbm>>
      tpu.wait_dma2 semaphore(%arg26 : memref<!tpu.dma_semaphore, #tpu.memory_space<semaphore_mem>>) src(%dma_wait3A_230 : memref<2000xi32, #tpu.memory_space<hbm>>) dst(%arg14 : memref<2000xi32, #tpu.memory_space<vmem>>)
      %dma_wait3A_231 = tpu.memref_slice %arg3[%add3A_228] : memref<6400000xi32, #tpu.memory_space<hbm>> -> memref<2000xi32, #tpu.memory_space<hbm>>
      %dma_wait3A_232 = tpu.memref_slice %arg3[%add3A_228] : memref<6400000xi32, #tpu.memory_space<hbm>> -> memref<2000xi32, #tpu.memory_space<hbm>>
      tpu.wait_dma2 semaphore(%arg26 : memref<!tpu.dma_semaphore, #tpu.memory_space<semaphore_mem>>) src(%dma_wait3A_232 : memref<2000xi32, #tpu.memory_space<hbm>>) dst(%arg16 : memref<2000xi32, #tpu.memory_space<vmem>>)
      %gt3A_233 = arith.constant 0 : i32
      %gt3A_234 = arith.cmpi sgt, %while3A_185, %gt3A_233 : i32
      %convert_element_type3A_235 = arith.extui %gt3A_234 : i1 to i32
      %cond3A_236 = arith.constant 0 : i32
      %cond3A_237 = arith.cmpi ne, %convert_element_type3A_235, %cond3A_236 : i32
      scf.if %cond3A_237 {
        %sub3A = arith.constant 2 : i32
        %sub3A_254 = arith.subi %add3A_189, %sub3A : i32
        %mul3A_255 = arith.constant 2000 : i32
        %mul3A_256 = arith.muli %sub3A_254, %mul3A_255 : i32
        %add3A_257 = arith.addi %mul3A_2, %mul3A_256 : i32
        %dma_wait3A_258 = tpu.memref_slice %arg9[%add3A_257] : memref<6400000xi32, #tpu.memory_space<hbm>> -> memref<2000xi32, #tpu.memory_space<hbm>>
        %dma_wait3A_259 = tpu.memref_slice %arg9[%add3A_257] : memref<6400000xi32, #tpu.memory_space<hbm>> -> memref<2000xi32, #tpu.memory_space<hbm>>
        tpu.wait_dma2 semaphore(%arg28 : memref<!tpu.dma_semaphore, #tpu.memory_space<semaphore_mem>>) src(%arg18 : memref<2000xi32, #tpu.memory_space<vmem>>) dst(%dma_wait3A_259 : memref<2000xi32, #tpu.memory_space<hbm>>)
      } else {
      }
      %while3A_238 = arith.constant 0 : i32
      %while3A_239 = arith.constant 0 : i32
      %while3A_240 = arith.constant 25 : i32
      %while3A_241 = arith.subi %while3A_240, %while3A_239 : i32
      %while3A_242 = arith.addi %while3A_239, %while3A_241 : i32
      %while3A_243 = arith.constant 1 : i32
      %while3A_244 = arith.divsi %while3A_241, %while3A_243 : i32
      %while3A_245 = arith.muli %while3A_244, %while3A_243 : i32
      %while3A_246 = arith.addi %while3A_239, %while3A_245 : i32
      %while3A_247 = arith.constant 1 : i32
      scf.for %while3A_254 = %while3A_239 to %while3A_246 step %while3A_247  : i32 {
        %mul3A_255 = arith.constant 80 : i32
        %mul3A_256 = arith.muli %while3A_254, %mul3A_255 : i32
        %add3A_257 = arith.constant 0 : i32
        %add3A_258 = arith.addi %mul3A_256, %add3A_257 : i32
        %get3A = arith.index_cast %add3A_258 : i32 to index
        %get3A_259 = tpu.vector_load %arg14[%get3A] {strides = array<i32>} : memref<2000xi32, #tpu.memory_space<vmem>>, vector<16xi32>,
        %get3A_260 = arith.index_cast %add3A_258 : i32 to index
        %get3A_261 = tpu.vector_load %arg16[%get3A_260] {strides = array<i32>} : memref<2000xi32, #tpu.memory_space<vmem>>, vector<16xi32>,
        %max3A = arith.maxsi %get3A_259, %broadcast_in_dim3A_5 : vector<16xi32>
        %min3A = arith.minsi %max3A, %broadcast_in_dim3A_3 : vector<16xi32>
        %max3A_262 = arith.maxsi %get3A_261, %broadcast_in_dim3A_5 : vector<16xi32>
        %min3A_263 = arith.minsi %max3A_262, %broadcast_in_dim3A_3 : vector<16xi32>
        %gather3A = tpu.vector_load_idx %arg12[%min3A] : memref<100352xf32, #tpu.memory_space<vmem>>[vector<16xi32>], vector<16xf32>,
        %gather3A_264 = tpu.vector_load_idx %arg12[%min3A_263] : memref<100352xf32, #tpu.memory_space<vmem>>[vector<16xi32>], vector<16xf32>,
        %gt3A_265 = arith.cmpf ogt, %gather3A_264, %gather3A : vector<16xf32>
        %select_n3A = arith.select %gt3A_265, %min3A_263, %min3A : vector<16xi1>, vector<16xi32>
        %swap3A = arith.index_cast %add3A_258 : i32 to index
        %swap3A_266 = tpu.vector_load %arg18[%swap3A] {strides = array<i32>} : memref<2000xi32, #tpu.memory_space<vmem>>, vector<16xi32>,
        tpu.vector_store %arg18[%swap3A], %select_n3A {strides = array<i32>} : memref<2000xi32, #tpu.memory_space<vmem>>, vector<16xi32>,
        %add3A_267 = arith.constant 16 : i32
        %add3A_268 = arith.addi %mul3A_256, %add3A_267 : i32
        %get3A_269 = arith.index_cast %add3A_268 : i32 to index
        %get3A_270 = tpu.vector_load %arg14[%get3A_269] {strides = array<i32>} : memref<2000xi32, #tpu.memory_space<vmem>>, vector<16xi32>,
        %get3A_271 = arith.index_cast %add3A_268 : i32 to index
        %get3A_272 = tpu.vector_load %arg16[%get3A_271] {strides = array<i32>} : memref<2000xi32, #tpu.memory_space<vmem>>, vector<16xi32>,
        %max3A_273 = arith.maxsi %get3A_270, %broadcast_in_dim3A_5 : vector<16xi32>
        %min3A_274 = arith.minsi %max3A_273, %broadcast_in_dim3A_3 : vector<16xi32>
        %max3A_275 = arith.maxsi %get3A_272, %broadcast_in_dim3A_5 : vector<16xi32>
        %min3A_276 = arith.minsi %max3A_275, %broadcast_in_dim3A_3 : vector<16xi32>
        %gather3A_277 = tpu.vector_load_idx %arg12[%min3A_274] : memref<100352xf32, #tpu.memory_space<vmem>>[vector<16xi32>], vector<16xf32>,
        %gather3A_278 = tpu.vector_load_idx %arg12[%min3A_276] : memref<100352xf32, #tpu.memory_space<vmem>>[vector<16xi32>], vector<16xf32>,
        %gt3A_279 = arith.cmpf ogt, %gather3A_278, %gather3A_277 : vector<16xf32>
        %select_n3A_280 = arith.select %gt3A_279, %min3A_276, %min3A_274 : vector<16xi1>, vector<16xi32>
        %swap3A_281 = arith.index_cast %add3A_268 : i32 to index
        %swap3A_282 = tpu.vector_load %arg18[%swap3A_281] {strides = array<i32>} : memref<2000xi32, #tpu.memory_space<vmem>>, vector<16xi32>,
        tpu.vector_store %arg18[%swap3A_281], %select_n3A_280 {strides = array<i32>} : memref<2000xi32, #tpu.memory_space<vmem>>, vector<16xi32>,
        %add3A_283 = arith.constant 32 : i32
        %add3A_284 = arith.addi %mul3A_256, %add3A_283 : i32
        %get3A_285 = arith.index_cast %add3A_284 : i32 to index
        %get3A_286 = tpu.vector_load %arg14[%get3A_285] {strides = array<i32>} : memref<2000xi32, #tpu.memory_space<vmem>>, vector<16xi32>,
        %get3A_287 = arith.index_cast %add3A_284 : i32 to index
        %get3A_288 = tpu.vector_load %arg16[%get3A_287] {strides = array<i32>} : memref<2000xi32, #tpu.memory_space<vmem>>, vector<16xi32>,
        %max3A_289 = arith.maxsi %get3A_286, %broadcast_in_dim3A_5 : vector<16xi32>
        %min3A_290 = arith.minsi %max3A_289, %broadcast_in_dim3A_3 : vector<16xi32>
        %max3A_291 = arith.maxsi %get3A_288, %broadcast_in_dim3A_5 : vector<16xi32>
        %min3A_292 = arith.minsi %max3A_291, %broadcast_in_dim3A_3 : vector<16xi32>
        %gather3A_293 = tpu.vector_load_idx %arg12[%min3A_290] : memref<100352xf32, #tpu.memory_space<vmem>>[vector<16xi32>], vector<16xf32>,
        %gather3A_294 = tpu.vector_load_idx %arg12[%min3A_292] : memref<100352xf32, #tpu.memory_space<vmem>>[vector<16xi32>], vector<16xf32>,
        %gt3A_295 = arith.cmpf ogt, %gather3A_294, %gather3A_293 : vector<16xf32>
        %select_n3A_296 = arith.select %gt3A_295, %min3A_292, %min3A_290 : vector<16xi1>, vector<16xi32>
        %swap3A_297 = arith.index_cast %add3A_284 : i32 to index
        %swap3A_298 = tpu.vector_load %arg18[%swap3A_297] {strides = array<i32>} : memref<2000xi32, #tpu.memory_space<vmem>>, vector<16xi32>,
        tpu.vector_store %arg18[%swap3A_297], %select_n3A_296 {strides = array<i32>} : memref<2000xi32, #tpu.memory_space<vmem>>, vector<16xi32>,
        %add3A_299 = arith.constant 48 : i32
        %add3A_300 = arith.addi %mul3A_256, %add3A_299 : i32
        %get3A_301 = arith.index_cast %add3A_300 : i32 to index
        %get3A_302 = tpu.vector_load %arg14[%get3A_301] {strides = array<i32>} : memref<2000xi32, #tpu.memory_space<vmem>>, vector<16xi32>,
        %get3A_303 = arith.index_cast %add3A_300 : i32 to index
        %get3A_304 = tpu.vector_load %arg16[%get3A_303] {strides = array<i32>} : memref<2000xi32, #tpu.memory_space<vmem>>, vector<16xi32>,
        %max3A_305 = arith.maxsi %get3A_302, %broadcast_in_dim3A_5 : vector<16xi32>
        %min3A_306 = arith.minsi %max3A_305, %broadcast_in_dim3A_3 : vector<16xi32>
        %max3A_307 = arith.maxsi %get3A_304, %broadcast_in_dim3A_5 : vector<16xi32>
        %min3A_308 = arith.minsi %max3A_307, %broadcast_in_dim3A_3 : vector<16xi32>
        %gather3A_309 = tpu.vector_load_idx %arg12[%min3A_306] : memref<100352xf32, #tpu.memory_space<vmem>>[vector<16xi32>], vector<16xf32>,
        %gather3A_310 = tpu.vector_load_idx %arg12[%min3A_308] : memref<100352xf32, #tpu.memory_space<vmem>>[vector<16xi32>], vector<16xf32>,
        %gt3A_311 = arith.cmpf ogt, %gather3A_310, %gather3A_309 : vector<16xf32>
        %select_n3A_312 = arith.select %gt3A_311, %min3A_308, %min3A_306 : vector<16xi1>, vector<16xi32>
        %swap3A_313 = arith.index_cast %add3A_300 : i32 to index
        %swap3A_314 = tpu.vector_load %arg18[%swap3A_313] {strides = array<i32>} : memref<2000xi32, #tpu.memory_space<vmem>>, vector<16xi32>,
        tpu.vector_store %arg18[%swap3A_313], %select_n3A_312 {strides = array<i32>} : memref<2000xi32, #tpu.memory_space<vmem>>, vector<16xi32>,
        %add3A_315 = arith.constant 64 : i32
        %add3A_316 = arith.addi %mul3A_256, %add3A_315 : i32
        %get3A_317 = arith.index_cast %add3A_316 : i32 to index
        %get3A_318 = tpu.vector_load %arg14[%get3A_317] {strides = array<i32>} : memref<2000xi32, #tpu.memory_space<vmem>>, vector<16xi32>,
        %get3A_319 = arith.index_cast %add3A_316 : i32 to index
        %get3A_320 = tpu.vector_load %arg16[%get3A_319] {strides = array<i32>} : memref<2000xi32, #tpu.memory_space<vmem>>, vector<16xi32>,
        %max3A_321 = arith.maxsi %get3A_318, %broadcast_in_dim3A_5 : vector<16xi32>
        %min3A_322 = arith.minsi %max3A_321, %broadcast_in_dim3A_3 : vector<16xi32>
        %max3A_323 = arith.maxsi %get3A_320, %broadcast_in_dim3A_5 : vector<16xi32>
        %min3A_324 = arith.minsi %max3A_323, %broadcast_in_dim3A_3 : vector<16xi32>
        %gather3A_325 = tpu.vector_load_idx %arg12[%min3A_322] : memref<100352xf32, #tpu.memory_space<vmem>>[vector<16xi32>], vector<16xf32>,
        %gather3A_326 = tpu.vector_load_idx %arg12[%min3A_324] : memref<100352xf32, #tpu.memory_space<vmem>>[vector<16xi32>], vector<16xf32>,
        %gt3A_327 = arith.cmpf ogt, %gather3A_326, %gather3A_325 : vector<16xf32>
        %select_n3A_328 = arith.select %gt3A_327, %min3A_324, %min3A_322 : vector<16xi1>, vector<16xi32>
        %swap3A_329 = arith.index_cast %add3A_316 : i32 to index
        %swap3A_330 = tpu.vector_load %arg18[%swap3A_329] {strides = array<i32>} : memref<2000xi32, #tpu.memory_space<vmem>>, vector<16xi32>,
        tpu.vector_store %arg18[%swap3A_329], %select_n3A_328 {strides = array<i32>} : memref<2000xi32, #tpu.memory_space<vmem>>, vector<16xi32>,
      }
      %while3A_248 = arith.constant 1 : i32
      scf.for %while3A_254 = %while3A_246 to %while3A_242 step %while3A_248  : i32 {
        %mul3A_255 = arith.constant 80 : i32
        %mul3A_256 = arith.muli %while3A_254, %mul3A_255 : i32
        %add3A_257 = arith.constant 0 : i32
        %add3A_258 = arith.addi %mul3A_256, %add3A_257 : i32
        %get3A = arith.index_cast %add3A_258 : i32 to index
        %get3A_259 = tpu.vector_load %arg14[%get3A] {strides = array<i32>} : memref<2000xi32, #tpu.memory_space<vmem>>, vector<16xi32>,
        %get3A_260 = arith.index_cast %add3A_258 : i32 to index
        %get3A_261 = tpu.vector_load %arg16[%get3A_260] {strides = array<i32>} : memref<2000xi32, #tpu.memory_space<vmem>>, vector<16xi32>,
        %max3A = arith.maxsi %get3A_259, %broadcast_in_dim3A_5 : vector<16xi32>
        %min3A = arith.minsi %max3A, %broadcast_in_dim3A_3 : vector<16xi32>
        %max3A_262 = arith.maxsi %get3A_261, %broadcast_in_dim3A_5 : vector<16xi32>
        %min3A_263 = arith.minsi %max3A_262, %broadcast_in_dim3A_3 : vector<16xi32>
        %gather3A = tpu.vector_load_idx %arg12[%min3A] : memref<100352xf32, #tpu.memory_space<vmem>>[vector<16xi32>], vector<16xf32>,
        %gather3A_264 = tpu.vector_load_idx %arg12[%min3A_263] : memref<100352xf32, #tpu.memory_space<vmem>>[vector<16xi32>], vector<16xf32>,
        %gt3A_265 = arith.cmpf ogt, %gather3A_264, %gather3A : vector<16xf32>
        %select_n3A = arith.select %gt3A_265, %min3A_263, %min3A : vector<16xi1>, vector<16xi32>
        %swap3A = arith.index_cast %add3A_258 : i32 to index
        %swap3A_266 = tpu.vector_load %arg18[%swap3A] {strides = array<i32>} : memref<2000xi32, #tpu.memory_space<vmem>>, vector<16xi32>,
        tpu.vector_store %arg18[%swap3A], %select_n3A {strides = array<i32>} : memref<2000xi32, #tpu.memory_space<vmem>>, vector<16xi32>,
        %add3A_267 = arith.constant 16 : i32
        %add3A_268 = arith.addi %mul3A_256, %add3A_267 : i32
        %get3A_269 = arith.index_cast %add3A_268 : i32 to index
        %get3A_270 = tpu.vector_load %arg14[%get3A_269] {strides = array<i32>} : memref<2000xi32, #tpu.memory_space<vmem>>, vector<16xi32>,
        %get3A_271 = arith.index_cast %add3A_268 : i32 to index
        %get3A_272 = tpu.vector_load %arg16[%get3A_271] {strides = array<i32>} : memref<2000xi32, #tpu.memory_space<vmem>>, vector<16xi32>,
        %max3A_273 = arith.maxsi %get3A_270, %broadcast_in_dim3A_5 : vector<16xi32>
        %min3A_274 = arith.minsi %max3A_273, %broadcast_in_dim3A_3 : vector<16xi32>
        %max3A_275 = arith.maxsi %get3A_272, %broadcast_in_dim3A_5 : vector<16xi32>
        %min3A_276 = arith.minsi %max3A_275, %broadcast_in_dim3A_3 : vector<16xi32>
        %gather3A_277 = tpu.vector_load_idx %arg12[%min3A_274] : memref<100352xf32, #tpu.memory_space<vmem>>[vector<16xi32>], vector<16xf32>,
        %gather3A_278 = tpu.vector_load_idx %arg12[%min3A_276] : memref<100352xf32, #tpu.memory_space<vmem>>[vector<16xi32>], vector<16xf32>,
        %gt3A_279 = arith.cmpf ogt, %gather3A_278, %gather3A_277 : vector<16xf32>
        %select_n3A_280 = arith.select %gt3A_279, %min3A_276, %min3A_274 : vector<16xi1>, vector<16xi32>
        %swap3A_281 = arith.index_cast %add3A_268 : i32 to index
        %swap3A_282 = tpu.vector_load %arg18[%swap3A_281] {strides = array<i32>} : memref<2000xi32, #tpu.memory_space<vmem>>, vector<16xi32>,
        tpu.vector_store %arg18[%swap3A_281], %select_n3A_280 {strides = array<i32>} : memref<2000xi32, #tpu.memory_space<vmem>>, vector<16xi32>,
        %add3A_283 = arith.constant 32 : i32
        %add3A_284 = arith.addi %mul3A_256, %add3A_283 : i32
        %get3A_285 = arith.index_cast %add3A_284 : i32 to index
        %get3A_286 = tpu.vector_load %arg14[%get3A_285] {strides = array<i32>} : memref<2000xi32, #tpu.memory_space<vmem>>, vector<16xi32>,
        %get3A_287 = arith.index_cast %add3A_284 : i32 to index
        %get3A_288 = tpu.vector_load %arg16[%get3A_287] {strides = array<i32>} : memref<2000xi32, #tpu.memory_space<vmem>>, vector<16xi32>,
        %max3A_289 = arith.maxsi %get3A_286, %broadcast_in_dim3A_5 : vector<16xi32>
        %min3A_290 = arith.minsi %max3A_289, %broadcast_in_dim3A_3 : vector<16xi32>
        %max3A_291 = arith.maxsi %get3A_288, %broadcast_in_dim3A_5 : vector<16xi32>
        %min3A_292 = arith.minsi %max3A_291, %broadcast_in_dim3A_3 : vector<16xi32>
        %gather3A_293 = tpu.vector_load_idx %arg12[%min3A_290] : memref<100352xf32, #tpu.memory_space<vmem>>[vector<16xi32>], vector<16xf32>,
        %gather3A_294 = tpu.vector_load_idx %arg12[%min3A_292] : memref<100352xf32, #tpu.memory_space<vmem>>[vector<16xi32>], vector<16xf32>,
        %gt3A_295 = arith.cmpf ogt, %gather3A_294, %gather3A_293 : vector<16xf32>
        %select_n3A_296 = arith.select %gt3A_295, %min3A_292, %min3A_290 : vector<16xi1>, vector<16xi32>
        %swap3A_297 = arith.index_cast %add3A_284 : i32 to index
        %swap3A_298 = tpu.vector_load %arg18[%swap3A_297] {strides = array<i32>} : memref<2000xi32, #tpu.memory_space<vmem>>, vector<16xi32>,
        tpu.vector_store %arg18[%swap3A_297], %select_n3A_296 {strides = array<i32>} : memref<2000xi32, #tpu.memory_space<vmem>>, vector<16xi32>,
        %add3A_299 = arith.constant 48 : i32
        %add3A_300 = arith.addi %mul3A_256, %add3A_299 : i32
        %get3A_301 = arith.index_cast %add3A_300 : i32 to index
        %get3A_302 = tpu.vector_load %arg14[%get3A_301] {strides = array<i32>} : memref<2000xi32, #tpu.memory_space<vmem>>, vector<16xi32>,
        %get3A_303 = arith.index_cast %add3A_300 : i32 to index
        %get3A_304 = tpu.vector_load %arg16[%get3A_303] {strides = array<i32>} : memref<2000xi32, #tpu.memory_space<vmem>>, vector<16xi32>,
        %max3A_305 = arith.maxsi %get3A_302, %broadcast_in_dim3A_5 : vector<16xi32>
        %min3A_306 = arith.minsi %max3A_305, %broadcast_in_dim3A_3 : vector<16xi32>
        %max3A_307 = arith.maxsi %get3A_304, %broadcast_in_dim3A_5 : vector<16xi32>
        %min3A_308 = arith.minsi %max3A_307, %broadcast_in_dim3A_3 : vector<16xi32>
        %gather3A_309 = tpu.vector_load_idx %arg12[%min3A_306] : memref<100352xf32, #tpu.memory_space<vmem>>[vector<16xi32>], vector<16xf32>,
        %gather3A_310 = tpu.vector_load_idx %arg12[%min3A_308] : memref<100352xf32, #tpu.memory_space<vmem>>[vector<16xi32>], vector<16xf32>,
        %gt3A_311 = arith.cmpf ogt, %gather3A_310, %gather3A_309 : vector<16xf32>
        %select_n3A_312 = arith.select %gt3A_311, %min3A_308, %min3A_306 : vector<16xi1>, vector<16xi32>
        %swap3A_313 = arith.index_cast %add3A_300 : i32 to index
        %swap3A_314 = tpu.vector_load %arg18[%swap3A_313] {strides = array<i32>} : memref<2000xi32, #tpu.memory_space<vmem>>, vector<16xi32>,
        tpu.vector_store %arg18[%swap3A_313], %select_n3A_312 {strides = array<i32>} : memref<2000xi32, #tpu.memory_space<vmem>>, vector<16xi32>,
        %add3A_315 = arith.constant 64 : i32
        %add3A_316 = arith.addi %mul3A_256, %add3A_315 : i32
        %get3A_317 = arith.index_cast %add3A_316 : i32 to index
        %get3A_318 = tpu.vector_load %arg14[%get3A_317] {strides = array<i32>} : memref<2000xi32, #tpu.memory_space<vmem>>, vector<16xi32>,
        %get3A_319 = arith.index_cast %add3A_316 : i32 to index
        %get3A_320 = tpu.vector_load %arg16[%get3A_319] {strides = array<i32>} : memref<2000xi32, #tpu.memory_space<vmem>>, vector<16xi32>,
        %max3A_321 = arith.maxsi %get3A_318, %broadcast_in_dim3A_5 : vector<16xi32>
        %min3A_322 = arith.minsi %max3A_321, %broadcast_in_dim3A_3 : vector<16xi32>
        %max3A_323 = arith.maxsi %get3A_320, %broadcast_in_dim3A_5 : vector<16xi32>
        %min3A_324 = arith.minsi %max3A_323, %broadcast_in_dim3A_3 : vector<16xi32>
        %gather3A_325 = tpu.vector_load_idx %arg12[%min3A_322] : memref<100352xf32, #tpu.memory_space<vmem>>[vector<16xi32>], vector<16xf32>,
        %gather3A_326 = tpu.vector_load_idx %arg12[%min3A_324] : memref<100352xf32, #tpu.memory_space<vmem>>[vector<16xi32>], vector<16xf32>,
        %gt3A_327 = arith.cmpf ogt, %gather3A_326, %gather3A_325 : vector<16xf32>
        %select_n3A_328 = arith.select %gt3A_327, %min3A_324, %min3A_322 : vector<16xi1>, vector<16xi32>
        %swap3A_329 = arith.index_cast %add3A_316 : i32 to index
        %swap3A_330 = tpu.vector_load %arg18[%swap3A_329] {strides = array<i32>} : memref<2000xi32, #tpu.memory_space<vmem>>, vector<16xi32>,
        tpu.vector_store %arg18[%swap3A_329], %select_n3A_328 {strides = array<i32>} : memref<2000xi32, #tpu.memory_space<vmem>>, vector<16xi32>,
      }
      %mul3A_249 = arith.constant 2000 : i32
      %mul3A_250 = arith.muli %add3A_189, %mul3A_249 : i32
      %add3A_251 = arith.addi %mul3A_2, %mul3A_250 : i32
      %dma_start3A_252 = tpu.memref_slice %arg9[%add3A_251] : memref<6400000xi32, #tpu.memory_space<hbm>> -> memref<2000xi32, #tpu.memory_space<hbm>>
      %dma_start3A_253 = tpu.memref_slice %arg9[%add3A_251] : memref<6400000xi32, #tpu.memory_space<hbm>> -> memref<2000xi32, #tpu.memory_space<hbm>>
      tpu.enqueue_dma source(%arg18 : memref<2000xi32, #tpu.memory_space<vmem>>) target(%dma_start3A_253 : memref<2000xi32, #tpu.memory_space<hbm>>) target_semaphore(%arg28 : memref<!tpu.dma_semaphore, #tpu.memory_space<semaphore_mem>>)
    }
    %while3A_22 = arith.constant 1 : i32
    scf.for %while3A_185 = %while3A_20 to %while3A_16 step %while3A_22  : i32 {
      %mul3A_186 = arith.constant 2 : i32
      %mul3A_187 = arith.muli %while3A_185, %mul3A_186 : i32
      %add3A_188 = arith.constant 1 : i32
      %add3A_189 = arith.addi %mul3A_187, %add3A_188 : i32
      %mul3A_190 = arith.constant 2000 : i32
      %mul3A_191 = arith.muli %add3A_189, %mul3A_190 : i32
      %add3A_192 = arith.addi %mul3A_2, %mul3A_191 : i32
      %dma_start3A_193 = tpu.memref_slice %arg2[%add3A_192] : memref<6400000xi32, #tpu.memory_space<hbm>> -> memref<2000xi32, #tpu.memory_space<hbm>>
      %dma_start3A_194 = tpu.memref_slice %arg2[%add3A_192] : memref<6400000xi32, #tpu.memory_space<hbm>> -> memref<2000xi32, #tpu.memory_space<hbm>>
      tpu.enqueue_dma source(%dma_start3A_194 : memref<2000xi32, #tpu.memory_space<hbm>>) target(%arg14 : memref<2000xi32, #tpu.memory_space<vmem>>) target_semaphore(%arg26 : memref<!tpu.dma_semaphore, #tpu.memory_space<semaphore_mem>>)
      %dma_start3A_195 = tpu.memref_slice %arg3[%add3A_192] : memref<6400000xi32, #tpu.memory_space<hbm>> -> memref<2000xi32, #tpu.memory_space<hbm>>
      %dma_start3A_196 = tpu.memref_slice %arg3[%add3A_192] : memref<6400000xi32, #tpu.memory_space<hbm>> -> memref<2000xi32, #tpu.memory_space<hbm>>
      tpu.enqueue_dma source(%dma_start3A_196 : memref<2000xi32, #tpu.memory_space<hbm>>) target(%arg16 : memref<2000xi32, #tpu.memory_space<vmem>>) target_semaphore(%arg26 : memref<!tpu.dma_semaphore, #tpu.memory_space<semaphore_mem>>)
      %mul3A_197 = arith.constant 2000 : i32
      %mul3A_198 = arith.muli %mul3A_187, %mul3A_197 : i32
      %add3A_199 = arith.addi %mul3A_2, %mul3A_198 : i32
      %dma_wait3A_200 = tpu.memref_slice %arg2[%add3A_199] : memref<6400000xi32, #tpu.memory_space<hbm>> -> memref<2000xi32, #tpu.memory_space<hbm>>
      %dma_wait3A_201 = tpu.memref_slice %arg2[%add3A_199] : memref<6400000xi32, #tpu.memory_space<hbm>> -> memref<2000xi32, #tpu.memory_space<hbm>>
      tpu.wait_dma2 semaphore(%arg25 : memref<!tpu.dma_semaphore, #tpu.memory_space<semaphore_mem>>) src(%dma_wait3A_201 : memref<2000xi32, #tpu.memory_space<hbm>>) dst(%arg13 : memref<2000xi32, #tpu.memory_space<vmem>>)
      %dma_wait3A_202 = tpu.memref_slice %arg3[%add3A_199] : memref<6400000xi32, #tpu.memory_space<hbm>> -> memref<2000xi32, #tpu.memory_space<hbm>>
      %dma_wait3A_203 = tpu.memref_slice %arg3[%add3A_199] : memref<6400000xi32, #tpu.memory_space<hbm>> -> memref<2000xi32, #tpu.memory_space<hbm>>
      tpu.wait_dma2 semaphore(%arg25 : memref<!tpu.dma_semaphore, #tpu.memory_space<semaphore_mem>>) src(%dma_wait3A_203 : memref<2000xi32, #tpu.memory_space<hbm>>) dst(%arg15 : memref<2000xi32, #tpu.memory_space<vmem>>)
      %gt3A = arith.constant 0 : i32
      %gt3A_204 = arith.cmpi sgt, %while3A_185, %gt3A : i32
      %convert_element_type3A = arith.extui %gt3A_204 : i1 to i32
      %cond3A = arith.constant 0 : i32
      %cond3A_205 = arith.cmpi ne, %convert_element_type3A, %cond3A : i32
      scf.if %cond3A_205 {
        %sub3A = arith.constant 2 : i32
        %sub3A_254 = arith.subi %mul3A_187, %sub3A : i32
        %mul3A_255 = arith.constant 2000 : i32
        %mul3A_256 = arith.muli %sub3A_254, %mul3A_255 : i32
        %add3A_257 = arith.addi %mul3A_2, %mul3A_256 : i32
        %dma_wait3A_258 = tpu.memref_slice %arg9[%add3A_257] : memref<6400000xi32, #tpu.memory_space<hbm>> -> memref<2000xi32, #tpu.memory_space<hbm>>
        %dma_wait3A_259 = tpu.memref_slice %arg9[%add3A_257] : memref<6400000xi32, #tpu.memory_space<hbm>> -> memref<2000xi32, #tpu.memory_space<hbm>>
        tpu.wait_dma2 semaphore(%arg27 : memref<!tpu.dma_semaphore, #tpu.memory_space<semaphore_mem>>) src(%arg17 : memref<2000xi32, #tpu.memory_space<vmem>>) dst(%dma_wait3A_259 : memref<2000xi32, #tpu.memory_space<hbm>>)
      } else {
      }
      %while3A_206 = arith.constant 0 : i32
      %while3A_207 = arith.constant 0 : i32
      %while3A_208 = arith.constant 25 : i32
      %while3A_209 = arith.subi %while3A_208, %while3A_207 : i32
      %while3A_210 = arith.addi %while3A_207, %while3A_209 : i32
      %while3A_211 = arith.constant 1 : i32
      %while3A_212 = arith.divsi %while3A_209, %while3A_211 : i32
      %while3A_213 = arith.muli %while3A_212, %while3A_211 : i32
      %while3A_214 = arith.addi %while3A_207, %while3A_213 : i32
      %while3A_215 = arith.constant 1 : i32
      scf.for %while3A_254 = %while3A_207 to %while3A_214 step %while3A_215  : i32 {
        %mul3A_255 = arith.constant 80 : i32
        %mul3A_256 = arith.muli %while3A_254, %mul3A_255 : i32
        %add3A_257 = arith.constant 0 : i32
        %add3A_258 = arith.addi %mul3A_256, %add3A_257 : i32
        %get3A = arith.index_cast %add3A_258 : i32 to index
        %get3A_259 = tpu.vector_load %arg13[%get3A] {strides = array<i32>} : memref<2000xi32, #tpu.memory_space<vmem>>, vector<16xi32>,
        %get3A_260 = arith.index_cast %add3A_258 : i32 to index
        %get3A_261 = tpu.vector_load %arg15[%get3A_260] {strides = array<i32>} : memref<2000xi32, #tpu.memory_space<vmem>>, vector<16xi32>,
        %max3A = arith.maxsi %get3A_259, %broadcast_in_dim3A_5 : vector<16xi32>
        %min3A = arith.minsi %max3A, %broadcast_in_dim3A_3 : vector<16xi32>
        %max3A_262 = arith.maxsi %get3A_261, %broadcast_in_dim3A_5 : vector<16xi32>
        %min3A_263 = arith.minsi %max3A_262, %broadcast_in_dim3A_3 : vector<16xi32>
        %gather3A = tpu.vector_load_idx %arg12[%min3A] : memref<100352xf32, #tpu.memory_space<vmem>>[vector<16xi32>], vector<16xf32>,
        %gather3A_264 = tpu.vector_load_idx %arg12[%min3A_263] : memref<100352xf32, #tpu.memory_space<vmem>>[vector<16xi32>], vector<16xf32>,
        %gt3A_265 = arith.cmpf ogt, %gather3A_264, %gather3A : vector<16xf32>
        %select_n3A = arith.select %gt3A_265, %min3A_263, %min3A : vector<16xi1>, vector<16xi32>
        %swap3A = arith.index_cast %add3A_258 : i32 to index
        %swap3A_266 = tpu.vector_load %arg17[%swap3A] {strides = array<i32>} : memref<2000xi32, #tpu.memory_space<vmem>>, vector<16xi32>,
        tpu.vector_store %arg17[%swap3A], %select_n3A {strides = array<i32>} : memref<2000xi32, #tpu.memory_space<vmem>>, vector<16xi32>,
        %add3A_267 = arith.constant 16 : i32
        %add3A_268 = arith.addi %mul3A_256, %add3A_267 : i32
        %get3A_269 = arith.index_cast %add3A_268 : i32 to index
        %get3A_270 = tpu.vector_load %arg13[%get3A_269] {strides = array<i32>} : memref<2000xi32, #tpu.memory_space<vmem>>, vector<16xi32>,
        %get3A_271 = arith.index_cast %add3A_268 : i32 to index
        %get3A_272 = tpu.vector_load %arg15[%get3A_271] {strides = array<i32>} : memref<2000xi32, #tpu.memory_space<vmem>>, vector<16xi32>,
        %max3A_273 = arith.maxsi %get3A_270, %broadcast_in_dim3A_5 : vector<16xi32>
        %min3A_274 = arith.minsi %max3A_273, %broadcast_in_dim3A_3 : vector<16xi32>
        %max3A_275 = arith.maxsi %get3A_272, %broadcast_in_dim3A_5 : vector<16xi32>
        %min3A_276 = arith.minsi %max3A_275, %broadcast_in_dim3A_3 : vector<16xi32>
        %gather3A_277 = tpu.vector_load_idx %arg12[%min3A_274] : memref<100352xf32, #tpu.memory_space<vmem>>[vector<16xi32>], vector<16xf32>,
        %gather3A_278 = tpu.vector_load_idx %arg12[%min3A_276] : memref<100352xf32, #tpu.memory_space<vmem>>[vector<16xi32>], vector<16xf32>,
        %gt3A_279 = arith.cmpf ogt, %gather3A_278, %gather3A_277 : vector<16xf32>
        %select_n3A_280 = arith.select %gt3A_279, %min3A_276, %min3A_274 : vector<16xi1>, vector<16xi32>
        %swap3A_281 = arith.index_cast %add3A_268 : i32 to index
        %swap3A_282 = tpu.vector_load %arg17[%swap3A_281] {strides = array<i32>} : memref<2000xi32, #tpu.memory_space<vmem>>, vector<16xi32>,
        tpu.vector_store %arg17[%swap3A_281], %select_n3A_280 {strides = array<i32>} : memref<2000xi32, #tpu.memory_space<vmem>>, vector<16xi32>,
        %add3A_283 = arith.constant 32 : i32
        %add3A_284 = arith.addi %mul3A_256, %add3A_283 : i32
        %get3A_285 = arith.index_cast %add3A_284 : i32 to index
        %get3A_286 = tpu.vector_load %arg13[%get3A_285] {strides = array<i32>} : memref<2000xi32, #tpu.memory_space<vmem>>, vector<16xi32>,
        %get3A_287 = arith.index_cast %add3A_284 : i32 to index
        %get3A_288 = tpu.vector_load %arg15[%get3A_287] {strides = array<i32>} : memref<2000xi32, #tpu.memory_space<vmem>>, vector<16xi32>,
        %max3A_289 = arith.maxsi %get3A_286, %broadcast_in_dim3A_5 : vector<16xi32>
        %min3A_290 = arith.minsi %max3A_289, %broadcast_in_dim3A_3 : vector<16xi32>
        %max3A_291 = arith.maxsi %get3A_288, %broadcast_in_dim3A_5 : vector<16xi32>
        %min3A_292 = arith.minsi %max3A_291, %broadcast_in_dim3A_3 : vector<16xi32>
        %gather3A_293 = tpu.vector_load_idx %arg12[%min3A_290] : memref<100352xf32, #tpu.memory_space<vmem>>[vector<16xi32>], vector<16xf32>,
        %gather3A_294 = tpu.vector_load_idx %arg12[%min3A_292] : memref<100352xf32, #tpu.memory_space<vmem>>[vector<16xi32>], vector<16xf32>,
        %gt3A_295 = arith.cmpf ogt, %gather3A_294, %gather3A_293 : vector<16xf32>
        %select_n3A_296 = arith.select %gt3A_295, %min3A_292, %min3A_290 : vector<16xi1>, vector<16xi32>
        %swap3A_297 = arith.index_cast %add3A_284 : i32 to index
        %swap3A_298 = tpu.vector_load %arg17[%swap3A_297] {strides = array<i32>} : memref<2000xi32, #tpu.memory_space<vmem>>, vector<16xi32>,
        tpu.vector_store %arg17[%swap3A_297], %select_n3A_296 {strides = array<i32>} : memref<2000xi32, #tpu.memory_space<vmem>>, vector<16xi32>,
        %add3A_299 = arith.constant 48 : i32
        %add3A_300 = arith.addi %mul3A_256, %add3A_299 : i32
        %get3A_301 = arith.index_cast %add3A_300 : i32 to index
        %get3A_302 = tpu.vector_load %arg13[%get3A_301] {strides = array<i32>} : memref<2000xi32, #tpu.memory_space<vmem>>, vector<16xi32>,
        %get3A_303 = arith.index_cast %add3A_300 : i32 to index
        %get3A_304 = tpu.vector_load %arg15[%get3A_303] {strides = array<i32>} : memref<2000xi32, #tpu.memory_space<vmem>>, vector<16xi32>,
        %max3A_305 = arith.maxsi %get3A_302, %broadcast_in_dim3A_5 : vector<16xi32>
        %min3A_306 = arith.minsi %max3A_305, %broadcast_in_dim3A_3 : vector<16xi32>
        %max3A_307 = arith.maxsi %get3A_304, %broadcast_in_dim3A_5 : vector<16xi32>
        %min3A_308 = arith.minsi %max3A_307, %broadcast_in_dim3A_3 : vector<16xi32>
        %gather3A_309 = tpu.vector_load_idx %arg12[%min3A_306] : memref<100352xf32, #tpu.memory_space<vmem>>[vector<16xi32>], vector<16xf32>,
        %gather3A_310 = tpu.vector_load_idx %arg12[%min3A_308] : memref<100352xf32, #tpu.memory_space<vmem>>[vector<16xi32>], vector<16xf32>,
        %gt3A_311 = arith.cmpf ogt, %gather3A_310, %gather3A_309 : vector<16xf32>
        %select_n3A_312 = arith.select %gt3A_311, %min3A_308, %min3A_306 : vector<16xi1>, vector<16xi32>
        %swap3A_313 = arith.index_cast %add3A_300 : i32 to index
        %swap3A_314 = tpu.vector_load %arg17[%swap3A_313] {strides = array<i32>} : memref<2000xi32, #tpu.memory_space<vmem>>, vector<16xi32>,
        tpu.vector_store %arg17[%swap3A_313], %select_n3A_312 {strides = array<i32>} : memref<2000xi32, #tpu.memory_space<vmem>>, vector<16xi32>,
        %add3A_315 = arith.constant 64 : i32
        %add3A_316 = arith.addi %mul3A_256, %add3A_315 : i32
        %get3A_317 = arith.index_cast %add3A_316 : i32 to index
        %get3A_318 = tpu.vector_load %arg13[%get3A_317] {strides = array<i32>} : memref<2000xi32, #tpu.memory_space<vmem>>, vector<16xi32>,
        %get3A_319 = arith.index_cast %add3A_316 : i32 to index
        %get3A_320 = tpu.vector_load %arg15[%get3A_319] {strides = array<i32>} : memref<2000xi32, #tpu.memory_space<vmem>>, vector<16xi32>,
        %max3A_321 = arith.maxsi %get3A_318, %broadcast_in_dim3A_5 : vector<16xi32>
        %min3A_322 = arith.minsi %max3A_321, %broadcast_in_dim3A_3 : vector<16xi32>
        %max3A_323 = arith.maxsi %get3A_320, %broadcast_in_dim3A_5 : vector<16xi32>
        %min3A_324 = arith.minsi %max3A_323, %broadcast_in_dim3A_3 : vector<16xi32>
        %gather3A_325 = tpu.vector_load_idx %arg12[%min3A_322] : memref<100352xf32, #tpu.memory_space<vmem>>[vector<16xi32>], vector<16xf32>,
        %gather3A_326 = tpu.vector_load_idx %arg12[%min3A_324] : memref<100352xf32, #tpu.memory_space<vmem>>[vector<16xi32>], vector<16xf32>,
        %gt3A_327 = arith.cmpf ogt, %gather3A_326, %gather3A_325 : vector<16xf32>
        %select_n3A_328 = arith.select %gt3A_327, %min3A_324, %min3A_322 : vector<16xi1>, vector<16xi32>
        %swap3A_329 = arith.index_cast %add3A_316 : i32 to index
        %swap3A_330 = tpu.vector_load %arg17[%swap3A_329] {strides = array<i32>} : memref<2000xi32, #tpu.memory_space<vmem>>, vector<16xi32>,
        tpu.vector_store %arg17[%swap3A_329], %select_n3A_328 {strides = array<i32>} : memref<2000xi32, #tpu.memory_space<vmem>>, vector<16xi32>,
      }
      %while3A_216 = arith.constant 1 : i32
      scf.for %while3A_254 = %while3A_214 to %while3A_210 step %while3A_216  : i32 {
        %mul3A_255 = arith.constant 80 : i32
        %mul3A_256 = arith.muli %while3A_254, %mul3A_255 : i32
        %add3A_257 = arith.constant 0 : i32
        %add3A_258 = arith.addi %mul3A_256, %add3A_257 : i32
        %get3A = arith.index_cast %add3A_258 : i32 to index
        %get3A_259 = tpu.vector_load %arg13[%get3A] {strides = array<i32>} : memref<2000xi32, #tpu.memory_space<vmem>>, vector<16xi32>,
        %get3A_260 = arith.index_cast %add3A_258 : i32 to index
        %get3A_261 = tpu.vector_load %arg15[%get3A_260] {strides = array<i32>} : memref<2000xi32, #tpu.memory_space<vmem>>, vector<16xi32>,
        %max3A = arith.maxsi %get3A_259, %broadcast_in_dim3A_5 : vector<16xi32>
        %min3A = arith.minsi %max3A, %broadcast_in_dim3A_3 : vector<16xi32>
        %max3A_262 = arith.maxsi %get3A_261, %broadcast_in_dim3A_5 : vector<16xi32>
        %min3A_263 = arith.minsi %max3A_262, %broadcast_in_dim3A_3 : vector<16xi32>
        %gather3A = tpu.vector_load_idx %arg12[%min3A] : memref<100352xf32, #tpu.memory_space<vmem>>[vector<16xi32>], vector<16xf32>,
        %gather3A_264 = tpu.vector_load_idx %arg12[%min3A_263] : memref<100352xf32, #tpu.memory_space<vmem>>[vector<16xi32>], vector<16xf32>,
        %gt3A_265 = arith.cmpf ogt, %gather3A_264, %gather3A : vector<16xf32>
        %select_n3A = arith.select %gt3A_265, %min3A_263, %min3A : vector<16xi1>, vector<16xi32>
        %swap3A = arith.index_cast %add3A_258 : i32 to index
        %swap3A_266 = tpu.vector_load %arg17[%swap3A] {strides = array<i32>} : memref<2000xi32, #tpu.memory_space<vmem>>, vector<16xi32>,
        tpu.vector_store %arg17[%swap3A], %select_n3A {strides = array<i32>} : memref<2000xi32, #tpu.memory_space<vmem>>, vector<16xi32>,
        %add3A_267 = arith.constant 16 : i32
        %add3A_268 = arith.addi %mul3A_256, %add3A_267 : i32
        %get3A_269 = arith.index_cast %add3A_268 : i32 to index
        %get3A_270 = tpu.vector_load %arg13[%get3A_269] {strides = array<i32>} : memref<2000xi32, #tpu.memory_space<vmem>>, vector<16xi32>,
        %get3A_271 = arith.index_cast %add3A_268 : i32 to index
        %get3A_272 = tpu.vector_load %arg15[%get3A_271] {strides = array<i32>} : memref<2000xi32, #tpu.memory_space<vmem>>, vector<16xi32>,
        %max3A_273 = arith.maxsi %get3A_270, %broadcast_in_dim3A_5 : vector<16xi32>
        %min3A_274 = arith.minsi %max3A_273, %broadcast_in_dim3A_3 : vector<16xi32>
        %max3A_275 = arith.maxsi %get3A_272, %broadcast_in_dim3A_5 : vector<16xi32>
        %min3A_276 = arith.minsi %max3A_275, %broadcast_in_dim3A_3 : vector<16xi32>
        %gather3A_277 = tpu.vector_load_idx %arg12[%min3A_274] : memref<100352xf32, #tpu.memory_space<vmem>>[vector<16xi32>], vector<16xf32>,
        %gather3A_278 = tpu.vector_load_idx %arg12[%min3A_276] : memref<100352xf32, #tpu.memory_space<vmem>>[vector<16xi32>], vector<16xf32>,
        %gt3A_279 = arith.cmpf ogt, %gather3A_278, %gather3A_277 : vector<16xf32>
        %select_n3A_280 = arith.select %gt3A_279, %min3A_276, %min3A_274 : vector<16xi1>, vector<16xi32>
        %swap3A_281 = arith.index_cast %add3A_268 : i32 to index
        %swap3A_282 = tpu.vector_load %arg17[%swap3A_281] {strides = array<i32>} : memref<2000xi32, #tpu.memory_space<vmem>>, vector<16xi32>,
        tpu.vector_store %arg17[%swap3A_281], %select_n3A_280 {strides = array<i32>} : memref<2000xi32, #tpu.memory_space<vmem>>, vector<16xi32>,
        %add3A_283 = arith.constant 32 : i32
        %add3A_284 = arith.addi %mul3A_256, %add3A_283 : i32
        %get3A_285 = arith.index_cast %add3A_284 : i32 to index
        %get3A_286 = tpu.vector_load %arg13[%get3A_285] {strides = array<i32>} : memref<2000xi32, #tpu.memory_space<vmem>>, vector<16xi32>,
        %get3A_287 = arith.index_cast %add3A_284 : i32 to index
        %get3A_288 = tpu.vector_load %arg15[%get3A_287] {strides = array<i32>} : memref<2000xi32, #tpu.memory_space<vmem>>, vector<16xi32>,
        %max3A_289 = arith.maxsi %get3A_286, %broadcast_in_dim3A_5 : vector<16xi32>
        %min3A_290 = arith.minsi %max3A_289, %broadcast_in_dim3A_3 : vector<16xi32>
        %max3A_291 = arith.maxsi %get3A_288, %broadcast_in_dim3A_5 : vector<16xi32>
        %min3A_292 = arith.minsi %max3A_291, %broadcast_in_dim3A_3 : vector<16xi32>
        %gather3A_293 = tpu.vector_load_idx %arg12[%min3A_290] : memref<100352xf32, #tpu.memory_space<vmem>>[vector<16xi32>], vector<16xf32>,
        %gather3A_294 = tpu.vector_load_idx %arg12[%min3A_292] : memref<100352xf32, #tpu.memory_space<vmem>>[vector<16xi32>], vector<16xf32>,
        %gt3A_295 = arith.cmpf ogt, %gather3A_294, %gather3A_293 : vector<16xf32>
        %select_n3A_296 = arith.select %gt3A_295, %min3A_292, %min3A_290 : vector<16xi1>, vector<16xi32>
        %swap3A_297 = arith.index_cast %add3A_284 : i32 to index
        %swap3A_298 = tpu.vector_load %arg17[%swap3A_297] {strides = array<i32>} : memref<2000xi32, #tpu.memory_space<vmem>>, vector<16xi32>,
        tpu.vector_store %arg17[%swap3A_297], %select_n3A_296 {strides = array<i32>} : memref<2000xi32, #tpu.memory_space<vmem>>, vector<16xi32>,
        %add3A_299 = arith.constant 48 : i32
        %add3A_300 = arith.addi %mul3A_256, %add3A_299 : i32
        %get3A_301 = arith.index_cast %add3A_300 : i32 to index
        %get3A_302 = tpu.vector_load %arg13[%get3A_301] {strides = array<i32>} : memref<2000xi32, #tpu.memory_space<vmem>>, vector<16xi32>,
        %get3A_303 = arith.index_cast %add3A_300 : i32 to index
        %get3A_304 = tpu.vector_load %arg15[%get3A_303] {strides = array<i32>} : memref<2000xi32, #tpu.memory_space<vmem>>, vector<16xi32>,
        %max3A_305 = arith.maxsi %get3A_302, %broadcast_in_dim3A_5 : vector<16xi32>
        %min3A_306 = arith.minsi %max3A_305, %broadcast_in_dim3A_3 : vector<16xi32>
        %max3A_307 = arith.maxsi %get3A_304, %broadcast_in_dim3A_5 : vector<16xi32>
        %min3A_308 = arith.minsi %max3A_307, %broadcast_in_dim3A_3 : vector<16xi32>
        %gather3A_309 = tpu.vector_load_idx %arg12[%min3A_306] : memref<100352xf32, #tpu.memory_space<vmem>>[vector<16xi32>], vector<16xf32>,
        %gather3A_310 = tpu.vector_load_idx %arg12[%min3A_308] : memref<100352xf32, #tpu.memory_space<vmem>>[vector<16xi32>], vector<16xf32>,
        %gt3A_311 = arith.cmpf ogt, %gather3A_310, %gather3A_309 : vector<16xf32>
        %select_n3A_312 = arith.select %gt3A_311, %min3A_308, %min3A_306 : vector<16xi1>, vector<16xi32>
        %swap3A_313 = arith.index_cast %add3A_300 : i32 to index
        %swap3A_314 = tpu.vector_load %arg17[%swap3A_313] {strides = array<i32>} : memref<2000xi32, #tpu.memory_space<vmem>>, vector<16xi32>,
        tpu.vector_store %arg17[%swap3A_313], %select_n3A_312 {strides = array<i32>} : memref<2000xi32, #tpu.memory_space<vmem>>, vector<16xi32>,
        %add3A_315 = arith.constant 64 : i32
        %add3A_316 = arith.addi %mul3A_256, %add3A_315 : i32
        %get3A_317 = arith.index_cast %add3A_316 : i32 to index
        %get3A_318 = tpu.vector_load %arg13[%get3A_317] {strides = array<i32>} : memref<2000xi32, #tpu.memory_space<vmem>>, vector<16xi32>,
        %get3A_319 = arith.index_cast %add3A_316 : i32 to index
        %get3A_320 = tpu.vector_load %arg15[%get3A_319] {strides = array<i32>} : memref<2000xi32, #tpu.memory_space<vmem>>, vector<16xi32>,
        %max3A_321 = arith.maxsi %get3A_318, %broadcast_in_dim3A_5 : vector<16xi32>
        %min3A_322 = arith.minsi %max3A_321, %broadcast_in_dim3A_3 : vector<16xi32>
        %max3A_323 = arith.maxsi %get3A_320, %broadcast_in_dim3A_5 : vector<16xi32>
        %min3A_324 = arith.minsi %max3A_323, %broadcast_in_dim3A_3 : vector<16xi32>
        %gather3A_325 = tpu.vector_load_idx %arg12[%min3A_322] : memref<100352xf32, #tpu.memory_space<vmem>>[vector<16xi32>], vector<16xf32>,
        %gather3A_326 = tpu.vector_load_idx %arg12[%min3A_324] : memref<100352xf32, #tpu.memory_space<vmem>>[vector<16xi32>], vector<16xf32>,
        %gt3A_327 = arith.cmpf ogt, %gather3A_326, %gather3A_325 : vector<16xf32>
        %select_n3A_328 = arith.select %gt3A_327, %min3A_324, %min3A_322 : vector<16xi1>, vector<16xi32>
        %swap3A_329 = arith.index_cast %add3A_316 : i32 to index
        %swap3A_330 = tpu.vector_load %arg17[%swap3A_329] {strides = array<i32>} : memref<2000xi32, #tpu.memory_space<vmem>>, vector<16xi32>,
        tpu.vector_store %arg17[%swap3A_329], %select_n3A_328 {strides = array<i32>} : memref<2000xi32, #tpu.memory_space<vmem>>, vector<16xi32>,
      }
      %mul3A_217 = arith.constant 2000 : i32
      %mul3A_218 = arith.muli %mul3A_187, %mul3A_217 : i32
      %add3A_219 = arith.addi %mul3A_2, %mul3A_218 : i32
      %dma_start3A_220 = tpu.memref_slice %arg9[%add3A_219] : memref<6400000xi32, #tpu.memory_space<hbm>> -> memref<2000xi32, #tpu.memory_space<hbm>>
      %dma_start3A_221 = tpu.memref_slice %arg9[%add3A_219] : memref<6400000xi32, #tpu.memory_space<hbm>> -> memref<2000xi32, #tpu.memory_space<hbm>>
      tpu.enqueue_dma source(%arg17 : memref<2000xi32, #tpu.memory_space<vmem>>) target(%dma_start3A_221 : memref<2000xi32, #tpu.memory_space<hbm>>) target_semaphore(%arg27 : memref<!tpu.dma_semaphore, #tpu.memory_space<semaphore_mem>>)
      %lt3A = arith.constant 49 : i32
      %lt3A_222 = arith.cmpi slt, %while3A_185, %lt3A : i32
      %convert_element_type3A_223 = arith.extui %lt3A_222 : i1 to i32
      %cond3A_224 = arith.constant 0 : i32
      %cond3A_225 = arith.cmpi ne, %convert_element_type3A_223, %cond3A_224 : i32
      scf.if %cond3A_225 {
        %add3A_254 = arith.constant 2 : i32
        %add3A_255 = arith.addi %mul3A_187, %add3A_254 : i32
        %mul3A_256 = arith.constant 2000 : i32
        %mul3A_257 = arith.muli %add3A_255, %mul3A_256 : i32
        %add3A_258 = arith.addi %mul3A_2, %mul3A_257 : i32
        %dma_start3A_259 = tpu.memref_slice %arg2[%add3A_258] : memref<6400000xi32, #tpu.memory_space<hbm>> -> memref<2000xi32, #tpu.memory_space<hbm>>
        %dma_start3A_260 = tpu.memref_slice %arg2[%add3A_258] : memref<6400000xi32, #tpu.memory_space<hbm>> -> memref<2000xi32, #tpu.memory_space<hbm>>
        tpu.enqueue_dma source(%dma_start3A_260 : memref<2000xi32, #tpu.memory_space<hbm>>) target(%arg13 : memref<2000xi32, #tpu.memory_space<vmem>>) target_semaphore(%arg25 : memref<!tpu.dma_semaphore, #tpu.memory_space<semaphore_mem>>)
        %dma_start3A_261 = tpu.memref_slice %arg3[%add3A_258] : memref<6400000xi32, #tpu.memory_space<hbm>> -> memref<2000xi32, #tpu.memory_space<hbm>>
        %dma_start3A_262 = tpu.memref_slice %arg3[%add3A_258] : memref<6400000xi32, #tpu.memory_space<hbm>> -> memref<2000xi32, #tpu.memory_space<hbm>>
        tpu.enqueue_dma source(%dma_start3A_262 : memref<2000xi32, #tpu.memory_space<hbm>>) target(%arg15 : memref<2000xi32, #tpu.memory_space<vmem>>) target_semaphore(%arg25 : memref<!tpu.dma_semaphore, #tpu.memory_space<semaphore_mem>>)
      } else {
      }
      %mul3A_226 = arith.constant 2000 : i32
      %mul3A_227 = arith.muli %add3A_189, %mul3A_226 : i32
      %add3A_228 = arith.addi %mul3A_2, %mul3A_227 : i32
      %dma_wait3A_229 = tpu.memref_slice %arg2[%add3A_228] : memref<6400000xi32, #tpu.memory_space<hbm>> -> memref<2000xi32, #tpu.memory_space<hbm>>
      %dma_wait3A_230 = tpu.memref_slice %arg2[%add3A_228] : memref<6400000xi32, #tpu.memory_space<hbm>> -> memref<2000xi32, #tpu.memory_space<hbm>>
      tpu.wait_dma2 semaphore(%arg26 : memref<!tpu.dma_semaphore, #tpu.memory_space<semaphore_mem>>) src(%dma_wait3A_230 : memref<2000xi32, #tpu.memory_space<hbm>>) dst(%arg14 : memref<2000xi32, #tpu.memory_space<vmem>>)
      %dma_wait3A_231 = tpu.memref_slice %arg3[%add3A_228] : memref<6400000xi32, #tpu.memory_space<hbm>> -> memref<2000xi32, #tpu.memory_space<hbm>>
      %dma_wait3A_232 = tpu.memref_slice %arg3[%add3A_228] : memref<6400000xi32, #tpu.memory_space<hbm>> -> memref<2000xi32, #tpu.memory_space<hbm>>
      tpu.wait_dma2 semaphore(%arg26 : memref<!tpu.dma_semaphore, #tpu.memory_space<semaphore_mem>>) src(%dma_wait3A_232 : memref<2000xi32, #tpu.memory_space<hbm>>) dst(%arg16 : memref<2000xi32, #tpu.memory_space<vmem>>)
      %gt3A_233 = arith.constant 0 : i32
      %gt3A_234 = arith.cmpi sgt, %while3A_185, %gt3A_233 : i32
      %convert_element_type3A_235 = arith.extui %gt3A_234 : i1 to i32
      %cond3A_236 = arith.constant 0 : i32
      %cond3A_237 = arith.cmpi ne, %convert_element_type3A_235, %cond3A_236 : i32
      scf.if %cond3A_237 {
        %sub3A = arith.constant 2 : i32
        %sub3A_254 = arith.subi %add3A_189, %sub3A : i32
        %mul3A_255 = arith.constant 2000 : i32
        %mul3A_256 = arith.muli %sub3A_254, %mul3A_255 : i32
        %add3A_257 = arith.addi %mul3A_2, %mul3A_256 : i32
        %dma_wait3A_258 = tpu.memref_slice %arg9[%add3A_257] : memref<6400000xi32, #tpu.memory_space<hbm>> -> memref<2000xi32, #tpu.memory_space<hbm>>
        %dma_wait3A_259 = tpu.memref_slice %arg9[%add3A_257] : memref<6400000xi32, #tpu.memory_space<hbm>> -> memref<2000xi32, #tpu.memory_space<hbm>>
        tpu.wait_dma2 semaphore(%arg28 : memref<!tpu.dma_semaphore, #tpu.memory_space<semaphore_mem>>) src(%arg18 : memref<2000xi32, #tpu.memory_space<vmem>>) dst(%dma_wait3A_259 : memref<2000xi32, #tpu.memory_space<hbm>>)
      } else {
      }
      %while3A_238 = arith.constant 0 : i32
      %while3A_239 = arith.constant 0 : i32
      %while3A_240 = arith.constant 25 : i32
      %while3A_241 = arith.subi %while3A_240, %while3A_239 : i32
      %while3A_242 = arith.addi %while3A_239, %while3A_241 : i32
      %while3A_243 = arith.constant 1 : i32
      %while3A_244 = arith.divsi %while3A_241, %while3A_243 : i32
      %while3A_245 = arith.muli %while3A_244, %while3A_243 : i32
      %while3A_246 = arith.addi %while3A_239, %while3A_245 : i32
      %while3A_247 = arith.constant 1 : i32
      scf.for %while3A_254 = %while3A_239 to %while3A_246 step %while3A_247  : i32 {
        %mul3A_255 = arith.constant 80 : i32
        %mul3A_256 = arith.muli %while3A_254, %mul3A_255 : i32
        %add3A_257 = arith.constant 0 : i32
        %add3A_258 = arith.addi %mul3A_256, %add3A_257 : i32
        %get3A = arith.index_cast %add3A_258 : i32 to index
        %get3A_259 = tpu.vector_load %arg14[%get3A] {strides = array<i32>} : memref<2000xi32, #tpu.memory_space<vmem>>, vector<16xi32>,
        %get3A_260 = arith.index_cast %add3A_258 : i32 to index
        %get3A_261 = tpu.vector_load %arg16[%get3A_260] {strides = array<i32>} : memref<2000xi32, #tpu.memory_space<vmem>>, vector<16xi32>,
        %max3A = arith.maxsi %get3A_259, %broadcast_in_dim3A_5 : vector<16xi32>
        %min3A = arith.minsi %max3A, %broadcast_in_dim3A_3 : vector<16xi32>
        %max3A_262 = arith.maxsi %get3A_261, %broadcast_in_dim3A_5 : vector<16xi32>
        %min3A_263 = arith.minsi %max3A_262, %broadcast_in_dim3A_3 : vector<16xi32>
        %gather3A = tpu.vector_load_idx %arg12[%min3A] : memref<100352xf32, #tpu.memory_space<vmem>>[vector<16xi32>], vector<16xf32>,
        %gather3A_264 = tpu.vector_load_idx %arg12[%min3A_263] : memref<100352xf32, #tpu.memory_space<vmem>>[vector<16xi32>], vector<16xf32>,
        %gt3A_265 = arith.cmpf ogt, %gather3A_264, %gather3A : vector<16xf32>
        %select_n3A = arith.select %gt3A_265, %min3A_263, %min3A : vector<16xi1>, vector<16xi32>
        %swap3A = arith.index_cast %add3A_258 : i32 to index
        %swap3A_266 = tpu.vector_load %arg18[%swap3A] {strides = array<i32>} : memref<2000xi32, #tpu.memory_space<vmem>>, vector<16xi32>,
        tpu.vector_store %arg18[%swap3A], %select_n3A {strides = array<i32>} : memref<2000xi32, #tpu.memory_space<vmem>>, vector<16xi32>,
        %add3A_267 = arith.constant 16 : i32
        %add3A_268 = arith.addi %mul3A_256, %add3A_267 : i32
        %get3A_269 = arith.index_cast %add3A_268 : i32 to index
        %get3A_270 = tpu.vector_load %arg14[%get3A_269] {strides = array<i32>} : memref<2000xi32, #tpu.memory_space<vmem>>, vector<16xi32>,
        %get3A_271 = arith.index_cast %add3A_268 : i32 to index
        %get3A_272 = tpu.vector_load %arg16[%get3A_271] {strides = array<i32>} : memref<2000xi32, #tpu.memory_space<vmem>>, vector<16xi32>,
        %max3A_273 = arith.maxsi %get3A_270, %broadcast_in_dim3A_5 : vector<16xi32>
        %min3A_274 = arith.minsi %max3A_273, %broadcast_in_dim3A_3 : vector<16xi32>
        %max3A_275 = arith.maxsi %get3A_272, %broadcast_in_dim3A_5 : vector<16xi32>
        %min3A_276 = arith.minsi %max3A_275, %broadcast_in_dim3A_3 : vector<16xi32>
        %gather3A_277 = tpu.vector_load_idx %arg12[%min3A_274] : memref<100352xf32, #tpu.memory_space<vmem>>[vector<16xi32>], vector<16xf32>,
        %gather3A_278 = tpu.vector_load_idx %arg12[%min3A_276] : memref<100352xf32, #tpu.memory_space<vmem>>[vector<16xi32>], vector<16xf32>,
        %gt3A_279 = arith.cmpf ogt, %gather3A_278, %gather3A_277 : vector<16xf32>
        %select_n3A_280 = arith.select %gt3A_279, %min3A_276, %min3A_274 : vector<16xi1>, vector<16xi32>
        %swap3A_281 = arith.index_cast %add3A_268 : i32 to index
        %swap3A_282 = tpu.vector_load %arg18[%swap3A_281] {strides = array<i32>} : memref<2000xi32, #tpu.memory_space<vmem>>, vector<16xi32>,
        tpu.vector_store %arg18[%swap3A_281], %select_n3A_280 {strides = array<i32>} : memref<2000xi32, #tpu.memory_space<vmem>>, vector<16xi32>,
        %add3A_283 = arith.constant 32 : i32
        %add3A_284 = arith.addi %mul3A_256, %add3A_283 : i32
        %get3A_285 = arith.index_cast %add3A_284 : i32 to index
        %get3A_286 = tpu.vector_load %arg14[%get3A_285] {strides = array<i32>} : memref<2000xi32, #tpu.memory_space<vmem>>, vector<16xi32>,
        %get3A_287 = arith.index_cast %add3A_284 : i32 to index
        %get3A_288 = tpu.vector_load %arg16[%get3A_287] {strides = array<i32>} : memref<2000xi32, #tpu.memory_space<vmem>>, vector<16xi32>,
        %max3A_289 = arith.maxsi %get3A_286, %broadcast_in_dim3A_5 : vector<16xi32>
        %min3A_290 = arith.minsi %max3A_289, %broadcast_in_dim3A_3 : vector<16xi32>
        %max3A_291 = arith.maxsi %get3A_288, %broadcast_in_dim3A_5 : vector<16xi32>
        %min3A_292 = arith.minsi %max3A_291, %broadcast_in_dim3A_3 : vector<16xi32>
        %gather3A_293 = tpu.vector_load_idx %arg12[%min3A_290] : memref<100352xf32, #tpu.memory_space<vmem>>[vector<16xi32>], vector<16xf32>,
        %gather3A_294 = tpu.vector_load_idx %arg12[%min3A_292] : memref<100352xf32, #tpu.memory_space<vmem>>[vector<16xi32>], vector<16xf32>,
        %gt3A_295 = arith.cmpf ogt, %gather3A_294, %gather3A_293 : vector<16xf32>
        %select_n3A_296 = arith.select %gt3A_295, %min3A_292, %min3A_290 : vector<16xi1>, vector<16xi32>
        %swap3A_297 = arith.index_cast %add3A_284 : i32 to index
        %swap3A_298 = tpu.vector_load %arg18[%swap3A_297] {strides = array<i32>} : memref<2000xi32, #tpu.memory_space<vmem>>, vector<16xi32>,
        tpu.vector_store %arg18[%swap3A_297], %select_n3A_296 {strides = array<i32>} : memref<2000xi32, #tpu.memory_space<vmem>>, vector<16xi32>,
        %add3A_299 = arith.constant 48 : i32
        %add3A_300 = arith.addi %mul3A_256, %add3A_299 : i32
        %get3A_301 = arith.index_cast %add3A_300 : i32 to index
        %get3A_302 = tpu.vector_load %arg14[%get3A_301] {strides = array<i32>} : memref<2000xi32, #tpu.memory_space<vmem>>, vector<16xi32>,
        %get3A_303 = arith.index_cast %add3A_300 : i32 to index
        %get3A_304 = tpu.vector_load %arg16[%get3A_303] {strides = array<i32>} : memref<2000xi32, #tpu.memory_space<vmem>>, vector<16xi32>,
        %max3A_305 = arith.maxsi %get3A_302, %broadcast_in_dim3A_5 : vector<16xi32>
        %min3A_306 = arith.minsi %max3A_305, %broadcast_in_dim3A_3 : vector<16xi32>
        %max3A_307 = arith.maxsi %get3A_304, %broadcast_in_dim3A_5 : vector<16xi32>
        %min3A_308 = arith.minsi %max3A_307, %broadcast_in_dim3A_3 : vector<16xi32>
        %gather3A_309 = tpu.vector_load_idx %arg12[%min3A_306] : memref<100352xf32, #tpu.memory_space<vmem>>[vector<16xi32>], vector<16xf32>,
        %gather3A_310 = tpu.vector_load_idx %arg12[%min3A_308] : memref<100352xf32, #tpu.memory_space<vmem>>[vector<16xi32>], vector<16xf32>,
        %gt3A_311 = arith.cmpf ogt, %gather3A_310, %gather3A_309 : vector<16xf32>
        %select_n3A_312 = arith.select %gt3A_311, %min3A_308, %min3A_306 : vector<16xi1>, vector<16xi32>
        %swap3A_313 = arith.index_cast %add3A_300 : i32 to index
        %swap3A_314 = tpu.vector_load %arg18[%swap3A_313] {strides = array<i32>} : memref<2000xi32, #tpu.memory_space<vmem>>, vector<16xi32>,
        tpu.vector_store %arg18[%swap3A_313], %select_n3A_312 {strides = array<i32>} : memref<2000xi32, #tpu.memory_space<vmem>>, vector<16xi32>,
        %add3A_315 = arith.constant 64 : i32
        %add3A_316 = arith.addi %mul3A_256, %add3A_315 : i32
        %get3A_317 = arith.index_cast %add3A_316 : i32 to index
        %get3A_318 = tpu.vector_load %arg14[%get3A_317] {strides = array<i32>} : memref<2000xi32, #tpu.memory_space<vmem>>, vector<16xi32>,
        %get3A_319 = arith.index_cast %add3A_316 : i32 to index
        %get3A_320 = tpu.vector_load %arg16[%get3A_319] {strides = array<i32>} : memref<2000xi32, #tpu.memory_space<vmem>>, vector<16xi32>,
        %max3A_321 = arith.maxsi %get3A_318, %broadcast_in_dim3A_5 : vector<16xi32>
        %min3A_322 = arith.minsi %max3A_321, %broadcast_in_dim3A_3 : vector<16xi32>
        %max3A_323 = arith.maxsi %get3A_320, %broadcast_in_dim3A_5 : vector<16xi32>
        %min3A_324 = arith.minsi %max3A_323, %broadcast_in_dim3A_3 : vector<16xi32>
        %gather3A_325 = tpu.vector_load_idx %arg12[%min3A_322] : memref<100352xf32, #tpu.memory_space<vmem>>[vector<16xi32>], vector<16xf32>,
        %gather3A_326 = tpu.vector_load_idx %arg12[%min3A_324] : memref<100352xf32, #tpu.memory_space<vmem>>[vector<16xi32>], vector<16xf32>,
        %gt3A_327 = arith.cmpf ogt, %gather3A_326, %gather3A_325 : vector<16xf32>
        %select_n3A_328 = arith.select %gt3A_327, %min3A_324, %min3A_322 : vector<16xi1>, vector<16xi32>
        %swap3A_329 = arith.index_cast %add3A_316 : i32 to index
        %swap3A_330 = tpu.vector_load %arg18[%swap3A_329] {strides = array<i32>} : memref<2000xi32, #tpu.memory_space<vmem>>, vector<16xi32>,
        tpu.vector_store %arg18[%swap3A_329], %select_n3A_328 {strides = array<i32>} : memref<2000xi32, #tpu.memory_space<vmem>>, vector<16xi32>,
      }
      %while3A_248 = arith.constant 1 : i32
      scf.for %while3A_254 = %while3A_246 to %while3A_242 step %while3A_248  : i32 {
        %mul3A_255 = arith.constant 80 : i32
        %mul3A_256 = arith.muli %while3A_254, %mul3A_255 : i32
        %add3A_257 = arith.constant 0 : i32
        %add3A_258 = arith.addi %mul3A_256, %add3A_257 : i32
        %get3A = arith.index_cast %add3A_258 : i32 to index
        %get3A_259 = tpu.vector_load %arg14[%get3A] {strides = array<i32>} : memref<2000xi32, #tpu.memory_space<vmem>>, vector<16xi32>,
        %get3A_260 = arith.index_cast %add3A_258 : i32 to index
        %get3A_261 = tpu.vector_load %arg16[%get3A_260] {strides = array<i32>} : memref<2000xi32, #tpu.memory_space<vmem>>, vector<16xi32>,
        %max3A = arith.maxsi %get3A_259, %broadcast_in_dim3A_5 : vector<16xi32>
        %min3A = arith.minsi %max3A, %broadcast_in_dim3A_3 : vector<16xi32>
        %max3A_262 = arith.maxsi %get3A_261, %broadcast_in_dim3A_5 : vector<16xi32>
        %min3A_263 = arith.minsi %max3A_262, %broadcast_in_dim3A_3 : vector<16xi32>
        %gather3A = tpu.vector_load_idx %arg12[%min3A] : memref<100352xf32, #tpu.memory_space<vmem>>[vector<16xi32>], vector<16xf32>,
        %gather3A_264 = tpu.vector_load_idx %arg12[%min3A_263] : memref<100352xf32, #tpu.memory_space<vmem>>[vector<16xi32>], vector<16xf32>,
        %gt3A_265 = arith.cmpf ogt, %gather3A_264, %gather3A : vector<16xf32>
        %select_n3A = arith.select %gt3A_265, %min3A_263, %min3A : vector<16xi1>, vector<16xi32>
        %swap3A = arith.index_cast %add3A_258 : i32 to index
        %swap3A_266 = tpu.vector_load %arg18[%swap3A] {strides = array<i32>} : memref<2000xi32, #tpu.memory_space<vmem>>, vector<16xi32>,
        tpu.vector_store %arg18[%swap3A], %select_n3A {strides = array<i32>} : memref<2000xi32, #tpu.memory_space<vmem>>, vector<16xi32>,
        %add3A_267 = arith.constant 16 : i32
        %add3A_268 = arith.addi %mul3A_256, %add3A_267 : i32
        %get3A_269 = arith.index_cast %add3A_268 : i32 to index
        %get3A_270 = tpu.vector_load %arg14[%get3A_269] {strides = array<i32>} : memref<2000xi32, #tpu.memory_space<vmem>>, vector<16xi32>,
        %get3A_271 = arith.index_cast %add3A_268 : i32 to index
        %get3A_272 = tpu.vector_load %arg16[%get3A_271] {strides = array<i32>} : memref<2000xi32, #tpu.memory_space<vmem>>, vector<16xi32>,
        %max3A_273 = arith.maxsi %get3A_270, %broadcast_in_dim3A_5 : vector<16xi32>
        %min3A_274 = arith.minsi %max3A_273, %broadcast_in_dim3A_3 : vector<16xi32>
        %max3A_275 = arith.maxsi %get3A_272, %broadcast_in_dim3A_5 : vector<16xi32>
        %min3A_276 = arith.minsi %max3A_275, %broadcast_in_dim3A_3 : vector<16xi32>
        %gather3A_277 = tpu.vector_load_idx %arg12[%min3A_274] : memref<100352xf32, #tpu.memory_space<vmem>>[vector<16xi32>], vector<16xf32>,
        %gather3A_278 = tpu.vector_load_idx %arg12[%min3A_276] : memref<100352xf32, #tpu.memory_space<vmem>>[vector<16xi32>], vector<16xf32>,
        %gt3A_279 = arith.cmpf ogt, %gather3A_278, %gather3A_277 : vector<16xf32>
        %select_n3A_280 = arith.select %gt3A_279, %min3A_276, %min3A_274 : vector<16xi1>, vector<16xi32>
        %swap3A_281 = arith.index_cast %add3A_268 : i32 to index
        %swap3A_282 = tpu.vector_load %arg18[%swap3A_281] {strides = array<i32>} : memref<2000xi32, #tpu.memory_space<vmem>>, vector<16xi32>,
        tpu.vector_store %arg18[%swap3A_281], %select_n3A_280 {strides = array<i32>} : memref<2000xi32, #tpu.memory_space<vmem>>, vector<16xi32>,
        %add3A_283 = arith.constant 32 : i32
        %add3A_284 = arith.addi %mul3A_256, %add3A_283 : i32
        %get3A_285 = arith.index_cast %add3A_284 : i32 to index
        %get3A_286 = tpu.vector_load %arg14[%get3A_285] {strides = array<i32>} : memref<2000xi32, #tpu.memory_space<vmem>>, vector<16xi32>,
        %get3A_287 = arith.index_cast %add3A_284 : i32 to index
        %get3A_288 = tpu.vector_load %arg16[%get3A_287] {strides = array<i32>} : memref<2000xi32, #tpu.memory_space<vmem>>, vector<16xi32>,
        %max3A_289 = arith.maxsi %get3A_286, %broadcast_in_dim3A_5 : vector<16xi32>
        %min3A_290 = arith.minsi %max3A_289, %broadcast_in_dim3A_3 : vector<16xi32>
        %max3A_291 = arith.maxsi %get3A_288, %broadcast_in_dim3A_5 : vector<16xi32>
        %min3A_292 = arith.minsi %max3A_291, %broadcast_in_dim3A_3 : vector<16xi32>
        %gather3A_293 = tpu.vector_load_idx %arg12[%min3A_290] : memref<100352xf32, #tpu.memory_space<vmem>>[vector<16xi32>], vector<16xf32>,
        %gather3A_294 = tpu.vector_load_idx %arg12[%min3A_292] : memref<100352xf32, #tpu.memory_space<vmem>>[vector<16xi32>], vector<16xf32>,
        %gt3A_295 = arith.cmpf ogt, %gather3A_294, %gather3A_293 : vector<16xf32>
        %select_n3A_296 = arith.select %gt3A_295, %min3A_292, %min3A_290 : vector<16xi1>, vector<16xi32>
        %swap3A_297 = arith.index_cast %add3A_284 : i32 to index
        %swap3A_298 = tpu.vector_load %arg18[%swap3A_297] {strides = array<i32>} : memref<2000xi32, #tpu.memory_space<vmem>>, vector<16xi32>,
        tpu.vector_store %arg18[%swap3A_297], %select_n3A_296 {strides = array<i32>} : memref<2000xi32, #tpu.memory_space<vmem>>, vector<16xi32>,
        %add3A_299 = arith.constant 48 : i32
        %add3A_300 = arith.addi %mul3A_256, %add3A_299 : i32
        %get3A_301 = arith.index_cast %add3A_300 : i32 to index
        %get3A_302 = tpu.vector_load %arg14[%get3A_301] {strides = array<i32>} : memref<2000xi32, #tpu.memory_space<vmem>>, vector<16xi32>,
        %get3A_303 = arith.index_cast %add3A_300 : i32 to index
        %get3A_304 = tpu.vector_load %arg16[%get3A_303] {strides = array<i32>} : memref<2000xi32, #tpu.memory_space<vmem>>, vector<16xi32>,
        %max3A_305 = arith.maxsi %get3A_302, %broadcast_in_dim3A_5 : vector<16xi32>
        %min3A_306 = arith.minsi %max3A_305, %broadcast_in_dim3A_3 : vector<16xi32>
        %max3A_307 = arith.maxsi %get3A_304, %broadcast_in_dim3A_5 : vector<16xi32>
        %min3A_308 = arith.minsi %max3A_307, %broadcast_in_dim3A_3 : vector<16xi32>
        %gather3A_309 = tpu.vector_load_idx %arg12[%min3A_306] : memref<100352xf32, #tpu.memory_space<vmem>>[vector<16xi32>], vector<16xf32>,
        %gather3A_310 = tpu.vector_load_idx %arg12[%min3A_308] : memref<100352xf32, #tpu.memory_space<vmem>>[vector<16xi32>], vector<16xf32>,
        %gt3A_311 = arith.cmpf ogt, %gather3A_310, %gather3A_309 : vector<16xf32>
        %select_n3A_312 = arith.select %gt3A_311, %min3A_308, %min3A_306 : vector<16xi1>, vector<16xi32>
        %swap3A_313 = arith.index_cast %add3A_300 : i32 to index
        %swap3A_314 = tpu.vector_load %arg18[%swap3A_313] {strides = array<i32>} : memref<2000xi32, #tpu.memory_space<vmem>>, vector<16xi32>,
        tpu.vector_store %arg18[%swap3A_313], %select_n3A_312 {strides = array<i32>} : memref<2000xi32, #tpu.memory_space<vmem>>, vector<16xi32>,
        %add3A_315 = arith.constant 64 : i32
        %add3A_316 = arith.addi %mul3A_256, %add3A_315 : i32
        %get3A_317 = arith.index_cast %add3A_316 : i32 to index
        %get3A_318 = tpu.vector_load %arg14[%get3A_317] {strides = array<i32>} : memref<2000xi32, #tpu.memory_space<vmem>>, vector<16xi32>,
        %get3A_319 = arith.index_cast %add3A_316 : i32 to index
        %get3A_320 = tpu.vector_load %arg16[%get3A_319] {strides = array<i32>} : memref<2000xi32, #tpu.memory_space<vmem>>, vector<16xi32>,
        %max3A_321 = arith.maxsi %get3A_318, %broadcast_in_dim3A_5 : vector<16xi32>
        %min3A_322 = arith.minsi %max3A_321, %broadcast_in_dim3A_3 : vector<16xi32>
        %max3A_323 = arith.maxsi %get3A_320, %broadcast_in_dim3A_5 : vector<16xi32>
        %min3A_324 = arith.minsi %max3A_323, %broadcast_in_dim3A_3 : vector<16xi32>
        %gather3A_325 = tpu.vector_load_idx %arg12[%min3A_322] : memref<100352xf32, #tpu.memory_space<vmem>>[vector<16xi32>], vector<16xf32>,
        %gather3A_326 = tpu.vector_load_idx %arg12[%min3A_324] : memref<100352xf32, #tpu.memory_space<vmem>>[vector<16xi32>], vector<16xf32>,
        %gt3A_327 = arith.cmpf ogt, %gather3A_326, %gather3A_325 : vector<16xf32>
        %select_n3A_328 = arith.select %gt3A_327, %min3A_324, %min3A_322 : vector<16xi1>, vector<16xi32>
        %swap3A_329 = arith.index_cast %add3A_316 : i32 to index
        %swap3A_330 = tpu.vector_load %arg18[%swap3A_329] {strides = array<i32>} : memref<2000xi32, #tpu.memory_space<vmem>>, vector<16xi32>,
        tpu.vector_store %arg18[%swap3A_329], %select_n3A_328 {strides = array<i32>} : memref<2000xi32, #tpu.memory_space<vmem>>, vector<16xi32>,
      }
      %mul3A_249 = arith.constant 2000 : i32
      %mul3A_250 = arith.muli %add3A_189, %mul3A_249 : i32
      %add3A_251 = arith.addi %mul3A_2, %mul3A_250 : i32
      %dma_start3A_252 = tpu.memref_slice %arg9[%add3A_251] : memref<6400000xi32, #tpu.memory_space<hbm>> -> memref<2000xi32, #tpu.memory_space<hbm>>
      %dma_start3A_253 = tpu.memref_slice %arg9[%add3A_251] : memref<6400000xi32, #tpu.memory_space<hbm>> -> memref<2000xi32, #tpu.memory_space<hbm>>
      tpu.enqueue_dma source(%arg18 : memref<2000xi32, #tpu.memory_space<vmem>>) target(%dma_start3A_253 : memref<2000xi32, #tpu.memory_space<hbm>>) target_semaphore(%arg28 : memref<!tpu.dma_semaphore, #tpu.memory_space<semaphore_mem>>)
    }
    %mul3A_23 = arith.constant 98 : i32
    %mul3A_24 = arith.constant 2000 : i32
    %mul3A_25 = arith.muli %mul3A_23, %mul3A_24 : i32
    %add3A_26 = arith.addi %mul3A_2, %mul3A_25 : i32
    %dma_wait3A = tpu.memref_slice %arg9[%add3A_26] : memref<6400000xi32, #tpu.memory_space<hbm>> -> memref<2000xi32, #tpu.memory_space<hbm>>
    %dma_wait3A_27 = tpu.memref_slice %arg9[%add3A_26] : memref<6400000xi32, #tpu.memory_space<hbm>> -> memref<2000xi32, #tpu.memory_space<hbm>>
    tpu.wait_dma2 semaphore(%arg27 : memref<!tpu.dma_semaphore, #tpu.memory_space<semaphore_mem>>) src(%arg17 : memref<2000xi32, #tpu.memory_space<vmem>>) dst(%dma_wait3A_27 : memref<2000xi32, #tpu.memory_space<hbm>>)
    %mul3A_28 = arith.constant 99 : i32
    %mul3A_29 = arith.constant 2000 : i32
    %mul3A_30 = arith.muli %mul3A_28, %mul3A_29 : i32
    %add3A_31 = arith.addi %mul3A_2, %mul3A_30 : i32
    %dma_wait3A_32 = tpu.memref_slice %arg9[%add3A_31] : memref<6400000xi32, #tpu.memory_space<hbm>> -> memref<2000xi32, #tpu.memory_space<hbm>>
    %dma_wait3A_33 = tpu.memref_slice %arg9[%add3A_31] : memref<6400000xi32, #tpu.memory_space<hbm>> -> memref<2000xi32, #tpu.memory_space<hbm>>
    tpu.wait_dma2 semaphore(%arg28 : memref<!tpu.dma_semaphore, #tpu.memory_space<semaphore_mem>>) src(%arg18 : memref<2000xi32, #tpu.memory_space<vmem>>) dst(%dma_wait3A_33 : memref<2000xi32, #tpu.memory_space<hbm>>)
    "tpu.region"() ({
      %run_scoped3A = tpu.sem_alloc : memref<!tpu.dma_semaphore, #tpu.memory_space<semaphore_mem>>
      %dma_start3A_185 = arith.constant 0 : i32
      %dma_start3A_186 = tpu.memref_slice %arg12[%dma_start3A_185] : memref<100352xf32, #tpu.memory_space<vmem>> -> memref<100000xf32, #tpu.memory_space<vmem>>
      %dma_start3A_187 = arith.constant 0 : i32
      %dma_start3A_188 = tpu.memref_slice %arg12[%dma_start3A_187] : memref<100352xf32, #tpu.memory_space<vmem>> -> memref<100000xf32, #tpu.memory_space<vmem>>
      tpu.enqueue_dma source(%arg7 : memref<100000xf32, #tpu.memory_space<hbm>>) target(%dma_start3A_188 : memref<100000xf32, #tpu.memory_space<vmem>>) target_semaphore(%run_scoped3A : memref<!tpu.dma_semaphore, #tpu.memory_space<semaphore_mem>>)
      %dma_wait3A_189 = arith.constant 0 : i32
      %dma_wait3A_190 = tpu.memref_slice %arg12[%dma_wait3A_189] : memref<100352xf32, #tpu.memory_space<vmem>> -> memref<100000xf32, #tpu.memory_space<vmem>>
      %dma_wait3A_191 = arith.constant 0 : i32
      %dma_wait3A_192 = tpu.memref_slice %arg12[%dma_wait3A_191] : memref<100352xf32, #tpu.memory_space<vmem>> -> memref<100000xf32, #tpu.memory_space<vmem>>
      tpu.wait_dma2 semaphore(%run_scoped3A : memref<!tpu.dma_semaphore, #tpu.memory_space<semaphore_mem>>) src(%arg7 : memref<100000xf32, #tpu.memory_space<hbm>>) dst(%dma_wait3A_192 : memref<100000xf32, #tpu.memory_space<vmem>>)
      tpu.yield
    }) : () -> ()
    %mul3A_34 = arith.constant 0 : i32
    %mul3A_35 = arith.constant 2000 : i32
    %mul3A_36 = arith.muli %mul3A_34, %mul3A_35 : i32
    %add3A_37 = arith.addi %mul3A_2, %mul3A_36 : i32
    %dma_start3A_38 = tpu.memref_slice %arg9[%add3A_37] : memref<6400000xi32, #tpu.memory_space<hbm>> -> memref<2000xi32, #tpu.memory_space<hbm>>
    %dma_start3A_39 = tpu.memref_slice %arg9[%add3A_37] : memref<6400000xi32, #tpu.memory_space<hbm>> -> memref<2000xi32, #tpu.memory_space<hbm>>
    tpu.enqueue_dma source(%dma_start3A_39 : memref<2000xi32, #tpu.memory_space<hbm>>) target(%arg17 : memref<2000xi32, #tpu.memory_space<vmem>>) target_semaphore(%arg25 : memref<!tpu.dma_semaphore, #tpu.memory_space<semaphore_mem>>)
    %dma_start3A_40 = tpu.memref_slice %arg4[%add3A_37] : memref<6400000xf32, #tpu.memory_space<hbm>> -> memref<2000xf32, #tpu.memory_space<hbm>>
    %dma_start3A_41 = tpu.memref_slice %arg4[%add3A_37] : memref<6400000xf32, #tpu.memory_space<hbm>> -> memref<2000xf32, #tpu.memory_space<hbm>>
    tpu.enqueue_dma source(%dma_start3A_41 : memref<2000xf32, #tpu.memory_space<hbm>>) target(%arg19 : memref<2000xf32, #tpu.memory_space<vmem>>) target_semaphore(%arg25 : memref<!tpu.dma_semaphore, #tpu.memory_space<semaphore_mem>>)
    %dma_start3A_42 = tpu.memref_slice %arg5[%add3A_37] : memref<6400000xf32, #tpu.memory_space<hbm>> -> memref<2000xf32, #tpu.memory_space<hbm>>
    %dma_start3A_43 = tpu.memref_slice %arg5[%add3A_37] : memref<6400000xf32, #tpu.memory_space<hbm>> -> memref<2000xf32, #tpu.memory_space<hbm>>
    tpu.enqueue_dma source(%dma_start3A_43 : memref<2000xf32, #tpu.memory_space<hbm>>) target(%arg21 : memref<2000xf32, #tpu.memory_space<vmem>>) target_semaphore(%arg25 : memref<!tpu.dma_semaphore, #tpu.memory_space<semaphore_mem>>)
    %while3A_44 = arith.constant 0 : i32
    %while3A_45 = arith.constant 0 : i32
    %while3A_46 = arith.constant 50 : i32
    %while3A_47 = arith.subi %while3A_46, %while3A_45 : i32
    %while3A_48 = arith.addi %while3A_45, %while3A_47 : i32
    %while3A_49 = arith.constant 1 : i32
    %while3A_50 = arith.divsi %while3A_47, %while3A_49 : i32
    %while3A_51 = arith.muli %while3A_50, %while3A_49 : i32
    %while3A_52 = arith.addi %while3A_45, %while3A_51 : i32
    %while3A_53 = arith.constant 1 : i32
    scf.for %while3A_185 = %while3A_45 to %while3A_52 step %while3A_53  : i32 {
      %mul3A_186 = arith.constant 2 : i32
      %mul3A_187 = arith.muli %while3A_185, %mul3A_186 : i32
      %add3A_188 = arith.constant 1 : i32
      %add3A_189 = arith.addi %mul3A_187, %add3A_188 : i32
      %mul3A_190 = arith.constant 2000 : i32
      %mul3A_191 = arith.muli %add3A_189, %mul3A_190 : i32
      %add3A_192 = arith.addi %mul3A_2, %mul3A_191 : i32
      %dma_start3A_193 = tpu.memref_slice %arg9[%add3A_192] : memref<6400000xi32, #tpu.memory_space<hbm>> -> memref<2000xi32, #tpu.memory_space<hbm>>
      %dma_start3A_194 = tpu.memref_slice %arg9[%add3A_192] : memref<6400000xi32, #tpu.memory_space<hbm>> -> memref<2000xi32, #tpu.memory_space<hbm>>
      tpu.enqueue_dma source(%dma_start3A_194 : memref<2000xi32, #tpu.memory_space<hbm>>) target(%arg18 : memref<2000xi32, #tpu.memory_space<vmem>>) target_semaphore(%arg26 : memref<!tpu.dma_semaphore, #tpu.memory_space<semaphore_mem>>)
      %dma_start3A_195 = tpu.memref_slice %arg4[%add3A_192] : memref<6400000xf32, #tpu.memory_space<hbm>> -> memref<2000xf32, #tpu.memory_space<hbm>>
      %dma_start3A_196 = tpu.memref_slice %arg4[%add3A_192] : memref<6400000xf32, #tpu.memory_space<hbm>> -> memref<2000xf32, #tpu.memory_space<hbm>>
      tpu.enqueue_dma source(%dma_start3A_196 : memref<2000xf32, #tpu.memory_space<hbm>>) target(%arg20 : memref<2000xf32, #tpu.memory_space<vmem>>) target_semaphore(%arg26 : memref<!tpu.dma_semaphore, #tpu.memory_space<semaphore_mem>>)
      %dma_start3A_197 = tpu.memref_slice %arg5[%add3A_192] : memref<6400000xf32, #tpu.memory_space<hbm>> -> memref<2000xf32, #tpu.memory_space<hbm>>
      %dma_start3A_198 = tpu.memref_slice %arg5[%add3A_192] : memref<6400000xf32, #tpu.memory_space<hbm>> -> memref<2000xf32, #tpu.memory_space<hbm>>
      tpu.enqueue_dma source(%dma_start3A_198 : memref<2000xf32, #tpu.memory_space<hbm>>) target(%arg22 : memref<2000xf32, #tpu.memory_space<vmem>>) target_semaphore(%arg26 : memref<!tpu.dma_semaphore, #tpu.memory_space<semaphore_mem>>)
      %mul3A_199 = arith.constant 2000 : i32
      %mul3A_200 = arith.muli %mul3A_187, %mul3A_199 : i32
      %add3A_201 = arith.addi %mul3A_2, %mul3A_200 : i32
      %dma_wait3A_202 = tpu.memref_slice %arg9[%add3A_201] : memref<6400000xi32, #tpu.memory_space<hbm>> -> memref<2000xi32, #tpu.memory_space<hbm>>
      %dma_wait3A_203 = tpu.memref_slice %arg9[%add3A_201] : memref<6400000xi32, #tpu.memory_space<hbm>> -> memref<2000xi32, #tpu.memory_space<hbm>>
      tpu.wait_dma2 semaphore(%arg25 : memref<!tpu.dma_semaphore, #tpu.memory_space<semaphore_mem>>) src(%dma_wait3A_203 : memref<2000xi32, #tpu.memory_space<hbm>>) dst(%arg17 : memref<2000xi32, #tpu.memory_space<vmem>>)
      %dma_wait3A_204 = tpu.memref_slice %arg4[%add3A_201] : memref<6400000xf32, #tpu.memory_space<hbm>> -> memref<2000xf32, #tpu.memory_space<hbm>>
      %dma_wait3A_205 = tpu.memref_slice %arg4[%add3A_201] : memref<6400000xf32, #tpu.memory_space<hbm>> -> memref<2000xf32, #tpu.memory_space<hbm>>
      tpu.wait_dma2 semaphore(%arg25 : memref<!tpu.dma_semaphore, #tpu.memory_space<semaphore_mem>>) src(%dma_wait3A_205 : memref<2000xf32, #tpu.memory_space<hbm>>) dst(%arg19 : memref<2000xf32, #tpu.memory_space<vmem>>)
      %dma_wait3A_206 = tpu.memref_slice %arg5[%add3A_201] : memref<6400000xf32, #tpu.memory_space<hbm>> -> memref<2000xf32, #tpu.memory_space<hbm>>
      %dma_wait3A_207 = tpu.memref_slice %arg5[%add3A_201] : memref<6400000xf32, #tpu.memory_space<hbm>> -> memref<2000xf32, #tpu.memory_space<hbm>>
      tpu.wait_dma2 semaphore(%arg25 : memref<!tpu.dma_semaphore, #tpu.memory_space<semaphore_mem>>) src(%dma_wait3A_207 : memref<2000xf32, #tpu.memory_space<hbm>>) dst(%arg21 : memref<2000xf32, #tpu.memory_space<vmem>>)
      %gt3A = arith.constant 0 : i32
      %gt3A_208 = arith.cmpi sgt, %while3A_185, %gt3A : i32
      %convert_element_type3A = arith.extui %gt3A_208 : i1 to i32
      %cond3A = arith.constant 0 : i32
      %cond3A_209 = arith.cmpi ne, %convert_element_type3A, %cond3A : i32
      scf.if %cond3A_209 {
        %sub3A = arith.constant 2 : i32
        %sub3A_260 = arith.subi %mul3A_187, %sub3A : i32
        %mul3A_261 = arith.constant 2000 : i32
        %mul3A_262 = arith.muli %sub3A_260, %mul3A_261 : i32
        %add3A_263 = arith.addi %mul3A_2, %mul3A_262 : i32
        %dma_wait3A_264 = tpu.memref_slice %arg10[%add3A_263] : memref<6400000xf32, #tpu.memory_space<hbm>> -> memref<2000xf32, #tpu.memory_space<hbm>>
        %dma_wait3A_265 = tpu.memref_slice %arg10[%add3A_263] : memref<6400000xf32, #tpu.memory_space<hbm>> -> memref<2000xf32, #tpu.memory_space<hbm>>
        tpu.wait_dma2 semaphore(%arg27 : memref<!tpu.dma_semaphore, #tpu.memory_space<semaphore_mem>>) src(%arg23 : memref<2000xf32, #tpu.memory_space<vmem>>) dst(%dma_wait3A_265 : memref<2000xf32, #tpu.memory_space<hbm>>)
      } else {
      }
      %while3A_210 = arith.constant 0 : i32
      %while3A_211 = arith.constant 0 : i32
      %while3A_212 = arith.constant 25 : i32
      %while3A_213 = arith.subi %while3A_212, %while3A_211 : i32
      %while3A_214 = arith.addi %while3A_211, %while3A_213 : i32
      %while3A_215 = arith.constant 1 : i32
      %while3A_216 = arith.divsi %while3A_213, %while3A_215 : i32
      %while3A_217 = arith.muli %while3A_216, %while3A_215 : i32
      %while3A_218 = arith.addi %while3A_211, %while3A_217 : i32
      %while3A_219 = arith.constant 1 : i32
      scf.for %while3A_260 = %while3A_211 to %while3A_218 step %while3A_219  : i32 {
        %mul3A_261 = arith.constant 80 : i32
        %mul3A_262 = arith.muli %while3A_260, %mul3A_261 : i32
        %add3A_263 = arith.constant 0 : i32
        %add3A_264 = arith.addi %mul3A_262, %add3A_263 : i32
        %get3A = arith.index_cast %add3A_264 : i32 to index
        %get3A_265 = tpu.vector_load %arg17[%get3A] {strides = array<i32>} : memref<2000xi32, #tpu.memory_space<vmem>>, vector<16xi32>,
        %gather3A = tpu.vector_load_idx %arg12[%get3A_265] : memref<100352xf32, #tpu.memory_space<vmem>>[vector<16xi32>], vector<16xf32>,
        %get3A_266 = arith.index_cast %add3A_264 : i32 to index
        %get3A_267 = tpu.vector_load %arg19[%get3A_266] {strides = array<i32>} : memref<2000xf32, #tpu.memory_space<vmem>>, vector<16xf32>,
        %mul3A_268 = arith.mulf %gather3A, %get3A_267 : vector<16xf32>
        %get3A_269 = arith.index_cast %add3A_264 : i32 to index
        %get3A_270 = tpu.vector_load %arg21[%get3A_269] {strides = array<i32>} : memref<2000xf32, #tpu.memory_space<vmem>>, vector<16xf32>,
        %mul3A_271 = arith.mulf %mul3A_268, %get3A_270 : vector<16xf32>
        %swap3A = arith.index_cast %add3A_264 : i32 to index
        %swap3A_272 = tpu.vector_load %arg23[%swap3A] {strides = array<i32>} : memref<2000xf32, #tpu.memory_space<vmem>>, vector<16xf32>,
        tpu.vector_store %arg23[%swap3A], %mul3A_271 {strides = array<i32>} : memref<2000xf32, #tpu.memory_space<vmem>>, vector<16xf32>,
        %add3A_273 = arith.constant 16 : i32
        %add3A_274 = arith.addi %mul3A_262, %add3A_273 : i32
        %get3A_275 = arith.index_cast %add3A_274 : i32 to index
        %get3A_276 = tpu.vector_load %arg17[%get3A_275] {strides = array<i32>} : memref<2000xi32, #tpu.memory_space<vmem>>, vector<16xi32>,
        %gather3A_277 = tpu.vector_load_idx %arg12[%get3A_276] : memref<100352xf32, #tpu.memory_space<vmem>>[vector<16xi32>], vector<16xf32>,
        %get3A_278 = arith.index_cast %add3A_274 : i32 to index
        %get3A_279 = tpu.vector_load %arg19[%get3A_278] {strides = array<i32>} : memref<2000xf32, #tpu.memory_space<vmem>>, vector<16xf32>,
        %mul3A_280 = arith.mulf %gather3A_277, %get3A_279 : vector<16xf32>
        %get3A_281 = arith.index_cast %add3A_274 : i32 to index
        %get3A_282 = tpu.vector_load %arg21[%get3A_281] {strides = array<i32>} : memref<2000xf32, #tpu.memory_space<vmem>>, vector<16xf32>,
        %mul3A_283 = arith.mulf %mul3A_280, %get3A_282 : vector<16xf32>
        %swap3A_284 = arith.index_cast %add3A_274 : i32 to index
        %swap3A_285 = tpu.vector_load %arg23[%swap3A_284] {strides = array<i32>} : memref<2000xf32, #tpu.memory_space<vmem>>, vector<16xf32>,
        tpu.vector_store %arg23[%swap3A_284], %mul3A_283 {strides = array<i32>} : memref<2000xf32, #tpu.memory_space<vmem>>, vector<16xf32>,
        %add3A_286 = arith.constant 32 : i32
        %add3A_287 = arith.addi %mul3A_262, %add3A_286 : i32
        %get3A_288 = arith.index_cast %add3A_287 : i32 to index
        %get3A_289 = tpu.vector_load %arg17[%get3A_288] {strides = array<i32>} : memref<2000xi32, #tpu.memory_space<vmem>>, vector<16xi32>,
        %gather3A_290 = tpu.vector_load_idx %arg12[%get3A_289] : memref<100352xf32, #tpu.memory_space<vmem>>[vector<16xi32>], vector<16xf32>,
        %get3A_291 = arith.index_cast %add3A_287 : i32 to index
        %get3A_292 = tpu.vector_load %arg19[%get3A_291] {strides = array<i32>} : memref<2000xf32, #tpu.memory_space<vmem>>, vector<16xf32>,
        %mul3A_293 = arith.mulf %gather3A_290, %get3A_292 : vector<16xf32>
        %get3A_294 = arith.index_cast %add3A_287 : i32 to index
        %get3A_295 = tpu.vector_load %arg21[%get3A_294] {strides = array<i32>} : memref<2000xf32, #tpu.memory_space<vmem>>, vector<16xf32>,
        %mul3A_296 = arith.mulf %mul3A_293, %get3A_295 : vector<16xf32>
        %swap3A_297 = arith.index_cast %add3A_287 : i32 to index
        %swap3A_298 = tpu.vector_load %arg23[%swap3A_297] {strides = array<i32>} : memref<2000xf32, #tpu.memory_space<vmem>>, vector<16xf32>,
        tpu.vector_store %arg23[%swap3A_297], %mul3A_296 {strides = array<i32>} : memref<2000xf32, #tpu.memory_space<vmem>>, vector<16xf32>,
        %add3A_299 = arith.constant 48 : i32
        %add3A_300 = arith.addi %mul3A_262, %add3A_299 : i32
        %get3A_301 = arith.index_cast %add3A_300 : i32 to index
        %get3A_302 = tpu.vector_load %arg17[%get3A_301] {strides = array<i32>} : memref<2000xi32, #tpu.memory_space<vmem>>, vector<16xi32>,
        %gather3A_303 = tpu.vector_load_idx %arg12[%get3A_302] : memref<100352xf32, #tpu.memory_space<vmem>>[vector<16xi32>], vector<16xf32>,
        %get3A_304 = arith.index_cast %add3A_300 : i32 to index
        %get3A_305 = tpu.vector_load %arg19[%get3A_304] {strides = array<i32>} : memref<2000xf32, #tpu.memory_space<vmem>>, vector<16xf32>,
        %mul3A_306 = arith.mulf %gather3A_303, %get3A_305 : vector<16xf32>
        %get3A_307 = arith.index_cast %add3A_300 : i32 to index
        %get3A_308 = tpu.vector_load %arg21[%get3A_307] {strides = array<i32>} : memref<2000xf32, #tpu.memory_space<vmem>>, vector<16xf32>,
        %mul3A_309 = arith.mulf %mul3A_306, %get3A_308 : vector<16xf32>
        %swap3A_310 = arith.index_cast %add3A_300 : i32 to index
        %swap3A_311 = tpu.vector_load %arg23[%swap3A_310] {strides = array<i32>} : memref<2000xf32, #tpu.memory_space<vmem>>, vector<16xf32>,
        tpu.vector_store %arg23[%swap3A_310], %mul3A_309 {strides = array<i32>} : memref<2000xf32, #tpu.memory_space<vmem>>, vector<16xf32>,
        %add3A_312 = arith.constant 64 : i32
        %add3A_313 = arith.addi %mul3A_262, %add3A_312 : i32
        %get3A_314 = arith.index_cast %add3A_313 : i32 to index
        %get3A_315 = tpu.vector_load %arg17[%get3A_314] {strides = array<i32>} : memref<2000xi32, #tpu.memory_space<vmem>>, vector<16xi32>,
        %gather3A_316 = tpu.vector_load_idx %arg12[%get3A_315] : memref<100352xf32, #tpu.memory_space<vmem>>[vector<16xi32>], vector<16xf32>,
        %get3A_317 = arith.index_cast %add3A_313 : i32 to index
        %get3A_318 = tpu.vector_load %arg19[%get3A_317] {strides = array<i32>} : memref<2000xf32, #tpu.memory_space<vmem>>, vector<16xf32>,
        %mul3A_319 = arith.mulf %gather3A_316, %get3A_318 : vector<16xf32>
        %get3A_320 = arith.index_cast %add3A_313 : i32 to index
        %get3A_321 = tpu.vector_load %arg21[%get3A_320] {strides = array<i32>} : memref<2000xf32, #tpu.memory_space<vmem>>, vector<16xf32>,
        %mul3A_322 = arith.mulf %mul3A_319, %get3A_321 : vector<16xf32>
        %swap3A_323 = arith.index_cast %add3A_313 : i32 to index
        %swap3A_324 = tpu.vector_load %arg23[%swap3A_323] {strides = array<i32>} : memref<2000xf32, #tpu.memory_space<vmem>>, vector<16xf32>,
        tpu.vector_store %arg23[%swap3A_323], %mul3A_322 {strides = array<i32>} : memref<2000xf32, #tpu.memory_space<vmem>>, vector<16xf32>,
      }
      %while3A_220 = arith.constant 1 : i32
      scf.for %while3A_260 = %while3A_218 to %while3A_214 step %while3A_220  : i32 {
        %mul3A_261 = arith.constant 80 : i32
        %mul3A_262 = arith.muli %while3A_260, %mul3A_261 : i32
        %add3A_263 = arith.constant 0 : i32
        %add3A_264 = arith.addi %mul3A_262, %add3A_263 : i32
        %get3A = arith.index_cast %add3A_264 : i32 to index
        %get3A_265 = tpu.vector_load %arg17[%get3A] {strides = array<i32>} : memref<2000xi32, #tpu.memory_space<vmem>>, vector<16xi32>,
        %gather3A = tpu.vector_load_idx %arg12[%get3A_265] : memref<100352xf32, #tpu.memory_space<vmem>>[vector<16xi32>], vector<16xf32>,
        %get3A_266 = arith.index_cast %add3A_264 : i32 to index
        %get3A_267 = tpu.vector_load %arg19[%get3A_266] {strides = array<i32>} : memref<2000xf32, #tpu.memory_space<vmem>>, vector<16xf32>,
        %mul3A_268 = arith.mulf %gather3A, %get3A_267 : vector<16xf32>
        %get3A_269 = arith.index_cast %add3A_264 : i32 to index
        %get3A_270 = tpu.vector_load %arg21[%get3A_269] {strides = array<i32>} : memref<2000xf32, #tpu.memory_space<vmem>>, vector<16xf32>,
        %mul3A_271 = arith.mulf %mul3A_268, %get3A_270 : vector<16xf32>
        %swap3A = arith.index_cast %add3A_264 : i32 to index
        %swap3A_272 = tpu.vector_load %arg23[%swap3A] {strides = array<i32>} : memref<2000xf32, #tpu.memory_space<vmem>>, vector<16xf32>,
        tpu.vector_store %arg23[%swap3A], %mul3A_271 {strides = array<i32>} : memref<2000xf32, #tpu.memory_space<vmem>>, vector<16xf32>,
        %add3A_273 = arith.constant 16 : i32
        %add3A_274 = arith.addi %mul3A_262, %add3A_273 : i32
        %get3A_275 = arith.index_cast %add3A_274 : i32 to index
        %get3A_276 = tpu.vector_load %arg17[%get3A_275] {strides = array<i32>} : memref<2000xi32, #tpu.memory_space<vmem>>, vector<16xi32>,
        %gather3A_277 = tpu.vector_load_idx %arg12[%get3A_276] : memref<100352xf32, #tpu.memory_space<vmem>>[vector<16xi32>], vector<16xf32>,
        %get3A_278 = arith.index_cast %add3A_274 : i32 to index
        %get3A_279 = tpu.vector_load %arg19[%get3A_278] {strides = array<i32>} : memref<2000xf32, #tpu.memory_space<vmem>>, vector<16xf32>,
        %mul3A_280 = arith.mulf %gather3A_277, %get3A_279 : vector<16xf32>
        %get3A_281 = arith.index_cast %add3A_274 : i32 to index
        %get3A_282 = tpu.vector_load %arg21[%get3A_281] {strides = array<i32>} : memref<2000xf32, #tpu.memory_space<vmem>>, vector<16xf32>,
        %mul3A_283 = arith.mulf %mul3A_280, %get3A_282 : vector<16xf32>
        %swap3A_284 = arith.index_cast %add3A_274 : i32 to index
        %swap3A_285 = tpu.vector_load %arg23[%swap3A_284] {strides = array<i32>} : memref<2000xf32, #tpu.memory_space<vmem>>, vector<16xf32>,
        tpu.vector_store %arg23[%swap3A_284], %mul3A_283 {strides = array<i32>} : memref<2000xf32, #tpu.memory_space<vmem>>, vector<16xf32>,
        %add3A_286 = arith.constant 32 : i32
        %add3A_287 = arith.addi %mul3A_262, %add3A_286 : i32
        %get3A_288 = arith.index_cast %add3A_287 : i32 to index
        %get3A_289 = tpu.vector_load %arg17[%get3A_288] {strides = array<i32>} : memref<2000xi32, #tpu.memory_space<vmem>>, vector<16xi32>,
        %gather3A_290 = tpu.vector_load_idx %arg12[%get3A_289] : memref<100352xf32, #tpu.memory_space<vmem>>[vector<16xi32>], vector<16xf32>,
        %get3A_291 = arith.index_cast %add3A_287 : i32 to index
        %get3A_292 = tpu.vector_load %arg19[%get3A_291] {strides = array<i32>} : memref<2000xf32, #tpu.memory_space<vmem>>, vector<16xf32>,
        %mul3A_293 = arith.mulf %gather3A_290, %get3A_292 : vector<16xf32>
        %get3A_294 = arith.index_cast %add3A_287 : i32 to index
        %get3A_295 = tpu.vector_load %arg21[%get3A_294] {strides = array<i32>} : memref<2000xf32, #tpu.memory_space<vmem>>, vector<16xf32>,
        %mul3A_296 = arith.mulf %mul3A_293, %get3A_295 : vector<16xf32>
        %swap3A_297 = arith.index_cast %add3A_287 : i32 to index
        %swap3A_298 = tpu.vector_load %arg23[%swap3A_297] {strides = array<i32>} : memref<2000xf32, #tpu.memory_space<vmem>>, vector<16xf32>,
        tpu.vector_store %arg23[%swap3A_297], %mul3A_296 {strides = array<i32>} : memref<2000xf32, #tpu.memory_space<vmem>>, vector<16xf32>,
        %add3A_299 = arith.constant 48 : i32
        %add3A_300 = arith.addi %mul3A_262, %add3A_299 : i32
        %get3A_301 = arith.index_cast %add3A_300 : i32 to index
        %get3A_302 = tpu.vector_load %arg17[%get3A_301] {strides = array<i32>} : memref<2000xi32, #tpu.memory_space<vmem>>, vector<16xi32>,
        %gather3A_303 = tpu.vector_load_idx %arg12[%get3A_302] : memref<100352xf32, #tpu.memory_space<vmem>>[vector<16xi32>], vector<16xf32>,
        %get3A_304 = arith.index_cast %add3A_300 : i32 to index
        %get3A_305 = tpu.vector_load %arg19[%get3A_304] {strides = array<i32>} : memref<2000xf32, #tpu.memory_space<vmem>>, vector<16xf32>,
        %mul3A_306 = arith.mulf %gather3A_303, %get3A_305 : vector<16xf32>
        %get3A_307 = arith.index_cast %add3A_300 : i32 to index
        %get3A_308 = tpu.vector_load %arg21[%get3A_307] {strides = array<i32>} : memref<2000xf32, #tpu.memory_space<vmem>>, vector<16xf32>,
        %mul3A_309 = arith.mulf %mul3A_306, %get3A_308 : vector<16xf32>
        %swap3A_310 = arith.index_cast %add3A_300 : i32 to index
        %swap3A_311 = tpu.vector_load %arg23[%swap3A_310] {strides = array<i32>} : memref<2000xf32, #tpu.memory_space<vmem>>, vector<16xf32>,
        tpu.vector_store %arg23[%swap3A_310], %mul3A_309 {strides = array<i32>} : memref<2000xf32, #tpu.memory_space<vmem>>, vector<16xf32>,
        %add3A_312 = arith.constant 64 : i32
        %add3A_313 = arith.addi %mul3A_262, %add3A_312 : i32
        %get3A_314 = arith.index_cast %add3A_313 : i32 to index
        %get3A_315 = tpu.vector_load %arg17[%get3A_314] {strides = array<i32>} : memref<2000xi32, #tpu.memory_space<vmem>>, vector<16xi32>,
        %gather3A_316 = tpu.vector_load_idx %arg12[%get3A_315] : memref<100352xf32, #tpu.memory_space<vmem>>[vector<16xi32>], vector<16xf32>,
        %get3A_317 = arith.index_cast %add3A_313 : i32 to index
        %get3A_318 = tpu.vector_load %arg19[%get3A_317] {strides = array<i32>} : memref<2000xf32, #tpu.memory_space<vmem>>, vector<16xf32>,
        %mul3A_319 = arith.mulf %gather3A_316, %get3A_318 : vector<16xf32>
        %get3A_320 = arith.index_cast %add3A_313 : i32 to index
        %get3A_321 = tpu.vector_load %arg21[%get3A_320] {strides = array<i32>} : memref<2000xf32, #tpu.memory_space<vmem>>, vector<16xf32>,
        %mul3A_322 = arith.mulf %mul3A_319, %get3A_321 : vector<16xf32>
        %swap3A_323 = arith.index_cast %add3A_313 : i32 to index
        %swap3A_324 = tpu.vector_load %arg23[%swap3A_323] {strides = array<i32>} : memref<2000xf32, #tpu.memory_space<vmem>>, vector<16xf32>,
        tpu.vector_store %arg23[%swap3A_323], %mul3A_322 {strides = array<i32>} : memref<2000xf32, #tpu.memory_space<vmem>>, vector<16xf32>,
      }
      %mul3A_221 = arith.constant 2000 : i32
      %mul3A_222 = arith.muli %mul3A_187, %mul3A_221 : i32
      %add3A_223 = arith.addi %mul3A_2, %mul3A_222 : i32
      %dma_start3A_224 = tpu.memref_slice %arg10[%add3A_223] : memref<6400000xf32, #tpu.memory_space<hbm>> -> memref<2000xf32, #tpu.memory_space<hbm>>
      %dma_start3A_225 = tpu.memref_slice %arg10[%add3A_223] : memref<6400000xf32, #tpu.memory_space<hbm>> -> memref<2000xf32, #tpu.memory_space<hbm>>
      tpu.enqueue_dma source(%arg23 : memref<2000xf32, #tpu.memory_space<vmem>>) target(%dma_start3A_225 : memref<2000xf32, #tpu.memory_space<hbm>>) target_semaphore(%arg27 : memref<!tpu.dma_semaphore, #tpu.memory_space<semaphore_mem>>)
      %lt3A = arith.constant 49 : i32
      %lt3A_226 = arith.cmpi slt, %while3A_185, %lt3A : i32
      %convert_element_type3A_227 = arith.extui %lt3A_226 : i1 to i32
      %cond3A_228 = arith.constant 0 : i32
      %cond3A_229 = arith.cmpi ne, %convert_element_type3A_227, %cond3A_228 : i32
      scf.if %cond3A_229 {
        %add3A_260 = arith.constant 2 : i32
        %add3A_261 = arith.addi %mul3A_187, %add3A_260 : i32
        %mul3A_262 = arith.constant 2000 : i32
        %mul3A_263 = arith.muli %add3A_261, %mul3A_262 : i32
        %add3A_264 = arith.addi %mul3A_2, %mul3A_263 : i32
        %dma_start3A_265 = tpu.memref_slice %arg9[%add3A_264] : memref<6400000xi32, #tpu.memory_space<hbm>> -> memref<2000xi32, #tpu.memory_space<hbm>>
        %dma_start3A_266 = tpu.memref_slice %arg9[%add3A_264] : memref<6400000xi32, #tpu.memory_space<hbm>> -> memref<2000xi32, #tpu.memory_space<hbm>>
        tpu.enqueue_dma source(%dma_start3A_266 : memref<2000xi32, #tpu.memory_space<hbm>>) target(%arg17 : memref<2000xi32, #tpu.memory_space<vmem>>) target_semaphore(%arg25 : memref<!tpu.dma_semaphore, #tpu.memory_space<semaphore_mem>>)
        %dma_start3A_267 = tpu.memref_slice %arg4[%add3A_264] : memref<6400000xf32, #tpu.memory_space<hbm>> -> memref<2000xf32, #tpu.memory_space<hbm>>
        %dma_start3A_268 = tpu.memref_slice %arg4[%add3A_264] : memref<6400000xf32, #tpu.memory_space<hbm>> -> memref<2000xf32, #tpu.memory_space<hbm>>
        tpu.enqueue_dma source(%dma_start3A_268 : memref<2000xf32, #tpu.memory_space<hbm>>) target(%arg19 : memref<2000xf32, #tpu.memory_space<vmem>>) target_semaphore(%arg25 : memref<!tpu.dma_semaphore, #tpu.memory_space<semaphore_mem>>)
        %dma_start3A_269 = tpu.memref_slice %arg5[%add3A_264] : memref<6400000xf32, #tpu.memory_space<hbm>> -> memref<2000xf32, #tpu.memory_space<hbm>>
        %dma_start3A_270 = tpu.memref_slice %arg5[%add3A_264] : memref<6400000xf32, #tpu.memory_space<hbm>> -> memref<2000xf32, #tpu.memory_space<hbm>>
        tpu.enqueue_dma source(%dma_start3A_270 : memref<2000xf32, #tpu.memory_space<hbm>>) target(%arg21 : memref<2000xf32, #tpu.memory_space<vmem>>) target_semaphore(%arg25 : memref<!tpu.dma_semaphore, #tpu.memory_space<semaphore_mem>>)
      } else {
      }
      %mul3A_230 = arith.constant 2000 : i32
      %mul3A_231 = arith.muli %add3A_189, %mul3A_230 : i32
      %add3A_232 = arith.addi %mul3A_2, %mul3A_231 : i32
      %dma_wait3A_233 = tpu.memref_slice %arg9[%add3A_232] : memref<6400000xi32, #tpu.memory_space<hbm>> -> memref<2000xi32, #tpu.memory_space<hbm>>
      %dma_wait3A_234 = tpu.memref_slice %arg9[%add3A_232] : memref<6400000xi32, #tpu.memory_space<hbm>> -> memref<2000xi32, #tpu.memory_space<hbm>>
      tpu.wait_dma2 semaphore(%arg26 : memref<!tpu.dma_semaphore, #tpu.memory_space<semaphore_mem>>) src(%dma_wait3A_234 : memref<2000xi32, #tpu.memory_space<hbm>>) dst(%arg18 : memref<2000xi32, #tpu.memory_space<vmem>>)
      %dma_wait3A_235 = tpu.memref_slice %arg4[%add3A_232] : memref<6400000xf32, #tpu.memory_space<hbm>> -> memref<2000xf32, #tpu.memory_space<hbm>>
      %dma_wait3A_236 = tpu.memref_slice %arg4[%add3A_232] : memref<6400000xf32, #tpu.memory_space<hbm>> -> memref<2000xf32, #tpu.memory_space<hbm>>
      tpu.wait_dma2 semaphore(%arg26 : memref<!tpu.dma_semaphore, #tpu.memory_space<semaphore_mem>>) src(%dma_wait3A_236 : memref<2000xf32, #tpu.memory_space<hbm>>) dst(%arg20 : memref<2000xf32, #tpu.memory_space<vmem>>)
      %dma_wait3A_237 = tpu.memref_slice %arg5[%add3A_232] : memref<6400000xf32, #tpu.memory_space<hbm>> -> memref<2000xf32, #tpu.memory_space<hbm>>
      %dma_wait3A_238 = tpu.memref_slice %arg5[%add3A_232] : memref<6400000xf32, #tpu.memory_space<hbm>> -> memref<2000xf32, #tpu.memory_space<hbm>>
      tpu.wait_dma2 semaphore(%arg26 : memref<!tpu.dma_semaphore, #tpu.memory_space<semaphore_mem>>) src(%dma_wait3A_238 : memref<2000xf32, #tpu.memory_space<hbm>>) dst(%arg22 : memref<2000xf32, #tpu.memory_space<vmem>>)
      %gt3A_239 = arith.constant 0 : i32
      %gt3A_240 = arith.cmpi sgt, %while3A_185, %gt3A_239 : i32
      %convert_element_type3A_241 = arith.extui %gt3A_240 : i1 to i32
      %cond3A_242 = arith.constant 0 : i32
      %cond3A_243 = arith.cmpi ne, %convert_element_type3A_241, %cond3A_242 : i32
      scf.if %cond3A_243 {
        %sub3A = arith.constant 2 : i32
        %sub3A_260 = arith.subi %add3A_189, %sub3A : i32
        %mul3A_261 = arith.constant 2000 : i32
        %mul3A_262 = arith.muli %sub3A_260, %mul3A_261 : i32
        %add3A_263 = arith.addi %mul3A_2, %mul3A_262 : i32
        %dma_wait3A_264 = tpu.memref_slice %arg10[%add3A_263] : memref<6400000xf32, #tpu.memory_space<hbm>> -> memref<2000xf32, #tpu.memory_space<hbm>>
        %dma_wait3A_265 = tpu.memref_slice %arg10[%add3A_263] : memref<6400000xf32, #tpu.memory_space<hbm>> -> memref<2000xf32, #tpu.memory_space<hbm>>
        tpu.wait_dma2 semaphore(%arg28 : memref<!tpu.dma_semaphore, #tpu.memory_space<semaphore_mem>>) src(%arg24 : memref<2000xf32, #tpu.memory_space<vmem>>) dst(%dma_wait3A_265 : memref<2000xf32, #tpu.memory_space<hbm>>)
      } else {
      }
      %while3A_244 = arith.constant 0 : i32
      %while3A_245 = arith.constant 0 : i32
      %while3A_246 = arith.constant 25 : i32
      %while3A_247 = arith.subi %while3A_246, %while3A_245 : i32
      %while3A_248 = arith.addi %while3A_245, %while3A_247 : i32
      %while3A_249 = arith.constant 1 : i32
      %while3A_250 = arith.divsi %while3A_247, %while3A_249 : i32
      %while3A_251 = arith.muli %while3A_250, %while3A_249 : i32
      %while3A_252 = arith.addi %while3A_245, %while3A_251 : i32
      %while3A_253 = arith.constant 1 : i32
      scf.for %while3A_260 = %while3A_245 to %while3A_252 step %while3A_253  : i32 {
        %mul3A_261 = arith.constant 80 : i32
        %mul3A_262 = arith.muli %while3A_260, %mul3A_261 : i32
        %add3A_263 = arith.constant 0 : i32
        %add3A_264 = arith.addi %mul3A_262, %add3A_263 : i32
        %get3A = arith.index_cast %add3A_264 : i32 to index
        %get3A_265 = tpu.vector_load %arg18[%get3A] {strides = array<i32>} : memref<2000xi32, #tpu.memory_space<vmem>>, vector<16xi32>,
        %gather3A = tpu.vector_load_idx %arg12[%get3A_265] : memref<100352xf32, #tpu.memory_space<vmem>>[vector<16xi32>], vector<16xf32>,
        %get3A_266 = arith.index_cast %add3A_264 : i32 to index
        %get3A_267 = tpu.vector_load %arg20[%get3A_266] {strides = array<i32>} : memref<2000xf32, #tpu.memory_space<vmem>>, vector<16xf32>,
        %mul3A_268 = arith.mulf %gather3A, %get3A_267 : vector<16xf32>
        %get3A_269 = arith.index_cast %add3A_264 : i32 to index
        %get3A_270 = tpu.vector_load %arg22[%get3A_269] {strides = array<i32>} : memref<2000xf32, #tpu.memory_space<vmem>>, vector<16xf32>,
        %mul3A_271 = arith.mulf %mul3A_268, %get3A_270 : vector<16xf32>
        %swap3A = arith.index_cast %add3A_264 : i32 to index
        %swap3A_272 = tpu.vector_load %arg24[%swap3A] {strides = array<i32>} : memref<2000xf32, #tpu.memory_space<vmem>>, vector<16xf32>,
        tpu.vector_store %arg24[%swap3A], %mul3A_271 {strides = array<i32>} : memref<2000xf32, #tpu.memory_space<vmem>>, vector<16xf32>,
        %add3A_273 = arith.constant 16 : i32
        %add3A_274 = arith.addi %mul3A_262, %add3A_273 : i32
        %get3A_275 = arith.index_cast %add3A_274 : i32 to index
        %get3A_276 = tpu.vector_load %arg18[%get3A_275] {strides = array<i32>} : memref<2000xi32, #tpu.memory_space<vmem>>, vector<16xi32>,
        %gather3A_277 = tpu.vector_load_idx %arg12[%get3A_276] : memref<100352xf32, #tpu.memory_space<vmem>>[vector<16xi32>], vector<16xf32>,
        %get3A_278 = arith.index_cast %add3A_274 : i32 to index
        %get3A_279 = tpu.vector_load %arg20[%get3A_278] {strides = array<i32>} : memref<2000xf32, #tpu.memory_space<vmem>>, vector<16xf32>,
        %mul3A_280 = arith.mulf %gather3A_277, %get3A_279 : vector<16xf32>
        %get3A_281 = arith.index_cast %add3A_274 : i32 to index
        %get3A_282 = tpu.vector_load %arg22[%get3A_281] {strides = array<i32>} : memref<2000xf32, #tpu.memory_space<vmem>>, vector<16xf32>,
        %mul3A_283 = arith.mulf %mul3A_280, %get3A_282 : vector<16xf32>
        %swap3A_284 = arith.index_cast %add3A_274 : i32 to index
        %swap3A_285 = tpu.vector_load %arg24[%swap3A_284] {strides = array<i32>} : memref<2000xf32, #tpu.memory_space<vmem>>, vector<16xf32>,
        tpu.vector_store %arg24[%swap3A_284], %mul3A_283 {strides = array<i32>} : memref<2000xf32, #tpu.memory_space<vmem>>, vector<16xf32>,
        %add3A_286 = arith.constant 32 : i32
        %add3A_287 = arith.addi %mul3A_262, %add3A_286 : i32
        %get3A_288 = arith.index_cast %add3A_287 : i32 to index
        %get3A_289 = tpu.vector_load %arg18[%get3A_288] {strides = array<i32>} : memref<2000xi32, #tpu.memory_space<vmem>>, vector<16xi32>,
        %gather3A_290 = tpu.vector_load_idx %arg12[%get3A_289] : memref<100352xf32, #tpu.memory_space<vmem>>[vector<16xi32>], vector<16xf32>,
        %get3A_291 = arith.index_cast %add3A_287 : i32 to index
        %get3A_292 = tpu.vector_load %arg20[%get3A_291] {strides = array<i32>} : memref<2000xf32, #tpu.memory_space<vmem>>, vector<16xf32>,
        %mul3A_293 = arith.mulf %gather3A_290, %get3A_292 : vector<16xf32>
        %get3A_294 = arith.index_cast %add3A_287 : i32 to index
        %get3A_295 = tpu.vector_load %arg22[%get3A_294] {strides = array<i32>} : memref<2000xf32, #tpu.memory_space<vmem>>, vector<16xf32>,
        %mul3A_296 = arith.mulf %mul3A_293, %get3A_295 : vector<16xf32>
        %swap3A_297 = arith.index_cast %add3A_287 : i32 to index
        %swap3A_298 = tpu.vector_load %arg24[%swap3A_297] {strides = array<i32>} : memref<2000xf32, #tpu.memory_space<vmem>>, vector<16xf32>,
        tpu.vector_store %arg24[%swap3A_297], %mul3A_296 {strides = array<i32>} : memref<2000xf32, #tpu.memory_space<vmem>>, vector<16xf32>,
        %add3A_299 = arith.constant 48 : i32
        %add3A_300 = arith.addi %mul3A_262, %add3A_299 : i32
        %get3A_301 = arith.index_cast %add3A_300 : i32 to index
        %get3A_302 = tpu.vector_load %arg18[%get3A_301] {strides = array<i32>} : memref<2000xi32, #tpu.memory_space<vmem>>, vector<16xi32>,
        %gather3A_303 = tpu.vector_load_idx %arg12[%get3A_302] : memref<100352xf32, #tpu.memory_space<vmem>>[vector<16xi32>], vector<16xf32>,
        %get3A_304 = arith.index_cast %add3A_300 : i32 to index
        %get3A_305 = tpu.vector_load %arg20[%get3A_304] {strides = array<i32>} : memref<2000xf32, #tpu.memory_space<vmem>>, vector<16xf32>,
        %mul3A_306 = arith.mulf %gather3A_303, %get3A_305 : vector<16xf32>
        %get3A_307 = arith.index_cast %add3A_300 : i32 to index
        %get3A_308 = tpu.vector_load %arg22[%get3A_307] {strides = array<i32>} : memref<2000xf32, #tpu.memory_space<vmem>>, vector<16xf32>,
        %mul3A_309 = arith.mulf %mul3A_306, %get3A_308 : vector<16xf32>
        %swap3A_310 = arith.index_cast %add3A_300 : i32 to index
        %swap3A_311 = tpu.vector_load %arg24[%swap3A_310] {strides = array<i32>} : memref<2000xf32, #tpu.memory_space<vmem>>, vector<16xf32>,
        tpu.vector_store %arg24[%swap3A_310], %mul3A_309 {strides = array<i32>} : memref<2000xf32, #tpu.memory_space<vmem>>, vector<16xf32>,
        %add3A_312 = arith.constant 64 : i32
        %add3A_313 = arith.addi %mul3A_262, %add3A_312 : i32
        %get3A_314 = arith.index_cast %add3A_313 : i32 to index
        %get3A_315 = tpu.vector_load %arg18[%get3A_314] {strides = array<i32>} : memref<2000xi32, #tpu.memory_space<vmem>>, vector<16xi32>,
        %gather3A_316 = tpu.vector_load_idx %arg12[%get3A_315] : memref<100352xf32, #tpu.memory_space<vmem>>[vector<16xi32>], vector<16xf32>,
        %get3A_317 = arith.index_cast %add3A_313 : i32 to index
        %get3A_318 = tpu.vector_load %arg20[%get3A_317] {strides = array<i32>} : memref<2000xf32, #tpu.memory_space<vmem>>, vector<16xf32>,
        %mul3A_319 = arith.mulf %gather3A_316, %get3A_318 : vector<16xf32>
        %get3A_320 = arith.index_cast %add3A_313 : i32 to index
        %get3A_321 = tpu.vector_load %arg22[%get3A_320] {strides = array<i32>} : memref<2000xf32, #tpu.memory_space<vmem>>, vector<16xf32>,
        %mul3A_322 = arith.mulf %mul3A_319, %get3A_321 : vector<16xf32>
        %swap3A_323 = arith.index_cast %add3A_313 : i32 to index
        %swap3A_324 = tpu.vector_load %arg24[%swap3A_323] {strides = array<i32>} : memref<2000xf32, #tpu.memory_space<vmem>>, vector<16xf32>,
        tpu.vector_store %arg24[%swap3A_323], %mul3A_322 {strides = array<i32>} : memref<2000xf32, #tpu.memory_space<vmem>>, vector<16xf32>,
      }
      %while3A_254 = arith.constant 1 : i32
      scf.for %while3A_260 = %while3A_252 to %while3A_248 step %while3A_254  : i32 {
        %mul3A_261 = arith.constant 80 : i32
        %mul3A_262 = arith.muli %while3A_260, %mul3A_261 : i32
        %add3A_263 = arith.constant 0 : i32
        %add3A_264 = arith.addi %mul3A_262, %add3A_263 : i32
        %get3A = arith.index_cast %add3A_264 : i32 to index
        %get3A_265 = tpu.vector_load %arg18[%get3A] {strides = array<i32>} : memref<2000xi32, #tpu.memory_space<vmem>>, vector<16xi32>,
        %gather3A = tpu.vector_load_idx %arg12[%get3A_265] : memref<100352xf32, #tpu.memory_space<vmem>>[vector<16xi32>], vector<16xf32>,
        %get3A_266 = arith.index_cast %add3A_264 : i32 to index
        %get3A_267 = tpu.vector_load %arg20[%get3A_266] {strides = array<i32>} : memref<2000xf32, #tpu.memory_space<vmem>>, vector<16xf32>,
        %mul3A_268 = arith.mulf %gather3A, %get3A_267 : vector<16xf32>
        %get3A_269 = arith.index_cast %add3A_264 : i32 to index
        %get3A_270 = tpu.vector_load %arg22[%get3A_269] {strides = array<i32>} : memref<2000xf32, #tpu.memory_space<vmem>>, vector<16xf32>,
        %mul3A_271 = arith.mulf %mul3A_268, %get3A_270 : vector<16xf32>
        %swap3A = arith.index_cast %add3A_264 : i32 to index
        %swap3A_272 = tpu.vector_load %arg24[%swap3A] {strides = array<i32>} : memref<2000xf32, #tpu.memory_space<vmem>>, vector<16xf32>,
        tpu.vector_store %arg24[%swap3A], %mul3A_271 {strides = array<i32>} : memref<2000xf32, #tpu.memory_space<vmem>>, vector<16xf32>,
        %add3A_273 = arith.constant 16 : i32
        %add3A_274 = arith.addi %mul3A_262, %add3A_273 : i32
        %get3A_275 = arith.index_cast %add3A_274 : i32 to index
        %get3A_276 = tpu.vector_load %arg18[%get3A_275] {strides = array<i32>} : memref<2000xi32, #tpu.memory_space<vmem>>, vector<16xi32>,
        %gather3A_277 = tpu.vector_load_idx %arg12[%get3A_276] : memref<100352xf32, #tpu.memory_space<vmem>>[vector<16xi32>], vector<16xf32>,
        %get3A_278 = arith.index_cast %add3A_274 : i32 to index
        %get3A_279 = tpu.vector_load %arg20[%get3A_278] {strides = array<i32>} : memref<2000xf32, #tpu.memory_space<vmem>>, vector<16xf32>,
        %mul3A_280 = arith.mulf %gather3A_277, %get3A_279 : vector<16xf32>
        %get3A_281 = arith.index_cast %add3A_274 : i32 to index
        %get3A_282 = tpu.vector_load %arg22[%get3A_281] {strides = array<i32>} : memref<2000xf32, #tpu.memory_space<vmem>>, vector<16xf32>,
        %mul3A_283 = arith.mulf %mul3A_280, %get3A_282 : vector<16xf32>
        %swap3A_284 = arith.index_cast %add3A_274 : i32 to index
        %swap3A_285 = tpu.vector_load %arg24[%swap3A_284] {strides = array<i32>} : memref<2000xf32, #tpu.memory_space<vmem>>, vector<16xf32>,
        tpu.vector_store %arg24[%swap3A_284], %mul3A_283 {strides = array<i32>} : memref<2000xf32, #tpu.memory_space<vmem>>, vector<16xf32>,
        %add3A_286 = arith.constant 32 : i32
        %add3A_287 = arith.addi %mul3A_262, %add3A_286 : i32
        %get3A_288 = arith.index_cast %add3A_287 : i32 to index
        %get3A_289 = tpu.vector_load %arg18[%get3A_288] {strides = array<i32>} : memref<2000xi32, #tpu.memory_space<vmem>>, vector<16xi32>,
        %gather3A_290 = tpu.vector_load_idx %arg12[%get3A_289] : memref<100352xf32, #tpu.memory_space<vmem>>[vector<16xi32>], vector<16xf32>,
        %get3A_291 = arith.index_cast %add3A_287 : i32 to index
        %get3A_292 = tpu.vector_load %arg20[%get3A_291] {strides = array<i32>} : memref<2000xf32, #tpu.memory_space<vmem>>, vector<16xf32>,
        %mul3A_293 = arith.mulf %gather3A_290, %get3A_292 : vector<16xf32>
        %get3A_294 = arith.index_cast %add3A_287 : i32 to index
        %get3A_295 = tpu.vector_load %arg22[%get3A_294] {strides = array<i32>} : memref<2000xf32, #tpu.memory_space<vmem>>, vector<16xf32>,
        %mul3A_296 = arith.mulf %mul3A_293, %get3A_295 : vector<16xf32>
        %swap3A_297 = arith.index_cast %add3A_287 : i32 to index
        %swap3A_298 = tpu.vector_load %arg24[%swap3A_297] {strides = array<i32>} : memref<2000xf32, #tpu.memory_space<vmem>>, vector<16xf32>,
        tpu.vector_store %arg24[%swap3A_297], %mul3A_296 {strides = array<i32>} : memref<2000xf32, #tpu.memory_space<vmem>>, vector<16xf32>,
        %add3A_299 = arith.constant 48 : i32
        %add3A_300 = arith.addi %mul3A_262, %add3A_299 : i32
        %get3A_301 = arith.index_cast %add3A_300 : i32 to index
        %get3A_302 = tpu.vector_load %arg18[%get3A_301] {strides = array<i32>} : memref<2000xi32, #tpu.memory_space<vmem>>, vector<16xi32>,
        %gather3A_303 = tpu.vector_load_idx %arg12[%get3A_302] : memref<100352xf32, #tpu.memory_space<vmem>>[vector<16xi32>], vector<16xf32>,
        %get3A_304 = arith.index_cast %add3A_300 : i32 to index
        %get3A_305 = tpu.vector_load %arg20[%get3A_304] {strides = array<i32>} : memref<2000xf32, #tpu.memory_space<vmem>>, vector<16xf32>,
        %mul3A_306 = arith.mulf %gather3A_303, %get3A_305 : vector<16xf32>
        %get3A_307 = arith.index_cast %add3A_300 : i32 to index
        %get3A_308 = tpu.vector_load %arg22[%get3A_307] {strides = array<i32>} : memref<2000xf32, #tpu.memory_space<vmem>>, vector<16xf32>,
        %mul3A_309 = arith.mulf %mul3A_306, %get3A_308 : vector<16xf32>
        %swap3A_310 = arith.index_cast %add3A_300 : i32 to index
        %swap3A_311 = tpu.vector_load %arg24[%swap3A_310] {strides = array<i32>} : memref<2000xf32, #tpu.memory_space<vmem>>, vector<16xf32>,
        tpu.vector_store %arg24[%swap3A_310], %mul3A_309 {strides = array<i32>} : memref<2000xf32, #tpu.memory_space<vmem>>, vector<16xf32>,
        %add3A_312 = arith.constant 64 : i32
        %add3A_313 = arith.addi %mul3A_262, %add3A_312 : i32
        %get3A_314 = arith.index_cast %add3A_313 : i32 to index
        %get3A_315 = tpu.vector_load %arg18[%get3A_314] {strides = array<i32>} : memref<2000xi32, #tpu.memory_space<vmem>>, vector<16xi32>,
        %gather3A_316 = tpu.vector_load_idx %arg12[%get3A_315] : memref<100352xf32, #tpu.memory_space<vmem>>[vector<16xi32>], vector<16xf32>,
        %get3A_317 = arith.index_cast %add3A_313 : i32 to index
        %get3A_318 = tpu.vector_load %arg20[%get3A_317] {strides = array<i32>} : memref<2000xf32, #tpu.memory_space<vmem>>, vector<16xf32>,
        %mul3A_319 = arith.mulf %gather3A_316, %get3A_318 : vector<16xf32>
        %get3A_320 = arith.index_cast %add3A_313 : i32 to index
        %get3A_321 = tpu.vector_load %arg22[%get3A_320] {strides = array<i32>} : memref<2000xf32, #tpu.memory_space<vmem>>, vector<16xf32>,
        %mul3A_322 = arith.mulf %mul3A_319, %get3A_321 : vector<16xf32>
        %swap3A_323 = arith.index_cast %add3A_313 : i32 to index
        %swap3A_324 = tpu.vector_load %arg24[%swap3A_323] {strides = array<i32>} : memref<2000xf32, #tpu.memory_space<vmem>>, vector<16xf32>,
        tpu.vector_store %arg24[%swap3A_323], %mul3A_322 {strides = array<i32>} : memref<2000xf32, #tpu.memory_space<vmem>>, vector<16xf32>,
      }
      %mul3A_255 = arith.constant 2000 : i32
      %mul3A_256 = arith.muli %add3A_189, %mul3A_255 : i32
      %add3A_257 = arith.addi %mul3A_2, %mul3A_256 : i32
      %dma_start3A_258 = tpu.memref_slice %arg10[%add3A_257] : memref<6400000xf32, #tpu.memory_space<hbm>> -> memref<2000xf32, #tpu.memory_space<hbm>>
      %dma_start3A_259 = tpu.memref_slice %arg10[%add3A_257] : memref<6400000xf32, #tpu.memory_space<hbm>> -> memref<2000xf32, #tpu.memory_space<hbm>>
      tpu.enqueue_dma source(%arg24 : memref<2000xf32, #tpu.memory_space<vmem>>) target(%dma_start3A_259 : memref<2000xf32, #tpu.memory_space<hbm>>) target_semaphore(%arg28 : memref<!tpu.dma_semaphore, #tpu.memory_space<semaphore_mem>>)
    }
    %while3A_54 = arith.constant 1 : i32
    scf.for %while3A_185 = %while3A_52 to %while3A_48 step %while3A_54  : i32 {
      %mul3A_186 = arith.constant 2 : i32
      %mul3A_187 = arith.muli %while3A_185, %mul3A_186 : i32
      %add3A_188 = arith.constant 1 : i32
      %add3A_189 = arith.addi %mul3A_187, %add3A_188 : i32
      %mul3A_190 = arith.constant 2000 : i32
      %mul3A_191 = arith.muli %add3A_189, %mul3A_190 : i32
      %add3A_192 = arith.addi %mul3A_2, %mul3A_191 : i32
      %dma_start3A_193 = tpu.memref_slice %arg9[%add3A_192] : memref<6400000xi32, #tpu.memory_space<hbm>> -> memref<2000xi32, #tpu.memory_space<hbm>>
      %dma_start3A_194 = tpu.memref_slice %arg9[%add3A_192] : memref<6400000xi32, #tpu.memory_space<hbm>> -> memref<2000xi32, #tpu.memory_space<hbm>>
      tpu.enqueue_dma source(%dma_start3A_194 : memref<2000xi32, #tpu.memory_space<hbm>>) target(%arg18 : memref<2000xi32, #tpu.memory_space<vmem>>) target_semaphore(%arg26 : memref<!tpu.dma_semaphore, #tpu.memory_space<semaphore_mem>>)
      %dma_start3A_195 = tpu.memref_slice %arg4[%add3A_192] : memref<6400000xf32, #tpu.memory_space<hbm>> -> memref<2000xf32, #tpu.memory_space<hbm>>
      %dma_start3A_196 = tpu.memref_slice %arg4[%add3A_192] : memref<6400000xf32, #tpu.memory_space<hbm>> -> memref<2000xf32, #tpu.memory_space<hbm>>
      tpu.enqueue_dma source(%dma_start3A_196 : memref<2000xf32, #tpu.memory_space<hbm>>) target(%arg20 : memref<2000xf32, #tpu.memory_space<vmem>>) target_semaphore(%arg26 : memref<!tpu.dma_semaphore, #tpu.memory_space<semaphore_mem>>)
      %dma_start3A_197 = tpu.memref_slice %arg5[%add3A_192] : memref<6400000xf32, #tpu.memory_space<hbm>> -> memref<2000xf32, #tpu.memory_space<hbm>>
      %dma_start3A_198 = tpu.memref_slice %arg5[%add3A_192] : memref<6400000xf32, #tpu.memory_space<hbm>> -> memref<2000xf32, #tpu.memory_space<hbm>>
      tpu.enqueue_dma source(%dma_start3A_198 : memref<2000xf32, #tpu.memory_space<hbm>>) target(%arg22 : memref<2000xf32, #tpu.memory_space<vmem>>) target_semaphore(%arg26 : memref<!tpu.dma_semaphore, #tpu.memory_space<semaphore_mem>>)
      %mul3A_199 = arith.constant 2000 : i32
      %mul3A_200 = arith.muli %mul3A_187, %mul3A_199 : i32
      %add3A_201 = arith.addi %mul3A_2, %mul3A_200 : i32
      %dma_wait3A_202 = tpu.memref_slice %arg9[%add3A_201] : memref<6400000xi32, #tpu.memory_space<hbm>> -> memref<2000xi32, #tpu.memory_space<hbm>>
      %dma_wait3A_203 = tpu.memref_slice %arg9[%add3A_201] : memref<6400000xi32, #tpu.memory_space<hbm>> -> memref<2000xi32, #tpu.memory_space<hbm>>
      tpu.wait_dma2 semaphore(%arg25 : memref<!tpu.dma_semaphore, #tpu.memory_space<semaphore_mem>>) src(%dma_wait3A_203 : memref<2000xi32, #tpu.memory_space<hbm>>) dst(%arg17 : memref<2000xi32, #tpu.memory_space<vmem>>)
      %dma_wait3A_204 = tpu.memref_slice %arg4[%add3A_201] : memref<6400000xf32, #tpu.memory_space<hbm>> -> memref<2000xf32, #tpu.memory_space<hbm>>
      %dma_wait3A_205 = tpu.memref_slice %arg4[%add3A_201] : memref<6400000xf32, #tpu.memory_space<hbm>> -> memref<2000xf32, #tpu.memory_space<hbm>>
      tpu.wait_dma2 semaphore(%arg25 : memref<!tpu.dma_semaphore, #tpu.memory_space<semaphore_mem>>) src(%dma_wait3A_205 : memref<2000xf32, #tpu.memory_space<hbm>>) dst(%arg19 : memref<2000xf32, #tpu.memory_space<vmem>>)
      %dma_wait3A_206 = tpu.memref_slice %arg5[%add3A_201] : memref<6400000xf32, #tpu.memory_space<hbm>> -> memref<2000xf32, #tpu.memory_space<hbm>>
      %dma_wait3A_207 = tpu.memref_slice %arg5[%add3A_201] : memref<6400000xf32, #tpu.memory_space<hbm>> -> memref<2000xf32, #tpu.memory_space<hbm>>
      tpu.wait_dma2 semaphore(%arg25 : memref<!tpu.dma_semaphore, #tpu.memory_space<semaphore_mem>>) src(%dma_wait3A_207 : memref<2000xf32, #tpu.memory_space<hbm>>) dst(%arg21 : memref<2000xf32, #tpu.memory_space<vmem>>)
      %gt3A = arith.constant 0 : i32
      %gt3A_208 = arith.cmpi sgt, %while3A_185, %gt3A : i32
      %convert_element_type3A = arith.extui %gt3A_208 : i1 to i32
      %cond3A = arith.constant 0 : i32
      %cond3A_209 = arith.cmpi ne, %convert_element_type3A, %cond3A : i32
      scf.if %cond3A_209 {
        %sub3A = arith.constant 2 : i32
        %sub3A_260 = arith.subi %mul3A_187, %sub3A : i32
        %mul3A_261 = arith.constant 2000 : i32
        %mul3A_262 = arith.muli %sub3A_260, %mul3A_261 : i32
        %add3A_263 = arith.addi %mul3A_2, %mul3A_262 : i32
        %dma_wait3A_264 = tpu.memref_slice %arg10[%add3A_263] : memref<6400000xf32, #tpu.memory_space<hbm>> -> memref<2000xf32, #tpu.memory_space<hbm>>
        %dma_wait3A_265 = tpu.memref_slice %arg10[%add3A_263] : memref<6400000xf32, #tpu.memory_space<hbm>> -> memref<2000xf32, #tpu.memory_space<hbm>>
        tpu.wait_dma2 semaphore(%arg27 : memref<!tpu.dma_semaphore, #tpu.memory_space<semaphore_mem>>) src(%arg23 : memref<2000xf32, #tpu.memory_space<vmem>>) dst(%dma_wait3A_265 : memref<2000xf32, #tpu.memory_space<hbm>>)
      } else {
      }
      %while3A_210 = arith.constant 0 : i32
      %while3A_211 = arith.constant 0 : i32
      %while3A_212 = arith.constant 25 : i32
      %while3A_213 = arith.subi %while3A_212, %while3A_211 : i32
      %while3A_214 = arith.addi %while3A_211, %while3A_213 : i32
      %while3A_215 = arith.constant 1 : i32
      %while3A_216 = arith.divsi %while3A_213, %while3A_215 : i32
      %while3A_217 = arith.muli %while3A_216, %while3A_215 : i32
      %while3A_218 = arith.addi %while3A_211, %while3A_217 : i32
      %while3A_219 = arith.constant 1 : i32
      scf.for %while3A_260 = %while3A_211 to %while3A_218 step %while3A_219  : i32 {
        %mul3A_261 = arith.constant 80 : i32
        %mul3A_262 = arith.muli %while3A_260, %mul3A_261 : i32
        %add3A_263 = arith.constant 0 : i32
        %add3A_264 = arith.addi %mul3A_262, %add3A_263 : i32
        %get3A = arith.index_cast %add3A_264 : i32 to index
        %get3A_265 = tpu.vector_load %arg17[%get3A] {strides = array<i32>} : memref<2000xi32, #tpu.memory_space<vmem>>, vector<16xi32>,
        %gather3A = tpu.vector_load_idx %arg12[%get3A_265] : memref<100352xf32, #tpu.memory_space<vmem>>[vector<16xi32>], vector<16xf32>,
        %get3A_266 = arith.index_cast %add3A_264 : i32 to index
        %get3A_267 = tpu.vector_load %arg19[%get3A_266] {strides = array<i32>} : memref<2000xf32, #tpu.memory_space<vmem>>, vector<16xf32>,
        %mul3A_268 = arith.mulf %gather3A, %get3A_267 : vector<16xf32>
        %get3A_269 = arith.index_cast %add3A_264 : i32 to index
        %get3A_270 = tpu.vector_load %arg21[%get3A_269] {strides = array<i32>} : memref<2000xf32, #tpu.memory_space<vmem>>, vector<16xf32>,
        %mul3A_271 = arith.mulf %mul3A_268, %get3A_270 : vector<16xf32>
        %swap3A = arith.index_cast %add3A_264 : i32 to index
        %swap3A_272 = tpu.vector_load %arg23[%swap3A] {strides = array<i32>} : memref<2000xf32, #tpu.memory_space<vmem>>, vector<16xf32>,
        tpu.vector_store %arg23[%swap3A], %mul3A_271 {strides = array<i32>} : memref<2000xf32, #tpu.memory_space<vmem>>, vector<16xf32>,
        %add3A_273 = arith.constant 16 : i32
        %add3A_274 = arith.addi %mul3A_262, %add3A_273 : i32
        %get3A_275 = arith.index_cast %add3A_274 : i32 to index
        %get3A_276 = tpu.vector_load %arg17[%get3A_275] {strides = array<i32>} : memref<2000xi32, #tpu.memory_space<vmem>>, vector<16xi32>,
        %gather3A_277 = tpu.vector_load_idx %arg12[%get3A_276] : memref<100352xf32, #tpu.memory_space<vmem>>[vector<16xi32>], vector<16xf32>,
        %get3A_278 = arith.index_cast %add3A_274 : i32 to index
        %get3A_279 = tpu.vector_load %arg19[%get3A_278] {strides = array<i32>} : memref<2000xf32, #tpu.memory_space<vmem>>, vector<16xf32>,
        %mul3A_280 = arith.mulf %gather3A_277, %get3A_279 : vector<16xf32>
        %get3A_281 = arith.index_cast %add3A_274 : i32 to index
        %get3A_282 = tpu.vector_load %arg21[%get3A_281] {strides = array<i32>} : memref<2000xf32, #tpu.memory_space<vmem>>, vector<16xf32>,
        %mul3A_283 = arith.mulf %mul3A_280, %get3A_282 : vector<16xf32>
        %swap3A_284 = arith.index_cast %add3A_274 : i32 to index
        %swap3A_285 = tpu.vector_load %arg23[%swap3A_284] {strides = array<i32>} : memref<2000xf32, #tpu.memory_space<vmem>>, vector<16xf32>,
        tpu.vector_store %arg23[%swap3A_284], %mul3A_283 {strides = array<i32>} : memref<2000xf32, #tpu.memory_space<vmem>>, vector<16xf32>,
        %add3A_286 = arith.constant 32 : i32
        %add3A_287 = arith.addi %mul3A_262, %add3A_286 : i32
        %get3A_288 = arith.index_cast %add3A_287 : i32 to index
        %get3A_289 = tpu.vector_load %arg17[%get3A_288] {strides = array<i32>} : memref<2000xi32, #tpu.memory_space<vmem>>, vector<16xi32>,
        %gather3A_290 = tpu.vector_load_idx %arg12[%get3A_289] : memref<100352xf32, #tpu.memory_space<vmem>>[vector<16xi32>], vector<16xf32>,
        %get3A_291 = arith.index_cast %add3A_287 : i32 to index
        %get3A_292 = tpu.vector_load %arg19[%get3A_291] {strides = array<i32>} : memref<2000xf32, #tpu.memory_space<vmem>>, vector<16xf32>,
        %mul3A_293 = arith.mulf %gather3A_290, %get3A_292 : vector<16xf32>
        %get3A_294 = arith.index_cast %add3A_287 : i32 to index
        %get3A_295 = tpu.vector_load %arg21[%get3A_294] {strides = array<i32>} : memref<2000xf32, #tpu.memory_space<vmem>>, vector<16xf32>,
        %mul3A_296 = arith.mulf %mul3A_293, %get3A_295 : vector<16xf32>
        %swap3A_297 = arith.index_cast %add3A_287 : i32 to index
        %swap3A_298 = tpu.vector_load %arg23[%swap3A_297] {strides = array<i32>} : memref<2000xf32, #tpu.memory_space<vmem>>, vector<16xf32>,
        tpu.vector_store %arg23[%swap3A_297], %mul3A_296 {strides = array<i32>} : memref<2000xf32, #tpu.memory_space<vmem>>, vector<16xf32>,
        %add3A_299 = arith.constant 48 : i32
        %add3A_300 = arith.addi %mul3A_262, %add3A_299 : i32
        %get3A_301 = arith.index_cast %add3A_300 : i32 to index
        %get3A_302 = tpu.vector_load %arg17[%get3A_301] {strides = array<i32>} : memref<2000xi32, #tpu.memory_space<vmem>>, vector<16xi32>,
        %gather3A_303 = tpu.vector_load_idx %arg12[%get3A_302] : memref<100352xf32, #tpu.memory_space<vmem>>[vector<16xi32>], vector<16xf32>,
        %get3A_304 = arith.index_cast %add3A_300 : i32 to index
        %get3A_305 = tpu.vector_load %arg19[%get3A_304] {strides = array<i32>} : memref<2000xf32, #tpu.memory_space<vmem>>, vector<16xf32>,
        %mul3A_306 = arith.mulf %gather3A_303, %get3A_305 : vector<16xf32>
        %get3A_307 = arith.index_cast %add3A_300 : i32 to index
        %get3A_308 = tpu.vector_load %arg21[%get3A_307] {strides = array<i32>} : memref<2000xf32, #tpu.memory_space<vmem>>, vector<16xf32>,
        %mul3A_309 = arith.mulf %mul3A_306, %get3A_308 : vector<16xf32>
        %swap3A_310 = arith.index_cast %add3A_300 : i32 to index
        %swap3A_311 = tpu.vector_load %arg23[%swap3A_310] {strides = array<i32>} : memref<2000xf32, #tpu.memory_space<vmem>>, vector<16xf32>,
        tpu.vector_store %arg23[%swap3A_310], %mul3A_309 {strides = array<i32>} : memref<2000xf32, #tpu.memory_space<vmem>>, vector<16xf32>,
        %add3A_312 = arith.constant 64 : i32
        %add3A_313 = arith.addi %mul3A_262, %add3A_312 : i32
        %get3A_314 = arith.index_cast %add3A_313 : i32 to index
        %get3A_315 = tpu.vector_load %arg17[%get3A_314] {strides = array<i32>} : memref<2000xi32, #tpu.memory_space<vmem>>, vector<16xi32>,
        %gather3A_316 = tpu.vector_load_idx %arg12[%get3A_315] : memref<100352xf32, #tpu.memory_space<vmem>>[vector<16xi32>], vector<16xf32>,
        %get3A_317 = arith.index_cast %add3A_313 : i32 to index
        %get3A_318 = tpu.vector_load %arg19[%get3A_317] {strides = array<i32>} : memref<2000xf32, #tpu.memory_space<vmem>>, vector<16xf32>,
        %mul3A_319 = arith.mulf %gather3A_316, %get3A_318 : vector<16xf32>
        %get3A_320 = arith.index_cast %add3A_313 : i32 to index
        %get3A_321 = tpu.vector_load %arg21[%get3A_320] {strides = array<i32>} : memref<2000xf32, #tpu.memory_space<vmem>>, vector<16xf32>,
        %mul3A_322 = arith.mulf %mul3A_319, %get3A_321 : vector<16xf32>
        %swap3A_323 = arith.index_cast %add3A_313 : i32 to index
        %swap3A_324 = tpu.vector_load %arg23[%swap3A_323] {strides = array<i32>} : memref<2000xf32, #tpu.memory_space<vmem>>, vector<16xf32>,
        tpu.vector_store %arg23[%swap3A_323], %mul3A_322 {strides = array<i32>} : memref<2000xf32, #tpu.memory_space<vmem>>, vector<16xf32>,
      }
      %while3A_220 = arith.constant 1 : i32
      scf.for %while3A_260 = %while3A_218 to %while3A_214 step %while3A_220  : i32 {
        %mul3A_261 = arith.constant 80 : i32
        %mul3A_262 = arith.muli %while3A_260, %mul3A_261 : i32
        %add3A_263 = arith.constant 0 : i32
        %add3A_264 = arith.addi %mul3A_262, %add3A_263 : i32
        %get3A = arith.index_cast %add3A_264 : i32 to index
        %get3A_265 = tpu.vector_load %arg17[%get3A] {strides = array<i32>} : memref<2000xi32, #tpu.memory_space<vmem>>, vector<16xi32>,
        %gather3A = tpu.vector_load_idx %arg12[%get3A_265] : memref<100352xf32, #tpu.memory_space<vmem>>[vector<16xi32>], vector<16xf32>,
        %get3A_266 = arith.index_cast %add3A_264 : i32 to index
        %get3A_267 = tpu.vector_load %arg19[%get3A_266] {strides = array<i32>} : memref<2000xf32, #tpu.memory_space<vmem>>, vector<16xf32>,
        %mul3A_268 = arith.mulf %gather3A, %get3A_267 : vector<16xf32>
        %get3A_269 = arith.index_cast %add3A_264 : i32 to index
        %get3A_270 = tpu.vector_load %arg21[%get3A_269] {strides = array<i32>} : memref<2000xf32, #tpu.memory_space<vmem>>, vector<16xf32>,
        %mul3A_271 = arith.mulf %mul3A_268, %get3A_270 : vector<16xf32>
        %swap3A = arith.index_cast %add3A_264 : i32 to index
        %swap3A_272 = tpu.vector_load %arg23[%swap3A] {strides = array<i32>} : memref<2000xf32, #tpu.memory_space<vmem>>, vector<16xf32>,
        tpu.vector_store %arg23[%swap3A], %mul3A_271 {strides = array<i32>} : memref<2000xf32, #tpu.memory_space<vmem>>, vector<16xf32>,
        %add3A_273 = arith.constant 16 : i32
        %add3A_274 = arith.addi %mul3A_262, %add3A_273 : i32
        %get3A_275 = arith.index_cast %add3A_274 : i32 to index
        %get3A_276 = tpu.vector_load %arg17[%get3A_275] {strides = array<i32>} : memref<2000xi32, #tpu.memory_space<vmem>>, vector<16xi32>,
        %gather3A_277 = tpu.vector_load_idx %arg12[%get3A_276] : memref<100352xf32, #tpu.memory_space<vmem>>[vector<16xi32>], vector<16xf32>,
        %get3A_278 = arith.index_cast %add3A_274 : i32 to index
        %get3A_279 = tpu.vector_load %arg19[%get3A_278] {strides = array<i32>} : memref<2000xf32, #tpu.memory_space<vmem>>, vector<16xf32>,
        %mul3A_280 = arith.mulf %gather3A_277, %get3A_279 : vector<16xf32>
        %get3A_281 = arith.index_cast %add3A_274 : i32 to index
        %get3A_282 = tpu.vector_load %arg21[%get3A_281] {strides = array<i32>} : memref<2000xf32, #tpu.memory_space<vmem>>, vector<16xf32>,
        %mul3A_283 = arith.mulf %mul3A_280, %get3A_282 : vector<16xf32>
        %swap3A_284 = arith.index_cast %add3A_274 : i32 to index
        %swap3A_285 = tpu.vector_load %arg23[%swap3A_284] {strides = array<i32>} : memref<2000xf32, #tpu.memory_space<vmem>>, vector<16xf32>,
        tpu.vector_store %arg23[%swap3A_284], %mul3A_283 {strides = array<i32>} : memref<2000xf32, #tpu.memory_space<vmem>>, vector<16xf32>,
        %add3A_286 = arith.constant 32 : i32
        %add3A_287 = arith.addi %mul3A_262, %add3A_286 : i32
        %get3A_288 = arith.index_cast %add3A_287 : i32 to index
        %get3A_289 = tpu.vector_load %arg17[%get3A_288] {strides = array<i32>} : memref<2000xi32, #tpu.memory_space<vmem>>, vector<16xi32>,
        %gather3A_290 = tpu.vector_load_idx %arg12[%get3A_289] : memref<100352xf32, #tpu.memory_space<vmem>>[vector<16xi32>], vector<16xf32>,
        %get3A_291 = arith.index_cast %add3A_287 : i32 to index
        %get3A_292 = tpu.vector_load %arg19[%get3A_291] {strides = array<i32>} : memref<2000xf32, #tpu.memory_space<vmem>>, vector<16xf32>,
        %mul3A_293 = arith.mulf %gather3A_290, %get3A_292 : vector<16xf32>
        %get3A_294 = arith.index_cast %add3A_287 : i32 to index
        %get3A_295 = tpu.vector_load %arg21[%get3A_294] {strides = array<i32>} : memref<2000xf32, #tpu.memory_space<vmem>>, vector<16xf32>,
        %mul3A_296 = arith.mulf %mul3A_293, %get3A_295 : vector<16xf32>
        %swap3A_297 = arith.index_cast %add3A_287 : i32 to index
        %swap3A_298 = tpu.vector_load %arg23[%swap3A_297] {strides = array<i32>} : memref<2000xf32, #tpu.memory_space<vmem>>, vector<16xf32>,
        tpu.vector_store %arg23[%swap3A_297], %mul3A_296 {strides = array<i32>} : memref<2000xf32, #tpu.memory_space<vmem>>, vector<16xf32>,
        %add3A_299 = arith.constant 48 : i32
        %add3A_300 = arith.addi %mul3A_262, %add3A_299 : i32
        %get3A_301 = arith.index_cast %add3A_300 : i32 to index
        %get3A_302 = tpu.vector_load %arg17[%get3A_301] {strides = array<i32>} : memref<2000xi32, #tpu.memory_space<vmem>>, vector<16xi32>,
        %gather3A_303 = tpu.vector_load_idx %arg12[%get3A_302] : memref<100352xf32, #tpu.memory_space<vmem>>[vector<16xi32>], vector<16xf32>,
        %get3A_304 = arith.index_cast %add3A_300 : i32 to index
        %get3A_305 = tpu.vector_load %arg19[%get3A_304] {strides = array<i32>} : memref<2000xf32, #tpu.memory_space<vmem>>, vector<16xf32>,
        %mul3A_306 = arith.mulf %gather3A_303, %get3A_305 : vector<16xf32>
        %get3A_307 = arith.index_cast %add3A_300 : i32 to index
        %get3A_308 = tpu.vector_load %arg21[%get3A_307] {strides = array<i32>} : memref<2000xf32, #tpu.memory_space<vmem>>, vector<16xf32>,
        %mul3A_309 = arith.mulf %mul3A_306, %get3A_308 : vector<16xf32>
        %swap3A_310 = arith.index_cast %add3A_300 : i32 to index
        %swap3A_311 = tpu.vector_load %arg23[%swap3A_310] {strides = array<i32>} : memref<2000xf32, #tpu.memory_space<vmem>>, vector<16xf32>,
        tpu.vector_store %arg23[%swap3A_310], %mul3A_309 {strides = array<i32>} : memref<2000xf32, #tpu.memory_space<vmem>>, vector<16xf32>,
        %add3A_312 = arith.constant 64 : i32
        %add3A_313 = arith.addi %mul3A_262, %add3A_312 : i32
        %get3A_314 = arith.index_cast %add3A_313 : i32 to index
        %get3A_315 = tpu.vector_load %arg17[%get3A_314] {strides = array<i32>} : memref<2000xi32, #tpu.memory_space<vmem>>, vector<16xi32>,
        %gather3A_316 = tpu.vector_load_idx %arg12[%get3A_315] : memref<100352xf32, #tpu.memory_space<vmem>>[vector<16xi32>], vector<16xf32>,
        %get3A_317 = arith.index_cast %add3A_313 : i32 to index
        %get3A_318 = tpu.vector_load %arg19[%get3A_317] {strides = array<i32>} : memref<2000xf32, #tpu.memory_space<vmem>>, vector<16xf32>,
        %mul3A_319 = arith.mulf %gather3A_316, %get3A_318 : vector<16xf32>
        %get3A_320 = arith.index_cast %add3A_313 : i32 to index
        %get3A_321 = tpu.vector_load %arg21[%get3A_320] {strides = array<i32>} : memref<2000xf32, #tpu.memory_space<vmem>>, vector<16xf32>,
        %mul3A_322 = arith.mulf %mul3A_319, %get3A_321 : vector<16xf32>
        %swap3A_323 = arith.index_cast %add3A_313 : i32 to index
        %swap3A_324 = tpu.vector_load %arg23[%swap3A_323] {strides = array<i32>} : memref<2000xf32, #tpu.memory_space<vmem>>, vector<16xf32>,
        tpu.vector_store %arg23[%swap3A_323], %mul3A_322 {strides = array<i32>} : memref<2000xf32, #tpu.memory_space<vmem>>, vector<16xf32>,
      }
      %mul3A_221 = arith.constant 2000 : i32
      %mul3A_222 = arith.muli %mul3A_187, %mul3A_221 : i32
      %add3A_223 = arith.addi %mul3A_2, %mul3A_222 : i32
      %dma_start3A_224 = tpu.memref_slice %arg10[%add3A_223] : memref<6400000xf32, #tpu.memory_space<hbm>> -> memref<2000xf32, #tpu.memory_space<hbm>>
      %dma_start3A_225 = tpu.memref_slice %arg10[%add3A_223] : memref<6400000xf32, #tpu.memory_space<hbm>> -> memref<2000xf32, #tpu.memory_space<hbm>>
      tpu.enqueue_dma source(%arg23 : memref<2000xf32, #tpu.memory_space<vmem>>) target(%dma_start3A_225 : memref<2000xf32, #tpu.memory_space<hbm>>) target_semaphore(%arg27 : memref<!tpu.dma_semaphore, #tpu.memory_space<semaphore_mem>>)
      %lt3A = arith.constant 49 : i32
      %lt3A_226 = arith.cmpi slt, %while3A_185, %lt3A : i32
      %convert_element_type3A_227 = arith.extui %lt3A_226 : i1 to i32
      %cond3A_228 = arith.constant 0 : i32
      %cond3A_229 = arith.cmpi ne, %convert_element_type3A_227, %cond3A_228 : i32
      scf.if %cond3A_229 {
        %add3A_260 = arith.constant 2 : i32
        %add3A_261 = arith.addi %mul3A_187, %add3A_260 : i32
        %mul3A_262 = arith.constant 2000 : i32
        %mul3A_263 = arith.muli %add3A_261, %mul3A_262 : i32
        %add3A_264 = arith.addi %mul3A_2, %mul3A_263 : i32
        %dma_start3A_265 = tpu.memref_slice %arg9[%add3A_264] : memref<6400000xi32, #tpu.memory_space<hbm>> -> memref<2000xi32, #tpu.memory_space<hbm>>
        %dma_start3A_266 = tpu.memref_slice %arg9[%add3A_264] : memref<6400000xi32, #tpu.memory_space<hbm>> -> memref<2000xi32, #tpu.memory_space<hbm>>
        tpu.enqueue_dma source(%dma_start3A_266 : memref<2000xi32, #tpu.memory_space<hbm>>) target(%arg17 : memref<2000xi32, #tpu.memory_space<vmem>>) target_semaphore(%arg25 : memref<!tpu.dma_semaphore, #tpu.memory_space<semaphore_mem>>)
        %dma_start3A_267 = tpu.memref_slice %arg4[%add3A_264] : memref<6400000xf32, #tpu.memory_space<hbm>> -> memref<2000xf32, #tpu.memory_space<hbm>>
        %dma_start3A_268 = tpu.memref_slice %arg4[%add3A_264] : memref<6400000xf32, #tpu.memory_space<hbm>> -> memref<2000xf32, #tpu.memory_space<hbm>>
        tpu.enqueue_dma source(%dma_start3A_268 : memref<2000xf32, #tpu.memory_space<hbm>>) target(%arg19 : memref<2000xf32, #tpu.memory_space<vmem>>) target_semaphore(%arg25 : memref<!tpu.dma_semaphore, #tpu.memory_space<semaphore_mem>>)
        %dma_start3A_269 = tpu.memref_slice %arg5[%add3A_264] : memref<6400000xf32, #tpu.memory_space<hbm>> -> memref<2000xf32, #tpu.memory_space<hbm>>
        %dma_start3A_270 = tpu.memref_slice %arg5[%add3A_264] : memref<6400000xf32, #tpu.memory_space<hbm>> -> memref<2000xf32, #tpu.memory_space<hbm>>
        tpu.enqueue_dma source(%dma_start3A_270 : memref<2000xf32, #tpu.memory_space<hbm>>) target(%arg21 : memref<2000xf32, #tpu.memory_space<vmem>>) target_semaphore(%arg25 : memref<!tpu.dma_semaphore, #tpu.memory_space<semaphore_mem>>)
      } else {
      }
      %mul3A_230 = arith.constant 2000 : i32
      %mul3A_231 = arith.muli %add3A_189, %mul3A_230 : i32
      %add3A_232 = arith.addi %mul3A_2, %mul3A_231 : i32
      %dma_wait3A_233 = tpu.memref_slice %arg9[%add3A_232] : memref<6400000xi32, #tpu.memory_space<hbm>> -> memref<2000xi32, #tpu.memory_space<hbm>>
      %dma_wait3A_234 = tpu.memref_slice %arg9[%add3A_232] : memref<6400000xi32, #tpu.memory_space<hbm>> -> memref<2000xi32, #tpu.memory_space<hbm>>
      tpu.wait_dma2 semaphore(%arg26 : memref<!tpu.dma_semaphore, #tpu.memory_space<semaphore_mem>>) src(%dma_wait3A_234 : memref<2000xi32, #tpu.memory_space<hbm>>) dst(%arg18 : memref<2000xi32, #tpu.memory_space<vmem>>)
      %dma_wait3A_235 = tpu.memref_slice %arg4[%add3A_232] : memref<6400000xf32, #tpu.memory_space<hbm>> -> memref<2000xf32, #tpu.memory_space<hbm>>
      %dma_wait3A_236 = tpu.memref_slice %arg4[%add3A_232] : memref<6400000xf32, #tpu.memory_space<hbm>> -> memref<2000xf32, #tpu.memory_space<hbm>>
      tpu.wait_dma2 semaphore(%arg26 : memref<!tpu.dma_semaphore, #tpu.memory_space<semaphore_mem>>) src(%dma_wait3A_236 : memref<2000xf32, #tpu.memory_space<hbm>>) dst(%arg20 : memref<2000xf32, #tpu.memory_space<vmem>>)
      %dma_wait3A_237 = tpu.memref_slice %arg5[%add3A_232] : memref<6400000xf32, #tpu.memory_space<hbm>> -> memref<2000xf32, #tpu.memory_space<hbm>>
      %dma_wait3A_238 = tpu.memref_slice %arg5[%add3A_232] : memref<6400000xf32, #tpu.memory_space<hbm>> -> memref<2000xf32, #tpu.memory_space<hbm>>
      tpu.wait_dma2 semaphore(%arg26 : memref<!tpu.dma_semaphore, #tpu.memory_space<semaphore_mem>>) src(%dma_wait3A_238 : memref<2000xf32, #tpu.memory_space<hbm>>) dst(%arg22 : memref<2000xf32, #tpu.memory_space<vmem>>)
      %gt3A_239 = arith.constant 0 : i32
      %gt3A_240 = arith.cmpi sgt, %while3A_185, %gt3A_239 : i32
      %convert_element_type3A_241 = arith.extui %gt3A_240 : i1 to i32
      %cond3A_242 = arith.constant 0 : i32
      %cond3A_243 = arith.cmpi ne, %convert_element_type3A_241, %cond3A_242 : i32
      scf.if %cond3A_243 {
        %sub3A = arith.constant 2 : i32
        %sub3A_260 = arith.subi %add3A_189, %sub3A : i32
        %mul3A_261 = arith.constant 2000 : i32
        %mul3A_262 = arith.muli %sub3A_260, %mul3A_261 : i32
        %add3A_263 = arith.addi %mul3A_2, %mul3A_262 : i32
        %dma_wait3A_264 = tpu.memref_slice %arg10[%add3A_263] : memref<6400000xf32, #tpu.memory_space<hbm>> -> memref<2000xf32, #tpu.memory_space<hbm>>
        %dma_wait3A_265 = tpu.memref_slice %arg10[%add3A_263] : memref<6400000xf32, #tpu.memory_space<hbm>> -> memref<2000xf32, #tpu.memory_space<hbm>>
        tpu.wait_dma2 semaphore(%arg28 : memref<!tpu.dma_semaphore, #tpu.memory_space<semaphore_mem>>) src(%arg24 : memref<2000xf32, #tpu.memory_space<vmem>>) dst(%dma_wait3A_265 : memref<2000xf32, #tpu.memory_space<hbm>>)
      } else {
      }
      %while3A_244 = arith.constant 0 : i32
      %while3A_245 = arith.constant 0 : i32
      %while3A_246 = arith.constant 25 : i32
      %while3A_247 = arith.subi %while3A_246, %while3A_245 : i32
      %while3A_248 = arith.addi %while3A_245, %while3A_247 : i32
      %while3A_249 = arith.constant 1 : i32
      %while3A_250 = arith.divsi %while3A_247, %while3A_249 : i32
      %while3A_251 = arith.muli %while3A_250, %while3A_249 : i32
      %while3A_252 = arith.addi %while3A_245, %while3A_251 : i32
      %while3A_253 = arith.constant 1 : i32
      scf.for %while3A_260 = %while3A_245 to %while3A_252 step %while3A_253  : i32 {
        %mul3A_261 = arith.constant 80 : i32
        %mul3A_262 = arith.muli %while3A_260, %mul3A_261 : i32
        %add3A_263 = arith.constant 0 : i32
        %add3A_264 = arith.addi %mul3A_262, %add3A_263 : i32
        %get3A = arith.index_cast %add3A_264 : i32 to index
        %get3A_265 = tpu.vector_load %arg18[%get3A] {strides = array<i32>} : memref<2000xi32, #tpu.memory_space<vmem>>, vector<16xi32>,
        %gather3A = tpu.vector_load_idx %arg12[%get3A_265] : memref<100352xf32, #tpu.memory_space<vmem>>[vector<16xi32>], vector<16xf32>,
        %get3A_266 = arith.index_cast %add3A_264 : i32 to index
        %get3A_267 = tpu.vector_load %arg20[%get3A_266] {strides = array<i32>} : memref<2000xf32, #tpu.memory_space<vmem>>, vector<16xf32>,
        %mul3A_268 = arith.mulf %gather3A, %get3A_267 : vector<16xf32>
        %get3A_269 = arith.index_cast %add3A_264 : i32 to index
        %get3A_270 = tpu.vector_load %arg22[%get3A_269] {strides = array<i32>} : memref<2000xf32, #tpu.memory_space<vmem>>, vector<16xf32>,
        %mul3A_271 = arith.mulf %mul3A_268, %get3A_270 : vector<16xf32>
        %swap3A = arith.index_cast %add3A_264 : i32 to index
        %swap3A_272 = tpu.vector_load %arg24[%swap3A] {strides = array<i32>} : memref<2000xf32, #tpu.memory_space<vmem>>, vector<16xf32>,
        tpu.vector_store %arg24[%swap3A], %mul3A_271 {strides = array<i32>} : memref<2000xf32, #tpu.memory_space<vmem>>, vector<16xf32>,
        %add3A_273 = arith.constant 16 : i32
        %add3A_274 = arith.addi %mul3A_262, %add3A_273 : i32
        %get3A_275 = arith.index_cast %add3A_274 : i32 to index
        %get3A_276 = tpu.vector_load %arg18[%get3A_275] {strides = array<i32>} : memref<2000xi32, #tpu.memory_space<vmem>>, vector<16xi32>,
        %gather3A_277 = tpu.vector_load_idx %arg12[%get3A_276] : memref<100352xf32, #tpu.memory_space<vmem>>[vector<16xi32>], vector<16xf32>,
        %get3A_278 = arith.index_cast %add3A_274 : i32 to index
        %get3A_279 = tpu.vector_load %arg20[%get3A_278] {strides = array<i32>} : memref<2000xf32, #tpu.memory_space<vmem>>, vector<16xf32>,
        %mul3A_280 = arith.mulf %gather3A_277, %get3A_279 : vector<16xf32>
        %get3A_281 = arith.index_cast %add3A_274 : i32 to index
        %get3A_282 = tpu.vector_load %arg22[%get3A_281] {strides = array<i32>} : memref<2000xf32, #tpu.memory_space<vmem>>, vector<16xf32>,
        %mul3A_283 = arith.mulf %mul3A_280, %get3A_282 : vector<16xf32>
        %swap3A_284 = arith.index_cast %add3A_274 : i32 to index
        %swap3A_285 = tpu.vector_load %arg24[%swap3A_284] {strides = array<i32>} : memref<2000xf32, #tpu.memory_space<vmem>>, vector<16xf32>,
        tpu.vector_store %arg24[%swap3A_284], %mul3A_283 {strides = array<i32>} : memref<2000xf32, #tpu.memory_space<vmem>>, vector<16xf32>,
        %add3A_286 = arith.constant 32 : i32
        %add3A_287 = arith.addi %mul3A_262, %add3A_286 : i32
        %get3A_288 = arith.index_cast %add3A_287 : i32 to index
        %get3A_289 = tpu.vector_load %arg18[%get3A_288] {strides = array<i32>} : memref<2000xi32, #tpu.memory_space<vmem>>, vector<16xi32>,
        %gather3A_290 = tpu.vector_load_idx %arg12[%get3A_289] : memref<100352xf32, #tpu.memory_space<vmem>>[vector<16xi32>], vector<16xf32>,
        %get3A_291 = arith.index_cast %add3A_287 : i32 to index
        %get3A_292 = tpu.vector_load %arg20[%get3A_291] {strides = array<i32>} : memref<2000xf32, #tpu.memory_space<vmem>>, vector<16xf32>,
        %mul3A_293 = arith.mulf %gather3A_290, %get3A_292 : vector<16xf32>
        %get3A_294 = arith.index_cast %add3A_287 : i32 to index
        %get3A_295 = tpu.vector_load %arg22[%get3A_294] {strides = array<i32>} : memref<2000xf32, #tpu.memory_space<vmem>>, vector<16xf32>,
        %mul3A_296 = arith.mulf %mul3A_293, %get3A_295 : vector<16xf32>
        %swap3A_297 = arith.index_cast %add3A_287 : i32 to index
        %swap3A_298 = tpu.vector_load %arg24[%swap3A_297] {strides = array<i32>} : memref<2000xf32, #tpu.memory_space<vmem>>, vector<16xf32>,
        tpu.vector_store %arg24[%swap3A_297], %mul3A_296 {strides = array<i32>} : memref<2000xf32, #tpu.memory_space<vmem>>, vector<16xf32>,
        %add3A_299 = arith.constant 48 : i32
        %add3A_300 = arith.addi %mul3A_262, %add3A_299 : i32
        %get3A_301 = arith.index_cast %add3A_300 : i32 to index
        %get3A_302 = tpu.vector_load %arg18[%get3A_301] {strides = array<i32>} : memref<2000xi32, #tpu.memory_space<vmem>>, vector<16xi32>,
        %gather3A_303 = tpu.vector_load_idx %arg12[%get3A_302] : memref<100352xf32, #tpu.memory_space<vmem>>[vector<16xi32>], vector<16xf32>,
        %get3A_304 = arith.index_cast %add3A_300 : i32 to index
        %get3A_305 = tpu.vector_load %arg20[%get3A_304] {strides = array<i32>} : memref<2000xf32, #tpu.memory_space<vmem>>, vector<16xf32>,
        %mul3A_306 = arith.mulf %gather3A_303, %get3A_305 : vector<16xf32>
        %get3A_307 = arith.index_cast %add3A_300 : i32 to index
        %get3A_308 = tpu.vector_load %arg22[%get3A_307] {strides = array<i32>} : memref<2000xf32, #tpu.memory_space<vmem>>, vector<16xf32>,
        %mul3A_309 = arith.mulf %mul3A_306, %get3A_308 : vector<16xf32>
        %swap3A_310 = arith.index_cast %add3A_300 : i32 to index
        %swap3A_311 = tpu.vector_load %arg24[%swap3A_310] {strides = array<i32>} : memref<2000xf32, #tpu.memory_space<vmem>>, vector<16xf32>,
        tpu.vector_store %arg24[%swap3A_310], %mul3A_309 {strides = array<i32>} : memref<2000xf32, #tpu.memory_space<vmem>>, vector<16xf32>,
        %add3A_312 = arith.constant 64 : i32
        %add3A_313 = arith.addi %mul3A_262, %add3A_312 : i32
        %get3A_314 = arith.index_cast %add3A_313 : i32 to index
        %get3A_315 = tpu.vector_load %arg18[%get3A_314] {strides = array<i32>} : memref<2000xi32, #tpu.memory_space<vmem>>, vector<16xi32>,
        %gather3A_316 = tpu.vector_load_idx %arg12[%get3A_315] : memref<100352xf32, #tpu.memory_space<vmem>>[vector<16xi32>], vector<16xf32>,
        %get3A_317 = arith.index_cast %add3A_313 : i32 to index
        %get3A_318 = tpu.vector_load %arg20[%get3A_317] {strides = array<i32>} : memref<2000xf32, #tpu.memory_space<vmem>>, vector<16xf32>,
        %mul3A_319 = arith.mulf %gather3A_316, %get3A_318 : vector<16xf32>
        %get3A_320 = arith.index_cast %add3A_313 : i32 to index
        %get3A_321 = tpu.vector_load %arg22[%get3A_320] {strides = array<i32>} : memref<2000xf32, #tpu.memory_space<vmem>>, vector<16xf32>,
        %mul3A_322 = arith.mulf %mul3A_319, %get3A_321 : vector<16xf32>
        %swap3A_323 = arith.index_cast %add3A_313 : i32 to index
        %swap3A_324 = tpu.vector_load %arg24[%swap3A_323] {strides = array<i32>} : memref<2000xf32, #tpu.memory_space<vmem>>, vector<16xf32>,
        tpu.vector_store %arg24[%swap3A_323], %mul3A_322 {strides = array<i32>} : memref<2000xf32, #tpu.memory_space<vmem>>, vector<16xf32>,
      }
      %while3A_254 = arith.constant 1 : i32
      scf.for %while3A_260 = %while3A_252 to %while3A_248 step %while3A_254  : i32 {
        %mul3A_261 = arith.constant 80 : i32
        %mul3A_262 = arith.muli %while3A_260, %mul3A_261 : i32
        %add3A_263 = arith.constant 0 : i32
        %add3A_264 = arith.addi %mul3A_262, %add3A_263 : i32
        %get3A = arith.index_cast %add3A_264 : i32 to index
        %get3A_265 = tpu.vector_load %arg18[%get3A] {strides = array<i32>} : memref<2000xi32, #tpu.memory_space<vmem>>, vector<16xi32>,
        %gather3A = tpu.vector_load_idx %arg12[%get3A_265] : memref<100352xf32, #tpu.memory_space<vmem>>[vector<16xi32>], vector<16xf32>,
        %get3A_266 = arith.index_cast %add3A_264 : i32 to index
        %get3A_267 = tpu.vector_load %arg20[%get3A_266] {strides = array<i32>} : memref<2000xf32, #tpu.memory_space<vmem>>, vector<16xf32>,
        %mul3A_268 = arith.mulf %gather3A, %get3A_267 : vector<16xf32>
        %get3A_269 = arith.index_cast %add3A_264 : i32 to index
        %get3A_270 = tpu.vector_load %arg22[%get3A_269] {strides = array<i32>} : memref<2000xf32, #tpu.memory_space<vmem>>, vector<16xf32>,
        %mul3A_271 = arith.mulf %mul3A_268, %get3A_270 : vector<16xf32>
        %swap3A = arith.index_cast %add3A_264 : i32 to index
        %swap3A_272 = tpu.vector_load %arg24[%swap3A] {strides = array<i32>} : memref<2000xf32, #tpu.memory_space<vmem>>, vector<16xf32>,
        tpu.vector_store %arg24[%swap3A], %mul3A_271 {strides = array<i32>} : memref<2000xf32, #tpu.memory_space<vmem>>, vector<16xf32>,
        %add3A_273 = arith.constant 16 : i32
        %add3A_274 = arith.addi %mul3A_262, %add3A_273 : i32
        %get3A_275 = arith.index_cast %add3A_274 : i32 to index
        %get3A_276 = tpu.vector_load %arg18[%get3A_275] {strides = array<i32>} : memref<2000xi32, #tpu.memory_space<vmem>>, vector<16xi32>,
        %gather3A_277 = tpu.vector_load_idx %arg12[%get3A_276] : memref<100352xf32, #tpu.memory_space<vmem>>[vector<16xi32>], vector<16xf32>,
        %get3A_278 = arith.index_cast %add3A_274 : i32 to index
        %get3A_279 = tpu.vector_load %arg20[%get3A_278] {strides = array<i32>} : memref<2000xf32, #tpu.memory_space<vmem>>, vector<16xf32>,
        %mul3A_280 = arith.mulf %gather3A_277, %get3A_279 : vector<16xf32>
        %get3A_281 = arith.index_cast %add3A_274 : i32 to index
        %get3A_282 = tpu.vector_load %arg22[%get3A_281] {strides = array<i32>} : memref<2000xf32, #tpu.memory_space<vmem>>, vector<16xf32>,
        %mul3A_283 = arith.mulf %mul3A_280, %get3A_282 : vector<16xf32>
        %swap3A_284 = arith.index_cast %add3A_274 : i32 to index
        %swap3A_285 = tpu.vector_load %arg24[%swap3A_284] {strides = array<i32>} : memref<2000xf32, #tpu.memory_space<vmem>>, vector<16xf32>,
        tpu.vector_store %arg24[%swap3A_284], %mul3A_283 {strides = array<i32>} : memref<2000xf32, #tpu.memory_space<vmem>>, vector<16xf32>,
        %add3A_286 = arith.constant 32 : i32
        %add3A_287 = arith.addi %mul3A_262, %add3A_286 : i32
        %get3A_288 = arith.index_cast %add3A_287 : i32 to index
        %get3A_289 = tpu.vector_load %arg18[%get3A_288] {strides = array<i32>} : memref<2000xi32, #tpu.memory_space<vmem>>, vector<16xi32>,
        %gather3A_290 = tpu.vector_load_idx %arg12[%get3A_289] : memref<100352xf32, #tpu.memory_space<vmem>>[vector<16xi32>], vector<16xf32>,
        %get3A_291 = arith.index_cast %add3A_287 : i32 to index
        %get3A_292 = tpu.vector_load %arg20[%get3A_291] {strides = array<i32>} : memref<2000xf32, #tpu.memory_space<vmem>>, vector<16xf32>,
        %mul3A_293 = arith.mulf %gather3A_290, %get3A_292 : vector<16xf32>
        %get3A_294 = arith.index_cast %add3A_287 : i32 to index
        %get3A_295 = tpu.vector_load %arg22[%get3A_294] {strides = array<i32>} : memref<2000xf32, #tpu.memory_space<vmem>>, vector<16xf32>,
        %mul3A_296 = arith.mulf %mul3A_293, %get3A_295 : vector<16xf32>
        %swap3A_297 = arith.index_cast %add3A_287 : i32 to index
        %swap3A_298 = tpu.vector_load %arg24[%swap3A_297] {strides = array<i32>} : memref<2000xf32, #tpu.memory_space<vmem>>, vector<16xf32>,
        tpu.vector_store %arg24[%swap3A_297], %mul3A_296 {strides = array<i32>} : memref<2000xf32, #tpu.memory_space<vmem>>, vector<16xf32>,
        %add3A_299 = arith.constant 48 : i32
        %add3A_300 = arith.addi %mul3A_262, %add3A_299 : i32
        %get3A_301 = arith.index_cast %add3A_300 : i32 to index
        %get3A_302 = tpu.vector_load %arg18[%get3A_301] {strides = array<i32>} : memref<2000xi32, #tpu.memory_space<vmem>>, vector<16xi32>,
        %gather3A_303 = tpu.vector_load_idx %arg12[%get3A_302] : memref<100352xf32, #tpu.memory_space<vmem>>[vector<16xi32>], vector<16xf32>,
        %get3A_304 = arith.index_cast %add3A_300 : i32 to index
        %get3A_305 = tpu.vector_load %arg20[%get3A_304] {strides = array<i32>} : memref<2000xf32, #tpu.memory_space<vmem>>, vector<16xf32>,
        %mul3A_306 = arith.mulf %gather3A_303, %get3A_305 : vector<16xf32>
        %get3A_307 = arith.index_cast %add3A_300 : i32 to index
        %get3A_308 = tpu.vector_load %arg22[%get3A_307] {strides = array<i32>} : memref<2000xf32, #tpu.memory_space<vmem>>, vector<16xf32>,
        %mul3A_309 = arith.mulf %mul3A_306, %get3A_308 : vector<16xf32>
        %swap3A_310 = arith.index_cast %add3A_300 : i32 to index
        %swap3A_311 = tpu.vector_load %arg24[%swap3A_310] {strides = array<i32>} : memref<2000xf32, #tpu.memory_space<vmem>>, vector<16xf32>,
        tpu.vector_store %arg24[%swap3A_310], %mul3A_309 {strides = array<i32>} : memref<2000xf32, #tpu.memory_space<vmem>>, vector<16xf32>,
        %add3A_312 = arith.constant 64 : i32
        %add3A_313 = arith.addi %mul3A_262, %add3A_312 : i32
        %get3A_314 = arith.index_cast %add3A_313 : i32 to index
        %get3A_315 = tpu.vector_load %arg18[%get3A_314] {strides = array<i32>} : memref<2000xi32, #tpu.memory_space<vmem>>, vector<16xi32>,
        %gather3A_316 = tpu.vector_load_idx %arg12[%get3A_315] : memref<100352xf32, #tpu.memory_space<vmem>>[vector<16xi32>], vector<16xf32>,
        %get3A_317 = arith.index_cast %add3A_313 : i32 to index
        %get3A_318 = tpu.vector_load %arg20[%get3A_317] {strides = array<i32>} : memref<2000xf32, #tpu.memory_space<vmem>>, vector<16xf32>,
        %mul3A_319 = arith.mulf %gather3A_316, %get3A_318 : vector<16xf32>
        %get3A_320 = arith.index_cast %add3A_313 : i32 to index
        %get3A_321 = tpu.vector_load %arg22[%get3A_320] {strides = array<i32>} : memref<2000xf32, #tpu.memory_space<vmem>>, vector<16xf32>,
        %mul3A_322 = arith.mulf %mul3A_319, %get3A_321 : vector<16xf32>
        %swap3A_323 = arith.index_cast %add3A_313 : i32 to index
        %swap3A_324 = tpu.vector_load %arg24[%swap3A_323] {strides = array<i32>} : memref<2000xf32, #tpu.memory_space<vmem>>, vector<16xf32>,
        tpu.vector_store %arg24[%swap3A_323], %mul3A_322 {strides = array<i32>} : memref<2000xf32, #tpu.memory_space<vmem>>, vector<16xf32>,
      }
      %mul3A_255 = arith.constant 2000 : i32
      %mul3A_256 = arith.muli %add3A_189, %mul3A_255 : i32
      %add3A_257 = arith.addi %mul3A_2, %mul3A_256 : i32
      %dma_start3A_258 = tpu.memref_slice %arg10[%add3A_257] : memref<6400000xf32, #tpu.memory_space<hbm>> -> memref<2000xf32, #tpu.memory_space<hbm>>
      %dma_start3A_259 = tpu.memref_slice %arg10[%add3A_257] : memref<6400000xf32, #tpu.memory_space<hbm>> -> memref<2000xf32, #tpu.memory_space<hbm>>
      tpu.enqueue_dma source(%arg24 : memref<2000xf32, #tpu.memory_space<vmem>>) target(%dma_start3A_259 : memref<2000xf32, #tpu.memory_space<hbm>>) target_semaphore(%arg28 : memref<!tpu.dma_semaphore, #tpu.memory_space<semaphore_mem>>)
    }
    %mul3A_55 = arith.constant 98 : i32
    %mul3A_56 = arith.constant 2000 : i32
    %mul3A_57 = arith.muli %mul3A_55, %mul3A_56 : i32
    %add3A_58 = arith.addi %mul3A_2, %mul3A_57 : i32
    %dma_wait3A_59 = tpu.memref_slice %arg10[%add3A_58] : memref<6400000xf32, #tpu.memory_space<hbm>> -> memref<2000xf32, #tpu.memory_space<hbm>>
    %dma_wait3A_60 = tpu.memref_slice %arg10[%add3A_58] : memref<6400000xf32, #tpu.memory_space<hbm>> -> memref<2000xf32, #tpu.memory_space<hbm>>
    tpu.wait_dma2 semaphore(%arg27 : memref<!tpu.dma_semaphore, #tpu.memory_space<semaphore_mem>>) src(%arg23 : memref<2000xf32, #tpu.memory_space<vmem>>) dst(%dma_wait3A_60 : memref<2000xf32, #tpu.memory_space<hbm>>)
    %mul3A_61 = arith.constant 99 : i32
    %mul3A_62 = arith.constant 2000 : i32
    %mul3A_63 = arith.muli %mul3A_61, %mul3A_62 : i32
    %add3A_64 = arith.addi %mul3A_2, %mul3A_63 : i32
    %dma_wait3A_65 = tpu.memref_slice %arg10[%add3A_64] : memref<6400000xf32, #tpu.memory_space<hbm>> -> memref<2000xf32, #tpu.memory_space<hbm>>
    %dma_wait3A_66 = tpu.memref_slice %arg10[%add3A_64] : memref<6400000xf32, #tpu.memory_space<hbm>> -> memref<2000xf32, #tpu.memory_space<hbm>>
    tpu.wait_dma2 semaphore(%arg28 : memref<!tpu.dma_semaphore, #tpu.memory_space<semaphore_mem>>) src(%arg24 : memref<2000xf32, #tpu.memory_space<vmem>>) dst(%dma_wait3A_66 : memref<2000xf32, #tpu.memory_space<hbm>>)
    %while3A_67 = arith.constant 0 : i32
    %while3A_68 = arith.constant 0 : i32
    %while3A_69 = arith.constant 784 : i32
    %while3A_70 = arith.subi %while3A_69, %while3A_68 : i32
    %while3A_71 = arith.addi %while3A_68, %while3A_70 : i32
    %while3A_72 = arith.constant 1 : i32
    %while3A_73 = arith.divsi %while3A_70, %while3A_72 : i32
    %while3A_74 = arith.muli %while3A_73, %while3A_72 : i32
    %while3A_75 = arith.addi %while3A_68, %while3A_74 : i32
    %while3A_76 = arith.constant 1 : i32
    scf.for %while3A_185 = %while3A_68 to %while3A_75 step %while3A_76  : i32 {
      %mul3A_186 = arith.constant 128 : i32
      %mul3A_187 = arith.muli %while3A_185, %mul3A_186 : i32
      %broadcast_in_dim3A_188 = arith.constant 0.000000e+00 : f32
      %broadcast_in_dim3A_189 = vector.broadcast %broadcast_in_dim3A_188 : f32 to vector<16xf32>
      %add3A_190 = arith.constant 0 : i32
      %add3A_191 = arith.addi %mul3A_187, %add3A_190 : i32
      %swap3A = arith.index_cast %add3A_191 : i32 to index
      %swap3A_192 = tpu.vector_load %arg12[%swap3A] {strides = array<i32>} : memref<100352xf32, #tpu.memory_space<vmem>>, vector<16xf32>,
      tpu.vector_store %arg12[%swap3A], %broadcast_in_dim3A_189 {strides = array<i32>} : memref<100352xf32, #tpu.memory_space<vmem>>, vector<16xf32>,
      %broadcast_in_dim3A_193 = arith.constant 0.000000e+00 : f32
      %broadcast_in_dim3A_194 = vector.broadcast %broadcast_in_dim3A_193 : f32 to vector<16xf32>
      %add3A_195 = arith.constant 16 : i32
      %add3A_196 = arith.addi %mul3A_187, %add3A_195 : i32
      %swap3A_197 = arith.index_cast %add3A_196 : i32 to index
      %swap3A_198 = tpu.vector_load %arg12[%swap3A_197] {strides = array<i32>} : memref<100352xf32, #tpu.memory_space<vmem>>, vector<16xf32>,
      tpu.vector_store %arg12[%swap3A_197], %broadcast_in_dim3A_194 {strides = array<i32>} : memref<100352xf32, #tpu.memory_space<vmem>>, vector<16xf32>,
      %broadcast_in_dim3A_199 = arith.constant 0.000000e+00 : f32
      %broadcast_in_dim3A_200 = vector.broadcast %broadcast_in_dim3A_199 : f32 to vector<16xf32>
      %add3A_201 = arith.constant 32 : i32
      %add3A_202 = arith.addi %mul3A_187, %add3A_201 : i32
      %swap3A_203 = arith.index_cast %add3A_202 : i32 to index
      %swap3A_204 = tpu.vector_load %arg12[%swap3A_203] {strides = array<i32>} : memref<100352xf32, #tpu.memory_space<vmem>>, vector<16xf32>,
      tpu.vector_store %arg12[%swap3A_203], %broadcast_in_dim3A_200 {strides = array<i32>} : memref<100352xf32, #tpu.memory_space<vmem>>, vector<16xf32>,
      %broadcast_in_dim3A_205 = arith.constant 0.000000e+00 : f32
      %broadcast_in_dim3A_206 = vector.broadcast %broadcast_in_dim3A_205 : f32 to vector<16xf32>
      %add3A_207 = arith.constant 48 : i32
      %add3A_208 = arith.addi %mul3A_187, %add3A_207 : i32
      %swap3A_209 = arith.index_cast %add3A_208 : i32 to index
      %swap3A_210 = tpu.vector_load %arg12[%swap3A_209] {strides = array<i32>} : memref<100352xf32, #tpu.memory_space<vmem>>, vector<16xf32>,
      tpu.vector_store %arg12[%swap3A_209], %broadcast_in_dim3A_206 {strides = array<i32>} : memref<100352xf32, #tpu.memory_space<vmem>>, vector<16xf32>,
      %broadcast_in_dim3A_211 = arith.constant 0.000000e+00 : f32
      %broadcast_in_dim3A_212 = vector.broadcast %broadcast_in_dim3A_211 : f32 to vector<16xf32>
      %add3A_213 = arith.constant 64 : i32
      %add3A_214 = arith.addi %mul3A_187, %add3A_213 : i32
      %swap3A_215 = arith.index_cast %add3A_214 : i32 to index
      %swap3A_216 = tpu.vector_load %arg12[%swap3A_215] {strides = array<i32>} : memref<100352xf32, #tpu.memory_space<vmem>>, vector<16xf32>,
      tpu.vector_store %arg12[%swap3A_215], %broadcast_in_dim3A_212 {strides = array<i32>} : memref<100352xf32, #tpu.memory_space<vmem>>, vector<16xf32>,
      %broadcast_in_dim3A_217 = arith.constant 0.000000e+00 : f32
      %broadcast_in_dim3A_218 = vector.broadcast %broadcast_in_dim3A_217 : f32 to vector<16xf32>
      %add3A_219 = arith.constant 80 : i32
      %add3A_220 = arith.addi %mul3A_187, %add3A_219 : i32
      %swap3A_221 = arith.index_cast %add3A_220 : i32 to index
      %swap3A_222 = tpu.vector_load %arg12[%swap3A_221] {strides = array<i32>} : memref<100352xf32, #tpu.memory_space<vmem>>, vector<16xf32>,
      tpu.vector_store %arg12[%swap3A_221], %broadcast_in_dim3A_218 {strides = array<i32>} : memref<100352xf32, #tpu.memory_space<vmem>>, vector<16xf32>,
      %broadcast_in_dim3A_223 = arith.constant 0.000000e+00 : f32
      %broadcast_in_dim3A_224 = vector.broadcast %broadcast_in_dim3A_223 : f32 to vector<16xf32>
      %add3A_225 = arith.constant 96 : i32
      %add3A_226 = arith.addi %mul3A_187, %add3A_225 : i32
      %swap3A_227 = arith.index_cast %add3A_226 : i32 to index
      %swap3A_228 = tpu.vector_load %arg12[%swap3A_227] {strides = array<i32>} : memref<100352xf32, #tpu.memory_space<vmem>>, vector<16xf32>,
      tpu.vector_store %arg12[%swap3A_227], %broadcast_in_dim3A_224 {strides = array<i32>} : memref<100352xf32, #tpu.memory_space<vmem>>, vector<16xf32>,
      %broadcast_in_dim3A_229 = arith.constant 0.000000e+00 : f32
      %broadcast_in_dim3A_230 = vector.broadcast %broadcast_in_dim3A_229 : f32 to vector<16xf32>
      %add3A_231 = arith.constant 112 : i32
      %add3A_232 = arith.addi %mul3A_187, %add3A_231 : i32
      %swap3A_233 = arith.index_cast %add3A_232 : i32 to index
      %swap3A_234 = tpu.vector_load %arg12[%swap3A_233] {strides = array<i32>} : memref<100352xf32, #tpu.memory_space<vmem>>, vector<16xf32>,
      tpu.vector_store %arg12[%swap3A_233], %broadcast_in_dim3A_230 {strides = array<i32>} : memref<100352xf32, #tpu.memory_space<vmem>>, vector<16xf32>,
    }
    %while3A_77 = arith.constant 1 : i32
    scf.for %while3A_185 = %while3A_75 to %while3A_71 step %while3A_77  : i32 {
      %mul3A_186 = arith.constant 128 : i32
      %mul3A_187 = arith.muli %while3A_185, %mul3A_186 : i32
      %broadcast_in_dim3A_188 = arith.constant 0.000000e+00 : f32
      %broadcast_in_dim3A_189 = vector.broadcast %broadcast_in_dim3A_188 : f32 to vector<16xf32>
      %add3A_190 = arith.constant 0 : i32
      %add3A_191 = arith.addi %mul3A_187, %add3A_190 : i32
      %swap3A = arith.index_cast %add3A_191 : i32 to index
      %swap3A_192 = tpu.vector_load %arg12[%swap3A] {strides = array<i32>} : memref<100352xf32, #tpu.memory_space<vmem>>, vector<16xf32>,
      tpu.vector_store %arg12[%swap3A], %broadcast_in_dim3A_189 {strides = array<i32>} : memref<100352xf32, #tpu.memory_space<vmem>>, vector<16xf32>,
      %broadcast_in_dim3A_193 = arith.constant 0.000000e+00 : f32
      %broadcast_in_dim3A_194 = vector.broadcast %broadcast_in_dim3A_193 : f32 to vector<16xf32>
      %add3A_195 = arith.constant 16 : i32
      %add3A_196 = arith.addi %mul3A_187, %add3A_195 : i32
      %swap3A_197 = arith.index_cast %add3A_196 : i32 to index
      %swap3A_198 = tpu.vector_load %arg12[%swap3A_197] {strides = array<i32>} : memref<100352xf32, #tpu.memory_space<vmem>>, vector<16xf32>,
      tpu.vector_store %arg12[%swap3A_197], %broadcast_in_dim3A_194 {strides = array<i32>} : memref<100352xf32, #tpu.memory_space<vmem>>, vector<16xf32>,
      %broadcast_in_dim3A_199 = arith.constant 0.000000e+00 : f32
      %broadcast_in_dim3A_200 = vector.broadcast %broadcast_in_dim3A_199 : f32 to vector<16xf32>
      %add3A_201 = arith.constant 32 : i32
      %add3A_202 = arith.addi %mul3A_187, %add3A_201 : i32
      %swap3A_203 = arith.index_cast %add3A_202 : i32 to index
      %swap3A_204 = tpu.vector_load %arg12[%swap3A_203] {strides = array<i32>} : memref<100352xf32, #tpu.memory_space<vmem>>, vector<16xf32>,
      tpu.vector_store %arg12[%swap3A_203], %broadcast_in_dim3A_200 {strides = array<i32>} : memref<100352xf32, #tpu.memory_space<vmem>>, vector<16xf32>,
      %broadcast_in_dim3A_205 = arith.constant 0.000000e+00 : f32
      %broadcast_in_dim3A_206 = vector.broadcast %broadcast_in_dim3A_205 : f32 to vector<16xf32>
      %add3A_207 = arith.constant 48 : i32
      %add3A_208 = arith.addi %mul3A_187, %add3A_207 : i32
      %swap3A_209 = arith.index_cast %add3A_208 : i32 to index
      %swap3A_210 = tpu.vector_load %arg12[%swap3A_209] {strides = array<i32>} : memref<100352xf32, #tpu.memory_space<vmem>>, vector<16xf32>,
      tpu.vector_store %arg12[%swap3A_209], %broadcast_in_dim3A_206 {strides = array<i32>} : memref<100352xf32, #tpu.memory_space<vmem>>, vector<16xf32>,
      %broadcast_in_dim3A_211 = arith.constant 0.000000e+00 : f32
      %broadcast_in_dim3A_212 = vector.broadcast %broadcast_in_dim3A_211 : f32 to vector<16xf32>
      %add3A_213 = arith.constant 64 : i32
      %add3A_214 = arith.addi %mul3A_187, %add3A_213 : i32
      %swap3A_215 = arith.index_cast %add3A_214 : i32 to index
      %swap3A_216 = tpu.vector_load %arg12[%swap3A_215] {strides = array<i32>} : memref<100352xf32, #tpu.memory_space<vmem>>, vector<16xf32>,
      tpu.vector_store %arg12[%swap3A_215], %broadcast_in_dim3A_212 {strides = array<i32>} : memref<100352xf32, #tpu.memory_space<vmem>>, vector<16xf32>,
      %broadcast_in_dim3A_217 = arith.constant 0.000000e+00 : f32
      %broadcast_in_dim3A_218 = vector.broadcast %broadcast_in_dim3A_217 : f32 to vector<16xf32>
      %add3A_219 = arith.constant 80 : i32
      %add3A_220 = arith.addi %mul3A_187, %add3A_219 : i32
      %swap3A_221 = arith.index_cast %add3A_220 : i32 to index
      %swap3A_222 = tpu.vector_load %arg12[%swap3A_221] {strides = array<i32>} : memref<100352xf32, #tpu.memory_space<vmem>>, vector<16xf32>,
      tpu.vector_store %arg12[%swap3A_221], %broadcast_in_dim3A_218 {strides = array<i32>} : memref<100352xf32, #tpu.memory_space<vmem>>, vector<16xf32>,
      %broadcast_in_dim3A_223 = arith.constant 0.000000e+00 : f32
      %broadcast_in_dim3A_224 = vector.broadcast %broadcast_in_dim3A_223 : f32 to vector<16xf32>
      %add3A_225 = arith.constant 96 : i32
      %add3A_226 = arith.addi %mul3A_187, %add3A_225 : i32
      %swap3A_227 = arith.index_cast %add3A_226 : i32 to index
      %swap3A_228 = tpu.vector_load %arg12[%swap3A_227] {strides = array<i32>} : memref<100352xf32, #tpu.memory_space<vmem>>, vector<16xf32>,
      tpu.vector_store %arg12[%swap3A_227], %broadcast_in_dim3A_224 {strides = array<i32>} : memref<100352xf32, #tpu.memory_space<vmem>>, vector<16xf32>,
      %broadcast_in_dim3A_229 = arith.constant 0.000000e+00 : f32
      %broadcast_in_dim3A_230 = vector.broadcast %broadcast_in_dim3A_229 : f32 to vector<16xf32>
      %add3A_231 = arith.constant 112 : i32
      %add3A_232 = arith.addi %mul3A_187, %add3A_231 : i32
      %swap3A_233 = arith.index_cast %add3A_232 : i32 to index
      %swap3A_234 = tpu.vector_load %arg12[%swap3A_233] {strides = array<i32>} : memref<100352xf32, #tpu.memory_space<vmem>>, vector<16xf32>,
      tpu.vector_store %arg12[%swap3A_233], %broadcast_in_dim3A_230 {strides = array<i32>} : memref<100352xf32, #tpu.memory_space<vmem>>, vector<16xf32>,
    }
    %mul3A_78 = arith.constant 0 : i32
    %mul3A_79 = arith.constant 2000 : i32
    %mul3A_80 = arith.muli %mul3A_78, %mul3A_79 : i32
    %add3A_81 = arith.addi %mul3A_2, %mul3A_80 : i32
    %dma_start3A_82 = tpu.memref_slice %arg2[%add3A_81] : memref<6400000xi32, #tpu.memory_space<hbm>> -> memref<2000xi32, #tpu.memory_space<hbm>>
    %dma_start3A_83 = tpu.memref_slice %arg2[%add3A_81] : memref<6400000xi32, #tpu.memory_space<hbm>> -> memref<2000xi32, #tpu.memory_space<hbm>>
    tpu.enqueue_dma source(%dma_start3A_83 : memref<2000xi32, #tpu.memory_space<hbm>>) target(%arg13 : memref<2000xi32, #tpu.memory_space<vmem>>) target_semaphore(%arg25 : memref<!tpu.dma_semaphore, #tpu.memory_space<semaphore_mem>>)
    %dma_start3A_84 = tpu.memref_slice %arg3[%add3A_81] : memref<6400000xi32, #tpu.memory_space<hbm>> -> memref<2000xi32, #tpu.memory_space<hbm>>
    %dma_start3A_85 = tpu.memref_slice %arg3[%add3A_81] : memref<6400000xi32, #tpu.memory_space<hbm>> -> memref<2000xi32, #tpu.memory_space<hbm>>
    tpu.enqueue_dma source(%dma_start3A_85 : memref<2000xi32, #tpu.memory_space<hbm>>) target(%arg15 : memref<2000xi32, #tpu.memory_space<vmem>>) target_semaphore(%arg25 : memref<!tpu.dma_semaphore, #tpu.memory_space<semaphore_mem>>)
    %dma_start3A_86 = tpu.memref_slice %arg10[%add3A_81] : memref<6400000xf32, #tpu.memory_space<hbm>> -> memref<2000xf32, #tpu.memory_space<hbm>>
    %dma_start3A_87 = tpu.memref_slice %arg10[%add3A_81] : memref<6400000xf32, #tpu.memory_space<hbm>> -> memref<2000xf32, #tpu.memory_space<hbm>>
    tpu.enqueue_dma source(%dma_start3A_87 : memref<2000xf32, #tpu.memory_space<hbm>>) target(%arg23 : memref<2000xf32, #tpu.memory_space<vmem>>) target_semaphore(%arg25 : memref<!tpu.dma_semaphore, #tpu.memory_space<semaphore_mem>>)
    %while3A_88 = arith.constant 0 : i32
    %while3A_89 = arith.constant 0 : i32
    %while3A_90 = arith.constant 50 : i32
    %while3A_91 = arith.subi %while3A_90, %while3A_89 : i32
    %while3A_92 = arith.addi %while3A_89, %while3A_91 : i32
    %while3A_93 = arith.constant 1 : i32
    %while3A_94 = arith.divsi %while3A_91, %while3A_93 : i32
    %while3A_95 = arith.muli %while3A_94, %while3A_93 : i32
    %while3A_96 = arith.addi %while3A_89, %while3A_95 : i32
    %while3A_97 = arith.constant 1 : i32
    scf.for %while3A_185 = %while3A_89 to %while3A_96 step %while3A_97  : i32 {
      %mul3A_186 = arith.constant 2 : i32
      %mul3A_187 = arith.muli %while3A_185, %mul3A_186 : i32
      %add3A_188 = arith.constant 1 : i32
      %add3A_189 = arith.addi %mul3A_187, %add3A_188 : i32
      %mul3A_190 = arith.constant 2000 : i32
      %mul3A_191 = arith.muli %add3A_189, %mul3A_190 : i32
      %add3A_192 = arith.addi %mul3A_2, %mul3A_191 : i32
      %dma_start3A_193 = tpu.memref_slice %arg2[%add3A_192] : memref<6400000xi32, #tpu.memory_space<hbm>> -> memref<2000xi32, #tpu.memory_space<hbm>>
      %dma_start3A_194 = tpu.memref_slice %arg2[%add3A_192] : memref<6400000xi32, #tpu.memory_space<hbm>> -> memref<2000xi32, #tpu.memory_space<hbm>>
      tpu.enqueue_dma source(%dma_start3A_194 : memref<2000xi32, #tpu.memory_space<hbm>>) target(%arg14 : memref<2000xi32, #tpu.memory_space<vmem>>) target_semaphore(%arg26 : memref<!tpu.dma_semaphore, #tpu.memory_space<semaphore_mem>>)
      %dma_start3A_195 = tpu.memref_slice %arg3[%add3A_192] : memref<6400000xi32, #tpu.memory_space<hbm>> -> memref<2000xi32, #tpu.memory_space<hbm>>
      %dma_start3A_196 = tpu.memref_slice %arg3[%add3A_192] : memref<6400000xi32, #tpu.memory_space<hbm>> -> memref<2000xi32, #tpu.memory_space<hbm>>
      tpu.enqueue_dma source(%dma_start3A_196 : memref<2000xi32, #tpu.memory_space<hbm>>) target(%arg16 : memref<2000xi32, #tpu.memory_space<vmem>>) target_semaphore(%arg26 : memref<!tpu.dma_semaphore, #tpu.memory_space<semaphore_mem>>)
      %dma_start3A_197 = tpu.memref_slice %arg10[%add3A_192] : memref<6400000xf32, #tpu.memory_space<hbm>> -> memref<2000xf32, #tpu.memory_space<hbm>>
      %dma_start3A_198 = tpu.memref_slice %arg10[%add3A_192] : memref<6400000xf32, #tpu.memory_space<hbm>> -> memref<2000xf32, #tpu.memory_space<hbm>>
      tpu.enqueue_dma source(%dma_start3A_198 : memref<2000xf32, #tpu.memory_space<hbm>>) target(%arg24 : memref<2000xf32, #tpu.memory_space<vmem>>) target_semaphore(%arg26 : memref<!tpu.dma_semaphore, #tpu.memory_space<semaphore_mem>>)
      %mul3A_199 = arith.constant 2000 : i32
      %mul3A_200 = arith.muli %mul3A_187, %mul3A_199 : i32
      %add3A_201 = arith.addi %mul3A_2, %mul3A_200 : i32
      %dma_wait3A_202 = tpu.memref_slice %arg2[%add3A_201] : memref<6400000xi32, #tpu.memory_space<hbm>> -> memref<2000xi32, #tpu.memory_space<hbm>>
      %dma_wait3A_203 = tpu.memref_slice %arg2[%add3A_201] : memref<6400000xi32, #tpu.memory_space<hbm>> -> memref<2000xi32, #tpu.memory_space<hbm>>
      tpu.wait_dma2 semaphore(%arg25 : memref<!tpu.dma_semaphore, #tpu.memory_space<semaphore_mem>>) src(%dma_wait3A_203 : memref<2000xi32, #tpu.memory_space<hbm>>) dst(%arg13 : memref<2000xi32, #tpu.memory_space<vmem>>)
      %dma_wait3A_204 = tpu.memref_slice %arg3[%add3A_201] : memref<6400000xi32, #tpu.memory_space<hbm>> -> memref<2000xi32, #tpu.memory_space<hbm>>
      %dma_wait3A_205 = tpu.memref_slice %arg3[%add3A_201] : memref<6400000xi32, #tpu.memory_space<hbm>> -> memref<2000xi32, #tpu.memory_space<hbm>>
      tpu.wait_dma2 semaphore(%arg25 : memref<!tpu.dma_semaphore, #tpu.memory_space<semaphore_mem>>) src(%dma_wait3A_205 : memref<2000xi32, #tpu.memory_space<hbm>>) dst(%arg15 : memref<2000xi32, #tpu.memory_space<vmem>>)
      %dma_wait3A_206 = tpu.memref_slice %arg10[%add3A_201] : memref<6400000xf32, #tpu.memory_space<hbm>> -> memref<2000xf32, #tpu.memory_space<hbm>>
      %dma_wait3A_207 = tpu.memref_slice %arg10[%add3A_201] : memref<6400000xf32, #tpu.memory_space<hbm>> -> memref<2000xf32, #tpu.memory_space<hbm>>
      tpu.wait_dma2 semaphore(%arg25 : memref<!tpu.dma_semaphore, #tpu.memory_space<semaphore_mem>>) src(%dma_wait3A_207 : memref<2000xf32, #tpu.memory_space<hbm>>) dst(%arg23 : memref<2000xf32, #tpu.memory_space<vmem>>)
      %while3A_208 = arith.constant 0 : i32
      %while3A_209 = arith.constant 0 : i32
      %while3A_210 = arith.constant 25 : i32
      %while3A_211 = arith.subi %while3A_210, %while3A_209 : i32
      %while3A_212 = arith.addi %while3A_209, %while3A_211 : i32
      %while3A_213 = arith.constant 1 : i32
      %while3A_214 = arith.divsi %while3A_211, %while3A_213 : i32
      %while3A_215 = arith.muli %while3A_214, %while3A_213 : i32
      %while3A_216 = arith.addi %while3A_209, %while3A_215 : i32
      %while3A_217 = arith.constant 1 : i32
      scf.for %while3A_241 = %while3A_209 to %while3A_216 step %while3A_217  : i32 {
        %mul3A_242 = arith.constant 80 : i32
        %mul3A_243 = arith.muli %while3A_241, %mul3A_242 : i32
        %add3A_244 = arith.constant 0 : i32
        %add3A_245 = arith.addi %mul3A_243, %add3A_244 : i32
        %get3A = arith.index_cast %add3A_245 : i32 to index
        %get3A_246 = tpu.vector_load %arg13[%get3A] {strides = array<i32>} : memref<2000xi32, #tpu.memory_space<vmem>>, vector<16xi32>,
        %get3A_247 = arith.index_cast %add3A_245 : i32 to index
        %get3A_248 = tpu.vector_load %arg15[%get3A_247] {strides = array<i32>} : memref<2000xi32, #tpu.memory_space<vmem>>, vector<16xi32>,
        %max3A = arith.maxsi %get3A_246, %broadcast_in_dim3A_5 : vector<16xi32>
        %min3A = arith.minsi %max3A, %broadcast_in_dim3A_3 : vector<16xi32>
        %max3A_249 = arith.maxsi %get3A_248, %broadcast_in_dim3A_5 : vector<16xi32>
        %min3A_250 = arith.minsi %max3A_249, %broadcast_in_dim3A_3 : vector<16xi32>
        %get3A_251 = arith.index_cast %add3A_245 : i32 to index
        %get3A_252 = tpu.vector_load %arg23[%get3A_251] {strides = array<i32>} : memref<2000xf32, #tpu.memory_space<vmem>>, vector<16xf32>,
        tpu.vector_store_idx %arg12[%min3A], %get3A_252 {add = true} : memref<100352xf32, #tpu.memory_space<vmem>>[vector<16xi32>], vector<16xf32>,
        %neg3A = arith.constant 0.000000e+00 : f32
        %neg3A_253 = vector.broadcast %neg3A : f32 to vector<16xf32>
        %neg3A_254 = arith.subf %neg3A_253, %get3A_252 : vector<16xf32>
        tpu.vector_store_idx %arg12[%min3A_250], %neg3A_254 {add = true} : memref<100352xf32, #tpu.memory_space<vmem>>[vector<16xi32>], vector<16xf32>,
        %add3A_255 = arith.constant 16 : i32
        %add3A_256 = arith.addi %mul3A_243, %add3A_255 : i32
        %get3A_257 = arith.index_cast %add3A_256 : i32 to index
        %get3A_258 = tpu.vector_load %arg13[%get3A_257] {strides = array<i32>} : memref<2000xi32, #tpu.memory_space<vmem>>, vector<16xi32>,
        %get3A_259 = arith.index_cast %add3A_256 : i32 to index
        %get3A_260 = tpu.vector_load %arg15[%get3A_259] {strides = array<i32>} : memref<2000xi32, #tpu.memory_space<vmem>>, vector<16xi32>,
        %max3A_261 = arith.maxsi %get3A_258, %broadcast_in_dim3A_5 : vector<16xi32>
        %min3A_262 = arith.minsi %max3A_261, %broadcast_in_dim3A_3 : vector<16xi32>
        %max3A_263 = arith.maxsi %get3A_260, %broadcast_in_dim3A_5 : vector<16xi32>
        %min3A_264 = arith.minsi %max3A_263, %broadcast_in_dim3A_3 : vector<16xi32>
        %get3A_265 = arith.index_cast %add3A_256 : i32 to index
        %get3A_266 = tpu.vector_load %arg23[%get3A_265] {strides = array<i32>} : memref<2000xf32, #tpu.memory_space<vmem>>, vector<16xf32>,
        tpu.vector_store_idx %arg12[%min3A_262], %get3A_266 {add = true} : memref<100352xf32, #tpu.memory_space<vmem>>[vector<16xi32>], vector<16xf32>,
        %neg3A_267 = arith.constant 0.000000e+00 : f32
        %neg3A_268 = vector.broadcast %neg3A_267 : f32 to vector<16xf32>
        %neg3A_269 = arith.subf %neg3A_268, %get3A_266 : vector<16xf32>
        tpu.vector_store_idx %arg12[%min3A_264], %neg3A_269 {add = true} : memref<100352xf32, #tpu.memory_space<vmem>>[vector<16xi32>], vector<16xf32>,
        %add3A_270 = arith.constant 32 : i32
        %add3A_271 = arith.addi %mul3A_243, %add3A_270 : i32
        %get3A_272 = arith.index_cast %add3A_271 : i32 to index
        %get3A_273 = tpu.vector_load %arg13[%get3A_272] {strides = array<i32>} : memref<2000xi32, #tpu.memory_space<vmem>>, vector<16xi32>,
        %get3A_274 = arith.index_cast %add3A_271 : i32 to index
        %get3A_275 = tpu.vector_load %arg15[%get3A_274] {strides = array<i32>} : memref<2000xi32, #tpu.memory_space<vmem>>, vector<16xi32>,
        %max3A_276 = arith.maxsi %get3A_273, %broadcast_in_dim3A_5 : vector<16xi32>
        %min3A_277 = arith.minsi %max3A_276, %broadcast_in_dim3A_3 : vector<16xi32>
        %max3A_278 = arith.maxsi %get3A_275, %broadcast_in_dim3A_5 : vector<16xi32>
        %min3A_279 = arith.minsi %max3A_278, %broadcast_in_dim3A_3 : vector<16xi32>
        %get3A_280 = arith.index_cast %add3A_271 : i32 to index
        %get3A_281 = tpu.vector_load %arg23[%get3A_280] {strides = array<i32>} : memref<2000xf32, #tpu.memory_space<vmem>>, vector<16xf32>,
        tpu.vector_store_idx %arg12[%min3A_277], %get3A_281 {add = true} : memref<100352xf32, #tpu.memory_space<vmem>>[vector<16xi32>], vector<16xf32>,
        %neg3A_282 = arith.constant 0.000000e+00 : f32
        %neg3A_283 = vector.broadcast %neg3A_282 : f32 to vector<16xf32>
        %neg3A_284 = arith.subf %neg3A_283, %get3A_281 : vector<16xf32>
        tpu.vector_store_idx %arg12[%min3A_279], %neg3A_284 {add = true} : memref<100352xf32, #tpu.memory_space<vmem>>[vector<16xi32>], vector<16xf32>,
        %add3A_285 = arith.constant 48 : i32
        %add3A_286 = arith.addi %mul3A_243, %add3A_285 : i32
        %get3A_287 = arith.index_cast %add3A_286 : i32 to index
        %get3A_288 = tpu.vector_load %arg13[%get3A_287] {strides = array<i32>} : memref<2000xi32, #tpu.memory_space<vmem>>, vector<16xi32>,
        %get3A_289 = arith.index_cast %add3A_286 : i32 to index
        %get3A_290 = tpu.vector_load %arg15[%get3A_289] {strides = array<i32>} : memref<2000xi32, #tpu.memory_space<vmem>>, vector<16xi32>,
        %max3A_291 = arith.maxsi %get3A_288, %broadcast_in_dim3A_5 : vector<16xi32>
        %min3A_292 = arith.minsi %max3A_291, %broadcast_in_dim3A_3 : vector<16xi32>
        %max3A_293 = arith.maxsi %get3A_290, %broadcast_in_dim3A_5 : vector<16xi32>
        %min3A_294 = arith.minsi %max3A_293, %broadcast_in_dim3A_3 : vector<16xi32>
        %get3A_295 = arith.index_cast %add3A_286 : i32 to index
        %get3A_296 = tpu.vector_load %arg23[%get3A_295] {strides = array<i32>} : memref<2000xf32, #tpu.memory_space<vmem>>, vector<16xf32>,
        tpu.vector_store_idx %arg12[%min3A_292], %get3A_296 {add = true} : memref<100352xf32, #tpu.memory_space<vmem>>[vector<16xi32>], vector<16xf32>,
        %neg3A_297 = arith.constant 0.000000e+00 : f32
        %neg3A_298 = vector.broadcast %neg3A_297 : f32 to vector<16xf32>
        %neg3A_299 = arith.subf %neg3A_298, %get3A_296 : vector<16xf32>
        tpu.vector_store_idx %arg12[%min3A_294], %neg3A_299 {add = true} : memref<100352xf32, #tpu.memory_space<vmem>>[vector<16xi32>], vector<16xf32>,
        %add3A_300 = arith.constant 64 : i32
        %add3A_301 = arith.addi %mul3A_243, %add3A_300 : i32
        %get3A_302 = arith.index_cast %add3A_301 : i32 to index
        %get3A_303 = tpu.vector_load %arg13[%get3A_302] {strides = array<i32>} : memref<2000xi32, #tpu.memory_space<vmem>>, vector<16xi32>,
        %get3A_304 = arith.index_cast %add3A_301 : i32 to index
        %get3A_305 = tpu.vector_load %arg15[%get3A_304] {strides = array<i32>} : memref<2000xi32, #tpu.memory_space<vmem>>, vector<16xi32>,
        %max3A_306 = arith.maxsi %get3A_303, %broadcast_in_dim3A_5 : vector<16xi32>
        %min3A_307 = arith.minsi %max3A_306, %broadcast_in_dim3A_3 : vector<16xi32>
        %max3A_308 = arith.maxsi %get3A_305, %broadcast_in_dim3A_5 : vector<16xi32>
        %min3A_309 = arith.minsi %max3A_308, %broadcast_in_dim3A_3 : vector<16xi32>
        %get3A_310 = arith.index_cast %add3A_301 : i32 to index
        %get3A_311 = tpu.vector_load %arg23[%get3A_310] {strides = array<i32>} : memref<2000xf32, #tpu.memory_space<vmem>>, vector<16xf32>,
        tpu.vector_store_idx %arg12[%min3A_307], %get3A_311 {add = true} : memref<100352xf32, #tpu.memory_space<vmem>>[vector<16xi32>], vector<16xf32>,
        %neg3A_312 = arith.constant 0.000000e+00 : f32
        %neg3A_313 = vector.broadcast %neg3A_312 : f32 to vector<16xf32>
        %neg3A_314 = arith.subf %neg3A_313, %get3A_311 : vector<16xf32>
        tpu.vector_store_idx %arg12[%min3A_309], %neg3A_314 {add = true} : memref<100352xf32, #tpu.memory_space<vmem>>[vector<16xi32>], vector<16xf32>,
      }
      %while3A_218 = arith.constant 1 : i32
      scf.for %while3A_241 = %while3A_216 to %while3A_212 step %while3A_218  : i32 {
        %mul3A_242 = arith.constant 80 : i32
        %mul3A_243 = arith.muli %while3A_241, %mul3A_242 : i32
        %add3A_244 = arith.constant 0 : i32
        %add3A_245 = arith.addi %mul3A_243, %add3A_244 : i32
        %get3A = arith.index_cast %add3A_245 : i32 to index
        %get3A_246 = tpu.vector_load %arg13[%get3A] {strides = array<i32>} : memref<2000xi32, #tpu.memory_space<vmem>>, vector<16xi32>,
        %get3A_247 = arith.index_cast %add3A_245 : i32 to index
        %get3A_248 = tpu.vector_load %arg15[%get3A_247] {strides = array<i32>} : memref<2000xi32, #tpu.memory_space<vmem>>, vector<16xi32>,
        %max3A = arith.maxsi %get3A_246, %broadcast_in_dim3A_5 : vector<16xi32>
        %min3A = arith.minsi %max3A, %broadcast_in_dim3A_3 : vector<16xi32>
        %max3A_249 = arith.maxsi %get3A_248, %broadcast_in_dim3A_5 : vector<16xi32>
        %min3A_250 = arith.minsi %max3A_249, %broadcast_in_dim3A_3 : vector<16xi32>
        %get3A_251 = arith.index_cast %add3A_245 : i32 to index
        %get3A_252 = tpu.vector_load %arg23[%get3A_251] {strides = array<i32>} : memref<2000xf32, #tpu.memory_space<vmem>>, vector<16xf32>,
        tpu.vector_store_idx %arg12[%min3A], %get3A_252 {add = true} : memref<100352xf32, #tpu.memory_space<vmem>>[vector<16xi32>], vector<16xf32>,
        %neg3A = arith.constant 0.000000e+00 : f32
        %neg3A_253 = vector.broadcast %neg3A : f32 to vector<16xf32>
        %neg3A_254 = arith.subf %neg3A_253, %get3A_252 : vector<16xf32>
        tpu.vector_store_idx %arg12[%min3A_250], %neg3A_254 {add = true} : memref<100352xf32, #tpu.memory_space<vmem>>[vector<16xi32>], vector<16xf32>,
        %add3A_255 = arith.constant 16 : i32
        %add3A_256 = arith.addi %mul3A_243, %add3A_255 : i32
        %get3A_257 = arith.index_cast %add3A_256 : i32 to index
        %get3A_258 = tpu.vector_load %arg13[%get3A_257] {strides = array<i32>} : memref<2000xi32, #tpu.memory_space<vmem>>, vector<16xi32>,
        %get3A_259 = arith.index_cast %add3A_256 : i32 to index
        %get3A_260 = tpu.vector_load %arg15[%get3A_259] {strides = array<i32>} : memref<2000xi32, #tpu.memory_space<vmem>>, vector<16xi32>,
        %max3A_261 = arith.maxsi %get3A_258, %broadcast_in_dim3A_5 : vector<16xi32>
        %min3A_262 = arith.minsi %max3A_261, %broadcast_in_dim3A_3 : vector<16xi32>
        %max3A_263 = arith.maxsi %get3A_260, %broadcast_in_dim3A_5 : vector<16xi32>
        %min3A_264 = arith.minsi %max3A_263, %broadcast_in_dim3A_3 : vector<16xi32>
        %get3A_265 = arith.index_cast %add3A_256 : i32 to index
        %get3A_266 = tpu.vector_load %arg23[%get3A_265] {strides = array<i32>} : memref<2000xf32, #tpu.memory_space<vmem>>, vector<16xf32>,
        tpu.vector_store_idx %arg12[%min3A_262], %get3A_266 {add = true} : memref<100352xf32, #tpu.memory_space<vmem>>[vector<16xi32>], vector<16xf32>,
        %neg3A_267 = arith.constant 0.000000e+00 : f32
        %neg3A_268 = vector.broadcast %neg3A_267 : f32 to vector<16xf32>
        %neg3A_269 = arith.subf %neg3A_268, %get3A_266 : vector<16xf32>
        tpu.vector_store_idx %arg12[%min3A_264], %neg3A_269 {add = true} : memref<100352xf32, #tpu.memory_space<vmem>>[vector<16xi32>], vector<16xf32>,
        %add3A_270 = arith.constant 32 : i32
        %add3A_271 = arith.addi %mul3A_243, %add3A_270 : i32
        %get3A_272 = arith.index_cast %add3A_271 : i32 to index
        %get3A_273 = tpu.vector_load %arg13[%get3A_272] {strides = array<i32>} : memref<2000xi32, #tpu.memory_space<vmem>>, vector<16xi32>,
        %get3A_274 = arith.index_cast %add3A_271 : i32 to index
        %get3A_275 = tpu.vector_load %arg15[%get3A_274] {strides = array<i32>} : memref<2000xi32, #tpu.memory_space<vmem>>, vector<16xi32>,
        %max3A_276 = arith.maxsi %get3A_273, %broadcast_in_dim3A_5 : vector<16xi32>
        %min3A_277 = arith.minsi %max3A_276, %broadcast_in_dim3A_3 : vector<16xi32>
        %max3A_278 = arith.maxsi %get3A_275, %broadcast_in_dim3A_5 : vector<16xi32>
        %min3A_279 = arith.minsi %max3A_278, %broadcast_in_dim3A_3 : vector<16xi32>
        %get3A_280 = arith.index_cast %add3A_271 : i32 to index
        %get3A_281 = tpu.vector_load %arg23[%get3A_280] {strides = array<i32>} : memref<2000xf32, #tpu.memory_space<vmem>>, vector<16xf32>,
        tpu.vector_store_idx %arg12[%min3A_277], %get3A_281 {add = true} : memref<100352xf32, #tpu.memory_space<vmem>>[vector<16xi32>], vector<16xf32>,
        %neg3A_282 = arith.constant 0.000000e+00 : f32
        %neg3A_283 = vector.broadcast %neg3A_282 : f32 to vector<16xf32>
        %neg3A_284 = arith.subf %neg3A_283, %get3A_281 : vector<16xf32>
        tpu.vector_store_idx %arg12[%min3A_279], %neg3A_284 {add = true} : memref<100352xf32, #tpu.memory_space<vmem>>[vector<16xi32>], vector<16xf32>,
        %add3A_285 = arith.constant 48 : i32
        %add3A_286 = arith.addi %mul3A_243, %add3A_285 : i32
        %get3A_287 = arith.index_cast %add3A_286 : i32 to index
        %get3A_288 = tpu.vector_load %arg13[%get3A_287] {strides = array<i32>} : memref<2000xi32, #tpu.memory_space<vmem>>, vector<16xi32>,
        %get3A_289 = arith.index_cast %add3A_286 : i32 to index
        %get3A_290 = tpu.vector_load %arg15[%get3A_289] {strides = array<i32>} : memref<2000xi32, #tpu.memory_space<vmem>>, vector<16xi32>,
        %max3A_291 = arith.maxsi %get3A_288, %broadcast_in_dim3A_5 : vector<16xi32>
        %min3A_292 = arith.minsi %max3A_291, %broadcast_in_dim3A_3 : vector<16xi32>
        %max3A_293 = arith.maxsi %get3A_290, %broadcast_in_dim3A_5 : vector<16xi32>
        %min3A_294 = arith.minsi %max3A_293, %broadcast_in_dim3A_3 : vector<16xi32>
        %get3A_295 = arith.index_cast %add3A_286 : i32 to index
        %get3A_296 = tpu.vector_load %arg23[%get3A_295] {strides = array<i32>} : memref<2000xf32, #tpu.memory_space<vmem>>, vector<16xf32>,
        tpu.vector_store_idx %arg12[%min3A_292], %get3A_296 {add = true} : memref<100352xf32, #tpu.memory_space<vmem>>[vector<16xi32>], vector<16xf32>,
        %neg3A_297 = arith.constant 0.000000e+00 : f32
        %neg3A_298 = vector.broadcast %neg3A_297 : f32 to vector<16xf32>
        %neg3A_299 = arith.subf %neg3A_298, %get3A_296 : vector<16xf32>
        tpu.vector_store_idx %arg12[%min3A_294], %neg3A_299 {add = true} : memref<100352xf32, #tpu.memory_space<vmem>>[vector<16xi32>], vector<16xf32>,
        %add3A_300 = arith.constant 64 : i32
        %add3A_301 = arith.addi %mul3A_243, %add3A_300 : i32
        %get3A_302 = arith.index_cast %add3A_301 : i32 to index
        %get3A_303 = tpu.vector_load %arg13[%get3A_302] {strides = array<i32>} : memref<2000xi32, #tpu.memory_space<vmem>>, vector<16xi32>,
        %get3A_304 = arith.index_cast %add3A_301 : i32 to index
        %get3A_305 = tpu.vector_load %arg15[%get3A_304] {strides = array<i32>} : memref<2000xi32, #tpu.memory_space<vmem>>, vector<16xi32>,
        %max3A_306 = arith.maxsi %get3A_303, %broadcast_in_dim3A_5 : vector<16xi32>
        %min3A_307 = arith.minsi %max3A_306, %broadcast_in_dim3A_3 : vector<16xi32>
        %max3A_308 = arith.maxsi %get3A_305, %broadcast_in_dim3A_5 : vector<16xi32>
        %min3A_309 = arith.minsi %max3A_308, %broadcast_in_dim3A_3 : vector<16xi32>
        %get3A_310 = arith.index_cast %add3A_301 : i32 to index
        %get3A_311 = tpu.vector_load %arg23[%get3A_310] {strides = array<i32>} : memref<2000xf32, #tpu.memory_space<vmem>>, vector<16xf32>,
        tpu.vector_store_idx %arg12[%min3A_307], %get3A_311 {add = true} : memref<100352xf32, #tpu.memory_space<vmem>>[vector<16xi32>], vector<16xf32>,
        %neg3A_312 = arith.constant 0.000000e+00 : f32
        %neg3A_313 = vector.broadcast %neg3A_312 : f32 to vector<16xf32>
        %neg3A_314 = arith.subf %neg3A_313, %get3A_311 : vector<16xf32>
        tpu.vector_store_idx %arg12[%min3A_309], %neg3A_314 {add = true} : memref<100352xf32, #tpu.memory_space<vmem>>[vector<16xi32>], vector<16xf32>,
      }
      %lt3A = arith.constant 49 : i32
      %lt3A_219 = arith.cmpi slt, %while3A_185, %lt3A : i32
      %convert_element_type3A = arith.extui %lt3A_219 : i1 to i32
      %cond3A = arith.constant 0 : i32
      %cond3A_220 = arith.cmpi ne, %convert_element_type3A, %cond3A : i32
      scf.if %cond3A_220 {
        %add3A_241 = arith.constant 2 : i32
        %add3A_242 = arith.addi %mul3A_187, %add3A_241 : i32
        %mul3A_243 = arith.constant 2000 : i32
        %mul3A_244 = arith.muli %add3A_242, %mul3A_243 : i32
        %add3A_245 = arith.addi %mul3A_2, %mul3A_244 : i32
        %dma_start3A_246 = tpu.memref_slice %arg2[%add3A_245] : memref<6400000xi32, #tpu.memory_space<hbm>> -> memref<2000xi32, #tpu.memory_space<hbm>>
        %dma_start3A_247 = tpu.memref_slice %arg2[%add3A_245] : memref<6400000xi32, #tpu.memory_space<hbm>> -> memref<2000xi32, #tpu.memory_space<hbm>>
        tpu.enqueue_dma source(%dma_start3A_247 : memref<2000xi32, #tpu.memory_space<hbm>>) target(%arg13 : memref<2000xi32, #tpu.memory_space<vmem>>) target_semaphore(%arg25 : memref<!tpu.dma_semaphore, #tpu.memory_space<semaphore_mem>>)
        %dma_start3A_248 = tpu.memref_slice %arg3[%add3A_245] : memref<6400000xi32, #tpu.memory_space<hbm>> -> memref<2000xi32, #tpu.memory_space<hbm>>
        %dma_start3A_249 = tpu.memref_slice %arg3[%add3A_245] : memref<6400000xi32, #tpu.memory_space<hbm>> -> memref<2000xi32, #tpu.memory_space<hbm>>
        tpu.enqueue_dma source(%dma_start3A_249 : memref<2000xi32, #tpu.memory_space<hbm>>) target(%arg15 : memref<2000xi32, #tpu.memory_space<vmem>>) target_semaphore(%arg25 : memref<!tpu.dma_semaphore, #tpu.memory_space<semaphore_mem>>)
        %dma_start3A_250 = tpu.memref_slice %arg10[%add3A_245] : memref<6400000xf32, #tpu.memory_space<hbm>> -> memref<2000xf32, #tpu.memory_space<hbm>>
        %dma_start3A_251 = tpu.memref_slice %arg10[%add3A_245] : memref<6400000xf32, #tpu.memory_space<hbm>> -> memref<2000xf32, #tpu.memory_space<hbm>>
        tpu.enqueue_dma source(%dma_start3A_251 : memref<2000xf32, #tpu.memory_space<hbm>>) target(%arg23 : memref<2000xf32, #tpu.memory_space<vmem>>) target_semaphore(%arg25 : memref<!tpu.dma_semaphore, #tpu.memory_space<semaphore_mem>>)
      } else {
      }
      %mul3A_221 = arith.constant 2000 : i32
      %mul3A_222 = arith.muli %add3A_189, %mul3A_221 : i32
      %add3A_223 = arith.addi %mul3A_2, %mul3A_222 : i32
      %dma_wait3A_224 = tpu.memref_slice %arg2[%add3A_223] : memref<6400000xi32, #tpu.memory_space<hbm>> -> memref<2000xi32, #tpu.memory_space<hbm>>
      %dma_wait3A_225 = tpu.memref_slice %arg2[%add3A_223] : memref<6400000xi32, #tpu.memory_space<hbm>> -> memref<2000xi32, #tpu.memory_space<hbm>>
      tpu.wait_dma2 semaphore(%arg26 : memref<!tpu.dma_semaphore, #tpu.memory_space<semaphore_mem>>) src(%dma_wait3A_225 : memref<2000xi32, #tpu.memory_space<hbm>>) dst(%arg14 : memref<2000xi32, #tpu.memory_space<vmem>>)
      %dma_wait3A_226 = tpu.memref_slice %arg3[%add3A_223] : memref<6400000xi32, #tpu.memory_space<hbm>> -> memref<2000xi32, #tpu.memory_space<hbm>>
      %dma_wait3A_227 = tpu.memref_slice %arg3[%add3A_223] : memref<6400000xi32, #tpu.memory_space<hbm>> -> memref<2000xi32, #tpu.memory_space<hbm>>
      tpu.wait_dma2 semaphore(%arg26 : memref<!tpu.dma_semaphore, #tpu.memory_space<semaphore_mem>>) src(%dma_wait3A_227 : memref<2000xi32, #tpu.memory_space<hbm>>) dst(%arg16 : memref<2000xi32, #tpu.memory_space<vmem>>)
      %dma_wait3A_228 = tpu.memref_slice %arg10[%add3A_223] : memref<6400000xf32, #tpu.memory_space<hbm>> -> memref<2000xf32, #tpu.memory_space<hbm>>
      %dma_wait3A_229 = tpu.memref_slice %arg10[%add3A_223] : memref<6400000xf32, #tpu.memory_space<hbm>> -> memref<2000xf32, #tpu.memory_space<hbm>>
      tpu.wait_dma2 semaphore(%arg26 : memref<!tpu.dma_semaphore, #tpu.memory_space<semaphore_mem>>) src(%dma_wait3A_229 : memref<2000xf32, #tpu.memory_space<hbm>>) dst(%arg24 : memref<2000xf32, #tpu.memory_space<vmem>>)
      %while3A_230 = arith.constant 0 : i32
      %while3A_231 = arith.constant 0 : i32
      %while3A_232 = arith.constant 25 : i32
      %while3A_233 = arith.subi %while3A_232, %while3A_231 : i32
      %while3A_234 = arith.addi %while3A_231, %while3A_233 : i32
      %while3A_235 = arith.constant 1 : i32
      %while3A_236 = arith.divsi %while3A_233, %while3A_235 : i32
      %while3A_237 = arith.muli %while3A_236, %while3A_235 : i32
      %while3A_238 = arith.addi %while3A_231, %while3A_237 : i32
      %while3A_239 = arith.constant 1 : i32
      scf.for %while3A_241 = %while3A_231 to %while3A_238 step %while3A_239  : i32 {
        %mul3A_242 = arith.constant 80 : i32
        %mul3A_243 = arith.muli %while3A_241, %mul3A_242 : i32
        %add3A_244 = arith.constant 0 : i32
        %add3A_245 = arith.addi %mul3A_243, %add3A_244 : i32
        %get3A = arith.index_cast %add3A_245 : i32 to index
        %get3A_246 = tpu.vector_load %arg14[%get3A] {strides = array<i32>} : memref<2000xi32, #tpu.memory_space<vmem>>, vector<16xi32>,
        %get3A_247 = arith.index_cast %add3A_245 : i32 to index
        %get3A_248 = tpu.vector_load %arg16[%get3A_247] {strides = array<i32>} : memref<2000xi32, #tpu.memory_space<vmem>>, vector<16xi32>,
        %max3A = arith.maxsi %get3A_246, %broadcast_in_dim3A_5 : vector<16xi32>
        %min3A = arith.minsi %max3A, %broadcast_in_dim3A_3 : vector<16xi32>
        %max3A_249 = arith.maxsi %get3A_248, %broadcast_in_dim3A_5 : vector<16xi32>
        %min3A_250 = arith.minsi %max3A_249, %broadcast_in_dim3A_3 : vector<16xi32>
        %get3A_251 = arith.index_cast %add3A_245 : i32 to index
        %get3A_252 = tpu.vector_load %arg24[%get3A_251] {strides = array<i32>} : memref<2000xf32, #tpu.memory_space<vmem>>, vector<16xf32>,
        tpu.vector_store_idx %arg12[%min3A], %get3A_252 {add = true} : memref<100352xf32, #tpu.memory_space<vmem>>[vector<16xi32>], vector<16xf32>,
        %neg3A = arith.constant 0.000000e+00 : f32
        %neg3A_253 = vector.broadcast %neg3A : f32 to vector<16xf32>
        %neg3A_254 = arith.subf %neg3A_253, %get3A_252 : vector<16xf32>
        tpu.vector_store_idx %arg12[%min3A_250], %neg3A_254 {add = true} : memref<100352xf32, #tpu.memory_space<vmem>>[vector<16xi32>], vector<16xf32>,
        %add3A_255 = arith.constant 16 : i32
        %add3A_256 = arith.addi %mul3A_243, %add3A_255 : i32
        %get3A_257 = arith.index_cast %add3A_256 : i32 to index
        %get3A_258 = tpu.vector_load %arg14[%get3A_257] {strides = array<i32>} : memref<2000xi32, #tpu.memory_space<vmem>>, vector<16xi32>,
        %get3A_259 = arith.index_cast %add3A_256 : i32 to index
        %get3A_260 = tpu.vector_load %arg16[%get3A_259] {strides = array<i32>} : memref<2000xi32, #tpu.memory_space<vmem>>, vector<16xi32>,
        %max3A_261 = arith.maxsi %get3A_258, %broadcast_in_dim3A_5 : vector<16xi32>
        %min3A_262 = arith.minsi %max3A_261, %broadcast_in_dim3A_3 : vector<16xi32>
        %max3A_263 = arith.maxsi %get3A_260, %broadcast_in_dim3A_5 : vector<16xi32>
        %min3A_264 = arith.minsi %max3A_263, %broadcast_in_dim3A_3 : vector<16xi32>
        %get3A_265 = arith.index_cast %add3A_256 : i32 to index
        %get3A_266 = tpu.vector_load %arg24[%get3A_265] {strides = array<i32>} : memref<2000xf32, #tpu.memory_space<vmem>>, vector<16xf32>,
        tpu.vector_store_idx %arg12[%min3A_262], %get3A_266 {add = true} : memref<100352xf32, #tpu.memory_space<vmem>>[vector<16xi32>], vector<16xf32>,
        %neg3A_267 = arith.constant 0.000000e+00 : f32
        %neg3A_268 = vector.broadcast %neg3A_267 : f32 to vector<16xf32>
        %neg3A_269 = arith.subf %neg3A_268, %get3A_266 : vector<16xf32>
        tpu.vector_store_idx %arg12[%min3A_264], %neg3A_269 {add = true} : memref<100352xf32, #tpu.memory_space<vmem>>[vector<16xi32>], vector<16xf32>,
        %add3A_270 = arith.constant 32 : i32
        %add3A_271 = arith.addi %mul3A_243, %add3A_270 : i32
        %get3A_272 = arith.index_cast %add3A_271 : i32 to index
        %get3A_273 = tpu.vector_load %arg14[%get3A_272] {strides = array<i32>} : memref<2000xi32, #tpu.memory_space<vmem>>, vector<16xi32>,
        %get3A_274 = arith.index_cast %add3A_271 : i32 to index
        %get3A_275 = tpu.vector_load %arg16[%get3A_274] {strides = array<i32>} : memref<2000xi32, #tpu.memory_space<vmem>>, vector<16xi32>,
        %max3A_276 = arith.maxsi %get3A_273, %broadcast_in_dim3A_5 : vector<16xi32>
        %min3A_277 = arith.minsi %max3A_276, %broadcast_in_dim3A_3 : vector<16xi32>
        %max3A_278 = arith.maxsi %get3A_275, %broadcast_in_dim3A_5 : vector<16xi32>
        %min3A_279 = arith.minsi %max3A_278, %broadcast_in_dim3A_3 : vector<16xi32>
        %get3A_280 = arith.index_cast %add3A_271 : i32 to index
        %get3A_281 = tpu.vector_load %arg24[%get3A_280] {strides = array<i32>} : memref<2000xf32, #tpu.memory_space<vmem>>, vector<16xf32>,
        tpu.vector_store_idx %arg12[%min3A_277], %get3A_281 {add = true} : memref<100352xf32, #tpu.memory_space<vmem>>[vector<16xi32>], vector<16xf32>,
        %neg3A_282 = arith.constant 0.000000e+00 : f32
        %neg3A_283 = vector.broadcast %neg3A_282 : f32 to vector<16xf32>
        %neg3A_284 = arith.subf %neg3A_283, %get3A_281 : vector<16xf32>
        tpu.vector_store_idx %arg12[%min3A_279], %neg3A_284 {add = true} : memref<100352xf32, #tpu.memory_space<vmem>>[vector<16xi32>], vector<16xf32>,
        %add3A_285 = arith.constant 48 : i32
        %add3A_286 = arith.addi %mul3A_243, %add3A_285 : i32
        %get3A_287 = arith.index_cast %add3A_286 : i32 to index
        %get3A_288 = tpu.vector_load %arg14[%get3A_287] {strides = array<i32>} : memref<2000xi32, #tpu.memory_space<vmem>>, vector<16xi32>,
        %get3A_289 = arith.index_cast %add3A_286 : i32 to index
        %get3A_290 = tpu.vector_load %arg16[%get3A_289] {strides = array<i32>} : memref<2000xi32, #tpu.memory_space<vmem>>, vector<16xi32>,
        %max3A_291 = arith.maxsi %get3A_288, %broadcast_in_dim3A_5 : vector<16xi32>
        %min3A_292 = arith.minsi %max3A_291, %broadcast_in_dim3A_3 : vector<16xi32>
        %max3A_293 = arith.maxsi %get3A_290, %broadcast_in_dim3A_5 : vector<16xi32>
        %min3A_294 = arith.minsi %max3A_293, %broadcast_in_dim3A_3 : vector<16xi32>
        %get3A_295 = arith.index_cast %add3A_286 : i32 to index
        %get3A_296 = tpu.vector_load %arg24[%get3A_295] {strides = array<i32>} : memref<2000xf32, #tpu.memory_space<vmem>>, vector<16xf32>,
        tpu.vector_store_idx %arg12[%min3A_292], %get3A_296 {add = true} : memref<100352xf32, #tpu.memory_space<vmem>>[vector<16xi32>], vector<16xf32>,
        %neg3A_297 = arith.constant 0.000000e+00 : f32
        %neg3A_298 = vector.broadcast %neg3A_297 : f32 to vector<16xf32>
        %neg3A_299 = arith.subf %neg3A_298, %get3A_296 : vector<16xf32>
        tpu.vector_store_idx %arg12[%min3A_294], %neg3A_299 {add = true} : memref<100352xf32, #tpu.memory_space<vmem>>[vector<16xi32>], vector<16xf32>,
        %add3A_300 = arith.constant 64 : i32
        %add3A_301 = arith.addi %mul3A_243, %add3A_300 : i32
        %get3A_302 = arith.index_cast %add3A_301 : i32 to index
        %get3A_303 = tpu.vector_load %arg14[%get3A_302] {strides = array<i32>} : memref<2000xi32, #tpu.memory_space<vmem>>, vector<16xi32>,
        %get3A_304 = arith.index_cast %add3A_301 : i32 to index
        %get3A_305 = tpu.vector_load %arg16[%get3A_304] {strides = array<i32>} : memref<2000xi32, #tpu.memory_space<vmem>>, vector<16xi32>,
        %max3A_306 = arith.maxsi %get3A_303, %broadcast_in_dim3A_5 : vector<16xi32>
        %min3A_307 = arith.minsi %max3A_306, %broadcast_in_dim3A_3 : vector<16xi32>
        %max3A_308 = arith.maxsi %get3A_305, %broadcast_in_dim3A_5 : vector<16xi32>
        %min3A_309 = arith.minsi %max3A_308, %broadcast_in_dim3A_3 : vector<16xi32>
        %get3A_310 = arith.index_cast %add3A_301 : i32 to index
        %get3A_311 = tpu.vector_load %arg24[%get3A_310] {strides = array<i32>} : memref<2000xf32, #tpu.memory_space<vmem>>, vector<16xf32>,
        tpu.vector_store_idx %arg12[%min3A_307], %get3A_311 {add = true} : memref<100352xf32, #tpu.memory_space<vmem>>[vector<16xi32>], vector<16xf32>,
        %neg3A_312 = arith.constant 0.000000e+00 : f32
        %neg3A_313 = vector.broadcast %neg3A_312 : f32 to vector<16xf32>
        %neg3A_314 = arith.subf %neg3A_313, %get3A_311 : vector<16xf32>
        tpu.vector_store_idx %arg12[%min3A_309], %neg3A_314 {add = true} : memref<100352xf32, #tpu.memory_space<vmem>>[vector<16xi32>], vector<16xf32>,
      }
      %while3A_240 = arith.constant 1 : i32
      scf.for %while3A_241 = %while3A_238 to %while3A_234 step %while3A_240  : i32 {
        %mul3A_242 = arith.constant 80 : i32
        %mul3A_243 = arith.muli %while3A_241, %mul3A_242 : i32
        %add3A_244 = arith.constant 0 : i32
        %add3A_245 = arith.addi %mul3A_243, %add3A_244 : i32
        %get3A = arith.index_cast %add3A_245 : i32 to index
        %get3A_246 = tpu.vector_load %arg14[%get3A] {strides = array<i32>} : memref<2000xi32, #tpu.memory_space<vmem>>, vector<16xi32>,
        %get3A_247 = arith.index_cast %add3A_245 : i32 to index
        %get3A_248 = tpu.vector_load %arg16[%get3A_247] {strides = array<i32>} : memref<2000xi32, #tpu.memory_space<vmem>>, vector<16xi32>,
        %max3A = arith.maxsi %get3A_246, %broadcast_in_dim3A_5 : vector<16xi32>
        %min3A = arith.minsi %max3A, %broadcast_in_dim3A_3 : vector<16xi32>
        %max3A_249 = arith.maxsi %get3A_248, %broadcast_in_dim3A_5 : vector<16xi32>
        %min3A_250 = arith.minsi %max3A_249, %broadcast_in_dim3A_3 : vector<16xi32>
        %get3A_251 = arith.index_cast %add3A_245 : i32 to index
        %get3A_252 = tpu.vector_load %arg24[%get3A_251] {strides = array<i32>} : memref<2000xf32, #tpu.memory_space<vmem>>, vector<16xf32>,
        tpu.vector_store_idx %arg12[%min3A], %get3A_252 {add = true} : memref<100352xf32, #tpu.memory_space<vmem>>[vector<16xi32>], vector<16xf32>,
        %neg3A = arith.constant 0.000000e+00 : f32
        %neg3A_253 = vector.broadcast %neg3A : f32 to vector<16xf32>
        %neg3A_254 = arith.subf %neg3A_253, %get3A_252 : vector<16xf32>
        tpu.vector_store_idx %arg12[%min3A_250], %neg3A_254 {add = true} : memref<100352xf32, #tpu.memory_space<vmem>>[vector<16xi32>], vector<16xf32>,
        %add3A_255 = arith.constant 16 : i32
        %add3A_256 = arith.addi %mul3A_243, %add3A_255 : i32
        %get3A_257 = arith.index_cast %add3A_256 : i32 to index
        %get3A_258 = tpu.vector_load %arg14[%get3A_257] {strides = array<i32>} : memref<2000xi32, #tpu.memory_space<vmem>>, vector<16xi32>,
        %get3A_259 = arith.index_cast %add3A_256 : i32 to index
        %get3A_260 = tpu.vector_load %arg16[%get3A_259] {strides = array<i32>} : memref<2000xi32, #tpu.memory_space<vmem>>, vector<16xi32>,
        %max3A_261 = arith.maxsi %get3A_258, %broadcast_in_dim3A_5 : vector<16xi32>
        %min3A_262 = arith.minsi %max3A_261, %broadcast_in_dim3A_3 : vector<16xi32>
        %max3A_263 = arith.maxsi %get3A_260, %broadcast_in_dim3A_5 : vector<16xi32>
        %min3A_264 = arith.minsi %max3A_263, %broadcast_in_dim3A_3 : vector<16xi32>
        %get3A_265 = arith.index_cast %add3A_256 : i32 to index
        %get3A_266 = tpu.vector_load %arg24[%get3A_265] {strides = array<i32>} : memref<2000xf32, #tpu.memory_space<vmem>>, vector<16xf32>,
        tpu.vector_store_idx %arg12[%min3A_262], %get3A_266 {add = true} : memref<100352xf32, #tpu.memory_space<vmem>>[vector<16xi32>], vector<16xf32>,
        %neg3A_267 = arith.constant 0.000000e+00 : f32
        %neg3A_268 = vector.broadcast %neg3A_267 : f32 to vector<16xf32>
        %neg3A_269 = arith.subf %neg3A_268, %get3A_266 : vector<16xf32>
        tpu.vector_store_idx %arg12[%min3A_264], %neg3A_269 {add = true} : memref<100352xf32, #tpu.memory_space<vmem>>[vector<16xi32>], vector<16xf32>,
        %add3A_270 = arith.constant 32 : i32
        %add3A_271 = arith.addi %mul3A_243, %add3A_270 : i32
        %get3A_272 = arith.index_cast %add3A_271 : i32 to index
        %get3A_273 = tpu.vector_load %arg14[%get3A_272] {strides = array<i32>} : memref<2000xi32, #tpu.memory_space<vmem>>, vector<16xi32>,
        %get3A_274 = arith.index_cast %add3A_271 : i32 to index
        %get3A_275 = tpu.vector_load %arg16[%get3A_274] {strides = array<i32>} : memref<2000xi32, #tpu.memory_space<vmem>>, vector<16xi32>,
        %max3A_276 = arith.maxsi %get3A_273, %broadcast_in_dim3A_5 : vector<16xi32>
        %min3A_277 = arith.minsi %max3A_276, %broadcast_in_dim3A_3 : vector<16xi32>
        %max3A_278 = arith.maxsi %get3A_275, %broadcast_in_dim3A_5 : vector<16xi32>
        %min3A_279 = arith.minsi %max3A_278, %broadcast_in_dim3A_3 : vector<16xi32>
        %get3A_280 = arith.index_cast %add3A_271 : i32 to index
        %get3A_281 = tpu.vector_load %arg24[%get3A_280] {strides = array<i32>} : memref<2000xf32, #tpu.memory_space<vmem>>, vector<16xf32>,
        tpu.vector_store_idx %arg12[%min3A_277], %get3A_281 {add = true} : memref<100352xf32, #tpu.memory_space<vmem>>[vector<16xi32>], vector<16xf32>,
        %neg3A_282 = arith.constant 0.000000e+00 : f32
        %neg3A_283 = vector.broadcast %neg3A_282 : f32 to vector<16xf32>
        %neg3A_284 = arith.subf %neg3A_283, %get3A_281 : vector<16xf32>
        tpu.vector_store_idx %arg12[%min3A_279], %neg3A_284 {add = true} : memref<100352xf32, #tpu.memory_space<vmem>>[vector<16xi32>], vector<16xf32>,
        %add3A_285 = arith.constant 48 : i32
        %add3A_286 = arith.addi %mul3A_243, %add3A_285 : i32
        %get3A_287 = arith.index_cast %add3A_286 : i32 to index
        %get3A_288 = tpu.vector_load %arg14[%get3A_287] {strides = array<i32>} : memref<2000xi32, #tpu.memory_space<vmem>>, vector<16xi32>,
        %get3A_289 = arith.index_cast %add3A_286 : i32 to index
        %get3A_290 = tpu.vector_load %arg16[%get3A_289] {strides = array<i32>} : memref<2000xi32, #tpu.memory_space<vmem>>, vector<16xi32>,
        %max3A_291 = arith.maxsi %get3A_288, %broadcast_in_dim3A_5 : vector<16xi32>
        %min3A_292 = arith.minsi %max3A_291, %broadcast_in_dim3A_3 : vector<16xi32>
        %max3A_293 = arith.maxsi %get3A_290, %broadcast_in_dim3A_5 : vector<16xi32>
        %min3A_294 = arith.minsi %max3A_293, %broadcast_in_dim3A_3 : vector<16xi32>
        %get3A_295 = arith.index_cast %add3A_286 : i32 to index
        %get3A_296 = tpu.vector_load %arg24[%get3A_295] {strides = array<i32>} : memref<2000xf32, #tpu.memory_space<vmem>>, vector<16xf32>,
        tpu.vector_store_idx %arg12[%min3A_292], %get3A_296 {add = true} : memref<100352xf32, #tpu.memory_space<vmem>>[vector<16xi32>], vector<16xf32>,
        %neg3A_297 = arith.constant 0.000000e+00 : f32
        %neg3A_298 = vector.broadcast %neg3A_297 : f32 to vector<16xf32>
        %neg3A_299 = arith.subf %neg3A_298, %get3A_296 : vector<16xf32>
        tpu.vector_store_idx %arg12[%min3A_294], %neg3A_299 {add = true} : memref<100352xf32, #tpu.memory_space<vmem>>[vector<16xi32>], vector<16xf32>,
        %add3A_300 = arith.constant 64 : i32
        %add3A_301 = arith.addi %mul3A_243, %add3A_300 : i32
        %get3A_302 = arith.index_cast %add3A_301 : i32 to index
        %get3A_303 = tpu.vector_load %arg14[%get3A_302] {strides = array<i32>} : memref<2000xi32, #tpu.memory_space<vmem>>, vector<16xi32>,
        %get3A_304 = arith.index_cast %add3A_301 : i32 to index
        %get3A_305 = tpu.vector_load %arg16[%get3A_304] {strides = array<i32>} : memref<2000xi32, #tpu.memory_space<vmem>>, vector<16xi32>,
        %max3A_306 = arith.maxsi %get3A_303, %broadcast_in_dim3A_5 : vector<16xi32>
        %min3A_307 = arith.minsi %max3A_306, %broadcast_in_dim3A_3 : vector<16xi32>
        %max3A_308 = arith.maxsi %get3A_305, %broadcast_in_dim3A_5 : vector<16xi32>
        %min3A_309 = arith.minsi %max3A_308, %broadcast_in_dim3A_3 : vector<16xi32>
        %get3A_310 = arith.index_cast %add3A_301 : i32 to index
        %get3A_311 = tpu.vector_load %arg24[%get3A_310] {strides = array<i32>} : memref<2000xf32, #tpu.memory_space<vmem>>, vector<16xf32>,
        tpu.vector_store_idx %arg12[%min3A_307], %get3A_311 {add = true} : memref<100352xf32, #tpu.memory_space<vmem>>[vector<16xi32>], vector<16xf32>,
        %neg3A_312 = arith.constant 0.000000e+00 : f32
        %neg3A_313 = vector.broadcast %neg3A_312 : f32 to vector<16xf32>
        %neg3A_314 = arith.subf %neg3A_313, %get3A_311 : vector<16xf32>
        tpu.vector_store_idx %arg12[%min3A_309], %neg3A_314 {add = true} : memref<100352xf32, #tpu.memory_space<vmem>>[vector<16xi32>], vector<16xf32>,
      }
    }
    %while3A_98 = arith.constant 1 : i32
    scf.for %while3A_185 = %while3A_96 to %while3A_92 step %while3A_98  : i32 {
      %mul3A_186 = arith.constant 2 : i32
      %mul3A_187 = arith.muli %while3A_185, %mul3A_186 : i32
      %add3A_188 = arith.constant 1 : i32
      %add3A_189 = arith.addi %mul3A_187, %add3A_188 : i32
      %mul3A_190 = arith.constant 2000 : i32
      %mul3A_191 = arith.muli %add3A_189, %mul3A_190 : i32
      %add3A_192 = arith.addi %mul3A_2, %mul3A_191 : i32
      %dma_start3A_193 = tpu.memref_slice %arg2[%add3A_192] : memref<6400000xi32, #tpu.memory_space<hbm>> -> memref<2000xi32, #tpu.memory_space<hbm>>
      %dma_start3A_194 = tpu.memref_slice %arg2[%add3A_192] : memref<6400000xi32, #tpu.memory_space<hbm>> -> memref<2000xi32, #tpu.memory_space<hbm>>
      tpu.enqueue_dma source(%dma_start3A_194 : memref<2000xi32, #tpu.memory_space<hbm>>) target(%arg14 : memref<2000xi32, #tpu.memory_space<vmem>>) target_semaphore(%arg26 : memref<!tpu.dma_semaphore, #tpu.memory_space<semaphore_mem>>)
      %dma_start3A_195 = tpu.memref_slice %arg3[%add3A_192] : memref<6400000xi32, #tpu.memory_space<hbm>> -> memref<2000xi32, #tpu.memory_space<hbm>>
      %dma_start3A_196 = tpu.memref_slice %arg3[%add3A_192] : memref<6400000xi32, #tpu.memory_space<hbm>> -> memref<2000xi32, #tpu.memory_space<hbm>>
      tpu.enqueue_dma source(%dma_start3A_196 : memref<2000xi32, #tpu.memory_space<hbm>>) target(%arg16 : memref<2000xi32, #tpu.memory_space<vmem>>) target_semaphore(%arg26 : memref<!tpu.dma_semaphore, #tpu.memory_space<semaphore_mem>>)
      %dma_start3A_197 = tpu.memref_slice %arg10[%add3A_192] : memref<6400000xf32, #tpu.memory_space<hbm>> -> memref<2000xf32, #tpu.memory_space<hbm>>
      %dma_start3A_198 = tpu.memref_slice %arg10[%add3A_192] : memref<6400000xf32, #tpu.memory_space<hbm>> -> memref<2000xf32, #tpu.memory_space<hbm>>
      tpu.enqueue_dma source(%dma_start3A_198 : memref<2000xf32, #tpu.memory_space<hbm>>) target(%arg24 : memref<2000xf32, #tpu.memory_space<vmem>>) target_semaphore(%arg26 : memref<!tpu.dma_semaphore, #tpu.memory_space<semaphore_mem>>)
      %mul3A_199 = arith.constant 2000 : i32
      %mul3A_200 = arith.muli %mul3A_187, %mul3A_199 : i32
      %add3A_201 = arith.addi %mul3A_2, %mul3A_200 : i32
      %dma_wait3A_202 = tpu.memref_slice %arg2[%add3A_201] : memref<6400000xi32, #tpu.memory_space<hbm>> -> memref<2000xi32, #tpu.memory_space<hbm>>
      %dma_wait3A_203 = tpu.memref_slice %arg2[%add3A_201] : memref<6400000xi32, #tpu.memory_space<hbm>> -> memref<2000xi32, #tpu.memory_space<hbm>>
      tpu.wait_dma2 semaphore(%arg25 : memref<!tpu.dma_semaphore, #tpu.memory_space<semaphore_mem>>) src(%dma_wait3A_203 : memref<2000xi32, #tpu.memory_space<hbm>>) dst(%arg13 : memref<2000xi32, #tpu.memory_space<vmem>>)
      %dma_wait3A_204 = tpu.memref_slice %arg3[%add3A_201] : memref<6400000xi32, #tpu.memory_space<hbm>> -> memref<2000xi32, #tpu.memory_space<hbm>>
      %dma_wait3A_205 = tpu.memref_slice %arg3[%add3A_201] : memref<6400000xi32, #tpu.memory_space<hbm>> -> memref<2000xi32, #tpu.memory_space<hbm>>
      tpu.wait_dma2 semaphore(%arg25 : memref<!tpu.dma_semaphore, #tpu.memory_space<semaphore_mem>>) src(%dma_wait3A_205 : memref<2000xi32, #tpu.memory_space<hbm>>) dst(%arg15 : memref<2000xi32, #tpu.memory_space<vmem>>)
      %dma_wait3A_206 = tpu.memref_slice %arg10[%add3A_201] : memref<6400000xf32, #tpu.memory_space<hbm>> -> memref<2000xf32, #tpu.memory_space<hbm>>
      %dma_wait3A_207 = tpu.memref_slice %arg10[%add3A_201] : memref<6400000xf32, #tpu.memory_space<hbm>> -> memref<2000xf32, #tpu.memory_space<hbm>>
      tpu.wait_dma2 semaphore(%arg25 : memref<!tpu.dma_semaphore, #tpu.memory_space<semaphore_mem>>) src(%dma_wait3A_207 : memref<2000xf32, #tpu.memory_space<hbm>>) dst(%arg23 : memref<2000xf32, #tpu.memory_space<vmem>>)
      %while3A_208 = arith.constant 0 : i32
      %while3A_209 = arith.constant 0 : i32
      %while3A_210 = arith.constant 25 : i32
      %while3A_211 = arith.subi %while3A_210, %while3A_209 : i32
      %while3A_212 = arith.addi %while3A_209, %while3A_211 : i32
      %while3A_213 = arith.constant 1 : i32
      %while3A_214 = arith.divsi %while3A_211, %while3A_213 : i32
      %while3A_215 = arith.muli %while3A_214, %while3A_213 : i32
      %while3A_216 = arith.addi %while3A_209, %while3A_215 : i32
      %while3A_217 = arith.constant 1 : i32
      scf.for %while3A_241 = %while3A_209 to %while3A_216 step %while3A_217  : i32 {
        %mul3A_242 = arith.constant 80 : i32
        %mul3A_243 = arith.muli %while3A_241, %mul3A_242 : i32
        %add3A_244 = arith.constant 0 : i32
        %add3A_245 = arith.addi %mul3A_243, %add3A_244 : i32
        %get3A = arith.index_cast %add3A_245 : i32 to index
        %get3A_246 = tpu.vector_load %arg13[%get3A] {strides = array<i32>} : memref<2000xi32, #tpu.memory_space<vmem>>, vector<16xi32>,
        %get3A_247 = arith.index_cast %add3A_245 : i32 to index
        %get3A_248 = tpu.vector_load %arg15[%get3A_247] {strides = array<i32>} : memref<2000xi32, #tpu.memory_space<vmem>>, vector<16xi32>,
        %max3A = arith.maxsi %get3A_246, %broadcast_in_dim3A_5 : vector<16xi32>
        %min3A = arith.minsi %max3A, %broadcast_in_dim3A_3 : vector<16xi32>
        %max3A_249 = arith.maxsi %get3A_248, %broadcast_in_dim3A_5 : vector<16xi32>
        %min3A_250 = arith.minsi %max3A_249, %broadcast_in_dim3A_3 : vector<16xi32>
        %get3A_251 = arith.index_cast %add3A_245 : i32 to index
        %get3A_252 = tpu.vector_load %arg23[%get3A_251] {strides = array<i32>} : memref<2000xf32, #tpu.memory_space<vmem>>, vector<16xf32>,
        tpu.vector_store_idx %arg12[%min3A], %get3A_252 {add = true} : memref<100352xf32, #tpu.memory_space<vmem>>[vector<16xi32>], vector<16xf32>,
        %neg3A = arith.constant 0.000000e+00 : f32
        %neg3A_253 = vector.broadcast %neg3A : f32 to vector<16xf32>
        %neg3A_254 = arith.subf %neg3A_253, %get3A_252 : vector<16xf32>
        tpu.vector_store_idx %arg12[%min3A_250], %neg3A_254 {add = true} : memref<100352xf32, #tpu.memory_space<vmem>>[vector<16xi32>], vector<16xf32>,
        %add3A_255 = arith.constant 16 : i32
        %add3A_256 = arith.addi %mul3A_243, %add3A_255 : i32
        %get3A_257 = arith.index_cast %add3A_256 : i32 to index
        %get3A_258 = tpu.vector_load %arg13[%get3A_257] {strides = array<i32>} : memref<2000xi32, #tpu.memory_space<vmem>>, vector<16xi32>,
        %get3A_259 = arith.index_cast %add3A_256 : i32 to index
        %get3A_260 = tpu.vector_load %arg15[%get3A_259] {strides = array<i32>} : memref<2000xi32, #tpu.memory_space<vmem>>, vector<16xi32>,
        %max3A_261 = arith.maxsi %get3A_258, %broadcast_in_dim3A_5 : vector<16xi32>
        %min3A_262 = arith.minsi %max3A_261, %broadcast_in_dim3A_3 : vector<16xi32>
        %max3A_263 = arith.maxsi %get3A_260, %broadcast_in_dim3A_5 : vector<16xi32>
        %min3A_264 = arith.minsi %max3A_263, %broadcast_in_dim3A_3 : vector<16xi32>
        %get3A_265 = arith.index_cast %add3A_256 : i32 to index
        %get3A_266 = tpu.vector_load %arg23[%get3A_265] {strides = array<i32>} : memref<2000xf32, #tpu.memory_space<vmem>>, vector<16xf32>,
        tpu.vector_store_idx %arg12[%min3A_262], %get3A_266 {add = true} : memref<100352xf32, #tpu.memory_space<vmem>>[vector<16xi32>], vector<16xf32>,
        %neg3A_267 = arith.constant 0.000000e+00 : f32
        %neg3A_268 = vector.broadcast %neg3A_267 : f32 to vector<16xf32>
        %neg3A_269 = arith.subf %neg3A_268, %get3A_266 : vector<16xf32>
        tpu.vector_store_idx %arg12[%min3A_264], %neg3A_269 {add = true} : memref<100352xf32, #tpu.memory_space<vmem>>[vector<16xi32>], vector<16xf32>,
        %add3A_270 = arith.constant 32 : i32
        %add3A_271 = arith.addi %mul3A_243, %add3A_270 : i32
        %get3A_272 = arith.index_cast %add3A_271 : i32 to index
        %get3A_273 = tpu.vector_load %arg13[%get3A_272] {strides = array<i32>} : memref<2000xi32, #tpu.memory_space<vmem>>, vector<16xi32>,
        %get3A_274 = arith.index_cast %add3A_271 : i32 to index
        %get3A_275 = tpu.vector_load %arg15[%get3A_274] {strides = array<i32>} : memref<2000xi32, #tpu.memory_space<vmem>>, vector<16xi32>,
        %max3A_276 = arith.maxsi %get3A_273, %broadcast_in_dim3A_5 : vector<16xi32>
        %min3A_277 = arith.minsi %max3A_276, %broadcast_in_dim3A_3 : vector<16xi32>
        %max3A_278 = arith.maxsi %get3A_275, %broadcast_in_dim3A_5 : vector<16xi32>
        %min3A_279 = arith.minsi %max3A_278, %broadcast_in_dim3A_3 : vector<16xi32>
        %get3A_280 = arith.index_cast %add3A_271 : i32 to index
        %get3A_281 = tpu.vector_load %arg23[%get3A_280] {strides = array<i32>} : memref<2000xf32, #tpu.memory_space<vmem>>, vector<16xf32>,
        tpu.vector_store_idx %arg12[%min3A_277], %get3A_281 {add = true} : memref<100352xf32, #tpu.memory_space<vmem>>[vector<16xi32>], vector<16xf32>,
        %neg3A_282 = arith.constant 0.000000e+00 : f32
        %neg3A_283 = vector.broadcast %neg3A_282 : f32 to vector<16xf32>
        %neg3A_284 = arith.subf %neg3A_283, %get3A_281 : vector<16xf32>
        tpu.vector_store_idx %arg12[%min3A_279], %neg3A_284 {add = true} : memref<100352xf32, #tpu.memory_space<vmem>>[vector<16xi32>], vector<16xf32>,
        %add3A_285 = arith.constant 48 : i32
        %add3A_286 = arith.addi %mul3A_243, %add3A_285 : i32
        %get3A_287 = arith.index_cast %add3A_286 : i32 to index
        %get3A_288 = tpu.vector_load %arg13[%get3A_287] {strides = array<i32>} : memref<2000xi32, #tpu.memory_space<vmem>>, vector<16xi32>,
        %get3A_289 = arith.index_cast %add3A_286 : i32 to index
        %get3A_290 = tpu.vector_load %arg15[%get3A_289] {strides = array<i32>} : memref<2000xi32, #tpu.memory_space<vmem>>, vector<16xi32>,
        %max3A_291 = arith.maxsi %get3A_288, %broadcast_in_dim3A_5 : vector<16xi32>
        %min3A_292 = arith.minsi %max3A_291, %broadcast_in_dim3A_3 : vector<16xi32>
        %max3A_293 = arith.maxsi %get3A_290, %broadcast_in_dim3A_5 : vector<16xi32>
        %min3A_294 = arith.minsi %max3A_293, %broadcast_in_dim3A_3 : vector<16xi32>
        %get3A_295 = arith.index_cast %add3A_286 : i32 to index
        %get3A_296 = tpu.vector_load %arg23[%get3A_295] {strides = array<i32>} : memref<2000xf32, #tpu.memory_space<vmem>>, vector<16xf32>,
        tpu.vector_store_idx %arg12[%min3A_292], %get3A_296 {add = true} : memref<100352xf32, #tpu.memory_space<vmem>>[vector<16xi32>], vector<16xf32>,
        %neg3A_297 = arith.constant 0.000000e+00 : f32
        %neg3A_298 = vector.broadcast %neg3A_297 : f32 to vector<16xf32>
        %neg3A_299 = arith.subf %neg3A_298, %get3A_296 : vector<16xf32>
        tpu.vector_store_idx %arg12[%min3A_294], %neg3A_299 {add = true} : memref<100352xf32, #tpu.memory_space<vmem>>[vector<16xi32>], vector<16xf32>,
        %add3A_300 = arith.constant 64 : i32
        %add3A_301 = arith.addi %mul3A_243, %add3A_300 : i32
        %get3A_302 = arith.index_cast %add3A_301 : i32 to index
        %get3A_303 = tpu.vector_load %arg13[%get3A_302] {strides = array<i32>} : memref<2000xi32, #tpu.memory_space<vmem>>, vector<16xi32>,
        %get3A_304 = arith.index_cast %add3A_301 : i32 to index
        %get3A_305 = tpu.vector_load %arg15[%get3A_304] {strides = array<i32>} : memref<2000xi32, #tpu.memory_space<vmem>>, vector<16xi32>,
        %max3A_306 = arith.maxsi %get3A_303, %broadcast_in_dim3A_5 : vector<16xi32>
        %min3A_307 = arith.minsi %max3A_306, %broadcast_in_dim3A_3 : vector<16xi32>
        %max3A_308 = arith.maxsi %get3A_305, %broadcast_in_dim3A_5 : vector<16xi32>
        %min3A_309 = arith.minsi %max3A_308, %broadcast_in_dim3A_3 : vector<16xi32>
        %get3A_310 = arith.index_cast %add3A_301 : i32 to index
        %get3A_311 = tpu.vector_load %arg23[%get3A_310] {strides = array<i32>} : memref<2000xf32, #tpu.memory_space<vmem>>, vector<16xf32>,
        tpu.vector_store_idx %arg12[%min3A_307], %get3A_311 {add = true} : memref<100352xf32, #tpu.memory_space<vmem>>[vector<16xi32>], vector<16xf32>,
        %neg3A_312 = arith.constant 0.000000e+00 : f32
        %neg3A_313 = vector.broadcast %neg3A_312 : f32 to vector<16xf32>
        %neg3A_314 = arith.subf %neg3A_313, %get3A_311 : vector<16xf32>
        tpu.vector_store_idx %arg12[%min3A_309], %neg3A_314 {add = true} : memref<100352xf32, #tpu.memory_space<vmem>>[vector<16xi32>], vector<16xf32>,
      }
      %while3A_218 = arith.constant 1 : i32
      scf.for %while3A_241 = %while3A_216 to %while3A_212 step %while3A_218  : i32 {
        %mul3A_242 = arith.constant 80 : i32
        %mul3A_243 = arith.muli %while3A_241, %mul3A_242 : i32
        %add3A_244 = arith.constant 0 : i32
        %add3A_245 = arith.addi %mul3A_243, %add3A_244 : i32
        %get3A = arith.index_cast %add3A_245 : i32 to index
        %get3A_246 = tpu.vector_load %arg13[%get3A] {strides = array<i32>} : memref<2000xi32, #tpu.memory_space<vmem>>, vector<16xi32>,
        %get3A_247 = arith.index_cast %add3A_245 : i32 to index
        %get3A_248 = tpu.vector_load %arg15[%get3A_247] {strides = array<i32>} : memref<2000xi32, #tpu.memory_space<vmem>>, vector<16xi32>,
        %max3A = arith.maxsi %get3A_246, %broadcast_in_dim3A_5 : vector<16xi32>
        %min3A = arith.minsi %max3A, %broadcast_in_dim3A_3 : vector<16xi32>
        %max3A_249 = arith.maxsi %get3A_248, %broadcast_in_dim3A_5 : vector<16xi32>
        %min3A_250 = arith.minsi %max3A_249, %broadcast_in_dim3A_3 : vector<16xi32>
        %get3A_251 = arith.index_cast %add3A_245 : i32 to index
        %get3A_252 = tpu.vector_load %arg23[%get3A_251] {strides = array<i32>} : memref<2000xf32, #tpu.memory_space<vmem>>, vector<16xf32>,
        tpu.vector_store_idx %arg12[%min3A], %get3A_252 {add = true} : memref<100352xf32, #tpu.memory_space<vmem>>[vector<16xi32>], vector<16xf32>,
        %neg3A = arith.constant 0.000000e+00 : f32
        %neg3A_253 = vector.broadcast %neg3A : f32 to vector<16xf32>
        %neg3A_254 = arith.subf %neg3A_253, %get3A_252 : vector<16xf32>
        tpu.vector_store_idx %arg12[%min3A_250], %neg3A_254 {add = true} : memref<100352xf32, #tpu.memory_space<vmem>>[vector<16xi32>], vector<16xf32>,
        %add3A_255 = arith.constant 16 : i32
        %add3A_256 = arith.addi %mul3A_243, %add3A_255 : i32
        %get3A_257 = arith.index_cast %add3A_256 : i32 to index
        %get3A_258 = tpu.vector_load %arg13[%get3A_257] {strides = array<i32>} : memref<2000xi32, #tpu.memory_space<vmem>>, vector<16xi32>,
        %get3A_259 = arith.index_cast %add3A_256 : i32 to index
        %get3A_260 = tpu.vector_load %arg15[%get3A_259] {strides = array<i32>} : memref<2000xi32, #tpu.memory_space<vmem>>, vector<16xi32>,
        %max3A_261 = arith.maxsi %get3A_258, %broadcast_in_dim3A_5 : vector<16xi32>
        %min3A_262 = arith.minsi %max3A_261, %broadcast_in_dim3A_3 : vector<16xi32>
        %max3A_263 = arith.maxsi %get3A_260, %broadcast_in_dim3A_5 : vector<16xi32>
        %min3A_264 = arith.minsi %max3A_263, %broadcast_in_dim3A_3 : vector<16xi32>
        %get3A_265 = arith.index_cast %add3A_256 : i32 to index
        %get3A_266 = tpu.vector_load %arg23[%get3A_265] {strides = array<i32>} : memref<2000xf32, #tpu.memory_space<vmem>>, vector<16xf32>,
        tpu.vector_store_idx %arg12[%min3A_262], %get3A_266 {add = true} : memref<100352xf32, #tpu.memory_space<vmem>>[vector<16xi32>], vector<16xf32>,
        %neg3A_267 = arith.constant 0.000000e+00 : f32
        %neg3A_268 = vector.broadcast %neg3A_267 : f32 to vector<16xf32>
        %neg3A_269 = arith.subf %neg3A_268, %get3A_266 : vector<16xf32>
        tpu.vector_store_idx %arg12[%min3A_264], %neg3A_269 {add = true} : memref<100352xf32, #tpu.memory_space<vmem>>[vector<16xi32>], vector<16xf32>,
        %add3A_270 = arith.constant 32 : i32
        %add3A_271 = arith.addi %mul3A_243, %add3A_270 : i32
        %get3A_272 = arith.index_cast %add3A_271 : i32 to index
        %get3A_273 = tpu.vector_load %arg13[%get3A_272] {strides = array<i32>} : memref<2000xi32, #tpu.memory_space<vmem>>, vector<16xi32>,
        %get3A_274 = arith.index_cast %add3A_271 : i32 to index
        %get3A_275 = tpu.vector_load %arg15[%get3A_274] {strides = array<i32>} : memref<2000xi32, #tpu.memory_space<vmem>>, vector<16xi32>,
        %max3A_276 = arith.maxsi %get3A_273, %broadcast_in_dim3A_5 : vector<16xi32>
        %min3A_277 = arith.minsi %max3A_276, %broadcast_in_dim3A_3 : vector<16xi32>
        %max3A_278 = arith.maxsi %get3A_275, %broadcast_in_dim3A_5 : vector<16xi32>
        %min3A_279 = arith.minsi %max3A_278, %broadcast_in_dim3A_3 : vector<16xi32>
        %get3A_280 = arith.index_cast %add3A_271 : i32 to index
        %get3A_281 = tpu.vector_load %arg23[%get3A_280] {strides = array<i32>} : memref<2000xf32, #tpu.memory_space<vmem>>, vector<16xf32>,
        tpu.vector_store_idx %arg12[%min3A_277], %get3A_281 {add = true} : memref<100352xf32, #tpu.memory_space<vmem>>[vector<16xi32>], vector<16xf32>,
        %neg3A_282 = arith.constant 0.000000e+00 : f32
        %neg3A_283 = vector.broadcast %neg3A_282 : f32 to vector<16xf32>
        %neg3A_284 = arith.subf %neg3A_283, %get3A_281 : vector<16xf32>
        tpu.vector_store_idx %arg12[%min3A_279], %neg3A_284 {add = true} : memref<100352xf32, #tpu.memory_space<vmem>>[vector<16xi32>], vector<16xf32>,
        %add3A_285 = arith.constant 48 : i32
        %add3A_286 = arith.addi %mul3A_243, %add3A_285 : i32
        %get3A_287 = arith.index_cast %add3A_286 : i32 to index
        %get3A_288 = tpu.vector_load %arg13[%get3A_287] {strides = array<i32>} : memref<2000xi32, #tpu.memory_space<vmem>>, vector<16xi32>,
        %get3A_289 = arith.index_cast %add3A_286 : i32 to index
        %get3A_290 = tpu.vector_load %arg15[%get3A_289] {strides = array<i32>} : memref<2000xi32, #tpu.memory_space<vmem>>, vector<16xi32>,
        %max3A_291 = arith.maxsi %get3A_288, %broadcast_in_dim3A_5 : vector<16xi32>
        %min3A_292 = arith.minsi %max3A_291, %broadcast_in_dim3A_3 : vector<16xi32>
        %max3A_293 = arith.maxsi %get3A_290, %broadcast_in_dim3A_5 : vector<16xi32>
        %min3A_294 = arith.minsi %max3A_293, %broadcast_in_dim3A_3 : vector<16xi32>
        %get3A_295 = arith.index_cast %add3A_286 : i32 to index
        %get3A_296 = tpu.vector_load %arg23[%get3A_295] {strides = array<i32>} : memref<2000xf32, #tpu.memory_space<vmem>>, vector<16xf32>,
        tpu.vector_store_idx %arg12[%min3A_292], %get3A_296 {add = true} : memref<100352xf32, #tpu.memory_space<vmem>>[vector<16xi32>], vector<16xf32>,
        %neg3A_297 = arith.constant 0.000000e+00 : f32
        %neg3A_298 = vector.broadcast %neg3A_297 : f32 to vector<16xf32>
        %neg3A_299 = arith.subf %neg3A_298, %get3A_296 : vector<16xf32>
        tpu.vector_store_idx %arg12[%min3A_294], %neg3A_299 {add = true} : memref<100352xf32, #tpu.memory_space<vmem>>[vector<16xi32>], vector<16xf32>,
        %add3A_300 = arith.constant 64 : i32
        %add3A_301 = arith.addi %mul3A_243, %add3A_300 : i32
        %get3A_302 = arith.index_cast %add3A_301 : i32 to index
        %get3A_303 = tpu.vector_load %arg13[%get3A_302] {strides = array<i32>} : memref<2000xi32, #tpu.memory_space<vmem>>, vector<16xi32>,
        %get3A_304 = arith.index_cast %add3A_301 : i32 to index
        %get3A_305 = tpu.vector_load %arg15[%get3A_304] {strides = array<i32>} : memref<2000xi32, #tpu.memory_space<vmem>>, vector<16xi32>,
        %max3A_306 = arith.maxsi %get3A_303, %broadcast_in_dim3A_5 : vector<16xi32>
        %min3A_307 = arith.minsi %max3A_306, %broadcast_in_dim3A_3 : vector<16xi32>
        %max3A_308 = arith.maxsi %get3A_305, %broadcast_in_dim3A_5 : vector<16xi32>
        %min3A_309 = arith.minsi %max3A_308, %broadcast_in_dim3A_3 : vector<16xi32>
        %get3A_310 = arith.index_cast %add3A_301 : i32 to index
        %get3A_311 = tpu.vector_load %arg23[%get3A_310] {strides = array<i32>} : memref<2000xf32, #tpu.memory_space<vmem>>, vector<16xf32>,
        tpu.vector_store_idx %arg12[%min3A_307], %get3A_311 {add = true} : memref<100352xf32, #tpu.memory_space<vmem>>[vector<16xi32>], vector<16xf32>,
        %neg3A_312 = arith.constant 0.000000e+00 : f32
        %neg3A_313 = vector.broadcast %neg3A_312 : f32 to vector<16xf32>
        %neg3A_314 = arith.subf %neg3A_313, %get3A_311 : vector<16xf32>
        tpu.vector_store_idx %arg12[%min3A_309], %neg3A_314 {add = true} : memref<100352xf32, #tpu.memory_space<vmem>>[vector<16xi32>], vector<16xf32>,
      }
      %lt3A = arith.constant 49 : i32
      %lt3A_219 = arith.cmpi slt, %while3A_185, %lt3A : i32
      %convert_element_type3A = arith.extui %lt3A_219 : i1 to i32
      %cond3A = arith.constant 0 : i32
      %cond3A_220 = arith.cmpi ne, %convert_element_type3A, %cond3A : i32
      scf.if %cond3A_220 {
        %add3A_241 = arith.constant 2 : i32
        %add3A_242 = arith.addi %mul3A_187, %add3A_241 : i32
        %mul3A_243 = arith.constant 2000 : i32
        %mul3A_244 = arith.muli %add3A_242, %mul3A_243 : i32
        %add3A_245 = arith.addi %mul3A_2, %mul3A_244 : i32
        %dma_start3A_246 = tpu.memref_slice %arg2[%add3A_245] : memref<6400000xi32, #tpu.memory_space<hbm>> -> memref<2000xi32, #tpu.memory_space<hbm>>
        %dma_start3A_247 = tpu.memref_slice %arg2[%add3A_245] : memref<6400000xi32, #tpu.memory_space<hbm>> -> memref<2000xi32, #tpu.memory_space<hbm>>
        tpu.enqueue_dma source(%dma_start3A_247 : memref<2000xi32, #tpu.memory_space<hbm>>) target(%arg13 : memref<2000xi32, #tpu.memory_space<vmem>>) target_semaphore(%arg25 : memref<!tpu.dma_semaphore, #tpu.memory_space<semaphore_mem>>)
        %dma_start3A_248 = tpu.memref_slice %arg3[%add3A_245] : memref<6400000xi32, #tpu.memory_space<hbm>> -> memref<2000xi32, #tpu.memory_space<hbm>>
        %dma_start3A_249 = tpu.memref_slice %arg3[%add3A_245] : memref<6400000xi32, #tpu.memory_space<hbm>> -> memref<2000xi32, #tpu.memory_space<hbm>>
        tpu.enqueue_dma source(%dma_start3A_249 : memref<2000xi32, #tpu.memory_space<hbm>>) target(%arg15 : memref<2000xi32, #tpu.memory_space<vmem>>) target_semaphore(%arg25 : memref<!tpu.dma_semaphore, #tpu.memory_space<semaphore_mem>>)
        %dma_start3A_250 = tpu.memref_slice %arg10[%add3A_245] : memref<6400000xf32, #tpu.memory_space<hbm>> -> memref<2000xf32, #tpu.memory_space<hbm>>
        %dma_start3A_251 = tpu.memref_slice %arg10[%add3A_245] : memref<6400000xf32, #tpu.memory_space<hbm>> -> memref<2000xf32, #tpu.memory_space<hbm>>
        tpu.enqueue_dma source(%dma_start3A_251 : memref<2000xf32, #tpu.memory_space<hbm>>) target(%arg23 : memref<2000xf32, #tpu.memory_space<vmem>>) target_semaphore(%arg25 : memref<!tpu.dma_semaphore, #tpu.memory_space<semaphore_mem>>)
      } else {
      }
      %mul3A_221 = arith.constant 2000 : i32
      %mul3A_222 = arith.muli %add3A_189, %mul3A_221 : i32
      %add3A_223 = arith.addi %mul3A_2, %mul3A_222 : i32
      %dma_wait3A_224 = tpu.memref_slice %arg2[%add3A_223] : memref<6400000xi32, #tpu.memory_space<hbm>> -> memref<2000xi32, #tpu.memory_space<hbm>>
      %dma_wait3A_225 = tpu.memref_slice %arg2[%add3A_223] : memref<6400000xi32, #tpu.memory_space<hbm>> -> memref<2000xi32, #tpu.memory_space<hbm>>
      tpu.wait_dma2 semaphore(%arg26 : memref<!tpu.dma_semaphore, #tpu.memory_space<semaphore_mem>>) src(%dma_wait3A_225 : memref<2000xi32, #tpu.memory_space<hbm>>) dst(%arg14 : memref<2000xi32, #tpu.memory_space<vmem>>)
      %dma_wait3A_226 = tpu.memref_slice %arg3[%add3A_223] : memref<6400000xi32, #tpu.memory_space<hbm>> -> memref<2000xi32, #tpu.memory_space<hbm>>
      %dma_wait3A_227 = tpu.memref_slice %arg3[%add3A_223] : memref<6400000xi32, #tpu.memory_space<hbm>> -> memref<2000xi32, #tpu.memory_space<hbm>>
      tpu.wait_dma2 semaphore(%arg26 : memref<!tpu.dma_semaphore, #tpu.memory_space<semaphore_mem>>) src(%dma_wait3A_227 : memref<2000xi32, #tpu.memory_space<hbm>>) dst(%arg16 : memref<2000xi32, #tpu.memory_space<vmem>>)
      %dma_wait3A_228 = tpu.memref_slice %arg10[%add3A_223] : memref<6400000xf32, #tpu.memory_space<hbm>> -> memref<2000xf32, #tpu.memory_space<hbm>>
      %dma_wait3A_229 = tpu.memref_slice %arg10[%add3A_223] : memref<6400000xf32, #tpu.memory_space<hbm>> -> memref<2000xf32, #tpu.memory_space<hbm>>
      tpu.wait_dma2 semaphore(%arg26 : memref<!tpu.dma_semaphore, #tpu.memory_space<semaphore_mem>>) src(%dma_wait3A_229 : memref<2000xf32, #tpu.memory_space<hbm>>) dst(%arg24 : memref<2000xf32, #tpu.memory_space<vmem>>)
      %while3A_230 = arith.constant 0 : i32
      %while3A_231 = arith.constant 0 : i32
      %while3A_232 = arith.constant 25 : i32
      %while3A_233 = arith.subi %while3A_232, %while3A_231 : i32
      %while3A_234 = arith.addi %while3A_231, %while3A_233 : i32
      %while3A_235 = arith.constant 1 : i32
      %while3A_236 = arith.divsi %while3A_233, %while3A_235 : i32
      %while3A_237 = arith.muli %while3A_236, %while3A_235 : i32
      %while3A_238 = arith.addi %while3A_231, %while3A_237 : i32
      %while3A_239 = arith.constant 1 : i32
      scf.for %while3A_241 = %while3A_231 to %while3A_238 step %while3A_239  : i32 {
        %mul3A_242 = arith.constant 80 : i32
        %mul3A_243 = arith.muli %while3A_241, %mul3A_242 : i32
        %add3A_244 = arith.constant 0 : i32
        %add3A_245 = arith.addi %mul3A_243, %add3A_244 : i32
        %get3A = arith.index_cast %add3A_245 : i32 to index
        %get3A_246 = tpu.vector_load %arg14[%get3A] {strides = array<i32>} : memref<2000xi32, #tpu.memory_space<vmem>>, vector<16xi32>,
        %get3A_247 = arith.index_cast %add3A_245 : i32 to index
        %get3A_248 = tpu.vector_load %arg16[%get3A_247] {strides = array<i32>} : memref<2000xi32, #tpu.memory_space<vmem>>, vector<16xi32>,
        %max3A = arith.maxsi %get3A_246, %broadcast_in_dim3A_5 : vector<16xi32>
        %min3A = arith.minsi %max3A, %broadcast_in_dim3A_3 : vector<16xi32>
        %max3A_249 = arith.maxsi %get3A_248, %broadcast_in_dim3A_5 : vector<16xi32>
        %min3A_250 = arith.minsi %max3A_249, %broadcast_in_dim3A_3 : vector<16xi32>
        %get3A_251 = arith.index_cast %add3A_245 : i32 to index
        %get3A_252 = tpu.vector_load %arg24[%get3A_251] {strides = array<i32>} : memref<2000xf32, #tpu.memory_space<vmem>>, vector<16xf32>,
        tpu.vector_store_idx %arg12[%min3A], %get3A_252 {add = true} : memref<100352xf32, #tpu.memory_space<vmem>>[vector<16xi32>], vector<16xf32>,
        %neg3A = arith.constant 0.000000e+00 : f32
        %neg3A_253 = vector.broadcast %neg3A : f32 to vector<16xf32>
        %neg3A_254 = arith.subf %neg3A_253, %get3A_252 : vector<16xf32>
        tpu.vector_store_idx %arg12[%min3A_250], %neg3A_254 {add = true} : memref<100352xf32, #tpu.memory_space<vmem>>[vector<16xi32>], vector<16xf32>,
        %add3A_255 = arith.constant 16 : i32
        %add3A_256 = arith.addi %mul3A_243, %add3A_255 : i32
        %get3A_257 = arith.index_cast %add3A_256 : i32 to index
        %get3A_258 = tpu.vector_load %arg14[%get3A_257] {strides = array<i32>} : memref<2000xi32, #tpu.memory_space<vmem>>, vector<16xi32>,
        %get3A_259 = arith.index_cast %add3A_256 : i32 to index
        %get3A_260 = tpu.vector_load %arg16[%get3A_259] {strides = array<i32>} : memref<2000xi32, #tpu.memory_space<vmem>>, vector<16xi32>,
        %max3A_261 = arith.maxsi %get3A_258, %broadcast_in_dim3A_5 : vector<16xi32>
        %min3A_262 = arith.minsi %max3A_261, %broadcast_in_dim3A_3 : vector<16xi32>
        %max3A_263 = arith.maxsi %get3A_260, %broadcast_in_dim3A_5 : vector<16xi32>
        %min3A_264 = arith.minsi %max3A_263, %broadcast_in_dim3A_3 : vector<16xi32>
        %get3A_265 = arith.index_cast %add3A_256 : i32 to index
        %get3A_266 = tpu.vector_load %arg24[%get3A_265] {strides = array<i32>} : memref<2000xf32, #tpu.memory_space<vmem>>, vector<16xf32>,
        tpu.vector_store_idx %arg12[%min3A_262], %get3A_266 {add = true} : memref<100352xf32, #tpu.memory_space<vmem>>[vector<16xi32>], vector<16xf32>,
        %neg3A_267 = arith.constant 0.000000e+00 : f32
        %neg3A_268 = vector.broadcast %neg3A_267 : f32 to vector<16xf32>
        %neg3A_269 = arith.subf %neg3A_268, %get3A_266 : vector<16xf32>
        tpu.vector_store_idx %arg12[%min3A_264], %neg3A_269 {add = true} : memref<100352xf32, #tpu.memory_space<vmem>>[vector<16xi32>], vector<16xf32>,
        %add3A_270 = arith.constant 32 : i32
        %add3A_271 = arith.addi %mul3A_243, %add3A_270 : i32
        %get3A_272 = arith.index_cast %add3A_271 : i32 to index
        %get3A_273 = tpu.vector_load %arg14[%get3A_272] {strides = array<i32>} : memref<2000xi32, #tpu.memory_space<vmem>>, vector<16xi32>,
        %get3A_274 = arith.index_cast %add3A_271 : i32 to index
        %get3A_275 = tpu.vector_load %arg16[%get3A_274] {strides = array<i32>} : memref<2000xi32, #tpu.memory_space<vmem>>, vector<16xi32>,
        %max3A_276 = arith.maxsi %get3A_273, %broadcast_in_dim3A_5 : vector<16xi32>
        %min3A_277 = arith.minsi %max3A_276, %broadcast_in_dim3A_3 : vector<16xi32>
        %max3A_278 = arith.maxsi %get3A_275, %broadcast_in_dim3A_5 : vector<16xi32>
        %min3A_279 = arith.minsi %max3A_278, %broadcast_in_dim3A_3 : vector<16xi32>
        %get3A_280 = arith.index_cast %add3A_271 : i32 to index
        %get3A_281 = tpu.vector_load %arg24[%get3A_280] {strides = array<i32>} : memref<2000xf32, #tpu.memory_space<vmem>>, vector<16xf32>,
        tpu.vector_store_idx %arg12[%min3A_277], %get3A_281 {add = true} : memref<100352xf32, #tpu.memory_space<vmem>>[vector<16xi32>], vector<16xf32>,
        %neg3A_282 = arith.constant 0.000000e+00 : f32
        %neg3A_283 = vector.broadcast %neg3A_282 : f32 to vector<16xf32>
        %neg3A_284 = arith.subf %neg3A_283, %get3A_281 : vector<16xf32>
        tpu.vector_store_idx %arg12[%min3A_279], %neg3A_284 {add = true} : memref<100352xf32, #tpu.memory_space<vmem>>[vector<16xi32>], vector<16xf32>,
        %add3A_285 = arith.constant 48 : i32
        %add3A_286 = arith.addi %mul3A_243, %add3A_285 : i32
        %get3A_287 = arith.index_cast %add3A_286 : i32 to index
        %get3A_288 = tpu.vector_load %arg14[%get3A_287] {strides = array<i32>} : memref<2000xi32, #tpu.memory_space<vmem>>, vector<16xi32>,
        %get3A_289 = arith.index_cast %add3A_286 : i32 to index
        %get3A_290 = tpu.vector_load %arg16[%get3A_289] {strides = array<i32>} : memref<2000xi32, #tpu.memory_space<vmem>>, vector<16xi32>,
        %max3A_291 = arith.maxsi %get3A_288, %broadcast_in_dim3A_5 : vector<16xi32>
        %min3A_292 = arith.minsi %max3A_291, %broadcast_in_dim3A_3 : vector<16xi32>
        %max3A_293 = arith.maxsi %get3A_290, %broadcast_in_dim3A_5 : vector<16xi32>
        %min3A_294 = arith.minsi %max3A_293, %broadcast_in_dim3A_3 : vector<16xi32>
        %get3A_295 = arith.index_cast %add3A_286 : i32 to index
        %get3A_296 = tpu.vector_load %arg24[%get3A_295] {strides = array<i32>} : memref<2000xf32, #tpu.memory_space<vmem>>, vector<16xf32>,
        tpu.vector_store_idx %arg12[%min3A_292], %get3A_296 {add = true} : memref<100352xf32, #tpu.memory_space<vmem>>[vector<16xi32>], vector<16xf32>,
        %neg3A_297 = arith.constant 0.000000e+00 : f32
        %neg3A_298 = vector.broadcast %neg3A_297 : f32 to vector<16xf32>
        %neg3A_299 = arith.subf %neg3A_298, %get3A_296 : vector<16xf32>
        tpu.vector_store_idx %arg12[%min3A_294], %neg3A_299 {add = true} : memref<100352xf32, #tpu.memory_space<vmem>>[vector<16xi32>], vector<16xf32>,
        %add3A_300 = arith.constant 64 : i32
        %add3A_301 = arith.addi %mul3A_243, %add3A_300 : i32
        %get3A_302 = arith.index_cast %add3A_301 : i32 to index
        %get3A_303 = tpu.vector_load %arg14[%get3A_302] {strides = array<i32>} : memref<2000xi32, #tpu.memory_space<vmem>>, vector<16xi32>,
        %get3A_304 = arith.index_cast %add3A_301 : i32 to index
        %get3A_305 = tpu.vector_load %arg16[%get3A_304] {strides = array<i32>} : memref<2000xi32, #tpu.memory_space<vmem>>, vector<16xi32>,
        %max3A_306 = arith.maxsi %get3A_303, %broadcast_in_dim3A_5 : vector<16xi32>
        %min3A_307 = arith.minsi %max3A_306, %broadcast_in_dim3A_3 : vector<16xi32>
        %max3A_308 = arith.maxsi %get3A_305, %broadcast_in_dim3A_5 : vector<16xi32>
        %min3A_309 = arith.minsi %max3A_308, %broadcast_in_dim3A_3 : vector<16xi32>
        %get3A_310 = arith.index_cast %add3A_301 : i32 to index
        %get3A_311 = tpu.vector_load %arg24[%get3A_310] {strides = array<i32>} : memref<2000xf32, #tpu.memory_space<vmem>>, vector<16xf32>,
        tpu.vector_store_idx %arg12[%min3A_307], %get3A_311 {add = true} : memref<100352xf32, #tpu.memory_space<vmem>>[vector<16xi32>], vector<16xf32>,
        %neg3A_312 = arith.constant 0.000000e+00 : f32
        %neg3A_313 = vector.broadcast %neg3A_312 : f32 to vector<16xf32>
        %neg3A_314 = arith.subf %neg3A_313, %get3A_311 : vector<16xf32>
        tpu.vector_store_idx %arg12[%min3A_309], %neg3A_314 {add = true} : memref<100352xf32, #tpu.memory_space<vmem>>[vector<16xi32>], vector<16xf32>,
      }
      %while3A_240 = arith.constant 1 : i32
      scf.for %while3A_241 = %while3A_238 to %while3A_234 step %while3A_240  : i32 {
        %mul3A_242 = arith.constant 80 : i32
        %mul3A_243 = arith.muli %while3A_241, %mul3A_242 : i32
        %add3A_244 = arith.constant 0 : i32
        %add3A_245 = arith.addi %mul3A_243, %add3A_244 : i32
        %get3A = arith.index_cast %add3A_245 : i32 to index
        %get3A_246 = tpu.vector_load %arg14[%get3A] {strides = array<i32>} : memref<2000xi32, #tpu.memory_space<vmem>>, vector<16xi32>,
        %get3A_247 = arith.index_cast %add3A_245 : i32 to index
        %get3A_248 = tpu.vector_load %arg16[%get3A_247] {strides = array<i32>} : memref<2000xi32, #tpu.memory_space<vmem>>, vector<16xi32>,
        %max3A = arith.maxsi %get3A_246, %broadcast_in_dim3A_5 : vector<16xi32>
        %min3A = arith.minsi %max3A, %broadcast_in_dim3A_3 : vector<16xi32>
        %max3A_249 = arith.maxsi %get3A_248, %broadcast_in_dim3A_5 : vector<16xi32>
        %min3A_250 = arith.minsi %max3A_249, %broadcast_in_dim3A_3 : vector<16xi32>
        %get3A_251 = arith.index_cast %add3A_245 : i32 to index
        %get3A_252 = tpu.vector_load %arg24[%get3A_251] {strides = array<i32>} : memref<2000xf32, #tpu.memory_space<vmem>>, vector<16xf32>,
        tpu.vector_store_idx %arg12[%min3A], %get3A_252 {add = true} : memref<100352xf32, #tpu.memory_space<vmem>>[vector<16xi32>], vector<16xf32>,
        %neg3A = arith.constant 0.000000e+00 : f32
        %neg3A_253 = vector.broadcast %neg3A : f32 to vector<16xf32>
        %neg3A_254 = arith.subf %neg3A_253, %get3A_252 : vector<16xf32>
        tpu.vector_store_idx %arg12[%min3A_250], %neg3A_254 {add = true} : memref<100352xf32, #tpu.memory_space<vmem>>[vector<16xi32>], vector<16xf32>,
        %add3A_255 = arith.constant 16 : i32
        %add3A_256 = arith.addi %mul3A_243, %add3A_255 : i32
        %get3A_257 = arith.index_cast %add3A_256 : i32 to index
        %get3A_258 = tpu.vector_load %arg14[%get3A_257] {strides = array<i32>} : memref<2000xi32, #tpu.memory_space<vmem>>, vector<16xi32>,
        %get3A_259 = arith.index_cast %add3A_256 : i32 to index
        %get3A_260 = tpu.vector_load %arg16[%get3A_259] {strides = array<i32>} : memref<2000xi32, #tpu.memory_space<vmem>>, vector<16xi32>,
        %max3A_261 = arith.maxsi %get3A_258, %broadcast_in_dim3A_5 : vector<16xi32>
        %min3A_262 = arith.minsi %max3A_261, %broadcast_in_dim3A_3 : vector<16xi32>
        %max3A_263 = arith.maxsi %get3A_260, %broadcast_in_dim3A_5 : vector<16xi32>
        %min3A_264 = arith.minsi %max3A_263, %broadcast_in_dim3A_3 : vector<16xi32>
        %get3A_265 = arith.index_cast %add3A_256 : i32 to index
        %get3A_266 = tpu.vector_load %arg24[%get3A_265] {strides = array<i32>} : memref<2000xf32, #tpu.memory_space<vmem>>, vector<16xf32>,
        tpu.vector_store_idx %arg12[%min3A_262], %get3A_266 {add = true} : memref<100352xf32, #tpu.memory_space<vmem>>[vector<16xi32>], vector<16xf32>,
        %neg3A_267 = arith.constant 0.000000e+00 : f32
        %neg3A_268 = vector.broadcast %neg3A_267 : f32 to vector<16xf32>
        %neg3A_269 = arith.subf %neg3A_268, %get3A_266 : vector<16xf32>
        tpu.vector_store_idx %arg12[%min3A_264], %neg3A_269 {add = true} : memref<100352xf32, #tpu.memory_space<vmem>>[vector<16xi32>], vector<16xf32>,
        %add3A_270 = arith.constant 32 : i32
        %add3A_271 = arith.addi %mul3A_243, %add3A_270 : i32
        %get3A_272 = arith.index_cast %add3A_271 : i32 to index
        %get3A_273 = tpu.vector_load %arg14[%get3A_272] {strides = array<i32>} : memref<2000xi32, #tpu.memory_space<vmem>>, vector<16xi32>,
        %get3A_274 = arith.index_cast %add3A_271 : i32 to index
        %get3A_275 = tpu.vector_load %arg16[%get3A_274] {strides = array<i32>} : memref<2000xi32, #tpu.memory_space<vmem>>, vector<16xi32>,
        %max3A_276 = arith.maxsi %get3A_273, %broadcast_in_dim3A_5 : vector<16xi32>
        %min3A_277 = arith.minsi %max3A_276, %broadcast_in_dim3A_3 : vector<16xi32>
        %max3A_278 = arith.maxsi %get3A_275, %broadcast_in_dim3A_5 : vector<16xi32>
        %min3A_279 = arith.minsi %max3A_278, %broadcast_in_dim3A_3 : vector<16xi32>
        %get3A_280 = arith.index_cast %add3A_271 : i32 to index
        %get3A_281 = tpu.vector_load %arg24[%get3A_280] {strides = array<i32>} : memref<2000xf32, #tpu.memory_space<vmem>>, vector<16xf32>,
        tpu.vector_store_idx %arg12[%min3A_277], %get3A_281 {add = true} : memref<100352xf32, #tpu.memory_space<vmem>>[vector<16xi32>], vector<16xf32>,
        %neg3A_282 = arith.constant 0.000000e+00 : f32
        %neg3A_283 = vector.broadcast %neg3A_282 : f32 to vector<16xf32>
        %neg3A_284 = arith.subf %neg3A_283, %get3A_281 : vector<16xf32>
        tpu.vector_store_idx %arg12[%min3A_279], %neg3A_284 {add = true} : memref<100352xf32, #tpu.memory_space<vmem>>[vector<16xi32>], vector<16xf32>,
        %add3A_285 = arith.constant 48 : i32
        %add3A_286 = arith.addi %mul3A_243, %add3A_285 : i32
        %get3A_287 = arith.index_cast %add3A_286 : i32 to index
        %get3A_288 = tpu.vector_load %arg14[%get3A_287] {strides = array<i32>} : memref<2000xi32, #tpu.memory_space<vmem>>, vector<16xi32>,
        %get3A_289 = arith.index_cast %add3A_286 : i32 to index
        %get3A_290 = tpu.vector_load %arg16[%get3A_289] {strides = array<i32>} : memref<2000xi32, #tpu.memory_space<vmem>>, vector<16xi32>,
        %max3A_291 = arith.maxsi %get3A_288, %broadcast_in_dim3A_5 : vector<16xi32>
        %min3A_292 = arith.minsi %max3A_291, %broadcast_in_dim3A_3 : vector<16xi32>
        %max3A_293 = arith.maxsi %get3A_290, %broadcast_in_dim3A_5 : vector<16xi32>
        %min3A_294 = arith.minsi %max3A_293, %broadcast_in_dim3A_3 : vector<16xi32>
        %get3A_295 = arith.index_cast %add3A_286 : i32 to index
        %get3A_296 = tpu.vector_load %arg24[%get3A_295] {strides = array<i32>} : memref<2000xf32, #tpu.memory_space<vmem>>, vector<16xf32>,
        tpu.vector_store_idx %arg12[%min3A_292], %get3A_296 {add = true} : memref<100352xf32, #tpu.memory_space<vmem>>[vector<16xi32>], vector<16xf32>,
        %neg3A_297 = arith.constant 0.000000e+00 : f32
        %neg3A_298 = vector.broadcast %neg3A_297 : f32 to vector<16xf32>
        %neg3A_299 = arith.subf %neg3A_298, %get3A_296 : vector<16xf32>
        tpu.vector_store_idx %arg12[%min3A_294], %neg3A_299 {add = true} : memref<100352xf32, #tpu.memory_space<vmem>>[vector<16xi32>], vector<16xf32>,
        %add3A_300 = arith.constant 64 : i32
        %add3A_301 = arith.addi %mul3A_243, %add3A_300 : i32
        %get3A_302 = arith.index_cast %add3A_301 : i32 to index
        %get3A_303 = tpu.vector_load %arg14[%get3A_302] {strides = array<i32>} : memref<2000xi32, #tpu.memory_space<vmem>>, vector<16xi32>,
        %get3A_304 = arith.index_cast %add3A_301 : i32 to index
        %get3A_305 = tpu.vector_load %arg16[%get3A_304] {strides = array<i32>} : memref<2000xi32, #tpu.memory_space<vmem>>, vector<16xi32>,
        %max3A_306 = arith.maxsi %get3A_303, %broadcast_in_dim3A_5 : vector<16xi32>
        %min3A_307 = arith.minsi %max3A_306, %broadcast_in_dim3A_3 : vector<16xi32>
        %max3A_308 = arith.maxsi %get3A_305, %broadcast_in_dim3A_5 : vector<16xi32>
        %min3A_309 = arith.minsi %max3A_308, %broadcast_in_dim3A_3 : vector<16xi32>
        %get3A_310 = arith.index_cast %add3A_301 : i32 to index
        %get3A_311 = tpu.vector_load %arg24[%get3A_310] {strides = array<i32>} : memref<2000xf32, #tpu.memory_space<vmem>>, vector<16xf32>,
        tpu.vector_store_idx %arg12[%min3A_307], %get3A_311 {add = true} : memref<100352xf32, #tpu.memory_space<vmem>>[vector<16xi32>], vector<16xf32>,
        %neg3A_312 = arith.constant 0.000000e+00 : f32
        %neg3A_313 = vector.broadcast %neg3A_312 : f32 to vector<16xf32>
        %neg3A_314 = arith.subf %neg3A_313, %get3A_311 : vector<16xf32>
        tpu.vector_store_idx %arg12[%min3A_309], %neg3A_314 {add = true} : memref<100352xf32, #tpu.memory_space<vmem>>[vector<16xi32>], vector<16xf32>,
      }
    }
    %mul3A_99 = arith.constant 100352 : i32
    %mul3A_100 = arith.muli %add3A, %mul3A_99 : i32
    "tpu.region"() ({
      %run_scoped3A = tpu.sem_alloc : memref<!tpu.dma_semaphore, #tpu.memory_space<semaphore_mem>>
      %dma_start3A_185 = tpu.memref_slice %arg11[%mul3A_100] : memref<3211264xf32, #tpu.memory_space<hbm>> -> memref<100352xf32, #tpu.memory_space<hbm>>
      %dma_start3A_186 = tpu.memref_slice %arg11[%mul3A_100] : memref<3211264xf32, #tpu.memory_space<hbm>> -> memref<100352xf32, #tpu.memory_space<hbm>>
      tpu.enqueue_dma source(%arg12 : memref<100352xf32, #tpu.memory_space<vmem>>) target(%dma_start3A_186 : memref<100352xf32, #tpu.memory_space<hbm>>) target_semaphore(%run_scoped3A : memref<!tpu.dma_semaphore, #tpu.memory_space<semaphore_mem>>)
      %dma_wait3A_187 = tpu.memref_slice %arg11[%mul3A_100] : memref<3211264xf32, #tpu.memory_space<hbm>> -> memref<100352xf32, #tpu.memory_space<hbm>>
      %dma_wait3A_188 = tpu.memref_slice %arg11[%mul3A_100] : memref<3211264xf32, #tpu.memory_space<hbm>> -> memref<100352xf32, #tpu.memory_space<hbm>>
      tpu.wait_dma2 semaphore(%run_scoped3A : memref<!tpu.dma_semaphore, #tpu.memory_space<semaphore_mem>>) src(%arg12 : memref<100352xf32, #tpu.memory_space<vmem>>) dst(%dma_wait3A_188 : memref<100352xf32, #tpu.memory_space<hbm>>)
      tpu.yield
    }) : () -> ()
    %barrier3A = arith.constant 0 : index
    tpu.barrier barrier_id(%barrier3A)
    %mul3A_101 = arith.constant 6272 : i32
    %mul3A_102 = arith.muli %arg1, %mul3A_101 : i32
    %add3A_103 = arith.constant 0 : i32
    %add3A_104 = arith.addi %mul3A_102, %add3A_103 : i32
    %mul3A_105 = arith.constant 1605632 : i32
    %mul3A_106 = arith.muli %arg0, %mul3A_105 : i32
    %add3A_107 = arith.addi %mul3A_106, %add3A_104 : i32
    "tpu.region"() ({
      %run_scoped3A = tpu.sem_alloc : memref<!tpu.dma_semaphore, #tpu.memory_space<semaphore_mem>>
      %dma_start3A_185 = arith.constant 0 : i32
      %dma_start3A_186 = tpu.memref_slice %arg19[%dma_start3A_185] : memref<2000xf32, #tpu.memory_space<vmem>> -> memref<1568xf32, #tpu.memory_space<vmem>>
      %dma_start3A_187 = tpu.memref_slice %arg11[%add3A_107] : memref<3211264xf32, #tpu.memory_space<hbm>> -> memref<1568xf32, #tpu.memory_space<hbm>>
      %dma_start3A_188 = arith.constant 0 : i32
      %dma_start3A_189 = tpu.memref_slice %arg19[%dma_start3A_188] : memref<2000xf32, #tpu.memory_space<vmem>> -> memref<1568xf32, #tpu.memory_space<vmem>>
      %dma_start3A_190 = tpu.memref_slice %arg11[%add3A_107] : memref<3211264xf32, #tpu.memory_space<hbm>> -> memref<1568xf32, #tpu.memory_space<hbm>>
      tpu.enqueue_dma source(%dma_start3A_190 : memref<1568xf32, #tpu.memory_space<hbm>>) target(%dma_start3A_189 : memref<1568xf32, #tpu.memory_space<vmem>>) target_semaphore(%run_scoped3A : memref<!tpu.dma_semaphore, #tpu.memory_space<semaphore_mem>>)
      %dma_wait3A_191 = arith.constant 0 : i32
      %dma_wait3A_192 = tpu.memref_slice %arg19[%dma_wait3A_191] : memref<2000xf32, #tpu.memory_space<vmem>> -> memref<1568xf32, #tpu.memory_space<vmem>>
      %dma_wait3A_193 = tpu.memref_slice %arg11[%add3A_107] : memref<3211264xf32, #tpu.memory_space<hbm>> -> memref<1568xf32, #tpu.memory_space<hbm>>
      %dma_wait3A_194 = arith.constant 0 : i32
      %dma_wait3A_195 = tpu.memref_slice %arg19[%dma_wait3A_194] : memref<2000xf32, #tpu.memory_space<vmem>> -> memref<1568xf32, #tpu.memory_space<vmem>>
      %dma_wait3A_196 = tpu.memref_slice %arg11[%add3A_107] : memref<3211264xf32, #tpu.memory_space<hbm>> -> memref<1568xf32, #tpu.memory_space<hbm>>
      tpu.wait_dma2 semaphore(%run_scoped3A : memref<!tpu.dma_semaphore, #tpu.memory_space<semaphore_mem>>) src(%dma_wait3A_196 : memref<1568xf32, #tpu.memory_space<hbm>>) dst(%dma_wait3A_195 : memref<1568xf32, #tpu.memory_space<vmem>>)
      tpu.yield
    }) : () -> ()
    %while3A_108 = arith.constant 0 : i32
    %while3A_109 = arith.constant 1 : i32
    %while3A_110 = arith.constant 16 : i32
    %while3A_111 = arith.subi %while3A_110, %while3A_109 : i32
    %while3A_112 = arith.addi %while3A_109, %while3A_111 : i32
    %while3A_113 = arith.constant 1 : i32
    %while3A_114 = arith.divsi %while3A_111, %while3A_113 : i32
    %while3A_115 = arith.muli %while3A_114, %while3A_113 : i32
    %while3A_116 = arith.addi %while3A_109, %while3A_115 : i32
    %while3A_117 = arith.constant 1 : i32
    scf.for %while3A_185 = %while3A_109 to %while3A_116 step %while3A_117  : i32 {
      %mul3A_186 = arith.constant 16 : i32
      %mul3A_187 = arith.muli %arg0, %mul3A_186 : i32
      %add3A_188 = arith.addi %mul3A_187, %while3A_185 : i32
      %mul3A_189 = arith.constant 100352 : i32
      %mul3A_190 = arith.muli %add3A_188, %mul3A_189 : i32
      %add3A_191 = arith.addi %mul3A_190, %add3A_104 : i32
      "tpu.region"() ({
        %run_scoped3A = tpu.sem_alloc : memref<!tpu.dma_semaphore, #tpu.memory_space<semaphore_mem>>
        %dma_start3A_203 = arith.constant 0 : i32
        %dma_start3A_204 = tpu.memref_slice %arg21[%dma_start3A_203] : memref<2000xf32, #tpu.memory_space<vmem>> -> memref<1568xf32, #tpu.memory_space<vmem>>
        %dma_start3A_205 = tpu.memref_slice %arg11[%add3A_191] : memref<3211264xf32, #tpu.memory_space<hbm>> -> memref<1568xf32, #tpu.memory_space<hbm>>
        %dma_start3A_206 = arith.constant 0 : i32
        %dma_start3A_207 = tpu.memref_slice %arg21[%dma_start3A_206] : memref<2000xf32, #tpu.memory_space<vmem>> -> memref<1568xf32, #tpu.memory_space<vmem>>
        %dma_start3A_208 = tpu.memref_slice %arg11[%add3A_191] : memref<3211264xf32, #tpu.memory_space<hbm>> -> memref<1568xf32, #tpu.memory_space<hbm>>
        tpu.enqueue_dma source(%dma_start3A_208 : memref<1568xf32, #tpu.memory_space<hbm>>) target(%dma_start3A_207 : memref<1568xf32, #tpu.memory_space<vmem>>) target_semaphore(%run_scoped3A : memref<!tpu.dma_semaphore, #tpu.memory_space<semaphore_mem>>)
        %dma_wait3A_209 = arith.constant 0 : i32
        %dma_wait3A_210 = tpu.memref_slice %arg21[%dma_wait3A_209] : memref<2000xf32, #tpu.memory_space<vmem>> -> memref<1568xf32, #tpu.memory_space<vmem>>
        %dma_wait3A_211 = tpu.memref_slice %arg11[%add3A_191] : memref<3211264xf32, #tpu.memory_space<hbm>> -> memref<1568xf32, #tpu.memory_space<hbm>>
        %dma_wait3A_212 = arith.constant 0 : i32
        %dma_wait3A_213 = tpu.memref_slice %arg21[%dma_wait3A_212] : memref<2000xf32, #tpu.memory_space<vmem>> -> memref<1568xf32, #tpu.memory_space<vmem>>
        %dma_wait3A_214 = tpu.memref_slice %arg11[%add3A_191] : memref<3211264xf32, #tpu.memory_space<hbm>> -> memref<1568xf32, #tpu.memory_space<hbm>>
        tpu.wait_dma2 semaphore(%run_scoped3A : memref<!tpu.dma_semaphore, #tpu.memory_space<semaphore_mem>>) src(%dma_wait3A_214 : memref<1568xf32, #tpu.memory_space<hbm>>) dst(%dma_wait3A_213 : memref<1568xf32, #tpu.memory_space<vmem>>)
        tpu.yield
      }) : () -> ()
      %while3A_192 = arith.constant 0 : i32
      %while3A_193 = arith.constant 0 : i32
      %while3A_194 = arith.constant 14 : i32
      %while3A_195 = arith.subi %while3A_194, %while3A_193 : i32
      %while3A_196 = arith.addi %while3A_193, %while3A_195 : i32
      %while3A_197 = arith.constant 1 : i32
      %while3A_198 = arith.divsi %while3A_195, %while3A_197 : i32
      %while3A_199 = arith.muli %while3A_198, %while3A_197 : i32
      %while3A_200 = arith.addi %while3A_193, %while3A_199 : i32
      %while3A_201 = arith.constant 1 : i32
      scf.for %while3A_203 = %while3A_193 to %while3A_200 step %while3A_201  : i32 {
        %mul3A_204 = arith.constant 112 : i32
        %mul3A_205 = arith.muli %while3A_203, %mul3A_204 : i32
        %add3A_206 = arith.constant 0 : i32
        %add3A_207 = arith.addi %mul3A_205, %add3A_206 : i32
        %get3A = arith.index_cast %add3A_207 : i32 to index
        %get3A_208 = tpu.vector_load %arg19[%get3A] {strides = array<i32>} : memref<2000xf32, #tpu.memory_space<vmem>>, vector<16xf32>,
        %get3A_209 = arith.index_cast %add3A_207 : i32 to index
        %get3A_210 = tpu.vector_load %arg21[%get3A_209] {strides = array<i32>} : memref<2000xf32, #tpu.memory_space<vmem>>, vector<16xf32>,
        %add3A_211 = arith.addf %get3A_208, %get3A_210 : vector<16xf32>
        %swap3A = arith.index_cast %add3A_207 : i32 to index
        %swap3A_212 = tpu.vector_load %arg19[%swap3A] {strides = array<i32>} : memref<2000xf32, #tpu.memory_space<vmem>>, vector<16xf32>,
        tpu.vector_store %arg19[%swap3A], %add3A_211 {strides = array<i32>} : memref<2000xf32, #tpu.memory_space<vmem>>, vector<16xf32>,
        %add3A_213 = arith.constant 16 : i32
        %add3A_214 = arith.addi %mul3A_205, %add3A_213 : i32
        %get3A_215 = arith.index_cast %add3A_214 : i32 to index
        %get3A_216 = tpu.vector_load %arg19[%get3A_215] {strides = array<i32>} : memref<2000xf32, #tpu.memory_space<vmem>>, vector<16xf32>,
        %get3A_217 = arith.index_cast %add3A_214 : i32 to index
        %get3A_218 = tpu.vector_load %arg21[%get3A_217] {strides = array<i32>} : memref<2000xf32, #tpu.memory_space<vmem>>, vector<16xf32>,
        %add3A_219 = arith.addf %get3A_216, %get3A_218 : vector<16xf32>
        %swap3A_220 = arith.index_cast %add3A_214 : i32 to index
        %swap3A_221 = tpu.vector_load %arg19[%swap3A_220] {strides = array<i32>} : memref<2000xf32, #tpu.memory_space<vmem>>, vector<16xf32>,
        tpu.vector_store %arg19[%swap3A_220], %add3A_219 {strides = array<i32>} : memref<2000xf32, #tpu.memory_space<vmem>>, vector<16xf32>,
        %add3A_222 = arith.constant 32 : i32
        %add3A_223 = arith.addi %mul3A_205, %add3A_222 : i32
        %get3A_224 = arith.index_cast %add3A_223 : i32 to index
        %get3A_225 = tpu.vector_load %arg19[%get3A_224] {strides = array<i32>} : memref<2000xf32, #tpu.memory_space<vmem>>, vector<16xf32>,
        %get3A_226 = arith.index_cast %add3A_223 : i32 to index
        %get3A_227 = tpu.vector_load %arg21[%get3A_226] {strides = array<i32>} : memref<2000xf32, #tpu.memory_space<vmem>>, vector<16xf32>,
        %add3A_228 = arith.addf %get3A_225, %get3A_227 : vector<16xf32>
        %swap3A_229 = arith.index_cast %add3A_223 : i32 to index
        %swap3A_230 = tpu.vector_load %arg19[%swap3A_229] {strides = array<i32>} : memref<2000xf32, #tpu.memory_space<vmem>>, vector<16xf32>,
        tpu.vector_store %arg19[%swap3A_229], %add3A_228 {strides = array<i32>} : memref<2000xf32, #tpu.memory_space<vmem>>, vector<16xf32>,
        %add3A_231 = arith.constant 48 : i32
        %add3A_232 = arith.addi %mul3A_205, %add3A_231 : i32
        %get3A_233 = arith.index_cast %add3A_232 : i32 to index
        %get3A_234 = tpu.vector_load %arg19[%get3A_233] {strides = array<i32>} : memref<2000xf32, #tpu.memory_space<vmem>>, vector<16xf32>,
        %get3A_235 = arith.index_cast %add3A_232 : i32 to index
        %get3A_236 = tpu.vector_load %arg21[%get3A_235] {strides = array<i32>} : memref<2000xf32, #tpu.memory_space<vmem>>, vector<16xf32>,
        %add3A_237 = arith.addf %get3A_234, %get3A_236 : vector<16xf32>
        %swap3A_238 = arith.index_cast %add3A_232 : i32 to index
        %swap3A_239 = tpu.vector_load %arg19[%swap3A_238] {strides = array<i32>} : memref<2000xf32, #tpu.memory_space<vmem>>, vector<16xf32>,
        tpu.vector_store %arg19[%swap3A_238], %add3A_237 {strides = array<i32>} : memref<2000xf32, #tpu.memory_space<vmem>>, vector<16xf32>,
        %add3A_240 = arith.constant 64 : i32
        %add3A_241 = arith.addi %mul3A_205, %add3A_240 : i32
        %get3A_242 = arith.index_cast %add3A_241 : i32 to index
        %get3A_243 = tpu.vector_load %arg19[%get3A_242] {strides = array<i32>} : memref<2000xf32, #tpu.memory_space<vmem>>, vector<16xf32>,
        %get3A_244 = arith.index_cast %add3A_241 : i32 to index
        %get3A_245 = tpu.vector_load %arg21[%get3A_244] {strides = array<i32>} : memref<2000xf32, #tpu.memory_space<vmem>>, vector<16xf32>,
        %add3A_246 = arith.addf %get3A_243, %get3A_245 : vector<16xf32>
        %swap3A_247 = arith.index_cast %add3A_241 : i32 to index
        %swap3A_248 = tpu.vector_load %arg19[%swap3A_247] {strides = array<i32>} : memref<2000xf32, #tpu.memory_space<vmem>>, vector<16xf32>,
        tpu.vector_store %arg19[%swap3A_247], %add3A_246 {strides = array<i32>} : memref<2000xf32, #tpu.memory_space<vmem>>, vector<16xf32>,
        %add3A_249 = arith.constant 80 : i32
        %add3A_250 = arith.addi %mul3A_205, %add3A_249 : i32
        %get3A_251 = arith.index_cast %add3A_250 : i32 to index
        %get3A_252 = tpu.vector_load %arg19[%get3A_251] {strides = array<i32>} : memref<2000xf32, #tpu.memory_space<vmem>>, vector<16xf32>,
        %get3A_253 = arith.index_cast %add3A_250 : i32 to index
        %get3A_254 = tpu.vector_load %arg21[%get3A_253] {strides = array<i32>} : memref<2000xf32, #tpu.memory_space<vmem>>, vector<16xf32>,
        %add3A_255 = arith.addf %get3A_252, %get3A_254 : vector<16xf32>
        %swap3A_256 = arith.index_cast %add3A_250 : i32 to index
        %swap3A_257 = tpu.vector_load %arg19[%swap3A_256] {strides = array<i32>} : memref<2000xf32, #tpu.memory_space<vmem>>, vector<16xf32>,
        tpu.vector_store %arg19[%swap3A_256], %add3A_255 {strides = array<i32>} : memref<2000xf32, #tpu.memory_space<vmem>>, vector<16xf32>,
        %add3A_258 = arith.constant 96 : i32
        %add3A_259 = arith.addi %mul3A_205, %add3A_258 : i32
        %get3A_260 = arith.index_cast %add3A_259 : i32 to index
        %get3A_261 = tpu.vector_load %arg19[%get3A_260] {strides = array<i32>} : memref<2000xf32, #tpu.memory_space<vmem>>, vector<16xf32>,
        %get3A_262 = arith.index_cast %add3A_259 : i32 to index
        %get3A_263 = tpu.vector_load %arg21[%get3A_262] {strides = array<i32>} : memref<2000xf32, #tpu.memory_space<vmem>>, vector<16xf32>,
        %add3A_264 = arith.addf %get3A_261, %get3A_263 : vector<16xf32>
        %swap3A_265 = arith.index_cast %add3A_259 : i32 to index
        %swap3A_266 = tpu.vector_load %arg19[%swap3A_265] {strides = array<i32>} : memref<2000xf32, #tpu.memory_space<vmem>>, vector<16xf32>,
        tpu.vector_store %arg19[%swap3A_265], %add3A_264 {strides = array<i32>} : memref<2000xf32, #tpu.memory_space<vmem>>, vector<16xf32>,
      }
      %while3A_202 = arith.constant 1 : i32
      scf.for %while3A_203 = %while3A_200 to %while3A_196 step %while3A_202  : i32 {
        %mul3A_204 = arith.constant 112 : i32
        %mul3A_205 = arith.muli %while3A_203, %mul3A_204 : i32
        %add3A_206 = arith.constant 0 : i32
        %add3A_207 = arith.addi %mul3A_205, %add3A_206 : i32
        %get3A = arith.index_cast %add3A_207 : i32 to index
        %get3A_208 = tpu.vector_load %arg19[%get3A] {strides = array<i32>} : memref<2000xf32, #tpu.memory_space<vmem>>, vector<16xf32>,
        %get3A_209 = arith.index_cast %add3A_207 : i32 to index
        %get3A_210 = tpu.vector_load %arg21[%get3A_209] {strides = array<i32>} : memref<2000xf32, #tpu.memory_space<vmem>>, vector<16xf32>,
        %add3A_211 = arith.addf %get3A_208, %get3A_210 : vector<16xf32>
        %swap3A = arith.index_cast %add3A_207 : i32 to index
        %swap3A_212 = tpu.vector_load %arg19[%swap3A] {strides = array<i32>} : memref<2000xf32, #tpu.memory_space<vmem>>, vector<16xf32>,
        tpu.vector_store %arg19[%swap3A], %add3A_211 {strides = array<i32>} : memref<2000xf32, #tpu.memory_space<vmem>>, vector<16xf32>,
        %add3A_213 = arith.constant 16 : i32
        %add3A_214 = arith.addi %mul3A_205, %add3A_213 : i32
        %get3A_215 = arith.index_cast %add3A_214 : i32 to index
        %get3A_216 = tpu.vector_load %arg19[%get3A_215] {strides = array<i32>} : memref<2000xf32, #tpu.memory_space<vmem>>, vector<16xf32>,
        %get3A_217 = arith.index_cast %add3A_214 : i32 to index
        %get3A_218 = tpu.vector_load %arg21[%get3A_217] {strides = array<i32>} : memref<2000xf32, #tpu.memory_space<vmem>>, vector<16xf32>,
        %add3A_219 = arith.addf %get3A_216, %get3A_218 : vector<16xf32>
        %swap3A_220 = arith.index_cast %add3A_214 : i32 to index
        %swap3A_221 = tpu.vector_load %arg19[%swap3A_220] {strides = array<i32>} : memref<2000xf32, #tpu.memory_space<vmem>>, vector<16xf32>,
        tpu.vector_store %arg19[%swap3A_220], %add3A_219 {strides = array<i32>} : memref<2000xf32, #tpu.memory_space<vmem>>, vector<16xf32>,
        %add3A_222 = arith.constant 32 : i32
        %add3A_223 = arith.addi %mul3A_205, %add3A_222 : i32
        %get3A_224 = arith.index_cast %add3A_223 : i32 to index
        %get3A_225 = tpu.vector_load %arg19[%get3A_224] {strides = array<i32>} : memref<2000xf32, #tpu.memory_space<vmem>>, vector<16xf32>,
        %get3A_226 = arith.index_cast %add3A_223 : i32 to index
        %get3A_227 = tpu.vector_load %arg21[%get3A_226] {strides = array<i32>} : memref<2000xf32, #tpu.memory_space<vmem>>, vector<16xf32>,
        %add3A_228 = arith.addf %get3A_225, %get3A_227 : vector<16xf32>
        %swap3A_229 = arith.index_cast %add3A_223 : i32 to index
        %swap3A_230 = tpu.vector_load %arg19[%swap3A_229] {strides = array<i32>} : memref<2000xf32, #tpu.memory_space<vmem>>, vector<16xf32>,
        tpu.vector_store %arg19[%swap3A_229], %add3A_228 {strides = array<i32>} : memref<2000xf32, #tpu.memory_space<vmem>>, vector<16xf32>,
        %add3A_231 = arith.constant 48 : i32
        %add3A_232 = arith.addi %mul3A_205, %add3A_231 : i32
        %get3A_233 = arith.index_cast %add3A_232 : i32 to index
        %get3A_234 = tpu.vector_load %arg19[%get3A_233] {strides = array<i32>} : memref<2000xf32, #tpu.memory_space<vmem>>, vector<16xf32>,
        %get3A_235 = arith.index_cast %add3A_232 : i32 to index
        %get3A_236 = tpu.vector_load %arg21[%get3A_235] {strides = array<i32>} : memref<2000xf32, #tpu.memory_space<vmem>>, vector<16xf32>,
        %add3A_237 = arith.addf %get3A_234, %get3A_236 : vector<16xf32>
        %swap3A_238 = arith.index_cast %add3A_232 : i32 to index
        %swap3A_239 = tpu.vector_load %arg19[%swap3A_238] {strides = array<i32>} : memref<2000xf32, #tpu.memory_space<vmem>>, vector<16xf32>,
        tpu.vector_store %arg19[%swap3A_238], %add3A_237 {strides = array<i32>} : memref<2000xf32, #tpu.memory_space<vmem>>, vector<16xf32>,
        %add3A_240 = arith.constant 64 : i32
        %add3A_241 = arith.addi %mul3A_205, %add3A_240 : i32
        %get3A_242 = arith.index_cast %add3A_241 : i32 to index
        %get3A_243 = tpu.vector_load %arg19[%get3A_242] {strides = array<i32>} : memref<2000xf32, #tpu.memory_space<vmem>>, vector<16xf32>,
        %get3A_244 = arith.index_cast %add3A_241 : i32 to index
        %get3A_245 = tpu.vector_load %arg21[%get3A_244] {strides = array<i32>} : memref<2000xf32, #tpu.memory_space<vmem>>, vector<16xf32>,
        %add3A_246 = arith.addf %get3A_243, %get3A_245 : vector<16xf32>
        %swap3A_247 = arith.index_cast %add3A_241 : i32 to index
        %swap3A_248 = tpu.vector_load %arg19[%swap3A_247] {strides = array<i32>} : memref<2000xf32, #tpu.memory_space<vmem>>, vector<16xf32>,
        tpu.vector_store %arg19[%swap3A_247], %add3A_246 {strides = array<i32>} : memref<2000xf32, #tpu.memory_space<vmem>>, vector<16xf32>,
        %add3A_249 = arith.constant 80 : i32
        %add3A_250 = arith.addi %mul3A_205, %add3A_249 : i32
        %get3A_251 = arith.index_cast %add3A_250 : i32 to index
        %get3A_252 = tpu.vector_load %arg19[%get3A_251] {strides = array<i32>} : memref<2000xf32, #tpu.memory_space<vmem>>, vector<16xf32>,
        %get3A_253 = arith.index_cast %add3A_250 : i32 to index
        %get3A_254 = tpu.vector_load %arg21[%get3A_253] {strides = array<i32>} : memref<2000xf32, #tpu.memory_space<vmem>>, vector<16xf32>,
        %add3A_255 = arith.addf %get3A_252, %get3A_254 : vector<16xf32>
        %swap3A_256 = arith.index_cast %add3A_250 : i32 to index
        %swap3A_257 = tpu.vector_load %arg19[%swap3A_256] {strides = array<i32>} : memref<2000xf32, #tpu.memory_space<vmem>>, vector<16xf32>,
        tpu.vector_store %arg19[%swap3A_256], %add3A_255 {strides = array<i32>} : memref<2000xf32, #tpu.memory_space<vmem>>, vector<16xf32>,
        %add3A_258 = arith.constant 96 : i32
        %add3A_259 = arith.addi %mul3A_205, %add3A_258 : i32
        %get3A_260 = arith.index_cast %add3A_259 : i32 to index
        %get3A_261 = tpu.vector_load %arg19[%get3A_260] {strides = array<i32>} : memref<2000xf32, #tpu.memory_space<vmem>>, vector<16xf32>,
        %get3A_262 = arith.index_cast %add3A_259 : i32 to index
        %get3A_263 = tpu.vector_load %arg21[%get3A_262] {strides = array<i32>} : memref<2000xf32, #tpu.memory_space<vmem>>, vector<16xf32>,
        %add3A_264 = arith.addf %get3A_261, %get3A_263 : vector<16xf32>
        %swap3A_265 = arith.index_cast %add3A_259 : i32 to index
        %swap3A_266 = tpu.vector_load %arg19[%swap3A_265] {strides = array<i32>} : memref<2000xf32, #tpu.memory_space<vmem>>, vector<16xf32>,
        tpu.vector_store %arg19[%swap3A_265], %add3A_264 {strides = array<i32>} : memref<2000xf32, #tpu.memory_space<vmem>>, vector<16xf32>,
      }
    }
    %while3A_118 = arith.constant 1 : i32
    scf.for %while3A_185 = %while3A_116 to %while3A_112 step %while3A_118  : i32 {
      %mul3A_186 = arith.constant 16 : i32
      %mul3A_187 = arith.muli %arg0, %mul3A_186 : i32
      %add3A_188 = arith.addi %mul3A_187, %while3A_185 : i32
      %mul3A_189 = arith.constant 100352 : i32
      %mul3A_190 = arith.muli %add3A_188, %mul3A_189 : i32
      %add3A_191 = arith.addi %mul3A_190, %add3A_104 : i32
      "tpu.region"() ({
        %run_scoped3A = tpu.sem_alloc : memref<!tpu.dma_semaphore, #tpu.memory_space<semaphore_mem>>
        %dma_start3A_203 = arith.constant 0 : i32
        %dma_start3A_204 = tpu.memref_slice %arg21[%dma_start3A_203] : memref<2000xf32, #tpu.memory_space<vmem>> -> memref<1568xf32, #tpu.memory_space<vmem>>
        %dma_start3A_205 = tpu.memref_slice %arg11[%add3A_191] : memref<3211264xf32, #tpu.memory_space<hbm>> -> memref<1568xf32, #tpu.memory_space<hbm>>
        %dma_start3A_206 = arith.constant 0 : i32
        %dma_start3A_207 = tpu.memref_slice %arg21[%dma_start3A_206] : memref<2000xf32, #tpu.memory_space<vmem>> -> memref<1568xf32, #tpu.memory_space<vmem>>
        %dma_start3A_208 = tpu.memref_slice %arg11[%add3A_191] : memref<3211264xf32, #tpu.memory_space<hbm>> -> memref<1568xf32, #tpu.memory_space<hbm>>
        tpu.enqueue_dma source(%dma_start3A_208 : memref<1568xf32, #tpu.memory_space<hbm>>) target(%dma_start3A_207 : memref<1568xf32, #tpu.memory_space<vmem>>) target_semaphore(%run_scoped3A : memref<!tpu.dma_semaphore, #tpu.memory_space<semaphore_mem>>)
        %dma_wait3A_209 = arith.constant 0 : i32
        %dma_wait3A_210 = tpu.memref_slice %arg21[%dma_wait3A_209] : memref<2000xf32, #tpu.memory_space<vmem>> -> memref<1568xf32, #tpu.memory_space<vmem>>
        %dma_wait3A_211 = tpu.memref_slice %arg11[%add3A_191] : memref<3211264xf32, #tpu.memory_space<hbm>> -> memref<1568xf32, #tpu.memory_space<hbm>>
        %dma_wait3A_212 = arith.constant 0 : i32
        %dma_wait3A_213 = tpu.memref_slice %arg21[%dma_wait3A_212] : memref<2000xf32, #tpu.memory_space<vmem>> -> memref<1568xf32, #tpu.memory_space<vmem>>
        %dma_wait3A_214 = tpu.memref_slice %arg11[%add3A_191] : memref<3211264xf32, #tpu.memory_space<hbm>> -> memref<1568xf32, #tpu.memory_space<hbm>>
        tpu.wait_dma2 semaphore(%run_scoped3A : memref<!tpu.dma_semaphore, #tpu.memory_space<semaphore_mem>>) src(%dma_wait3A_214 : memref<1568xf32, #tpu.memory_space<hbm>>) dst(%dma_wait3A_213 : memref<1568xf32, #tpu.memory_space<vmem>>)
        tpu.yield
      }) : () -> ()
      %while3A_192 = arith.constant 0 : i32
      %while3A_193 = arith.constant 0 : i32
      %while3A_194 = arith.constant 14 : i32
      %while3A_195 = arith.subi %while3A_194, %while3A_193 : i32
      %while3A_196 = arith.addi %while3A_193, %while3A_195 : i32
      %while3A_197 = arith.constant 1 : i32
      %while3A_198 = arith.divsi %while3A_195, %while3A_197 : i32
      %while3A_199 = arith.muli %while3A_198, %while3A_197 : i32
      %while3A_200 = arith.addi %while3A_193, %while3A_199 : i32
      %while3A_201 = arith.constant 1 : i32
      scf.for %while3A_203 = %while3A_193 to %while3A_200 step %while3A_201  : i32 {
        %mul3A_204 = arith.constant 112 : i32
        %mul3A_205 = arith.muli %while3A_203, %mul3A_204 : i32
        %add3A_206 = arith.constant 0 : i32
        %add3A_207 = arith.addi %mul3A_205, %add3A_206 : i32
        %get3A = arith.index_cast %add3A_207 : i32 to index
        %get3A_208 = tpu.vector_load %arg19[%get3A] {strides = array<i32>} : memref<2000xf32, #tpu.memory_space<vmem>>, vector<16xf32>,
        %get3A_209 = arith.index_cast %add3A_207 : i32 to index
        %get3A_210 = tpu.vector_load %arg21[%get3A_209] {strides = array<i32>} : memref<2000xf32, #tpu.memory_space<vmem>>, vector<16xf32>,
        %add3A_211 = arith.addf %get3A_208, %get3A_210 : vector<16xf32>
        %swap3A = arith.index_cast %add3A_207 : i32 to index
        %swap3A_212 = tpu.vector_load %arg19[%swap3A] {strides = array<i32>} : memref<2000xf32, #tpu.memory_space<vmem>>, vector<16xf32>,
        tpu.vector_store %arg19[%swap3A], %add3A_211 {strides = array<i32>} : memref<2000xf32, #tpu.memory_space<vmem>>, vector<16xf32>,
        %add3A_213 = arith.constant 16 : i32
        %add3A_214 = arith.addi %mul3A_205, %add3A_213 : i32
        %get3A_215 = arith.index_cast %add3A_214 : i32 to index
        %get3A_216 = tpu.vector_load %arg19[%get3A_215] {strides = array<i32>} : memref<2000xf32, #tpu.memory_space<vmem>>, vector<16xf32>,
        %get3A_217 = arith.index_cast %add3A_214 : i32 to index
        %get3A_218 = tpu.vector_load %arg21[%get3A_217] {strides = array<i32>} : memref<2000xf32, #tpu.memory_space<vmem>>, vector<16xf32>,
        %add3A_219 = arith.addf %get3A_216, %get3A_218 : vector<16xf32>
        %swap3A_220 = arith.index_cast %add3A_214 : i32 to index
        %swap3A_221 = tpu.vector_load %arg19[%swap3A_220] {strides = array<i32>} : memref<2000xf32, #tpu.memory_space<vmem>>, vector<16xf32>,
        tpu.vector_store %arg19[%swap3A_220], %add3A_219 {strides = array<i32>} : memref<2000xf32, #tpu.memory_space<vmem>>, vector<16xf32>,
        %add3A_222 = arith.constant 32 : i32
        %add3A_223 = arith.addi %mul3A_205, %add3A_222 : i32
        %get3A_224 = arith.index_cast %add3A_223 : i32 to index
        %get3A_225 = tpu.vector_load %arg19[%get3A_224] {strides = array<i32>} : memref<2000xf32, #tpu.memory_space<vmem>>, vector<16xf32>,
        %get3A_226 = arith.index_cast %add3A_223 : i32 to index
        %get3A_227 = tpu.vector_load %arg21[%get3A_226] {strides = array<i32>} : memref<2000xf32, #tpu.memory_space<vmem>>, vector<16xf32>,
        %add3A_228 = arith.addf %get3A_225, %get3A_227 : vector<16xf32>
        %swap3A_229 = arith.index_cast %add3A_223 : i32 to index
        %swap3A_230 = tpu.vector_load %arg19[%swap3A_229] {strides = array<i32>} : memref<2000xf32, #tpu.memory_space<vmem>>, vector<16xf32>,
        tpu.vector_store %arg19[%swap3A_229], %add3A_228 {strides = array<i32>} : memref<2000xf32, #tpu.memory_space<vmem>>, vector<16xf32>,
        %add3A_231 = arith.constant 48 : i32
        %add3A_232 = arith.addi %mul3A_205, %add3A_231 : i32
        %get3A_233 = arith.index_cast %add3A_232 : i32 to index
        %get3A_234 = tpu.vector_load %arg19[%get3A_233] {strides = array<i32>} : memref<2000xf32, #tpu.memory_space<vmem>>, vector<16xf32>,
        %get3A_235 = arith.index_cast %add3A_232 : i32 to index
        %get3A_236 = tpu.vector_load %arg21[%get3A_235] {strides = array<i32>} : memref<2000xf32, #tpu.memory_space<vmem>>, vector<16xf32>,
        %add3A_237 = arith.addf %get3A_234, %get3A_236 : vector<16xf32>
        %swap3A_238 = arith.index_cast %add3A_232 : i32 to index
        %swap3A_239 = tpu.vector_load %arg19[%swap3A_238] {strides = array<i32>} : memref<2000xf32, #tpu.memory_space<vmem>>, vector<16xf32>,
        tpu.vector_store %arg19[%swap3A_238], %add3A_237 {strides = array<i32>} : memref<2000xf32, #tpu.memory_space<vmem>>, vector<16xf32>,
        %add3A_240 = arith.constant 64 : i32
        %add3A_241 = arith.addi %mul3A_205, %add3A_240 : i32
        %get3A_242 = arith.index_cast %add3A_241 : i32 to index
        %get3A_243 = tpu.vector_load %arg19[%get3A_242] {strides = array<i32>} : memref<2000xf32, #tpu.memory_space<vmem>>, vector<16xf32>,
        %get3A_244 = arith.index_cast %add3A_241 : i32 to index
        %get3A_245 = tpu.vector_load %arg21[%get3A_244] {strides = array<i32>} : memref<2000xf32, #tpu.memory_space<vmem>>, vector<16xf32>,
        %add3A_246 = arith.addf %get3A_243, %get3A_245 : vector<16xf32>
        %swap3A_247 = arith.index_cast %add3A_241 : i32 to index
        %swap3A_248 = tpu.vector_load %arg19[%swap3A_247] {strides = array<i32>} : memref<2000xf32, #tpu.memory_space<vmem>>, vector<16xf32>,
        tpu.vector_store %arg19[%swap3A_247], %add3A_246 {strides = array<i32>} : memref<2000xf32, #tpu.memory_space<vmem>>, vector<16xf32>,
        %add3A_249 = arith.constant 80 : i32
        %add3A_250 = arith.addi %mul3A_205, %add3A_249 : i32
        %get3A_251 = arith.index_cast %add3A_250 : i32 to index
        %get3A_252 = tpu.vector_load %arg19[%get3A_251] {strides = array<i32>} : memref<2000xf32, #tpu.memory_space<vmem>>, vector<16xf32>,
        %get3A_253 = arith.index_cast %add3A_250 : i32 to index
        %get3A_254 = tpu.vector_load %arg21[%get3A_253] {strides = array<i32>} : memref<2000xf32, #tpu.memory_space<vmem>>, vector<16xf32>,
        %add3A_255 = arith.addf %get3A_252, %get3A_254 : vector<16xf32>
        %swap3A_256 = arith.index_cast %add3A_250 : i32 to index
        %swap3A_257 = tpu.vector_load %arg19[%swap3A_256] {strides = array<i32>} : memref<2000xf32, #tpu.memory_space<vmem>>, vector<16xf32>,
        tpu.vector_store %arg19[%swap3A_256], %add3A_255 {strides = array<i32>} : memref<2000xf32, #tpu.memory_space<vmem>>, vector<16xf32>,
        %add3A_258 = arith.constant 96 : i32
        %add3A_259 = arith.addi %mul3A_205, %add3A_258 : i32
        %get3A_260 = arith.index_cast %add3A_259 : i32 to index
        %get3A_261 = tpu.vector_load %arg19[%get3A_260] {strides = array<i32>} : memref<2000xf32, #tpu.memory_space<vmem>>, vector<16xf32>,
        %get3A_262 = arith.index_cast %add3A_259 : i32 to index
        %get3A_263 = tpu.vector_load %arg21[%get3A_262] {strides = array<i32>} : memref<2000xf32, #tpu.memory_space<vmem>>, vector<16xf32>,
        %add3A_264 = arith.addf %get3A_261, %get3A_263 : vector<16xf32>
        %swap3A_265 = arith.index_cast %add3A_259 : i32 to index
        %swap3A_266 = tpu.vector_load %arg19[%swap3A_265] {strides = array<i32>} : memref<2000xf32, #tpu.memory_space<vmem>>, vector<16xf32>,
        tpu.vector_store %arg19[%swap3A_265], %add3A_264 {strides = array<i32>} : memref<2000xf32, #tpu.memory_space<vmem>>, vector<16xf32>,
      }
      %while3A_202 = arith.constant 1 : i32
      scf.for %while3A_203 = %while3A_200 to %while3A_196 step %while3A_202  : i32 {
        %mul3A_204 = arith.constant 112 : i32
        %mul3A_205 = arith.muli %while3A_203, %mul3A_204 : i32
        %add3A_206 = arith.constant 0 : i32
        %add3A_207 = arith.addi %mul3A_205, %add3A_206 : i32
        %get3A = arith.index_cast %add3A_207 : i32 to index
        %get3A_208 = tpu.vector_load %arg19[%get3A] {strides = array<i32>} : memref<2000xf32, #tpu.memory_space<vmem>>, vector<16xf32>,
        %get3A_209 = arith.index_cast %add3A_207 : i32 to index
        %get3A_210 = tpu.vector_load %arg21[%get3A_209] {strides = array<i32>} : memref<2000xf32, #tpu.memory_space<vmem>>, vector<16xf32>,
        %add3A_211 = arith.addf %get3A_208, %get3A_210 : vector<16xf32>
        %swap3A = arith.index_cast %add3A_207 : i32 to index
        %swap3A_212 = tpu.vector_load %arg19[%swap3A] {strides = array<i32>} : memref<2000xf32, #tpu.memory_space<vmem>>, vector<16xf32>,
        tpu.vector_store %arg19[%swap3A], %add3A_211 {strides = array<i32>} : memref<2000xf32, #tpu.memory_space<vmem>>, vector<16xf32>,
        %add3A_213 = arith.constant 16 : i32
        %add3A_214 = arith.addi %mul3A_205, %add3A_213 : i32
        %get3A_215 = arith.index_cast %add3A_214 : i32 to index
        %get3A_216 = tpu.vector_load %arg19[%get3A_215] {strides = array<i32>} : memref<2000xf32, #tpu.memory_space<vmem>>, vector<16xf32>,
        %get3A_217 = arith.index_cast %add3A_214 : i32 to index
        %get3A_218 = tpu.vector_load %arg21[%get3A_217] {strides = array<i32>} : memref<2000xf32, #tpu.memory_space<vmem>>, vector<16xf32>,
        %add3A_219 = arith.addf %get3A_216, %get3A_218 : vector<16xf32>
        %swap3A_220 = arith.index_cast %add3A_214 : i32 to index
        %swap3A_221 = tpu.vector_load %arg19[%swap3A_220] {strides = array<i32>} : memref<2000xf32, #tpu.memory_space<vmem>>, vector<16xf32>,
        tpu.vector_store %arg19[%swap3A_220], %add3A_219 {strides = array<i32>} : memref<2000xf32, #tpu.memory_space<vmem>>, vector<16xf32>,
        %add3A_222 = arith.constant 32 : i32
        %add3A_223 = arith.addi %mul3A_205, %add3A_222 : i32
        %get3A_224 = arith.index_cast %add3A_223 : i32 to index
        %get3A_225 = tpu.vector_load %arg19[%get3A_224] {strides = array<i32>} : memref<2000xf32, #tpu.memory_space<vmem>>, vector<16xf32>,
        %get3A_226 = arith.index_cast %add3A_223 : i32 to index
        %get3A_227 = tpu.vector_load %arg21[%get3A_226] {strides = array<i32>} : memref<2000xf32, #tpu.memory_space<vmem>>, vector<16xf32>,
        %add3A_228 = arith.addf %get3A_225, %get3A_227 : vector<16xf32>
        %swap3A_229 = arith.index_cast %add3A_223 : i32 to index
        %swap3A_230 = tpu.vector_load %arg19[%swap3A_229] {strides = array<i32>} : memref<2000xf32, #tpu.memory_space<vmem>>, vector<16xf32>,
        tpu.vector_store %arg19[%swap3A_229], %add3A_228 {strides = array<i32>} : memref<2000xf32, #tpu.memory_space<vmem>>, vector<16xf32>,
        %add3A_231 = arith.constant 48 : i32
        %add3A_232 = arith.addi %mul3A_205, %add3A_231 : i32
        %get3A_233 = arith.index_cast %add3A_232 : i32 to index
        %get3A_234 = tpu.vector_load %arg19[%get3A_233] {strides = array<i32>} : memref<2000xf32, #tpu.memory_space<vmem>>, vector<16xf32>,
        %get3A_235 = arith.index_cast %add3A_232 : i32 to index
        %get3A_236 = tpu.vector_load %arg21[%get3A_235] {strides = array<i32>} : memref<2000xf32, #tpu.memory_space<vmem>>, vector<16xf32>,
        %add3A_237 = arith.addf %get3A_234, %get3A_236 : vector<16xf32>
        %swap3A_238 = arith.index_cast %add3A_232 : i32 to index
        %swap3A_239 = tpu.vector_load %arg19[%swap3A_238] {strides = array<i32>} : memref<2000xf32, #tpu.memory_space<vmem>>, vector<16xf32>,
        tpu.vector_store %arg19[%swap3A_238], %add3A_237 {strides = array<i32>} : memref<2000xf32, #tpu.memory_space<vmem>>, vector<16xf32>,
        %add3A_240 = arith.constant 64 : i32
        %add3A_241 = arith.addi %mul3A_205, %add3A_240 : i32
        %get3A_242 = arith.index_cast %add3A_241 : i32 to index
        %get3A_243 = tpu.vector_load %arg19[%get3A_242] {strides = array<i32>} : memref<2000xf32, #tpu.memory_space<vmem>>, vector<16xf32>,
        %get3A_244 = arith.index_cast %add3A_241 : i32 to index
        %get3A_245 = tpu.vector_load %arg21[%get3A_244] {strides = array<i32>} : memref<2000xf32, #tpu.memory_space<vmem>>, vector<16xf32>,
        %add3A_246 = arith.addf %get3A_243, %get3A_245 : vector<16xf32>
        %swap3A_247 = arith.index_cast %add3A_241 : i32 to index
        %swap3A_248 = tpu.vector_load %arg19[%swap3A_247] {strides = array<i32>} : memref<2000xf32, #tpu.memory_space<vmem>>, vector<16xf32>,
        tpu.vector_store %arg19[%swap3A_247], %add3A_246 {strides = array<i32>} : memref<2000xf32, #tpu.memory_space<vmem>>, vector<16xf32>,
        %add3A_249 = arith.constant 80 : i32
        %add3A_250 = arith.addi %mul3A_205, %add3A_249 : i32
        %get3A_251 = arith.index_cast %add3A_250 : i32 to index
        %get3A_252 = tpu.vector_load %arg19[%get3A_251] {strides = array<i32>} : memref<2000xf32, #tpu.memory_space<vmem>>, vector<16xf32>,
        %get3A_253 = arith.index_cast %add3A_250 : i32 to index
        %get3A_254 = tpu.vector_load %arg21[%get3A_253] {strides = array<i32>} : memref<2000xf32, #tpu.memory_space<vmem>>, vector<16xf32>,
        %add3A_255 = arith.addf %get3A_252, %get3A_254 : vector<16xf32>
        %swap3A_256 = arith.index_cast %add3A_250 : i32 to index
        %swap3A_257 = tpu.vector_load %arg19[%swap3A_256] {strides = array<i32>} : memref<2000xf32, #tpu.memory_space<vmem>>, vector<16xf32>,
        tpu.vector_store %arg19[%swap3A_256], %add3A_255 {strides = array<i32>} : memref<2000xf32, #tpu.memory_space<vmem>>, vector<16xf32>,
        %add3A_258 = arith.constant 96 : i32
        %add3A_259 = arith.addi %mul3A_205, %add3A_258 : i32
        %get3A_260 = arith.index_cast %add3A_259 : i32 to index
        %get3A_261 = tpu.vector_load %arg19[%get3A_260] {strides = array<i32>} : memref<2000xf32, #tpu.memory_space<vmem>>, vector<16xf32>,
        %get3A_262 = arith.index_cast %add3A_259 : i32 to index
        %get3A_263 = tpu.vector_load %arg21[%get3A_262] {strides = array<i32>} : memref<2000xf32, #tpu.memory_space<vmem>>, vector<16xf32>,
        %add3A_264 = arith.addf %get3A_261, %get3A_263 : vector<16xf32>
        %swap3A_265 = arith.index_cast %add3A_259 : i32 to index
        %swap3A_266 = tpu.vector_load %arg19[%swap3A_265] {strides = array<i32>} : memref<2000xf32, #tpu.memory_space<vmem>>, vector<16xf32>,
        tpu.vector_store %arg19[%swap3A_265], %add3A_264 {strides = array<i32>} : memref<2000xf32, #tpu.memory_space<vmem>>, vector<16xf32>,
      }
    }
    %mul3A_119 = arith.constant 100352 : i32
    %mul3A_120 = arith.muli %arg0, %mul3A_119 : i32
    %add3A_121 = arith.addi %mul3A_120, %add3A_104 : i32
    "tpu.region"() ({
      %run_scoped3A = tpu.sem_alloc : memref<!tpu.dma_semaphore, #tpu.memory_space<semaphore_mem>>
      %dma_start3A_185 = arith.constant 0 : i32
      %dma_start3A_186 = tpu.memref_slice %arg19[%dma_start3A_185] : memref<2000xf32, #tpu.memory_space<vmem>> -> memref<1568xf32, #tpu.memory_space<vmem>>
      %dma_start3A_187 = tpu.memref_slice %arg8[%add3A_121] : memref<200704xf32, #tpu.memory_space<hbm>> -> memref<1568xf32, #tpu.memory_space<hbm>>
      %dma_start3A_188 = tpu.memref_slice %arg8[%add3A_121] : memref<200704xf32, #tpu.memory_space<hbm>> -> memref<1568xf32, #tpu.memory_space<hbm>>
      %dma_start3A_189 = arith.constant 0 : i32
      %dma_start3A_190 = tpu.memref_slice %arg19[%dma_start3A_189] : memref<2000xf32, #tpu.memory_space<vmem>> -> memref<1568xf32, #tpu.memory_space<vmem>>
      tpu.enqueue_dma source(%dma_start3A_190 : memref<1568xf32, #tpu.memory_space<vmem>>) target(%dma_start3A_188 : memref<1568xf32, #tpu.memory_space<hbm>>) target_semaphore(%run_scoped3A : memref<!tpu.dma_semaphore, #tpu.memory_space<semaphore_mem>>)
      %dma_wait3A_191 = arith.constant 0 : i32
      %dma_wait3A_192 = tpu.memref_slice %arg19[%dma_wait3A_191] : memref<2000xf32, #tpu.memory_space<vmem>> -> memref<1568xf32, #tpu.memory_space<vmem>>
      %dma_wait3A_193 = tpu.memref_slice %arg8[%add3A_121] : memref<200704xf32, #tpu.memory_space<hbm>> -> memref<1568xf32, #tpu.memory_space<hbm>>
      %dma_wait3A_194 = tpu.memref_slice %arg8[%add3A_121] : memref<200704xf32, #tpu.memory_space<hbm>> -> memref<1568xf32, #tpu.memory_space<hbm>>
      %dma_wait3A_195 = arith.constant 0 : i32
      %dma_wait3A_196 = tpu.memref_slice %arg19[%dma_wait3A_195] : memref<2000xf32, #tpu.memory_space<vmem>> -> memref<1568xf32, #tpu.memory_space<vmem>>
      tpu.wait_dma2 semaphore(%run_scoped3A : memref<!tpu.dma_semaphore, #tpu.memory_space<semaphore_mem>>) src(%dma_wait3A_196 : memref<1568xf32, #tpu.memory_space<vmem>>) dst(%dma_wait3A_194 : memref<1568xf32, #tpu.memory_space<hbm>>)
      tpu.yield
    }) : () -> ()
    %mul3A_122 = arith.constant 6272 : i32
    %mul3A_123 = arith.muli %arg1, %mul3A_122 : i32
    %add3A_124 = arith.constant 1568 : i32
    %add3A_125 = arith.addi %mul3A_123, %add3A_124 : i32
    %mul3A_126 = arith.constant 1605632 : i32
    %mul3A_127 = arith.muli %arg0, %mul3A_126 : i32
    %add3A_128 = arith.addi %mul3A_127, %add3A_125 : i32
    "tpu.region"() ({
      %run_scoped3A = tpu.sem_alloc : memref<!tpu.dma_semaphore, #tpu.memory_space<semaphore_mem>>
      %dma_start3A_185 = arith.constant 0 : i32
      %dma_start3A_186 = tpu.memref_slice %arg19[%dma_start3A_185] : memref<2000xf32, #tpu.memory_space<vmem>> -> memref<1568xf32, #tpu.memory_space<vmem>>
      %dma_start3A_187 = tpu.memref_slice %arg11[%add3A_128] : memref<3211264xf32, #tpu.memory_space<hbm>> -> memref<1568xf32, #tpu.memory_space<hbm>>
      %dma_start3A_188 = arith.constant 0 : i32
      %dma_start3A_189 = tpu.memref_slice %arg19[%dma_start3A_188] : memref<2000xf32, #tpu.memory_space<vmem>> -> memref<1568xf32, #tpu.memory_space<vmem>>
      %dma_start3A_190 = tpu.memref_slice %arg11[%add3A_128] : memref<3211264xf32, #tpu.memory_space<hbm>> -> memref<1568xf32, #tpu.memory_space<hbm>>
      tpu.enqueue_dma source(%dma_start3A_190 : memref<1568xf32, #tpu.memory_space<hbm>>) target(%dma_start3A_189 : memref<1568xf32, #tpu.memory_space<vmem>>) target_semaphore(%run_scoped3A : memref<!tpu.dma_semaphore, #tpu.memory_space<semaphore_mem>>)
      %dma_wait3A_191 = arith.constant 0 : i32
      %dma_wait3A_192 = tpu.memref_slice %arg19[%dma_wait3A_191] : memref<2000xf32, #tpu.memory_space<vmem>> -> memref<1568xf32, #tpu.memory_space<vmem>>
      %dma_wait3A_193 = tpu.memref_slice %arg11[%add3A_128] : memref<3211264xf32, #tpu.memory_space<hbm>> -> memref<1568xf32, #tpu.memory_space<hbm>>
      %dma_wait3A_194 = arith.constant 0 : i32
      %dma_wait3A_195 = tpu.memref_slice %arg19[%dma_wait3A_194] : memref<2000xf32, #tpu.memory_space<vmem>> -> memref<1568xf32, #tpu.memory_space<vmem>>
      %dma_wait3A_196 = tpu.memref_slice %arg11[%add3A_128] : memref<3211264xf32, #tpu.memory_space<hbm>> -> memref<1568xf32, #tpu.memory_space<hbm>>
      tpu.wait_dma2 semaphore(%run_scoped3A : memref<!tpu.dma_semaphore, #tpu.memory_space<semaphore_mem>>) src(%dma_wait3A_196 : memref<1568xf32, #tpu.memory_space<hbm>>) dst(%dma_wait3A_195 : memref<1568xf32, #tpu.memory_space<vmem>>)
      tpu.yield
    }) : () -> ()
    %while3A_129 = arith.constant 0 : i32
    %while3A_130 = arith.constant 1 : i32
    %while3A_131 = arith.constant 16 : i32
    %while3A_132 = arith.subi %while3A_131, %while3A_130 : i32
    %while3A_133 = arith.addi %while3A_130, %while3A_132 : i32
    %while3A_134 = arith.constant 1 : i32
    %while3A_135 = arith.divsi %while3A_132, %while3A_134 : i32
    %while3A_136 = arith.muli %while3A_135, %while3A_134 : i32
    %while3A_137 = arith.addi %while3A_130, %while3A_136 : i32
    %while3A_138 = arith.constant 1 : i32
    scf.for %while3A_185 = %while3A_130 to %while3A_137 step %while3A_138  : i32 {
      %mul3A_186 = arith.constant 16 : i32
      %mul3A_187 = arith.muli %arg0, %mul3A_186 : i32
      %add3A_188 = arith.addi %mul3A_187, %while3A_185 : i32
      %mul3A_189 = arith.constant 100352 : i32
      %mul3A_190 = arith.muli %add3A_188, %mul3A_189 : i32
      %add3A_191 = arith.addi %mul3A_190, %add3A_125 : i32
      "tpu.region"() ({
        %run_scoped3A = tpu.sem_alloc : memref<!tpu.dma_semaphore, #tpu.memory_space<semaphore_mem>>
        %dma_start3A_203 = arith.constant 0 : i32
        %dma_start3A_204 = tpu.memref_slice %arg21[%dma_start3A_203] : memref<2000xf32, #tpu.memory_space<vmem>> -> memref<1568xf32, #tpu.memory_space<vmem>>
        %dma_start3A_205 = tpu.memref_slice %arg11[%add3A_191] : memref<3211264xf32, #tpu.memory_space<hbm>> -> memref<1568xf32, #tpu.memory_space<hbm>>
        %dma_start3A_206 = arith.constant 0 : i32
        %dma_start3A_207 = tpu.memref_slice %arg21[%dma_start3A_206] : memref<2000xf32, #tpu.memory_space<vmem>> -> memref<1568xf32, #tpu.memory_space<vmem>>
        %dma_start3A_208 = tpu.memref_slice %arg11[%add3A_191] : memref<3211264xf32, #tpu.memory_space<hbm>> -> memref<1568xf32, #tpu.memory_space<hbm>>
        tpu.enqueue_dma source(%dma_start3A_208 : memref<1568xf32, #tpu.memory_space<hbm>>) target(%dma_start3A_207 : memref<1568xf32, #tpu.memory_space<vmem>>) target_semaphore(%run_scoped3A : memref<!tpu.dma_semaphore, #tpu.memory_space<semaphore_mem>>)
        %dma_wait3A_209 = arith.constant 0 : i32
        %dma_wait3A_210 = tpu.memref_slice %arg21[%dma_wait3A_209] : memref<2000xf32, #tpu.memory_space<vmem>> -> memref<1568xf32, #tpu.memory_space<vmem>>
        %dma_wait3A_211 = tpu.memref_slice %arg11[%add3A_191] : memref<3211264xf32, #tpu.memory_space<hbm>> -> memref<1568xf32, #tpu.memory_space<hbm>>
        %dma_wait3A_212 = arith.constant 0 : i32
        %dma_wait3A_213 = tpu.memref_slice %arg21[%dma_wait3A_212] : memref<2000xf32, #tpu.memory_space<vmem>> -> memref<1568xf32, #tpu.memory_space<vmem>>
        %dma_wait3A_214 = tpu.memref_slice %arg11[%add3A_191] : memref<3211264xf32, #tpu.memory_space<hbm>> -> memref<1568xf32, #tpu.memory_space<hbm>>
        tpu.wait_dma2 semaphore(%run_scoped3A : memref<!tpu.dma_semaphore, #tpu.memory_space<semaphore_mem>>) src(%dma_wait3A_214 : memref<1568xf32, #tpu.memory_space<hbm>>) dst(%dma_wait3A_213 : memref<1568xf32, #tpu.memory_space<vmem>>)
        tpu.yield
      }) : () -> ()
      %while3A_192 = arith.constant 0 : i32
      %while3A_193 = arith.constant 0 : i32
      %while3A_194 = arith.constant 14 : i32
      %while3A_195 = arith.subi %while3A_194, %while3A_193 : i32
      %while3A_196 = arith.addi %while3A_193, %while3A_195 : i32
      %while3A_197 = arith.constant 1 : i32
      %while3A_198 = arith.divsi %while3A_195, %while3A_197 : i32
      %while3A_199 = arith.muli %while3A_198, %while3A_197 : i32
      %while3A_200 = arith.addi %while3A_193, %while3A_199 : i32
      %while3A_201 = arith.constant 1 : i32
      scf.for %while3A_203 = %while3A_193 to %while3A_200 step %while3A_201  : i32 {
        %mul3A_204 = arith.constant 112 : i32
        %mul3A_205 = arith.muli %while3A_203, %mul3A_204 : i32
        %add3A_206 = arith.constant 0 : i32
        %add3A_207 = arith.addi %mul3A_205, %add3A_206 : i32
        %get3A = arith.index_cast %add3A_207 : i32 to index
        %get3A_208 = tpu.vector_load %arg19[%get3A] {strides = array<i32>} : memref<2000xf32, #tpu.memory_space<vmem>>, vector<16xf32>,
        %get3A_209 = arith.index_cast %add3A_207 : i32 to index
        %get3A_210 = tpu.vector_load %arg21[%get3A_209] {strides = array<i32>} : memref<2000xf32, #tpu.memory_space<vmem>>, vector<16xf32>,
        %add3A_211 = arith.addf %get3A_208, %get3A_210 : vector<16xf32>
        %swap3A = arith.index_cast %add3A_207 : i32 to index
        %swap3A_212 = tpu.vector_load %arg19[%swap3A] {strides = array<i32>} : memref<2000xf32, #tpu.memory_space<vmem>>, vector<16xf32>,
        tpu.vector_store %arg19[%swap3A], %add3A_211 {strides = array<i32>} : memref<2000xf32, #tpu.memory_space<vmem>>, vector<16xf32>,
        %add3A_213 = arith.constant 16 : i32
        %add3A_214 = arith.addi %mul3A_205, %add3A_213 : i32
        %get3A_215 = arith.index_cast %add3A_214 : i32 to index
        %get3A_216 = tpu.vector_load %arg19[%get3A_215] {strides = array<i32>} : memref<2000xf32, #tpu.memory_space<vmem>>, vector<16xf32>,
        %get3A_217 = arith.index_cast %add3A_214 : i32 to index
        %get3A_218 = tpu.vector_load %arg21[%get3A_217] {strides = array<i32>} : memref<2000xf32, #tpu.memory_space<vmem>>, vector<16xf32>,
        %add3A_219 = arith.addf %get3A_216, %get3A_218 : vector<16xf32>
        %swap3A_220 = arith.index_cast %add3A_214 : i32 to index
        %swap3A_221 = tpu.vector_load %arg19[%swap3A_220] {strides = array<i32>} : memref<2000xf32, #tpu.memory_space<vmem>>, vector<16xf32>,
        tpu.vector_store %arg19[%swap3A_220], %add3A_219 {strides = array<i32>} : memref<2000xf32, #tpu.memory_space<vmem>>, vector<16xf32>,
        %add3A_222 = arith.constant 32 : i32
        %add3A_223 = arith.addi %mul3A_205, %add3A_222 : i32
        %get3A_224 = arith.index_cast %add3A_223 : i32 to index
        %get3A_225 = tpu.vector_load %arg19[%get3A_224] {strides = array<i32>} : memref<2000xf32, #tpu.memory_space<vmem>>, vector<16xf32>,
        %get3A_226 = arith.index_cast %add3A_223 : i32 to index
        %get3A_227 = tpu.vector_load %arg21[%get3A_226] {strides = array<i32>} : memref<2000xf32, #tpu.memory_space<vmem>>, vector<16xf32>,
        %add3A_228 = arith.addf %get3A_225, %get3A_227 : vector<16xf32>
        %swap3A_229 = arith.index_cast %add3A_223 : i32 to index
        %swap3A_230 = tpu.vector_load %arg19[%swap3A_229] {strides = array<i32>} : memref<2000xf32, #tpu.memory_space<vmem>>, vector<16xf32>,
        tpu.vector_store %arg19[%swap3A_229], %add3A_228 {strides = array<i32>} : memref<2000xf32, #tpu.memory_space<vmem>>, vector<16xf32>,
        %add3A_231 = arith.constant 48 : i32
        %add3A_232 = arith.addi %mul3A_205, %add3A_231 : i32
        %get3A_233 = arith.index_cast %add3A_232 : i32 to index
        %get3A_234 = tpu.vector_load %arg19[%get3A_233] {strides = array<i32>} : memref<2000xf32, #tpu.memory_space<vmem>>, vector<16xf32>,
        %get3A_235 = arith.index_cast %add3A_232 : i32 to index
        %get3A_236 = tpu.vector_load %arg21[%get3A_235] {strides = array<i32>} : memref<2000xf32, #tpu.memory_space<vmem>>, vector<16xf32>,
        %add3A_237 = arith.addf %get3A_234, %get3A_236 : vector<16xf32>
        %swap3A_238 = arith.index_cast %add3A_232 : i32 to index
        %swap3A_239 = tpu.vector_load %arg19[%swap3A_238] {strides = array<i32>} : memref<2000xf32, #tpu.memory_space<vmem>>, vector<16xf32>,
        tpu.vector_store %arg19[%swap3A_238], %add3A_237 {strides = array<i32>} : memref<2000xf32, #tpu.memory_space<vmem>>, vector<16xf32>,
        %add3A_240 = arith.constant 64 : i32
        %add3A_241 = arith.addi %mul3A_205, %add3A_240 : i32
        %get3A_242 = arith.index_cast %add3A_241 : i32 to index
        %get3A_243 = tpu.vector_load %arg19[%get3A_242] {strides = array<i32>} : memref<2000xf32, #tpu.memory_space<vmem>>, vector<16xf32>,
        %get3A_244 = arith.index_cast %add3A_241 : i32 to index
        %get3A_245 = tpu.vector_load %arg21[%get3A_244] {strides = array<i32>} : memref<2000xf32, #tpu.memory_space<vmem>>, vector<16xf32>,
        %add3A_246 = arith.addf %get3A_243, %get3A_245 : vector<16xf32>
        %swap3A_247 = arith.index_cast %add3A_241 : i32 to index
        %swap3A_248 = tpu.vector_load %arg19[%swap3A_247] {strides = array<i32>} : memref<2000xf32, #tpu.memory_space<vmem>>, vector<16xf32>,
        tpu.vector_store %arg19[%swap3A_247], %add3A_246 {strides = array<i32>} : memref<2000xf32, #tpu.memory_space<vmem>>, vector<16xf32>,
        %add3A_249 = arith.constant 80 : i32
        %add3A_250 = arith.addi %mul3A_205, %add3A_249 : i32
        %get3A_251 = arith.index_cast %add3A_250 : i32 to index
        %get3A_252 = tpu.vector_load %arg19[%get3A_251] {strides = array<i32>} : memref<2000xf32, #tpu.memory_space<vmem>>, vector<16xf32>,
        %get3A_253 = arith.index_cast %add3A_250 : i32 to index
        %get3A_254 = tpu.vector_load %arg21[%get3A_253] {strides = array<i32>} : memref<2000xf32, #tpu.memory_space<vmem>>, vector<16xf32>,
        %add3A_255 = arith.addf %get3A_252, %get3A_254 : vector<16xf32>
        %swap3A_256 = arith.index_cast %add3A_250 : i32 to index
        %swap3A_257 = tpu.vector_load %arg19[%swap3A_256] {strides = array<i32>} : memref<2000xf32, #tpu.memory_space<vmem>>, vector<16xf32>,
        tpu.vector_store %arg19[%swap3A_256], %add3A_255 {strides = array<i32>} : memref<2000xf32, #tpu.memory_space<vmem>>, vector<16xf32>,
        %add3A_258 = arith.constant 96 : i32
        %add3A_259 = arith.addi %mul3A_205, %add3A_258 : i32
        %get3A_260 = arith.index_cast %add3A_259 : i32 to index
        %get3A_261 = tpu.vector_load %arg19[%get3A_260] {strides = array<i32>} : memref<2000xf32, #tpu.memory_space<vmem>>, vector<16xf32>,
        %get3A_262 = arith.index_cast %add3A_259 : i32 to index
        %get3A_263 = tpu.vector_load %arg21[%get3A_262] {strides = array<i32>} : memref<2000xf32, #tpu.memory_space<vmem>>, vector<16xf32>,
        %add3A_264 = arith.addf %get3A_261, %get3A_263 : vector<16xf32>
        %swap3A_265 = arith.index_cast %add3A_259 : i32 to index
        %swap3A_266 = tpu.vector_load %arg19[%swap3A_265] {strides = array<i32>} : memref<2000xf32, #tpu.memory_space<vmem>>, vector<16xf32>,
        tpu.vector_store %arg19[%swap3A_265], %add3A_264 {strides = array<i32>} : memref<2000xf32, #tpu.memory_space<vmem>>, vector<16xf32>,
      }
      %while3A_202 = arith.constant 1 : i32
      scf.for %while3A_203 = %while3A_200 to %while3A_196 step %while3A_202  : i32 {
        %mul3A_204 = arith.constant 112 : i32
        %mul3A_205 = arith.muli %while3A_203, %mul3A_204 : i32
        %add3A_206 = arith.constant 0 : i32
        %add3A_207 = arith.addi %mul3A_205, %add3A_206 : i32
        %get3A = arith.index_cast %add3A_207 : i32 to index
        %get3A_208 = tpu.vector_load %arg19[%get3A] {strides = array<i32>} : memref<2000xf32, #tpu.memory_space<vmem>>, vector<16xf32>,
        %get3A_209 = arith.index_cast %add3A_207 : i32 to index
        %get3A_210 = tpu.vector_load %arg21[%get3A_209] {strides = array<i32>} : memref<2000xf32, #tpu.memory_space<vmem>>, vector<16xf32>,
        %add3A_211 = arith.addf %get3A_208, %get3A_210 : vector<16xf32>
        %swap3A = arith.index_cast %add3A_207 : i32 to index
        %swap3A_212 = tpu.vector_load %arg19[%swap3A] {strides = array<i32>} : memref<2000xf32, #tpu.memory_space<vmem>>, vector<16xf32>,
        tpu.vector_store %arg19[%swap3A], %add3A_211 {strides = array<i32>} : memref<2000xf32, #tpu.memory_space<vmem>>, vector<16xf32>,
        %add3A_213 = arith.constant 16 : i32
        %add3A_214 = arith.addi %mul3A_205, %add3A_213 : i32
        %get3A_215 = arith.index_cast %add3A_214 : i32 to index
        %get3A_216 = tpu.vector_load %arg19[%get3A_215] {strides = array<i32>} : memref<2000xf32, #tpu.memory_space<vmem>>, vector<16xf32>,
        %get3A_217 = arith.index_cast %add3A_214 : i32 to index
        %get3A_218 = tpu.vector_load %arg21[%get3A_217] {strides = array<i32>} : memref<2000xf32, #tpu.memory_space<vmem>>, vector<16xf32>,
        %add3A_219 = arith.addf %get3A_216, %get3A_218 : vector<16xf32>
        %swap3A_220 = arith.index_cast %add3A_214 : i32 to index
        %swap3A_221 = tpu.vector_load %arg19[%swap3A_220] {strides = array<i32>} : memref<2000xf32, #tpu.memory_space<vmem>>, vector<16xf32>,
        tpu.vector_store %arg19[%swap3A_220], %add3A_219 {strides = array<i32>} : memref<2000xf32, #tpu.memory_space<vmem>>, vector<16xf32>,
        %add3A_222 = arith.constant 32 : i32
        %add3A_223 = arith.addi %mul3A_205, %add3A_222 : i32
        %get3A_224 = arith.index_cast %add3A_223 : i32 to index
        %get3A_225 = tpu.vector_load %arg19[%get3A_224] {strides = array<i32>} : memref<2000xf32, #tpu.memory_space<vmem>>, vector<16xf32>,
        %get3A_226 = arith.index_cast %add3A_223 : i32 to index
        %get3A_227 = tpu.vector_load %arg21[%get3A_226] {strides = array<i32>} : memref<2000xf32, #tpu.memory_space<vmem>>, vector<16xf32>,
        %add3A_228 = arith.addf %get3A_225, %get3A_227 : vector<16xf32>
        %swap3A_229 = arith.index_cast %add3A_223 : i32 to index
        %swap3A_230 = tpu.vector_load %arg19[%swap3A_229] {strides = array<i32>} : memref<2000xf32, #tpu.memory_space<vmem>>, vector<16xf32>,
        tpu.vector_store %arg19[%swap3A_229], %add3A_228 {strides = array<i32>} : memref<2000xf32, #tpu.memory_space<vmem>>, vector<16xf32>,
        %add3A_231 = arith.constant 48 : i32
        %add3A_232 = arith.addi %mul3A_205, %add3A_231 : i32
        %get3A_233 = arith.index_cast %add3A_232 : i32 to index
        %get3A_234 = tpu.vector_load %arg19[%get3A_233] {strides = array<i32>} : memref<2000xf32, #tpu.memory_space<vmem>>, vector<16xf32>,
        %get3A_235 = arith.index_cast %add3A_232 : i32 to index
        %get3A_236 = tpu.vector_load %arg21[%get3A_235] {strides = array<i32>} : memref<2000xf32, #tpu.memory_space<vmem>>, vector<16xf32>,
        %add3A_237 = arith.addf %get3A_234, %get3A_236 : vector<16xf32>
        %swap3A_238 = arith.index_cast %add3A_232 : i32 to index
        %swap3A_239 = tpu.vector_load %arg19[%swap3A_238] {strides = array<i32>} : memref<2000xf32, #tpu.memory_space<vmem>>, vector<16xf32>,
        tpu.vector_store %arg19[%swap3A_238], %add3A_237 {strides = array<i32>} : memref<2000xf32, #tpu.memory_space<vmem>>, vector<16xf32>,
        %add3A_240 = arith.constant 64 : i32
        %add3A_241 = arith.addi %mul3A_205, %add3A_240 : i32
        %get3A_242 = arith.index_cast %add3A_241 : i32 to index
        %get3A_243 = tpu.vector_load %arg19[%get3A_242] {strides = array<i32>} : memref<2000xf32, #tpu.memory_space<vmem>>, vector<16xf32>,
        %get3A_244 = arith.index_cast %add3A_241 : i32 to index
        %get3A_245 = tpu.vector_load %arg21[%get3A_244] {strides = array<i32>} : memref<2000xf32, #tpu.memory_space<vmem>>, vector<16xf32>,
        %add3A_246 = arith.addf %get3A_243, %get3A_245 : vector<16xf32>
        %swap3A_247 = arith.index_cast %add3A_241 : i32 to index
        %swap3A_248 = tpu.vector_load %arg19[%swap3A_247] {strides = array<i32>} : memref<2000xf32, #tpu.memory_space<vmem>>, vector<16xf32>,
        tpu.vector_store %arg19[%swap3A_247], %add3A_246 {strides = array<i32>} : memref<2000xf32, #tpu.memory_space<vmem>>, vector<16xf32>,
        %add3A_249 = arith.constant 80 : i32
        %add3A_250 = arith.addi %mul3A_205, %add3A_249 : i32
        %get3A_251 = arith.index_cast %add3A_250 : i32 to index
        %get3A_252 = tpu.vector_load %arg19[%get3A_251] {strides = array<i32>} : memref<2000xf32, #tpu.memory_space<vmem>>, vector<16xf32>,
        %get3A_253 = arith.index_cast %add3A_250 : i32 to index
        %get3A_254 = tpu.vector_load %arg21[%get3A_253] {strides = array<i32>} : memref<2000xf32, #tpu.memory_space<vmem>>, vector<16xf32>,
        %add3A_255 = arith.addf %get3A_252, %get3A_254 : vector<16xf32>
        %swap3A_256 = arith.index_cast %add3A_250 : i32 to index
        %swap3A_257 = tpu.vector_load %arg19[%swap3A_256] {strides = array<i32>} : memref<2000xf32, #tpu.memory_space<vmem>>, vector<16xf32>,
        tpu.vector_store %arg19[%swap3A_256], %add3A_255 {strides = array<i32>} : memref<2000xf32, #tpu.memory_space<vmem>>, vector<16xf32>,
        %add3A_258 = arith.constant 96 : i32
        %add3A_259 = arith.addi %mul3A_205, %add3A_258 : i32
        %get3A_260 = arith.index_cast %add3A_259 : i32 to index
        %get3A_261 = tpu.vector_load %arg19[%get3A_260] {strides = array<i32>} : memref<2000xf32, #tpu.memory_space<vmem>>, vector<16xf32>,
        %get3A_262 = arith.index_cast %add3A_259 : i32 to index
        %get3A_263 = tpu.vector_load %arg21[%get3A_262] {strides = array<i32>} : memref<2000xf32, #tpu.memory_space<vmem>>, vector<16xf32>,
        %add3A_264 = arith.addf %get3A_261, %get3A_263 : vector<16xf32>
        %swap3A_265 = arith.index_cast %add3A_259 : i32 to index
        %swap3A_266 = tpu.vector_load %arg19[%swap3A_265] {strides = array<i32>} : memref<2000xf32, #tpu.memory_space<vmem>>, vector<16xf32>,
        tpu.vector_store %arg19[%swap3A_265], %add3A_264 {strides = array<i32>} : memref<2000xf32, #tpu.memory_space<vmem>>, vector<16xf32>,
      }
    }
    %while3A_139 = arith.constant 1 : i32
    scf.for %while3A_185 = %while3A_137 to %while3A_133 step %while3A_139  : i32 {
      %mul3A_186 = arith.constant 16 : i32
      %mul3A_187 = arith.muli %arg0, %mul3A_186 : i32
      %add3A_188 = arith.addi %mul3A_187, %while3A_185 : i32
      %mul3A_189 = arith.constant 100352 : i32
      %mul3A_190 = arith.muli %add3A_188, %mul3A_189 : i32
      %add3A_191 = arith.addi %mul3A_190, %add3A_125 : i32
      "tpu.region"() ({
        %run_scoped3A = tpu.sem_alloc : memref<!tpu.dma_semaphore, #tpu.memory_space<semaphore_mem>>
        %dma_start3A_203 = arith.constant 0 : i32
        %dma_start3A_204 = tpu.memref_slice %arg21[%dma_start3A_203] : memref<2000xf32, #tpu.memory_space<vmem>> -> memref<1568xf32, #tpu.memory_space<vmem>>
        %dma_start3A_205 = tpu.memref_slice %arg11[%add3A_191] : memref<3211264xf32, #tpu.memory_space<hbm>> -> memref<1568xf32, #tpu.memory_space<hbm>>
        %dma_start3A_206 = arith.constant 0 : i32
        %dma_start3A_207 = tpu.memref_slice %arg21[%dma_start3A_206] : memref<2000xf32, #tpu.memory_space<vmem>> -> memref<1568xf32, #tpu.memory_space<vmem>>
        %dma_start3A_208 = tpu.memref_slice %arg11[%add3A_191] : memref<3211264xf32, #tpu.memory_space<hbm>> -> memref<1568xf32, #tpu.memory_space<hbm>>
        tpu.enqueue_dma source(%dma_start3A_208 : memref<1568xf32, #tpu.memory_space<hbm>>) target(%dma_start3A_207 : memref<1568xf32, #tpu.memory_space<vmem>>) target_semaphore(%run_scoped3A : memref<!tpu.dma_semaphore, #tpu.memory_space<semaphore_mem>>)
        %dma_wait3A_209 = arith.constant 0 : i32
        %dma_wait3A_210 = tpu.memref_slice %arg21[%dma_wait3A_209] : memref<2000xf32, #tpu.memory_space<vmem>> -> memref<1568xf32, #tpu.memory_space<vmem>>
        %dma_wait3A_211 = tpu.memref_slice %arg11[%add3A_191] : memref<3211264xf32, #tpu.memory_space<hbm>> -> memref<1568xf32, #tpu.memory_space<hbm>>
        %dma_wait3A_212 = arith.constant 0 : i32
        %dma_wait3A_213 = tpu.memref_slice %arg21[%dma_wait3A_212] : memref<2000xf32, #tpu.memory_space<vmem>> -> memref<1568xf32, #tpu.memory_space<vmem>>
        %dma_wait3A_214 = tpu.memref_slice %arg11[%add3A_191] : memref<3211264xf32, #tpu.memory_space<hbm>> -> memref<1568xf32, #tpu.memory_space<hbm>>
        tpu.wait_dma2 semaphore(%run_scoped3A : memref<!tpu.dma_semaphore, #tpu.memory_space<semaphore_mem>>) src(%dma_wait3A_214 : memref<1568xf32, #tpu.memory_space<hbm>>) dst(%dma_wait3A_213 : memref<1568xf32, #tpu.memory_space<vmem>>)
        tpu.yield
      }) : () -> ()
      %while3A_192 = arith.constant 0 : i32
      %while3A_193 = arith.constant 0 : i32
      %while3A_194 = arith.constant 14 : i32
      %while3A_195 = arith.subi %while3A_194, %while3A_193 : i32
      %while3A_196 = arith.addi %while3A_193, %while3A_195 : i32
      %while3A_197 = arith.constant 1 : i32
      %while3A_198 = arith.divsi %while3A_195, %while3A_197 : i32
      %while3A_199 = arith.muli %while3A_198, %while3A_197 : i32
      %while3A_200 = arith.addi %while3A_193, %while3A_199 : i32
      %while3A_201 = arith.constant 1 : i32
      scf.for %while3A_203 = %while3A_193 to %while3A_200 step %while3A_201  : i32 {
        %mul3A_204 = arith.constant 112 : i32
        %mul3A_205 = arith.muli %while3A_203, %mul3A_204 : i32
        %add3A_206 = arith.constant 0 : i32
        %add3A_207 = arith.addi %mul3A_205, %add3A_206 : i32
        %get3A = arith.index_cast %add3A_207 : i32 to index
        %get3A_208 = tpu.vector_load %arg19[%get3A] {strides = array<i32>} : memref<2000xf32, #tpu.memory_space<vmem>>, vector<16xf32>,
        %get3A_209 = arith.index_cast %add3A_207 : i32 to index
        %get3A_210 = tpu.vector_load %arg21[%get3A_209] {strides = array<i32>} : memref<2000xf32, #tpu.memory_space<vmem>>, vector<16xf32>,
        %add3A_211 = arith.addf %get3A_208, %get3A_210 : vector<16xf32>
        %swap3A = arith.index_cast %add3A_207 : i32 to index
        %swap3A_212 = tpu.vector_load %arg19[%swap3A] {strides = array<i32>} : memref<2000xf32, #tpu.memory_space<vmem>>, vector<16xf32>,
        tpu.vector_store %arg19[%swap3A], %add3A_211 {strides = array<i32>} : memref<2000xf32, #tpu.memory_space<vmem>>, vector<16xf32>,
        %add3A_213 = arith.constant 16 : i32
        %add3A_214 = arith.addi %mul3A_205, %add3A_213 : i32
        %get3A_215 = arith.index_cast %add3A_214 : i32 to index
        %get3A_216 = tpu.vector_load %arg19[%get3A_215] {strides = array<i32>} : memref<2000xf32, #tpu.memory_space<vmem>>, vector<16xf32>,
        %get3A_217 = arith.index_cast %add3A_214 : i32 to index
        %get3A_218 = tpu.vector_load %arg21[%get3A_217] {strides = array<i32>} : memref<2000xf32, #tpu.memory_space<vmem>>, vector<16xf32>,
        %add3A_219 = arith.addf %get3A_216, %get3A_218 : vector<16xf32>
        %swap3A_220 = arith.index_cast %add3A_214 : i32 to index
        %swap3A_221 = tpu.vector_load %arg19[%swap3A_220] {strides = array<i32>} : memref<2000xf32, #tpu.memory_space<vmem>>, vector<16xf32>,
        tpu.vector_store %arg19[%swap3A_220], %add3A_219 {strides = array<i32>} : memref<2000xf32, #tpu.memory_space<vmem>>, vector<16xf32>,
        %add3A_222 = arith.constant 32 : i32
        %add3A_223 = arith.addi %mul3A_205, %add3A_222 : i32
        %get3A_224 = arith.index_cast %add3A_223 : i32 to index
        %get3A_225 = tpu.vector_load %arg19[%get3A_224] {strides = array<i32>} : memref<2000xf32, #tpu.memory_space<vmem>>, vector<16xf32>,
        %get3A_226 = arith.index_cast %add3A_223 : i32 to index
        %get3A_227 = tpu.vector_load %arg21[%get3A_226] {strides = array<i32>} : memref<2000xf32, #tpu.memory_space<vmem>>, vector<16xf32>,
        %add3A_228 = arith.addf %get3A_225, %get3A_227 : vector<16xf32>
        %swap3A_229 = arith.index_cast %add3A_223 : i32 to index
        %swap3A_230 = tpu.vector_load %arg19[%swap3A_229] {strides = array<i32>} : memref<2000xf32, #tpu.memory_space<vmem>>, vector<16xf32>,
        tpu.vector_store %arg19[%swap3A_229], %add3A_228 {strides = array<i32>} : memref<2000xf32, #tpu.memory_space<vmem>>, vector<16xf32>,
        %add3A_231 = arith.constant 48 : i32
        %add3A_232 = arith.addi %mul3A_205, %add3A_231 : i32
        %get3A_233 = arith.index_cast %add3A_232 : i32 to index
        %get3A_234 = tpu.vector_load %arg19[%get3A_233] {strides = array<i32>} : memref<2000xf32, #tpu.memory_space<vmem>>, vector<16xf32>,
        %get3A_235 = arith.index_cast %add3A_232 : i32 to index
        %get3A_236 = tpu.vector_load %arg21[%get3A_235] {strides = array<i32>} : memref<2000xf32, #tpu.memory_space<vmem>>, vector<16xf32>,
        %add3A_237 = arith.addf %get3A_234, %get3A_236 : vector<16xf32>
        %swap3A_238 = arith.index_cast %add3A_232 : i32 to index
        %swap3A_239 = tpu.vector_load %arg19[%swap3A_238] {strides = array<i32>} : memref<2000xf32, #tpu.memory_space<vmem>>, vector<16xf32>,
        tpu.vector_store %arg19[%swap3A_238], %add3A_237 {strides = array<i32>} : memref<2000xf32, #tpu.memory_space<vmem>>, vector<16xf32>,
        %add3A_240 = arith.constant 64 : i32
        %add3A_241 = arith.addi %mul3A_205, %add3A_240 : i32
        %get3A_242 = arith.index_cast %add3A_241 : i32 to index
        %get3A_243 = tpu.vector_load %arg19[%get3A_242] {strides = array<i32>} : memref<2000xf32, #tpu.memory_space<vmem>>, vector<16xf32>,
        %get3A_244 = arith.index_cast %add3A_241 : i32 to index
        %get3A_245 = tpu.vector_load %arg21[%get3A_244] {strides = array<i32>} : memref<2000xf32, #tpu.memory_space<vmem>>, vector<16xf32>,
        %add3A_246 = arith.addf %get3A_243, %get3A_245 : vector<16xf32>
        %swap3A_247 = arith.index_cast %add3A_241 : i32 to index
        %swap3A_248 = tpu.vector_load %arg19[%swap3A_247] {strides = array<i32>} : memref<2000xf32, #tpu.memory_space<vmem>>, vector<16xf32>,
        tpu.vector_store %arg19[%swap3A_247], %add3A_246 {strides = array<i32>} : memref<2000xf32, #tpu.memory_space<vmem>>, vector<16xf32>,
        %add3A_249 = arith.constant 80 : i32
        %add3A_250 = arith.addi %mul3A_205, %add3A_249 : i32
        %get3A_251 = arith.index_cast %add3A_250 : i32 to index
        %get3A_252 = tpu.vector_load %arg19[%get3A_251] {strides = array<i32>} : memref<2000xf32, #tpu.memory_space<vmem>>, vector<16xf32>,
        %get3A_253 = arith.index_cast %add3A_250 : i32 to index
        %get3A_254 = tpu.vector_load %arg21[%get3A_253] {strides = array<i32>} : memref<2000xf32, #tpu.memory_space<vmem>>, vector<16xf32>,
        %add3A_255 = arith.addf %get3A_252, %get3A_254 : vector<16xf32>
        %swap3A_256 = arith.index_cast %add3A_250 : i32 to index
        %swap3A_257 = tpu.vector_load %arg19[%swap3A_256] {strides = array<i32>} : memref<2000xf32, #tpu.memory_space<vmem>>, vector<16xf32>,
        tpu.vector_store %arg19[%swap3A_256], %add3A_255 {strides = array<i32>} : memref<2000xf32, #tpu.memory_space<vmem>>, vector<16xf32>,
        %add3A_258 = arith.constant 96 : i32
        %add3A_259 = arith.addi %mul3A_205, %add3A_258 : i32
        %get3A_260 = arith.index_cast %add3A_259 : i32 to index
        %get3A_261 = tpu.vector_load %arg19[%get3A_260] {strides = array<i32>} : memref<2000xf32, #tpu.memory_space<vmem>>, vector<16xf32>,
        %get3A_262 = arith.index_cast %add3A_259 : i32 to index
        %get3A_263 = tpu.vector_load %arg21[%get3A_262] {strides = array<i32>} : memref<2000xf32, #tpu.memory_space<vmem>>, vector<16xf32>,
        %add3A_264 = arith.addf %get3A_261, %get3A_263 : vector<16xf32>
        %swap3A_265 = arith.index_cast %add3A_259 : i32 to index
        %swap3A_266 = tpu.vector_load %arg19[%swap3A_265] {strides = array<i32>} : memref<2000xf32, #tpu.memory_space<vmem>>, vector<16xf32>,
        tpu.vector_store %arg19[%swap3A_265], %add3A_264 {strides = array<i32>} : memref<2000xf32, #tpu.memory_space<vmem>>, vector<16xf32>,
      }
      %while3A_202 = arith.constant 1 : i32
      scf.for %while3A_203 = %while3A_200 to %while3A_196 step %while3A_202  : i32 {
        %mul3A_204 = arith.constant 112 : i32
        %mul3A_205 = arith.muli %while3A_203, %mul3A_204 : i32
        %add3A_206 = arith.constant 0 : i32
        %add3A_207 = arith.addi %mul3A_205, %add3A_206 : i32
        %get3A = arith.index_cast %add3A_207 : i32 to index
        %get3A_208 = tpu.vector_load %arg19[%get3A] {strides = array<i32>} : memref<2000xf32, #tpu.memory_space<vmem>>, vector<16xf32>,
        %get3A_209 = arith.index_cast %add3A_207 : i32 to index
        %get3A_210 = tpu.vector_load %arg21[%get3A_209] {strides = array<i32>} : memref<2000xf32, #tpu.memory_space<vmem>>, vector<16xf32>,
        %add3A_211 = arith.addf %get3A_208, %get3A_210 : vector<16xf32>
        %swap3A = arith.index_cast %add3A_207 : i32 to index
        %swap3A_212 = tpu.vector_load %arg19[%swap3A] {strides = array<i32>} : memref<2000xf32, #tpu.memory_space<vmem>>, vector<16xf32>,
        tpu.vector_store %arg19[%swap3A], %add3A_211 {strides = array<i32>} : memref<2000xf32, #tpu.memory_space<vmem>>, vector<16xf32>,
        %add3A_213 = arith.constant 16 : i32
        %add3A_214 = arith.addi %mul3A_205, %add3A_213 : i32
        %get3A_215 = arith.index_cast %add3A_214 : i32 to index
        %get3A_216 = tpu.vector_load %arg19[%get3A_215] {strides = array<i32>} : memref<2000xf32, #tpu.memory_space<vmem>>, vector<16xf32>,
        %get3A_217 = arith.index_cast %add3A_214 : i32 to index
        %get3A_218 = tpu.vector_load %arg21[%get3A_217] {strides = array<i32>} : memref<2000xf32, #tpu.memory_space<vmem>>, vector<16xf32>,
        %add3A_219 = arith.addf %get3A_216, %get3A_218 : vector<16xf32>
        %swap3A_220 = arith.index_cast %add3A_214 : i32 to index
        %swap3A_221 = tpu.vector_load %arg19[%swap3A_220] {strides = array<i32>} : memref<2000xf32, #tpu.memory_space<vmem>>, vector<16xf32>,
        tpu.vector_store %arg19[%swap3A_220], %add3A_219 {strides = array<i32>} : memref<2000xf32, #tpu.memory_space<vmem>>, vector<16xf32>,
        %add3A_222 = arith.constant 32 : i32
        %add3A_223 = arith.addi %mul3A_205, %add3A_222 : i32
        %get3A_224 = arith.index_cast %add3A_223 : i32 to index
        %get3A_225 = tpu.vector_load %arg19[%get3A_224] {strides = array<i32>} : memref<2000xf32, #tpu.memory_space<vmem>>, vector<16xf32>,
        %get3A_226 = arith.index_cast %add3A_223 : i32 to index
        %get3A_227 = tpu.vector_load %arg21[%get3A_226] {strides = array<i32>} : memref<2000xf32, #tpu.memory_space<vmem>>, vector<16xf32>,
        %add3A_228 = arith.addf %get3A_225, %get3A_227 : vector<16xf32>
        %swap3A_229 = arith.index_cast %add3A_223 : i32 to index
        %swap3A_230 = tpu.vector_load %arg19[%swap3A_229] {strides = array<i32>} : memref<2000xf32, #tpu.memory_space<vmem>>, vector<16xf32>,
        tpu.vector_store %arg19[%swap3A_229], %add3A_228 {strides = array<i32>} : memref<2000xf32, #tpu.memory_space<vmem>>, vector<16xf32>,
        %add3A_231 = arith.constant 48 : i32
        %add3A_232 = arith.addi %mul3A_205, %add3A_231 : i32
        %get3A_233 = arith.index_cast %add3A_232 : i32 to index
        %get3A_234 = tpu.vector_load %arg19[%get3A_233] {strides = array<i32>} : memref<2000xf32, #tpu.memory_space<vmem>>, vector<16xf32>,
        %get3A_235 = arith.index_cast %add3A_232 : i32 to index
        %get3A_236 = tpu.vector_load %arg21[%get3A_235] {strides = array<i32>} : memref<2000xf32, #tpu.memory_space<vmem>>, vector<16xf32>,
        %add3A_237 = arith.addf %get3A_234, %get3A_236 : vector<16xf32>
        %swap3A_238 = arith.index_cast %add3A_232 : i32 to index
        %swap3A_239 = tpu.vector_load %arg19[%swap3A_238] {strides = array<i32>} : memref<2000xf32, #tpu.memory_space<vmem>>, vector<16xf32>,
        tpu.vector_store %arg19[%swap3A_238], %add3A_237 {strides = array<i32>} : memref<2000xf32, #tpu.memory_space<vmem>>, vector<16xf32>,
        %add3A_240 = arith.constant 64 : i32
        %add3A_241 = arith.addi %mul3A_205, %add3A_240 : i32
        %get3A_242 = arith.index_cast %add3A_241 : i32 to index
        %get3A_243 = tpu.vector_load %arg19[%get3A_242] {strides = array<i32>} : memref<2000xf32, #tpu.memory_space<vmem>>, vector<16xf32>,
        %get3A_244 = arith.index_cast %add3A_241 : i32 to index
        %get3A_245 = tpu.vector_load %arg21[%get3A_244] {strides = array<i32>} : memref<2000xf32, #tpu.memory_space<vmem>>, vector<16xf32>,
        %add3A_246 = arith.addf %get3A_243, %get3A_245 : vector<16xf32>
        %swap3A_247 = arith.index_cast %add3A_241 : i32 to index
        %swap3A_248 = tpu.vector_load %arg19[%swap3A_247] {strides = array<i32>} : memref<2000xf32, #tpu.memory_space<vmem>>, vector<16xf32>,
        tpu.vector_store %arg19[%swap3A_247], %add3A_246 {strides = array<i32>} : memref<2000xf32, #tpu.memory_space<vmem>>, vector<16xf32>,
        %add3A_249 = arith.constant 80 : i32
        %add3A_250 = arith.addi %mul3A_205, %add3A_249 : i32
        %get3A_251 = arith.index_cast %add3A_250 : i32 to index
        %get3A_252 = tpu.vector_load %arg19[%get3A_251] {strides = array<i32>} : memref<2000xf32, #tpu.memory_space<vmem>>, vector<16xf32>,
        %get3A_253 = arith.index_cast %add3A_250 : i32 to index
        %get3A_254 = tpu.vector_load %arg21[%get3A_253] {strides = array<i32>} : memref<2000xf32, #tpu.memory_space<vmem>>, vector<16xf32>,
        %add3A_255 = arith.addf %get3A_252, %get3A_254 : vector<16xf32>
        %swap3A_256 = arith.index_cast %add3A_250 : i32 to index
        %swap3A_257 = tpu.vector_load %arg19[%swap3A_256] {strides = array<i32>} : memref<2000xf32, #tpu.memory_space<vmem>>, vector<16xf32>,
        tpu.vector_store %arg19[%swap3A_256], %add3A_255 {strides = array<i32>} : memref<2000xf32, #tpu.memory_space<vmem>>, vector<16xf32>,
        %add3A_258 = arith.constant 96 : i32
        %add3A_259 = arith.addi %mul3A_205, %add3A_258 : i32
        %get3A_260 = arith.index_cast %add3A_259 : i32 to index
        %get3A_261 = tpu.vector_load %arg19[%get3A_260] {strides = array<i32>} : memref<2000xf32, #tpu.memory_space<vmem>>, vector<16xf32>,
        %get3A_262 = arith.index_cast %add3A_259 : i32 to index
        %get3A_263 = tpu.vector_load %arg21[%get3A_262] {strides = array<i32>} : memref<2000xf32, #tpu.memory_space<vmem>>, vector<16xf32>,
        %add3A_264 = arith.addf %get3A_261, %get3A_263 : vector<16xf32>
        %swap3A_265 = arith.index_cast %add3A_259 : i32 to index
        %swap3A_266 = tpu.vector_load %arg19[%swap3A_265] {strides = array<i32>} : memref<2000xf32, #tpu.memory_space<vmem>>, vector<16xf32>,
        tpu.vector_store %arg19[%swap3A_265], %add3A_264 {strides = array<i32>} : memref<2000xf32, #tpu.memory_space<vmem>>, vector<16xf32>,
      }
    }
    %mul3A_140 = arith.constant 100352 : i32
    %mul3A_141 = arith.muli %arg0, %mul3A_140 : i32
    %add3A_142 = arith.addi %mul3A_141, %add3A_125 : i32
    "tpu.region"() ({
      %run_scoped3A = tpu.sem_alloc : memref<!tpu.dma_semaphore, #tpu.memory_space<semaphore_mem>>
      %dma_start3A_185 = arith.constant 0 : i32
      %dma_start3A_186 = tpu.memref_slice %arg19[%dma_start3A_185] : memref<2000xf32, #tpu.memory_space<vmem>> -> memref<1568xf32, #tpu.memory_space<vmem>>
      %dma_start3A_187 = tpu.memref_slice %arg8[%add3A_142] : memref<200704xf32, #tpu.memory_space<hbm>> -> memref<1568xf32, #tpu.memory_space<hbm>>
      %dma_start3A_188 = tpu.memref_slice %arg8[%add3A_142] : memref<200704xf32, #tpu.memory_space<hbm>> -> memref<1568xf32, #tpu.memory_space<hbm>>
      %dma_start3A_189 = arith.constant 0 : i32
      %dma_start3A_190 = tpu.memref_slice %arg19[%dma_start3A_189] : memref<2000xf32, #tpu.memory_space<vmem>> -> memref<1568xf32, #tpu.memory_space<vmem>>
      tpu.enqueue_dma source(%dma_start3A_190 : memref<1568xf32, #tpu.memory_space<vmem>>) target(%dma_start3A_188 : memref<1568xf32, #tpu.memory_space<hbm>>) target_semaphore(%run_scoped3A : memref<!tpu.dma_semaphore, #tpu.memory_space<semaphore_mem>>)
      %dma_wait3A_191 = arith.constant 0 : i32
      %dma_wait3A_192 = tpu.memref_slice %arg19[%dma_wait3A_191] : memref<2000xf32, #tpu.memory_space<vmem>> -> memref<1568xf32, #tpu.memory_space<vmem>>
      %dma_wait3A_193 = tpu.memref_slice %arg8[%add3A_142] : memref<200704xf32, #tpu.memory_space<hbm>> -> memref<1568xf32, #tpu.memory_space<hbm>>
      %dma_wait3A_194 = tpu.memref_slice %arg8[%add3A_142] : memref<200704xf32, #tpu.memory_space<hbm>> -> memref<1568xf32, #tpu.memory_space<hbm>>
      %dma_wait3A_195 = arith.constant 0 : i32
      %dma_wait3A_196 = tpu.memref_slice %arg19[%dma_wait3A_195] : memref<2000xf32, #tpu.memory_space<vmem>> -> memref<1568xf32, #tpu.memory_space<vmem>>
      tpu.wait_dma2 semaphore(%run_scoped3A : memref<!tpu.dma_semaphore, #tpu.memory_space<semaphore_mem>>) src(%dma_wait3A_196 : memref<1568xf32, #tpu.memory_space<vmem>>) dst(%dma_wait3A_194 : memref<1568xf32, #tpu.memory_space<hbm>>)
      tpu.yield
    }) : () -> ()
    %mul3A_143 = arith.constant 6272 : i32
    %mul3A_144 = arith.muli %arg1, %mul3A_143 : i32
    %add3A_145 = arith.constant 3136 : i32
    %add3A_146 = arith.addi %mul3A_144, %add3A_145 : i32
    %mul3A_147 = arith.constant 1605632 : i32
    %mul3A_148 = arith.muli %arg0, %mul3A_147 : i32
    %add3A_149 = arith.addi %mul3A_148, %add3A_146 : i32
    "tpu.region"() ({
      %run_scoped3A = tpu.sem_alloc : memref<!tpu.dma_semaphore, #tpu.memory_space<semaphore_mem>>
      %dma_start3A_185 = arith.constant 0 : i32
      %dma_start3A_186 = tpu.memref_slice %arg19[%dma_start3A_185] : memref<2000xf32, #tpu.memory_space<vmem>> -> memref<1568xf32, #tpu.memory_space<vmem>>
      %dma_start3A_187 = tpu.memref_slice %arg11[%add3A_149] : memref<3211264xf32, #tpu.memory_space<hbm>> -> memref<1568xf32, #tpu.memory_space<hbm>>
      %dma_start3A_188 = arith.constant 0 : i32
      %dma_start3A_189 = tpu.memref_slice %arg19[%dma_start3A_188] : memref<2000xf32, #tpu.memory_space<vmem>> -> memref<1568xf32, #tpu.memory_space<vmem>>
      %dma_start3A_190 = tpu.memref_slice %arg11[%add3A_149] : memref<3211264xf32, #tpu.memory_space<hbm>> -> memref<1568xf32, #tpu.memory_space<hbm>>
      tpu.enqueue_dma source(%dma_start3A_190 : memref<1568xf32, #tpu.memory_space<hbm>>) target(%dma_start3A_189 : memref<1568xf32, #tpu.memory_space<vmem>>) target_semaphore(%run_scoped3A : memref<!tpu.dma_semaphore, #tpu.memory_space<semaphore_mem>>)
      %dma_wait3A_191 = arith.constant 0 : i32
      %dma_wait3A_192 = tpu.memref_slice %arg19[%dma_wait3A_191] : memref<2000xf32, #tpu.memory_space<vmem>> -> memref<1568xf32, #tpu.memory_space<vmem>>
      %dma_wait3A_193 = tpu.memref_slice %arg11[%add3A_149] : memref<3211264xf32, #tpu.memory_space<hbm>> -> memref<1568xf32, #tpu.memory_space<hbm>>
      %dma_wait3A_194 = arith.constant 0 : i32
      %dma_wait3A_195 = tpu.memref_slice %arg19[%dma_wait3A_194] : memref<2000xf32, #tpu.memory_space<vmem>> -> memref<1568xf32, #tpu.memory_space<vmem>>
      %dma_wait3A_196 = tpu.memref_slice %arg11[%add3A_149] : memref<3211264xf32, #tpu.memory_space<hbm>> -> memref<1568xf32, #tpu.memory_space<hbm>>
      tpu.wait_dma2 semaphore(%run_scoped3A : memref<!tpu.dma_semaphore, #tpu.memory_space<semaphore_mem>>) src(%dma_wait3A_196 : memref<1568xf32, #tpu.memory_space<hbm>>) dst(%dma_wait3A_195 : memref<1568xf32, #tpu.memory_space<vmem>>)
      tpu.yield
    }) : () -> ()
    %while3A_150 = arith.constant 0 : i32
    %while3A_151 = arith.constant 1 : i32
    %while3A_152 = arith.constant 16 : i32
    %while3A_153 = arith.subi %while3A_152, %while3A_151 : i32
    %while3A_154 = arith.addi %while3A_151, %while3A_153 : i32
    %while3A_155 = arith.constant 1 : i32
    %while3A_156 = arith.divsi %while3A_153, %while3A_155 : i32
    %while3A_157 = arith.muli %while3A_156, %while3A_155 : i32
    %while3A_158 = arith.addi %while3A_151, %while3A_157 : i32
    %while3A_159 = arith.constant 1 : i32
    scf.for %while3A_185 = %while3A_151 to %while3A_158 step %while3A_159  : i32 {
      %mul3A_186 = arith.constant 16 : i32
      %mul3A_187 = arith.muli %arg0, %mul3A_186 : i32
      %add3A_188 = arith.addi %mul3A_187, %while3A_185 : i32
      %mul3A_189 = arith.constant 100352 : i32
      %mul3A_190 = arith.muli %add3A_188, %mul3A_189 : i32
      %add3A_191 = arith.addi %mul3A_190, %add3A_146 : i32
      "tpu.region"() ({
        %run_scoped3A = tpu.sem_alloc : memref<!tpu.dma_semaphore, #tpu.memory_space<semaphore_mem>>
        %dma_start3A_203 = arith.constant 0 : i32
        %dma_start3A_204 = tpu.memref_slice %arg21[%dma_start3A_203] : memref<2000xf32, #tpu.memory_space<vmem>> -> memref<1568xf32, #tpu.memory_space<vmem>>
        %dma_start3A_205 = tpu.memref_slice %arg11[%add3A_191] : memref<3211264xf32, #tpu.memory_space<hbm>> -> memref<1568xf32, #tpu.memory_space<hbm>>
        %dma_start3A_206 = arith.constant 0 : i32
        %dma_start3A_207 = tpu.memref_slice %arg21[%dma_start3A_206] : memref<2000xf32, #tpu.memory_space<vmem>> -> memref<1568xf32, #tpu.memory_space<vmem>>
        %dma_start3A_208 = tpu.memref_slice %arg11[%add3A_191] : memref<3211264xf32, #tpu.memory_space<hbm>> -> memref<1568xf32, #tpu.memory_space<hbm>>
        tpu.enqueue_dma source(%dma_start3A_208 : memref<1568xf32, #tpu.memory_space<hbm>>) target(%dma_start3A_207 : memref<1568xf32, #tpu.memory_space<vmem>>) target_semaphore(%run_scoped3A : memref<!tpu.dma_semaphore, #tpu.memory_space<semaphore_mem>>)
        %dma_wait3A_209 = arith.constant 0 : i32
        %dma_wait3A_210 = tpu.memref_slice %arg21[%dma_wait3A_209] : memref<2000xf32, #tpu.memory_space<vmem>> -> memref<1568xf32, #tpu.memory_space<vmem>>
        %dma_wait3A_211 = tpu.memref_slice %arg11[%add3A_191] : memref<3211264xf32, #tpu.memory_space<hbm>> -> memref<1568xf32, #tpu.memory_space<hbm>>
        %dma_wait3A_212 = arith.constant 0 : i32
        %dma_wait3A_213 = tpu.memref_slice %arg21[%dma_wait3A_212] : memref<2000xf32, #tpu.memory_space<vmem>> -> memref<1568xf32, #tpu.memory_space<vmem>>
        %dma_wait3A_214 = tpu.memref_slice %arg11[%add3A_191] : memref<3211264xf32, #tpu.memory_space<hbm>> -> memref<1568xf32, #tpu.memory_space<hbm>>
        tpu.wait_dma2 semaphore(%run_scoped3A : memref<!tpu.dma_semaphore, #tpu.memory_space<semaphore_mem>>) src(%dma_wait3A_214 : memref<1568xf32, #tpu.memory_space<hbm>>) dst(%dma_wait3A_213 : memref<1568xf32, #tpu.memory_space<vmem>>)
        tpu.yield
      }) : () -> ()
      %while3A_192 = arith.constant 0 : i32
      %while3A_193 = arith.constant 0 : i32
      %while3A_194 = arith.constant 14 : i32
      %while3A_195 = arith.subi %while3A_194, %while3A_193 : i32
      %while3A_196 = arith.addi %while3A_193, %while3A_195 : i32
      %while3A_197 = arith.constant 1 : i32
      %while3A_198 = arith.divsi %while3A_195, %while3A_197 : i32
      %while3A_199 = arith.muli %while3A_198, %while3A_197 : i32
      %while3A_200 = arith.addi %while3A_193, %while3A_199 : i32
      %while3A_201 = arith.constant 1 : i32
      scf.for %while3A_203 = %while3A_193 to %while3A_200 step %while3A_201  : i32 {
        %mul3A_204 = arith.constant 112 : i32
        %mul3A_205 = arith.muli %while3A_203, %mul3A_204 : i32
        %add3A_206 = arith.constant 0 : i32
        %add3A_207 = arith.addi %mul3A_205, %add3A_206 : i32
        %get3A = arith.index_cast %add3A_207 : i32 to index
        %get3A_208 = tpu.vector_load %arg19[%get3A] {strides = array<i32>} : memref<2000xf32, #tpu.memory_space<vmem>>, vector<16xf32>,
        %get3A_209 = arith.index_cast %add3A_207 : i32 to index
        %get3A_210 = tpu.vector_load %arg21[%get3A_209] {strides = array<i32>} : memref<2000xf32, #tpu.memory_space<vmem>>, vector<16xf32>,
        %add3A_211 = arith.addf %get3A_208, %get3A_210 : vector<16xf32>
        %swap3A = arith.index_cast %add3A_207 : i32 to index
        %swap3A_212 = tpu.vector_load %arg19[%swap3A] {strides = array<i32>} : memref<2000xf32, #tpu.memory_space<vmem>>, vector<16xf32>,
        tpu.vector_store %arg19[%swap3A], %add3A_211 {strides = array<i32>} : memref<2000xf32, #tpu.memory_space<vmem>>, vector<16xf32>,
        %add3A_213 = arith.constant 16 : i32
        %add3A_214 = arith.addi %mul3A_205, %add3A_213 : i32
        %get3A_215 = arith.index_cast %add3A_214 : i32 to index
        %get3A_216 = tpu.vector_load %arg19[%get3A_215] {strides = array<i32>} : memref<2000xf32, #tpu.memory_space<vmem>>, vector<16xf32>,
        %get3A_217 = arith.index_cast %add3A_214 : i32 to index
        %get3A_218 = tpu.vector_load %arg21[%get3A_217] {strides = array<i32>} : memref<2000xf32, #tpu.memory_space<vmem>>, vector<16xf32>,
        %add3A_219 = arith.addf %get3A_216, %get3A_218 : vector<16xf32>
        %swap3A_220 = arith.index_cast %add3A_214 : i32 to index
        %swap3A_221 = tpu.vector_load %arg19[%swap3A_220] {strides = array<i32>} : memref<2000xf32, #tpu.memory_space<vmem>>, vector<16xf32>,
        tpu.vector_store %arg19[%swap3A_220], %add3A_219 {strides = array<i32>} : memref<2000xf32, #tpu.memory_space<vmem>>, vector<16xf32>,
        %add3A_222 = arith.constant 32 : i32
        %add3A_223 = arith.addi %mul3A_205, %add3A_222 : i32
        %get3A_224 = arith.index_cast %add3A_223 : i32 to index
        %get3A_225 = tpu.vector_load %arg19[%get3A_224] {strides = array<i32>} : memref<2000xf32, #tpu.memory_space<vmem>>, vector<16xf32>,
        %get3A_226 = arith.index_cast %add3A_223 : i32 to index
        %get3A_227 = tpu.vector_load %arg21[%get3A_226] {strides = array<i32>} : memref<2000xf32, #tpu.memory_space<vmem>>, vector<16xf32>,
        %add3A_228 = arith.addf %get3A_225, %get3A_227 : vector<16xf32>
        %swap3A_229 = arith.index_cast %add3A_223 : i32 to index
        %swap3A_230 = tpu.vector_load %arg19[%swap3A_229] {strides = array<i32>} : memref<2000xf32, #tpu.memory_space<vmem>>, vector<16xf32>,
        tpu.vector_store %arg19[%swap3A_229], %add3A_228 {strides = array<i32>} : memref<2000xf32, #tpu.memory_space<vmem>>, vector<16xf32>,
        %add3A_231 = arith.constant 48 : i32
        %add3A_232 = arith.addi %mul3A_205, %add3A_231 : i32
        %get3A_233 = arith.index_cast %add3A_232 : i32 to index
        %get3A_234 = tpu.vector_load %arg19[%get3A_233] {strides = array<i32>} : memref<2000xf32, #tpu.memory_space<vmem>>, vector<16xf32>,
        %get3A_235 = arith.index_cast %add3A_232 : i32 to index
        %get3A_236 = tpu.vector_load %arg21[%get3A_235] {strides = array<i32>} : memref<2000xf32, #tpu.memory_space<vmem>>, vector<16xf32>,
        %add3A_237 = arith.addf %get3A_234, %get3A_236 : vector<16xf32>
        %swap3A_238 = arith.index_cast %add3A_232 : i32 to index
        %swap3A_239 = tpu.vector_load %arg19[%swap3A_238] {strides = array<i32>} : memref<2000xf32, #tpu.memory_space<vmem>>, vector<16xf32>,
        tpu.vector_store %arg19[%swap3A_238], %add3A_237 {strides = array<i32>} : memref<2000xf32, #tpu.memory_space<vmem>>, vector<16xf32>,
        %add3A_240 = arith.constant 64 : i32
        %add3A_241 = arith.addi %mul3A_205, %add3A_240 : i32
        %get3A_242 = arith.index_cast %add3A_241 : i32 to index
        %get3A_243 = tpu.vector_load %arg19[%get3A_242] {strides = array<i32>} : memref<2000xf32, #tpu.memory_space<vmem>>, vector<16xf32>,
        %get3A_244 = arith.index_cast %add3A_241 : i32 to index
        %get3A_245 = tpu.vector_load %arg21[%get3A_244] {strides = array<i32>} : memref<2000xf32, #tpu.memory_space<vmem>>, vector<16xf32>,
        %add3A_246 = arith.addf %get3A_243, %get3A_245 : vector<16xf32>
        %swap3A_247 = arith.index_cast %add3A_241 : i32 to index
        %swap3A_248 = tpu.vector_load %arg19[%swap3A_247] {strides = array<i32>} : memref<2000xf32, #tpu.memory_space<vmem>>, vector<16xf32>,
        tpu.vector_store %arg19[%swap3A_247], %add3A_246 {strides = array<i32>} : memref<2000xf32, #tpu.memory_space<vmem>>, vector<16xf32>,
        %add3A_249 = arith.constant 80 : i32
        %add3A_250 = arith.addi %mul3A_205, %add3A_249 : i32
        %get3A_251 = arith.index_cast %add3A_250 : i32 to index
        %get3A_252 = tpu.vector_load %arg19[%get3A_251] {strides = array<i32>} : memref<2000xf32, #tpu.memory_space<vmem>>, vector<16xf32>,
        %get3A_253 = arith.index_cast %add3A_250 : i32 to index
        %get3A_254 = tpu.vector_load %arg21[%get3A_253] {strides = array<i32>} : memref<2000xf32, #tpu.memory_space<vmem>>, vector<16xf32>,
        %add3A_255 = arith.addf %get3A_252, %get3A_254 : vector<16xf32>
        %swap3A_256 = arith.index_cast %add3A_250 : i32 to index
        %swap3A_257 = tpu.vector_load %arg19[%swap3A_256] {strides = array<i32>} : memref<2000xf32, #tpu.memory_space<vmem>>, vector<16xf32>,
        tpu.vector_store %arg19[%swap3A_256], %add3A_255 {strides = array<i32>} : memref<2000xf32, #tpu.memory_space<vmem>>, vector<16xf32>,
        %add3A_258 = arith.constant 96 : i32
        %add3A_259 = arith.addi %mul3A_205, %add3A_258 : i32
        %get3A_260 = arith.index_cast %add3A_259 : i32 to index
        %get3A_261 = tpu.vector_load %arg19[%get3A_260] {strides = array<i32>} : memref<2000xf32, #tpu.memory_space<vmem>>, vector<16xf32>,
        %get3A_262 = arith.index_cast %add3A_259 : i32 to index
        %get3A_263 = tpu.vector_load %arg21[%get3A_262] {strides = array<i32>} : memref<2000xf32, #tpu.memory_space<vmem>>, vector<16xf32>,
        %add3A_264 = arith.addf %get3A_261, %get3A_263 : vector<16xf32>
        %swap3A_265 = arith.index_cast %add3A_259 : i32 to index
        %swap3A_266 = tpu.vector_load %arg19[%swap3A_265] {strides = array<i32>} : memref<2000xf32, #tpu.memory_space<vmem>>, vector<16xf32>,
        tpu.vector_store %arg19[%swap3A_265], %add3A_264 {strides = array<i32>} : memref<2000xf32, #tpu.memory_space<vmem>>, vector<16xf32>,
      }
      %while3A_202 = arith.constant 1 : i32
      scf.for %while3A_203 = %while3A_200 to %while3A_196 step %while3A_202  : i32 {
        %mul3A_204 = arith.constant 112 : i32
        %mul3A_205 = arith.muli %while3A_203, %mul3A_204 : i32
        %add3A_206 = arith.constant 0 : i32
        %add3A_207 = arith.addi %mul3A_205, %add3A_206 : i32
        %get3A = arith.index_cast %add3A_207 : i32 to index
        %get3A_208 = tpu.vector_load %arg19[%get3A] {strides = array<i32>} : memref<2000xf32, #tpu.memory_space<vmem>>, vector<16xf32>,
        %get3A_209 = arith.index_cast %add3A_207 : i32 to index
        %get3A_210 = tpu.vector_load %arg21[%get3A_209] {strides = array<i32>} : memref<2000xf32, #tpu.memory_space<vmem>>, vector<16xf32>,
        %add3A_211 = arith.addf %get3A_208, %get3A_210 : vector<16xf32>
        %swap3A = arith.index_cast %add3A_207 : i32 to index
        %swap3A_212 = tpu.vector_load %arg19[%swap3A] {strides = array<i32>} : memref<2000xf32, #tpu.memory_space<vmem>>, vector<16xf32>,
        tpu.vector_store %arg19[%swap3A], %add3A_211 {strides = array<i32>} : memref<2000xf32, #tpu.memory_space<vmem>>, vector<16xf32>,
        %add3A_213 = arith.constant 16 : i32
        %add3A_214 = arith.addi %mul3A_205, %add3A_213 : i32
        %get3A_215 = arith.index_cast %add3A_214 : i32 to index
        %get3A_216 = tpu.vector_load %arg19[%get3A_215] {strides = array<i32>} : memref<2000xf32, #tpu.memory_space<vmem>>, vector<16xf32>,
        %get3A_217 = arith.index_cast %add3A_214 : i32 to index
        %get3A_218 = tpu.vector_load %arg21[%get3A_217] {strides = array<i32>} : memref<2000xf32, #tpu.memory_space<vmem>>, vector<16xf32>,
        %add3A_219 = arith.addf %get3A_216, %get3A_218 : vector<16xf32>
        %swap3A_220 = arith.index_cast %add3A_214 : i32 to index
        %swap3A_221 = tpu.vector_load %arg19[%swap3A_220] {strides = array<i32>} : memref<2000xf32, #tpu.memory_space<vmem>>, vector<16xf32>,
        tpu.vector_store %arg19[%swap3A_220], %add3A_219 {strides = array<i32>} : memref<2000xf32, #tpu.memory_space<vmem>>, vector<16xf32>,
        %add3A_222 = arith.constant 32 : i32
        %add3A_223 = arith.addi %mul3A_205, %add3A_222 : i32
        %get3A_224 = arith.index_cast %add3A_223 : i32 to index
        %get3A_225 = tpu.vector_load %arg19[%get3A_224] {strides = array<i32>} : memref<2000xf32, #tpu.memory_space<vmem>>, vector<16xf32>,
        %get3A_226 = arith.index_cast %add3A_223 : i32 to index
        %get3A_227 = tpu.vector_load %arg21[%get3A_226] {strides = array<i32>} : memref<2000xf32, #tpu.memory_space<vmem>>, vector<16xf32>,
        %add3A_228 = arith.addf %get3A_225, %get3A_227 : vector<16xf32>
        %swap3A_229 = arith.index_cast %add3A_223 : i32 to index
        %swap3A_230 = tpu.vector_load %arg19[%swap3A_229] {strides = array<i32>} : memref<2000xf32, #tpu.memory_space<vmem>>, vector<16xf32>,
        tpu.vector_store %arg19[%swap3A_229], %add3A_228 {strides = array<i32>} : memref<2000xf32, #tpu.memory_space<vmem>>, vector<16xf32>,
        %add3A_231 = arith.constant 48 : i32
        %add3A_232 = arith.addi %mul3A_205, %add3A_231 : i32
        %get3A_233 = arith.index_cast %add3A_232 : i32 to index
        %get3A_234 = tpu.vector_load %arg19[%get3A_233] {strides = array<i32>} : memref<2000xf32, #tpu.memory_space<vmem>>, vector<16xf32>,
        %get3A_235 = arith.index_cast %add3A_232 : i32 to index
        %get3A_236 = tpu.vector_load %arg21[%get3A_235] {strides = array<i32>} : memref<2000xf32, #tpu.memory_space<vmem>>, vector<16xf32>,
        %add3A_237 = arith.addf %get3A_234, %get3A_236 : vector<16xf32>
        %swap3A_238 = arith.index_cast %add3A_232 : i32 to index
        %swap3A_239 = tpu.vector_load %arg19[%swap3A_238] {strides = array<i32>} : memref<2000xf32, #tpu.memory_space<vmem>>, vector<16xf32>,
        tpu.vector_store %arg19[%swap3A_238], %add3A_237 {strides = array<i32>} : memref<2000xf32, #tpu.memory_space<vmem>>, vector<16xf32>,
        %add3A_240 = arith.constant 64 : i32
        %add3A_241 = arith.addi %mul3A_205, %add3A_240 : i32
        %get3A_242 = arith.index_cast %add3A_241 : i32 to index
        %get3A_243 = tpu.vector_load %arg19[%get3A_242] {strides = array<i32>} : memref<2000xf32, #tpu.memory_space<vmem>>, vector<16xf32>,
        %get3A_244 = arith.index_cast %add3A_241 : i32 to index
        %get3A_245 = tpu.vector_load %arg21[%get3A_244] {strides = array<i32>} : memref<2000xf32, #tpu.memory_space<vmem>>, vector<16xf32>,
        %add3A_246 = arith.addf %get3A_243, %get3A_245 : vector<16xf32>
        %swap3A_247 = arith.index_cast %add3A_241 : i32 to index
        %swap3A_248 = tpu.vector_load %arg19[%swap3A_247] {strides = array<i32>} : memref<2000xf32, #tpu.memory_space<vmem>>, vector<16xf32>,
        tpu.vector_store %arg19[%swap3A_247], %add3A_246 {strides = array<i32>} : memref<2000xf32, #tpu.memory_space<vmem>>, vector<16xf32>,
        %add3A_249 = arith.constant 80 : i32
        %add3A_250 = arith.addi %mul3A_205, %add3A_249 : i32
        %get3A_251 = arith.index_cast %add3A_250 : i32 to index
        %get3A_252 = tpu.vector_load %arg19[%get3A_251] {strides = array<i32>} : memref<2000xf32, #tpu.memory_space<vmem>>, vector<16xf32>,
        %get3A_253 = arith.index_cast %add3A_250 : i32 to index
        %get3A_254 = tpu.vector_load %arg21[%get3A_253] {strides = array<i32>} : memref<2000xf32, #tpu.memory_space<vmem>>, vector<16xf32>,
        %add3A_255 = arith.addf %get3A_252, %get3A_254 : vector<16xf32>
        %swap3A_256 = arith.index_cast %add3A_250 : i32 to index
        %swap3A_257 = tpu.vector_load %arg19[%swap3A_256] {strides = array<i32>} : memref<2000xf32, #tpu.memory_space<vmem>>, vector<16xf32>,
        tpu.vector_store %arg19[%swap3A_256], %add3A_255 {strides = array<i32>} : memref<2000xf32, #tpu.memory_space<vmem>>, vector<16xf32>,
        %add3A_258 = arith.constant 96 : i32
        %add3A_259 = arith.addi %mul3A_205, %add3A_258 : i32
        %get3A_260 = arith.index_cast %add3A_259 : i32 to index
        %get3A_261 = tpu.vector_load %arg19[%get3A_260] {strides = array<i32>} : memref<2000xf32, #tpu.memory_space<vmem>>, vector<16xf32>,
        %get3A_262 = arith.index_cast %add3A_259 : i32 to index
        %get3A_263 = tpu.vector_load %arg21[%get3A_262] {strides = array<i32>} : memref<2000xf32, #tpu.memory_space<vmem>>, vector<16xf32>,
        %add3A_264 = arith.addf %get3A_261, %get3A_263 : vector<16xf32>
        %swap3A_265 = arith.index_cast %add3A_259 : i32 to index
        %swap3A_266 = tpu.vector_load %arg19[%swap3A_265] {strides = array<i32>} : memref<2000xf32, #tpu.memory_space<vmem>>, vector<16xf32>,
        tpu.vector_store %arg19[%swap3A_265], %add3A_264 {strides = array<i32>} : memref<2000xf32, #tpu.memory_space<vmem>>, vector<16xf32>,
      }
    }
    %while3A_160 = arith.constant 1 : i32
    scf.for %while3A_185 = %while3A_158 to %while3A_154 step %while3A_160  : i32 {
      %mul3A_186 = arith.constant 16 : i32
      %mul3A_187 = arith.muli %arg0, %mul3A_186 : i32
      %add3A_188 = arith.addi %mul3A_187, %while3A_185 : i32
      %mul3A_189 = arith.constant 100352 : i32
      %mul3A_190 = arith.muli %add3A_188, %mul3A_189 : i32
      %add3A_191 = arith.addi %mul3A_190, %add3A_146 : i32
      "tpu.region"() ({
        %run_scoped3A = tpu.sem_alloc : memref<!tpu.dma_semaphore, #tpu.memory_space<semaphore_mem>>
        %dma_start3A_203 = arith.constant 0 : i32
        %dma_start3A_204 = tpu.memref_slice %arg21[%dma_start3A_203] : memref<2000xf32, #tpu.memory_space<vmem>> -> memref<1568xf32, #tpu.memory_space<vmem>>
        %dma_start3A_205 = tpu.memref_slice %arg11[%add3A_191] : memref<3211264xf32, #tpu.memory_space<hbm>> -> memref<1568xf32, #tpu.memory_space<hbm>>
        %dma_start3A_206 = arith.constant 0 : i32
        %dma_start3A_207 = tpu.memref_slice %arg21[%dma_start3A_206] : memref<2000xf32, #tpu.memory_space<vmem>> -> memref<1568xf32, #tpu.memory_space<vmem>>
        %dma_start3A_208 = tpu.memref_slice %arg11[%add3A_191] : memref<3211264xf32, #tpu.memory_space<hbm>> -> memref<1568xf32, #tpu.memory_space<hbm>>
        tpu.enqueue_dma source(%dma_start3A_208 : memref<1568xf32, #tpu.memory_space<hbm>>) target(%dma_start3A_207 : memref<1568xf32, #tpu.memory_space<vmem>>) target_semaphore(%run_scoped3A : memref<!tpu.dma_semaphore, #tpu.memory_space<semaphore_mem>>)
        %dma_wait3A_209 = arith.constant 0 : i32
        %dma_wait3A_210 = tpu.memref_slice %arg21[%dma_wait3A_209] : memref<2000xf32, #tpu.memory_space<vmem>> -> memref<1568xf32, #tpu.memory_space<vmem>>
        %dma_wait3A_211 = tpu.memref_slice %arg11[%add3A_191] : memref<3211264xf32, #tpu.memory_space<hbm>> -> memref<1568xf32, #tpu.memory_space<hbm>>
        %dma_wait3A_212 = arith.constant 0 : i32
        %dma_wait3A_213 = tpu.memref_slice %arg21[%dma_wait3A_212] : memref<2000xf32, #tpu.memory_space<vmem>> -> memref<1568xf32, #tpu.memory_space<vmem>>
        %dma_wait3A_214 = tpu.memref_slice %arg11[%add3A_191] : memref<3211264xf32, #tpu.memory_space<hbm>> -> memref<1568xf32, #tpu.memory_space<hbm>>
        tpu.wait_dma2 semaphore(%run_scoped3A : memref<!tpu.dma_semaphore, #tpu.memory_space<semaphore_mem>>) src(%dma_wait3A_214 : memref<1568xf32, #tpu.memory_space<hbm>>) dst(%dma_wait3A_213 : memref<1568xf32, #tpu.memory_space<vmem>>)
        tpu.yield
      }) : () -> ()
      %while3A_192 = arith.constant 0 : i32
      %while3A_193 = arith.constant 0 : i32
      %while3A_194 = arith.constant 14 : i32
      %while3A_195 = arith.subi %while3A_194, %while3A_193 : i32
      %while3A_196 = arith.addi %while3A_193, %while3A_195 : i32
      %while3A_197 = arith.constant 1 : i32
      %while3A_198 = arith.divsi %while3A_195, %while3A_197 : i32
      %while3A_199 = arith.muli %while3A_198, %while3A_197 : i32
      %while3A_200 = arith.addi %while3A_193, %while3A_199 : i32
      %while3A_201 = arith.constant 1 : i32
      scf.for %while3A_203 = %while3A_193 to %while3A_200 step %while3A_201  : i32 {
        %mul3A_204 = arith.constant 112 : i32
        %mul3A_205 = arith.muli %while3A_203, %mul3A_204 : i32
        %add3A_206 = arith.constant 0 : i32
        %add3A_207 = arith.addi %mul3A_205, %add3A_206 : i32
        %get3A = arith.index_cast %add3A_207 : i32 to index
        %get3A_208 = tpu.vector_load %arg19[%get3A] {strides = array<i32>} : memref<2000xf32, #tpu.memory_space<vmem>>, vector<16xf32>,
        %get3A_209 = arith.index_cast %add3A_207 : i32 to index
        %get3A_210 = tpu.vector_load %arg21[%get3A_209] {strides = array<i32>} : memref<2000xf32, #tpu.memory_space<vmem>>, vector<16xf32>,
        %add3A_211 = arith.addf %get3A_208, %get3A_210 : vector<16xf32>
        %swap3A = arith.index_cast %add3A_207 : i32 to index
        %swap3A_212 = tpu.vector_load %arg19[%swap3A] {strides = array<i32>} : memref<2000xf32, #tpu.memory_space<vmem>>, vector<16xf32>,
        tpu.vector_store %arg19[%swap3A], %add3A_211 {strides = array<i32>} : memref<2000xf32, #tpu.memory_space<vmem>>, vector<16xf32>,
        %add3A_213 = arith.constant 16 : i32
        %add3A_214 = arith.addi %mul3A_205, %add3A_213 : i32
        %get3A_215 = arith.index_cast %add3A_214 : i32 to index
        %get3A_216 = tpu.vector_load %arg19[%get3A_215] {strides = array<i32>} : memref<2000xf32, #tpu.memory_space<vmem>>, vector<16xf32>,
        %get3A_217 = arith.index_cast %add3A_214 : i32 to index
        %get3A_218 = tpu.vector_load %arg21[%get3A_217] {strides = array<i32>} : memref<2000xf32, #tpu.memory_space<vmem>>, vector<16xf32>,
        %add3A_219 = arith.addf %get3A_216, %get3A_218 : vector<16xf32>
        %swap3A_220 = arith.index_cast %add3A_214 : i32 to index
        %swap3A_221 = tpu.vector_load %arg19[%swap3A_220] {strides = array<i32>} : memref<2000xf32, #tpu.memory_space<vmem>>, vector<16xf32>,
        tpu.vector_store %arg19[%swap3A_220], %add3A_219 {strides = array<i32>} : memref<2000xf32, #tpu.memory_space<vmem>>, vector<16xf32>,
        %add3A_222 = arith.constant 32 : i32
        %add3A_223 = arith.addi %mul3A_205, %add3A_222 : i32
        %get3A_224 = arith.index_cast %add3A_223 : i32 to index
        %get3A_225 = tpu.vector_load %arg19[%get3A_224] {strides = array<i32>} : memref<2000xf32, #tpu.memory_space<vmem>>, vector<16xf32>,
        %get3A_226 = arith.index_cast %add3A_223 : i32 to index
        %get3A_227 = tpu.vector_load %arg21[%get3A_226] {strides = array<i32>} : memref<2000xf32, #tpu.memory_space<vmem>>, vector<16xf32>,
        %add3A_228 = arith.addf %get3A_225, %get3A_227 : vector<16xf32>
        %swap3A_229 = arith.index_cast %add3A_223 : i32 to index
        %swap3A_230 = tpu.vector_load %arg19[%swap3A_229] {strides = array<i32>} : memref<2000xf32, #tpu.memory_space<vmem>>, vector<16xf32>,
        tpu.vector_store %arg19[%swap3A_229], %add3A_228 {strides = array<i32>} : memref<2000xf32, #tpu.memory_space<vmem>>, vector<16xf32>,
        %add3A_231 = arith.constant 48 : i32
        %add3A_232 = arith.addi %mul3A_205, %add3A_231 : i32
        %get3A_233 = arith.index_cast %add3A_232 : i32 to index
        %get3A_234 = tpu.vector_load %arg19[%get3A_233] {strides = array<i32>} : memref<2000xf32, #tpu.memory_space<vmem>>, vector<16xf32>,
        %get3A_235 = arith.index_cast %add3A_232 : i32 to index
        %get3A_236 = tpu.vector_load %arg21[%get3A_235] {strides = array<i32>} : memref<2000xf32, #tpu.memory_space<vmem>>, vector<16xf32>,
        %add3A_237 = arith.addf %get3A_234, %get3A_236 : vector<16xf32>
        %swap3A_238 = arith.index_cast %add3A_232 : i32 to index
        %swap3A_239 = tpu.vector_load %arg19[%swap3A_238] {strides = array<i32>} : memref<2000xf32, #tpu.memory_space<vmem>>, vector<16xf32>,
        tpu.vector_store %arg19[%swap3A_238], %add3A_237 {strides = array<i32>} : memref<2000xf32, #tpu.memory_space<vmem>>, vector<16xf32>,
        %add3A_240 = arith.constant 64 : i32
        %add3A_241 = arith.addi %mul3A_205, %add3A_240 : i32
        %get3A_242 = arith.index_cast %add3A_241 : i32 to index
        %get3A_243 = tpu.vector_load %arg19[%get3A_242] {strides = array<i32>} : memref<2000xf32, #tpu.memory_space<vmem>>, vector<16xf32>,
        %get3A_244 = arith.index_cast %add3A_241 : i32 to index
        %get3A_245 = tpu.vector_load %arg21[%get3A_244] {strides = array<i32>} : memref<2000xf32, #tpu.memory_space<vmem>>, vector<16xf32>,
        %add3A_246 = arith.addf %get3A_243, %get3A_245 : vector<16xf32>
        %swap3A_247 = arith.index_cast %add3A_241 : i32 to index
        %swap3A_248 = tpu.vector_load %arg19[%swap3A_247] {strides = array<i32>} : memref<2000xf32, #tpu.memory_space<vmem>>, vector<16xf32>,
        tpu.vector_store %arg19[%swap3A_247], %add3A_246 {strides = array<i32>} : memref<2000xf32, #tpu.memory_space<vmem>>, vector<16xf32>,
        %add3A_249 = arith.constant 80 : i32
        %add3A_250 = arith.addi %mul3A_205, %add3A_249 : i32
        %get3A_251 = arith.index_cast %add3A_250 : i32 to index
        %get3A_252 = tpu.vector_load %arg19[%get3A_251] {strides = array<i32>} : memref<2000xf32, #tpu.memory_space<vmem>>, vector<16xf32>,
        %get3A_253 = arith.index_cast %add3A_250 : i32 to index
        %get3A_254 = tpu.vector_load %arg21[%get3A_253] {strides = array<i32>} : memref<2000xf32, #tpu.memory_space<vmem>>, vector<16xf32>,
        %add3A_255 = arith.addf %get3A_252, %get3A_254 : vector<16xf32>
        %swap3A_256 = arith.index_cast %add3A_250 : i32 to index
        %swap3A_257 = tpu.vector_load %arg19[%swap3A_256] {strides = array<i32>} : memref<2000xf32, #tpu.memory_space<vmem>>, vector<16xf32>,
        tpu.vector_store %arg19[%swap3A_256], %add3A_255 {strides = array<i32>} : memref<2000xf32, #tpu.memory_space<vmem>>, vector<16xf32>,
        %add3A_258 = arith.constant 96 : i32
        %add3A_259 = arith.addi %mul3A_205, %add3A_258 : i32
        %get3A_260 = arith.index_cast %add3A_259 : i32 to index
        %get3A_261 = tpu.vector_load %arg19[%get3A_260] {strides = array<i32>} : memref<2000xf32, #tpu.memory_space<vmem>>, vector<16xf32>,
        %get3A_262 = arith.index_cast %add3A_259 : i32 to index
        %get3A_263 = tpu.vector_load %arg21[%get3A_262] {strides = array<i32>} : memref<2000xf32, #tpu.memory_space<vmem>>, vector<16xf32>,
        %add3A_264 = arith.addf %get3A_261, %get3A_263 : vector<16xf32>
        %swap3A_265 = arith.index_cast %add3A_259 : i32 to index
        %swap3A_266 = tpu.vector_load %arg19[%swap3A_265] {strides = array<i32>} : memref<2000xf32, #tpu.memory_space<vmem>>, vector<16xf32>,
        tpu.vector_store %arg19[%swap3A_265], %add3A_264 {strides = array<i32>} : memref<2000xf32, #tpu.memory_space<vmem>>, vector<16xf32>,
      }
      %while3A_202 = arith.constant 1 : i32
      scf.for %while3A_203 = %while3A_200 to %while3A_196 step %while3A_202  : i32 {
        %mul3A_204 = arith.constant 112 : i32
        %mul3A_205 = arith.muli %while3A_203, %mul3A_204 : i32
        %add3A_206 = arith.constant 0 : i32
        %add3A_207 = arith.addi %mul3A_205, %add3A_206 : i32
        %get3A = arith.index_cast %add3A_207 : i32 to index
        %get3A_208 = tpu.vector_load %arg19[%get3A] {strides = array<i32>} : memref<2000xf32, #tpu.memory_space<vmem>>, vector<16xf32>,
        %get3A_209 = arith.index_cast %add3A_207 : i32 to index
        %get3A_210 = tpu.vector_load %arg21[%get3A_209] {strides = array<i32>} : memref<2000xf32, #tpu.memory_space<vmem>>, vector<16xf32>,
        %add3A_211 = arith.addf %get3A_208, %get3A_210 : vector<16xf32>
        %swap3A = arith.index_cast %add3A_207 : i32 to index
        %swap3A_212 = tpu.vector_load %arg19[%swap3A] {strides = array<i32>} : memref<2000xf32, #tpu.memory_space<vmem>>, vector<16xf32>,
        tpu.vector_store %arg19[%swap3A], %add3A_211 {strides = array<i32>} : memref<2000xf32, #tpu.memory_space<vmem>>, vector<16xf32>,
        %add3A_213 = arith.constant 16 : i32
        %add3A_214 = arith.addi %mul3A_205, %add3A_213 : i32
        %get3A_215 = arith.index_cast %add3A_214 : i32 to index
        %get3A_216 = tpu.vector_load %arg19[%get3A_215] {strides = array<i32>} : memref<2000xf32, #tpu.memory_space<vmem>>, vector<16xf32>,
        %get3A_217 = arith.index_cast %add3A_214 : i32 to index
        %get3A_218 = tpu.vector_load %arg21[%get3A_217] {strides = array<i32>} : memref<2000xf32, #tpu.memory_space<vmem>>, vector<16xf32>,
        %add3A_219 = arith.addf %get3A_216, %get3A_218 : vector<16xf32>
        %swap3A_220 = arith.index_cast %add3A_214 : i32 to index
        %swap3A_221 = tpu.vector_load %arg19[%swap3A_220] {strides = array<i32>} : memref<2000xf32, #tpu.memory_space<vmem>>, vector<16xf32>,
        tpu.vector_store %arg19[%swap3A_220], %add3A_219 {strides = array<i32>} : memref<2000xf32, #tpu.memory_space<vmem>>, vector<16xf32>,
        %add3A_222 = arith.constant 32 : i32
        %add3A_223 = arith.addi %mul3A_205, %add3A_222 : i32
        %get3A_224 = arith.index_cast %add3A_223 : i32 to index
        %get3A_225 = tpu.vector_load %arg19[%get3A_224] {strides = array<i32>} : memref<2000xf32, #tpu.memory_space<vmem>>, vector<16xf32>,
        %get3A_226 = arith.index_cast %add3A_223 : i32 to index
        %get3A_227 = tpu.vector_load %arg21[%get3A_226] {strides = array<i32>} : memref<2000xf32, #tpu.memory_space<vmem>>, vector<16xf32>,
        %add3A_228 = arith.addf %get3A_225, %get3A_227 : vector<16xf32>
        %swap3A_229 = arith.index_cast %add3A_223 : i32 to index
        %swap3A_230 = tpu.vector_load %arg19[%swap3A_229] {strides = array<i32>} : memref<2000xf32, #tpu.memory_space<vmem>>, vector<16xf32>,
        tpu.vector_store %arg19[%swap3A_229], %add3A_228 {strides = array<i32>} : memref<2000xf32, #tpu.memory_space<vmem>>, vector<16xf32>,
        %add3A_231 = arith.constant 48 : i32
        %add3A_232 = arith.addi %mul3A_205, %add3A_231 : i32
        %get3A_233 = arith.index_cast %add3A_232 : i32 to index
        %get3A_234 = tpu.vector_load %arg19[%get3A_233] {strides = array<i32>} : memref<2000xf32, #tpu.memory_space<vmem>>, vector<16xf32>,
        %get3A_235 = arith.index_cast %add3A_232 : i32 to index
        %get3A_236 = tpu.vector_load %arg21[%get3A_235] {strides = array<i32>} : memref<2000xf32, #tpu.memory_space<vmem>>, vector<16xf32>,
        %add3A_237 = arith.addf %get3A_234, %get3A_236 : vector<16xf32>
        %swap3A_238 = arith.index_cast %add3A_232 : i32 to index
        %swap3A_239 = tpu.vector_load %arg19[%swap3A_238] {strides = array<i32>} : memref<2000xf32, #tpu.memory_space<vmem>>, vector<16xf32>,
        tpu.vector_store %arg19[%swap3A_238], %add3A_237 {strides = array<i32>} : memref<2000xf32, #tpu.memory_space<vmem>>, vector<16xf32>,
        %add3A_240 = arith.constant 64 : i32
        %add3A_241 = arith.addi %mul3A_205, %add3A_240 : i32
        %get3A_242 = arith.index_cast %add3A_241 : i32 to index
        %get3A_243 = tpu.vector_load %arg19[%get3A_242] {strides = array<i32>} : memref<2000xf32, #tpu.memory_space<vmem>>, vector<16xf32>,
        %get3A_244 = arith.index_cast %add3A_241 : i32 to index
        %get3A_245 = tpu.vector_load %arg21[%get3A_244] {strides = array<i32>} : memref<2000xf32, #tpu.memory_space<vmem>>, vector<16xf32>,
        %add3A_246 = arith.addf %get3A_243, %get3A_245 : vector<16xf32>
        %swap3A_247 = arith.index_cast %add3A_241 : i32 to index
        %swap3A_248 = tpu.vector_load %arg19[%swap3A_247] {strides = array<i32>} : memref<2000xf32, #tpu.memory_space<vmem>>, vector<16xf32>,
        tpu.vector_store %arg19[%swap3A_247], %add3A_246 {strides = array<i32>} : memref<2000xf32, #tpu.memory_space<vmem>>, vector<16xf32>,
        %add3A_249 = arith.constant 80 : i32
        %add3A_250 = arith.addi %mul3A_205, %add3A_249 : i32
        %get3A_251 = arith.index_cast %add3A_250 : i32 to index
        %get3A_252 = tpu.vector_load %arg19[%get3A_251] {strides = array<i32>} : memref<2000xf32, #tpu.memory_space<vmem>>, vector<16xf32>,
        %get3A_253 = arith.index_cast %add3A_250 : i32 to index
        %get3A_254 = tpu.vector_load %arg21[%get3A_253] {strides = array<i32>} : memref<2000xf32, #tpu.memory_space<vmem>>, vector<16xf32>,
        %add3A_255 = arith.addf %get3A_252, %get3A_254 : vector<16xf32>
        %swap3A_256 = arith.index_cast %add3A_250 : i32 to index
        %swap3A_257 = tpu.vector_load %arg19[%swap3A_256] {strides = array<i32>} : memref<2000xf32, #tpu.memory_space<vmem>>, vector<16xf32>,
        tpu.vector_store %arg19[%swap3A_256], %add3A_255 {strides = array<i32>} : memref<2000xf32, #tpu.memory_space<vmem>>, vector<16xf32>,
        %add3A_258 = arith.constant 96 : i32
        %add3A_259 = arith.addi %mul3A_205, %add3A_258 : i32
        %get3A_260 = arith.index_cast %add3A_259 : i32 to index
        %get3A_261 = tpu.vector_load %arg19[%get3A_260] {strides = array<i32>} : memref<2000xf32, #tpu.memory_space<vmem>>, vector<16xf32>,
        %get3A_262 = arith.index_cast %add3A_259 : i32 to index
        %get3A_263 = tpu.vector_load %arg21[%get3A_262] {strides = array<i32>} : memref<2000xf32, #tpu.memory_space<vmem>>, vector<16xf32>,
        %add3A_264 = arith.addf %get3A_261, %get3A_263 : vector<16xf32>
        %swap3A_265 = arith.index_cast %add3A_259 : i32 to index
        %swap3A_266 = tpu.vector_load %arg19[%swap3A_265] {strides = array<i32>} : memref<2000xf32, #tpu.memory_space<vmem>>, vector<16xf32>,
        tpu.vector_store %arg19[%swap3A_265], %add3A_264 {strides = array<i32>} : memref<2000xf32, #tpu.memory_space<vmem>>, vector<16xf32>,
      }
    }
    %mul3A_161 = arith.constant 100352 : i32
    %mul3A_162 = arith.muli %arg0, %mul3A_161 : i32
    %add3A_163 = arith.addi %mul3A_162, %add3A_146 : i32
    "tpu.region"() ({
      %run_scoped3A = tpu.sem_alloc : memref<!tpu.dma_semaphore, #tpu.memory_space<semaphore_mem>>
      %dma_start3A_185 = arith.constant 0 : i32
      %dma_start3A_186 = tpu.memref_slice %arg19[%dma_start3A_185] : memref<2000xf32, #tpu.memory_space<vmem>> -> memref<1568xf32, #tpu.memory_space<vmem>>
      %dma_start3A_187 = tpu.memref_slice %arg8[%add3A_163] : memref<200704xf32, #tpu.memory_space<hbm>> -> memref<1568xf32, #tpu.memory_space<hbm>>
      %dma_start3A_188 = tpu.memref_slice %arg8[%add3A_163] : memref<200704xf32, #tpu.memory_space<hbm>> -> memref<1568xf32, #tpu.memory_space<hbm>>
      %dma_start3A_189 = arith.constant 0 : i32
      %dma_start3A_190 = tpu.memref_slice %arg19[%dma_start3A_189] : memref<2000xf32, #tpu.memory_space<vmem>> -> memref<1568xf32, #tpu.memory_space<vmem>>
      tpu.enqueue_dma source(%dma_start3A_190 : memref<1568xf32, #tpu.memory_space<vmem>>) target(%dma_start3A_188 : memref<1568xf32, #tpu.memory_space<hbm>>) target_semaphore(%run_scoped3A : memref<!tpu.dma_semaphore, #tpu.memory_space<semaphore_mem>>)
      %dma_wait3A_191 = arith.constant 0 : i32
      %dma_wait3A_192 = tpu.memref_slice %arg19[%dma_wait3A_191] : memref<2000xf32, #tpu.memory_space<vmem>> -> memref<1568xf32, #tpu.memory_space<vmem>>
      %dma_wait3A_193 = tpu.memref_slice %arg8[%add3A_163] : memref<200704xf32, #tpu.memory_space<hbm>> -> memref<1568xf32, #tpu.memory_space<hbm>>
      %dma_wait3A_194 = tpu.memref_slice %arg8[%add3A_163] : memref<200704xf32, #tpu.memory_space<hbm>> -> memref<1568xf32, #tpu.memory_space<hbm>>
      %dma_wait3A_195 = arith.constant 0 : i32
      %dma_wait3A_196 = tpu.memref_slice %arg19[%dma_wait3A_195] : memref<2000xf32, #tpu.memory_space<vmem>> -> memref<1568xf32, #tpu.memory_space<vmem>>
      tpu.wait_dma2 semaphore(%run_scoped3A : memref<!tpu.dma_semaphore, #tpu.memory_space<semaphore_mem>>) src(%dma_wait3A_196 : memref<1568xf32, #tpu.memory_space<vmem>>) dst(%dma_wait3A_194 : memref<1568xf32, #tpu.memory_space<hbm>>)
      tpu.yield
    }) : () -> ()
    %mul3A_164 = arith.constant 6272 : i32
    %mul3A_165 = arith.muli %arg1, %mul3A_164 : i32
    %add3A_166 = arith.constant 4704 : i32
    %add3A_167 = arith.addi %mul3A_165, %add3A_166 : i32
    %mul3A_168 = arith.constant 1605632 : i32
    %mul3A_169 = arith.muli %arg0, %mul3A_168 : i32
    %add3A_170 = arith.addi %mul3A_169, %add3A_167 : i32
    "tpu.region"() ({
      %run_scoped3A = tpu.sem_alloc : memref<!tpu.dma_semaphore, #tpu.memory_space<semaphore_mem>>
      %dma_start3A_185 = arith.constant 0 : i32
      %dma_start3A_186 = tpu.memref_slice %arg19[%dma_start3A_185] : memref<2000xf32, #tpu.memory_space<vmem>> -> memref<1568xf32, #tpu.memory_space<vmem>>
      %dma_start3A_187 = tpu.memref_slice %arg11[%add3A_170] : memref<3211264xf32, #tpu.memory_space<hbm>> -> memref<1568xf32, #tpu.memory_space<hbm>>
      %dma_start3A_188 = arith.constant 0 : i32
      %dma_start3A_189 = tpu.memref_slice %arg19[%dma_start3A_188] : memref<2000xf32, #tpu.memory_space<vmem>> -> memref<1568xf32, #tpu.memory_space<vmem>>
      %dma_start3A_190 = tpu.memref_slice %arg11[%add3A_170] : memref<3211264xf32, #tpu.memory_space<hbm>> -> memref<1568xf32, #tpu.memory_space<hbm>>
      tpu.enqueue_dma source(%dma_start3A_190 : memref<1568xf32, #tpu.memory_space<hbm>>) target(%dma_start3A_189 : memref<1568xf32, #tpu.memory_space<vmem>>) target_semaphore(%run_scoped3A : memref<!tpu.dma_semaphore, #tpu.memory_space<semaphore_mem>>)
      %dma_wait3A_191 = arith.constant 0 : i32
      %dma_wait3A_192 = tpu.memref_slice %arg19[%dma_wait3A_191] : memref<2000xf32, #tpu.memory_space<vmem>> -> memref<1568xf32, #tpu.memory_space<vmem>>
      %dma_wait3A_193 = tpu.memref_slice %arg11[%add3A_170] : memref<3211264xf32, #tpu.memory_space<hbm>> -> memref<1568xf32, #tpu.memory_space<hbm>>
      %dma_wait3A_194 = arith.constant 0 : i32
      %dma_wait3A_195 = tpu.memref_slice %arg19[%dma_wait3A_194] : memref<2000xf32, #tpu.memory_space<vmem>> -> memref<1568xf32, #tpu.memory_space<vmem>>
      %dma_wait3A_196 = tpu.memref_slice %arg11[%add3A_170] : memref<3211264xf32, #tpu.memory_space<hbm>> -> memref<1568xf32, #tpu.memory_space<hbm>>
      tpu.wait_dma2 semaphore(%run_scoped3A : memref<!tpu.dma_semaphore, #tpu.memory_space<semaphore_mem>>) src(%dma_wait3A_196 : memref<1568xf32, #tpu.memory_space<hbm>>) dst(%dma_wait3A_195 : memref<1568xf32, #tpu.memory_space<vmem>>)
      tpu.yield
    }) : () -> ()
    %while3A_171 = arith.constant 0 : i32
    %while3A_172 = arith.constant 1 : i32
    %while3A_173 = arith.constant 16 : i32
    %while3A_174 = arith.subi %while3A_173, %while3A_172 : i32
    %while3A_175 = arith.addi %while3A_172, %while3A_174 : i32
    %while3A_176 = arith.constant 1 : i32
    %while3A_177 = arith.divsi %while3A_174, %while3A_176 : i32
    %while3A_178 = arith.muli %while3A_177, %while3A_176 : i32
    %while3A_179 = arith.addi %while3A_172, %while3A_178 : i32
    %while3A_180 = arith.constant 1 : i32
    scf.for %while3A_185 = %while3A_172 to %while3A_179 step %while3A_180  : i32 {
      %mul3A_186 = arith.constant 16 : i32
      %mul3A_187 = arith.muli %arg0, %mul3A_186 : i32
      %add3A_188 = arith.addi %mul3A_187, %while3A_185 : i32
      %mul3A_189 = arith.constant 100352 : i32
      %mul3A_190 = arith.muli %add3A_188, %mul3A_189 : i32
      %add3A_191 = arith.addi %mul3A_190, %add3A_167 : i32
      "tpu.region"() ({
        %run_scoped3A = tpu.sem_alloc : memref<!tpu.dma_semaphore, #tpu.memory_space<semaphore_mem>>
        %dma_start3A_203 = arith.constant 0 : i32
        %dma_start3A_204 = tpu.memref_slice %arg21[%dma_start3A_203] : memref<2000xf32, #tpu.memory_space<vmem>> -> memref<1568xf32, #tpu.memory_space<vmem>>
        %dma_start3A_205 = tpu.memref_slice %arg11[%add3A_191] : memref<3211264xf32, #tpu.memory_space<hbm>> -> memref<1568xf32, #tpu.memory_space<hbm>>
        %dma_start3A_206 = arith.constant 0 : i32
        %dma_start3A_207 = tpu.memref_slice %arg21[%dma_start3A_206] : memref<2000xf32, #tpu.memory_space<vmem>> -> memref<1568xf32, #tpu.memory_space<vmem>>
        %dma_start3A_208 = tpu.memref_slice %arg11[%add3A_191] : memref<3211264xf32, #tpu.memory_space<hbm>> -> memref<1568xf32, #tpu.memory_space<hbm>>
        tpu.enqueue_dma source(%dma_start3A_208 : memref<1568xf32, #tpu.memory_space<hbm>>) target(%dma_start3A_207 : memref<1568xf32, #tpu.memory_space<vmem>>) target_semaphore(%run_scoped3A : memref<!tpu.dma_semaphore, #tpu.memory_space<semaphore_mem>>)
        %dma_wait3A_209 = arith.constant 0 : i32
        %dma_wait3A_210 = tpu.memref_slice %arg21[%dma_wait3A_209] : memref<2000xf32, #tpu.memory_space<vmem>> -> memref<1568xf32, #tpu.memory_space<vmem>>
        %dma_wait3A_211 = tpu.memref_slice %arg11[%add3A_191] : memref<3211264xf32, #tpu.memory_space<hbm>> -> memref<1568xf32, #tpu.memory_space<hbm>>
        %dma_wait3A_212 = arith.constant 0 : i32
        %dma_wait3A_213 = tpu.memref_slice %arg21[%dma_wait3A_212] : memref<2000xf32, #tpu.memory_space<vmem>> -> memref<1568xf32, #tpu.memory_space<vmem>>
        %dma_wait3A_214 = tpu.memref_slice %arg11[%add3A_191] : memref<3211264xf32, #tpu.memory_space<hbm>> -> memref<1568xf32, #tpu.memory_space<hbm>>
        tpu.wait_dma2 semaphore(%run_scoped3A : memref<!tpu.dma_semaphore, #tpu.memory_space<semaphore_mem>>) src(%dma_wait3A_214 : memref<1568xf32, #tpu.memory_space<hbm>>) dst(%dma_wait3A_213 : memref<1568xf32, #tpu.memory_space<vmem>>)
        tpu.yield
      }) : () -> ()
      %while3A_192 = arith.constant 0 : i32
      %while3A_193 = arith.constant 0 : i32
      %while3A_194 = arith.constant 14 : i32
      %while3A_195 = arith.subi %while3A_194, %while3A_193 : i32
      %while3A_196 = arith.addi %while3A_193, %while3A_195 : i32
      %while3A_197 = arith.constant 1 : i32
      %while3A_198 = arith.divsi %while3A_195, %while3A_197 : i32
      %while3A_199 = arith.muli %while3A_198, %while3A_197 : i32
      %while3A_200 = arith.addi %while3A_193, %while3A_199 : i32
      %while3A_201 = arith.constant 1 : i32
      scf.for %while3A_203 = %while3A_193 to %while3A_200 step %while3A_201  : i32 {
        %mul3A_204 = arith.constant 112 : i32
        %mul3A_205 = arith.muli %while3A_203, %mul3A_204 : i32
        %add3A_206 = arith.constant 0 : i32
        %add3A_207 = arith.addi %mul3A_205, %add3A_206 : i32
        %get3A = arith.index_cast %add3A_207 : i32 to index
        %get3A_208 = tpu.vector_load %arg19[%get3A] {strides = array<i32>} : memref<2000xf32, #tpu.memory_space<vmem>>, vector<16xf32>,
        %get3A_209 = arith.index_cast %add3A_207 : i32 to index
        %get3A_210 = tpu.vector_load %arg21[%get3A_209] {strides = array<i32>} : memref<2000xf32, #tpu.memory_space<vmem>>, vector<16xf32>,
        %add3A_211 = arith.addf %get3A_208, %get3A_210 : vector<16xf32>
        %swap3A = arith.index_cast %add3A_207 : i32 to index
        %swap3A_212 = tpu.vector_load %arg19[%swap3A] {strides = array<i32>} : memref<2000xf32, #tpu.memory_space<vmem>>, vector<16xf32>,
        tpu.vector_store %arg19[%swap3A], %add3A_211 {strides = array<i32>} : memref<2000xf32, #tpu.memory_space<vmem>>, vector<16xf32>,
        %add3A_213 = arith.constant 16 : i32
        %add3A_214 = arith.addi %mul3A_205, %add3A_213 : i32
        %get3A_215 = arith.index_cast %add3A_214 : i32 to index
        %get3A_216 = tpu.vector_load %arg19[%get3A_215] {strides = array<i32>} : memref<2000xf32, #tpu.memory_space<vmem>>, vector<16xf32>,
        %get3A_217 = arith.index_cast %add3A_214 : i32 to index
        %get3A_218 = tpu.vector_load %arg21[%get3A_217] {strides = array<i32>} : memref<2000xf32, #tpu.memory_space<vmem>>, vector<16xf32>,
        %add3A_219 = arith.addf %get3A_216, %get3A_218 : vector<16xf32>
        %swap3A_220 = arith.index_cast %add3A_214 : i32 to index
        %swap3A_221 = tpu.vector_load %arg19[%swap3A_220] {strides = array<i32>} : memref<2000xf32, #tpu.memory_space<vmem>>, vector<16xf32>,
        tpu.vector_store %arg19[%swap3A_220], %add3A_219 {strides = array<i32>} : memref<2000xf32, #tpu.memory_space<vmem>>, vector<16xf32>,
        %add3A_222 = arith.constant 32 : i32
        %add3A_223 = arith.addi %mul3A_205, %add3A_222 : i32
        %get3A_224 = arith.index_cast %add3A_223 : i32 to index
        %get3A_225 = tpu.vector_load %arg19[%get3A_224] {strides = array<i32>} : memref<2000xf32, #tpu.memory_space<vmem>>, vector<16xf32>,
        %get3A_226 = arith.index_cast %add3A_223 : i32 to index
        %get3A_227 = tpu.vector_load %arg21[%get3A_226] {strides = array<i32>} : memref<2000xf32, #tpu.memory_space<vmem>>, vector<16xf32>,
        %add3A_228 = arith.addf %get3A_225, %get3A_227 : vector<16xf32>
        %swap3A_229 = arith.index_cast %add3A_223 : i32 to index
        %swap3A_230 = tpu.vector_load %arg19[%swap3A_229] {strides = array<i32>} : memref<2000xf32, #tpu.memory_space<vmem>>, vector<16xf32>,
        tpu.vector_store %arg19[%swap3A_229], %add3A_228 {strides = array<i32>} : memref<2000xf32, #tpu.memory_space<vmem>>, vector<16xf32>,
        %add3A_231 = arith.constant 48 : i32
        %add3A_232 = arith.addi %mul3A_205, %add3A_231 : i32
        %get3A_233 = arith.index_cast %add3A_232 : i32 to index
        %get3A_234 = tpu.vector_load %arg19[%get3A_233] {strides = array<i32>} : memref<2000xf32, #tpu.memory_space<vmem>>, vector<16xf32>,
        %get3A_235 = arith.index_cast %add3A_232 : i32 to index
        %get3A_236 = tpu.vector_load %arg21[%get3A_235] {strides = array<i32>} : memref<2000xf32, #tpu.memory_space<vmem>>, vector<16xf32>,
        %add3A_237 = arith.addf %get3A_234, %get3A_236 : vector<16xf32>
        %swap3A_238 = arith.index_cast %add3A_232 : i32 to index
        %swap3A_239 = tpu.vector_load %arg19[%swap3A_238] {strides = array<i32>} : memref<2000xf32, #tpu.memory_space<vmem>>, vector<16xf32>,
        tpu.vector_store %arg19[%swap3A_238], %add3A_237 {strides = array<i32>} : memref<2000xf32, #tpu.memory_space<vmem>>, vector<16xf32>,
        %add3A_240 = arith.constant 64 : i32
        %add3A_241 = arith.addi %mul3A_205, %add3A_240 : i32
        %get3A_242 = arith.index_cast %add3A_241 : i32 to index
        %get3A_243 = tpu.vector_load %arg19[%get3A_242] {strides = array<i32>} : memref<2000xf32, #tpu.memory_space<vmem>>, vector<16xf32>,
        %get3A_244 = arith.index_cast %add3A_241 : i32 to index
        %get3A_245 = tpu.vector_load %arg21[%get3A_244] {strides = array<i32>} : memref<2000xf32, #tpu.memory_space<vmem>>, vector<16xf32>,
        %add3A_246 = arith.addf %get3A_243, %get3A_245 : vector<16xf32>
        %swap3A_247 = arith.index_cast %add3A_241 : i32 to index
        %swap3A_248 = tpu.vector_load %arg19[%swap3A_247] {strides = array<i32>} : memref<2000xf32, #tpu.memory_space<vmem>>, vector<16xf32>,
        tpu.vector_store %arg19[%swap3A_247], %add3A_246 {strides = array<i32>} : memref<2000xf32, #tpu.memory_space<vmem>>, vector<16xf32>,
        %add3A_249 = arith.constant 80 : i32
        %add3A_250 = arith.addi %mul3A_205, %add3A_249 : i32
        %get3A_251 = arith.index_cast %add3A_250 : i32 to index
        %get3A_252 = tpu.vector_load %arg19[%get3A_251] {strides = array<i32>} : memref<2000xf32, #tpu.memory_space<vmem>>, vector<16xf32>,
        %get3A_253 = arith.index_cast %add3A_250 : i32 to index
        %get3A_254 = tpu.vector_load %arg21[%get3A_253] {strides = array<i32>} : memref<2000xf32, #tpu.memory_space<vmem>>, vector<16xf32>,
        %add3A_255 = arith.addf %get3A_252, %get3A_254 : vector<16xf32>
        %swap3A_256 = arith.index_cast %add3A_250 : i32 to index
        %swap3A_257 = tpu.vector_load %arg19[%swap3A_256] {strides = array<i32>} : memref<2000xf32, #tpu.memory_space<vmem>>, vector<16xf32>,
        tpu.vector_store %arg19[%swap3A_256], %add3A_255 {strides = array<i32>} : memref<2000xf32, #tpu.memory_space<vmem>>, vector<16xf32>,
        %add3A_258 = arith.constant 96 : i32
        %add3A_259 = arith.addi %mul3A_205, %add3A_258 : i32
        %get3A_260 = arith.index_cast %add3A_259 : i32 to index
        %get3A_261 = tpu.vector_load %arg19[%get3A_260] {strides = array<i32>} : memref<2000xf32, #tpu.memory_space<vmem>>, vector<16xf32>,
        %get3A_262 = arith.index_cast %add3A_259 : i32 to index
        %get3A_263 = tpu.vector_load %arg21[%get3A_262] {strides = array<i32>} : memref<2000xf32, #tpu.memory_space<vmem>>, vector<16xf32>,
        %add3A_264 = arith.addf %get3A_261, %get3A_263 : vector<16xf32>
        %swap3A_265 = arith.index_cast %add3A_259 : i32 to index
        %swap3A_266 = tpu.vector_load %arg19[%swap3A_265] {strides = array<i32>} : memref<2000xf32, #tpu.memory_space<vmem>>, vector<16xf32>,
        tpu.vector_store %arg19[%swap3A_265], %add3A_264 {strides = array<i32>} : memref<2000xf32, #tpu.memory_space<vmem>>, vector<16xf32>,
      }
      %while3A_202 = arith.constant 1 : i32
      scf.for %while3A_203 = %while3A_200 to %while3A_196 step %while3A_202  : i32 {
        %mul3A_204 = arith.constant 112 : i32
        %mul3A_205 = arith.muli %while3A_203, %mul3A_204 : i32
        %add3A_206 = arith.constant 0 : i32
        %add3A_207 = arith.addi %mul3A_205, %add3A_206 : i32
        %get3A = arith.index_cast %add3A_207 : i32 to index
        %get3A_208 = tpu.vector_load %arg19[%get3A] {strides = array<i32>} : memref<2000xf32, #tpu.memory_space<vmem>>, vector<16xf32>,
        %get3A_209 = arith.index_cast %add3A_207 : i32 to index
        %get3A_210 = tpu.vector_load %arg21[%get3A_209] {strides = array<i32>} : memref<2000xf32, #tpu.memory_space<vmem>>, vector<16xf32>,
        %add3A_211 = arith.addf %get3A_208, %get3A_210 : vector<16xf32>
        %swap3A = arith.index_cast %add3A_207 : i32 to index
        %swap3A_212 = tpu.vector_load %arg19[%swap3A] {strides = array<i32>} : memref<2000xf32, #tpu.memory_space<vmem>>, vector<16xf32>,
        tpu.vector_store %arg19[%swap3A], %add3A_211 {strides = array<i32>} : memref<2000xf32, #tpu.memory_space<vmem>>, vector<16xf32>,
        %add3A_213 = arith.constant 16 : i32
        %add3A_214 = arith.addi %mul3A_205, %add3A_213 : i32
        %get3A_215 = arith.index_cast %add3A_214 : i32 to index
        %get3A_216 = tpu.vector_load %arg19[%get3A_215] {strides = array<i32>} : memref<2000xf32, #tpu.memory_space<vmem>>, vector<16xf32>,
        %get3A_217 = arith.index_cast %add3A_214 : i32 to index
        %get3A_218 = tpu.vector_load %arg21[%get3A_217] {strides = array<i32>} : memref<2000xf32, #tpu.memory_space<vmem>>, vector<16xf32>,
        %add3A_219 = arith.addf %get3A_216, %get3A_218 : vector<16xf32>
        %swap3A_220 = arith.index_cast %add3A_214 : i32 to index
        %swap3A_221 = tpu.vector_load %arg19[%swap3A_220] {strides = array<i32>} : memref<2000xf32, #tpu.memory_space<vmem>>, vector<16xf32>,
        tpu.vector_store %arg19[%swap3A_220], %add3A_219 {strides = array<i32>} : memref<2000xf32, #tpu.memory_space<vmem>>, vector<16xf32>,
        %add3A_222 = arith.constant 32 : i32
        %add3A_223 = arith.addi %mul3A_205, %add3A_222 : i32
        %get3A_224 = arith.index_cast %add3A_223 : i32 to index
        %get3A_225 = tpu.vector_load %arg19[%get3A_224] {strides = array<i32>} : memref<2000xf32, #tpu.memory_space<vmem>>, vector<16xf32>,
        %get3A_226 = arith.index_cast %add3A_223 : i32 to index
        %get3A_227 = tpu.vector_load %arg21[%get3A_226] {strides = array<i32>} : memref<2000xf32, #tpu.memory_space<vmem>>, vector<16xf32>,
        %add3A_228 = arith.addf %get3A_225, %get3A_227 : vector<16xf32>
        %swap3A_229 = arith.index_cast %add3A_223 : i32 to index
        %swap3A_230 = tpu.vector_load %arg19[%swap3A_229] {strides = array<i32>} : memref<2000xf32, #tpu.memory_space<vmem>>, vector<16xf32>,
        tpu.vector_store %arg19[%swap3A_229], %add3A_228 {strides = array<i32>} : memref<2000xf32, #tpu.memory_space<vmem>>, vector<16xf32>,
        %add3A_231 = arith.constant 48 : i32
        %add3A_232 = arith.addi %mul3A_205, %add3A_231 : i32
        %get3A_233 = arith.index_cast %add3A_232 : i32 to index
        %get3A_234 = tpu.vector_load %arg19[%get3A_233] {strides = array<i32>} : memref<2000xf32, #tpu.memory_space<vmem>>, vector<16xf32>,
        %get3A_235 = arith.index_cast %add3A_232 : i32 to index
        %get3A_236 = tpu.vector_load %arg21[%get3A_235] {strides = array<i32>} : memref<2000xf32, #tpu.memory_space<vmem>>, vector<16xf32>,
        %add3A_237 = arith.addf %get3A_234, %get3A_236 : vector<16xf32>
        %swap3A_238 = arith.index_cast %add3A_232 : i32 to index
        %swap3A_239 = tpu.vector_load %arg19[%swap3A_238] {strides = array<i32>} : memref<2000xf32, #tpu.memory_space<vmem>>, vector<16xf32>,
        tpu.vector_store %arg19[%swap3A_238], %add3A_237 {strides = array<i32>} : memref<2000xf32, #tpu.memory_space<vmem>>, vector<16xf32>,
        %add3A_240 = arith.constant 64 : i32
        %add3A_241 = arith.addi %mul3A_205, %add3A_240 : i32
        %get3A_242 = arith.index_cast %add3A_241 : i32 to index
        %get3A_243 = tpu.vector_load %arg19[%get3A_242] {strides = array<i32>} : memref<2000xf32, #tpu.memory_space<vmem>>, vector<16xf32>,
        %get3A_244 = arith.index_cast %add3A_241 : i32 to index
        %get3A_245 = tpu.vector_load %arg21[%get3A_244] {strides = array<i32>} : memref<2000xf32, #tpu.memory_space<vmem>>, vector<16xf32>,
        %add3A_246 = arith.addf %get3A_243, %get3A_245 : vector<16xf32>
        %swap3A_247 = arith.index_cast %add3A_241 : i32 to index
        %swap3A_248 = tpu.vector_load %arg19[%swap3A_247] {strides = array<i32>} : memref<2000xf32, #tpu.memory_space<vmem>>, vector<16xf32>,
        tpu.vector_store %arg19[%swap3A_247], %add3A_246 {strides = array<i32>} : memref<2000xf32, #tpu.memory_space<vmem>>, vector<16xf32>,
        %add3A_249 = arith.constant 80 : i32
        %add3A_250 = arith.addi %mul3A_205, %add3A_249 : i32
        %get3A_251 = arith.index_cast %add3A_250 : i32 to index
        %get3A_252 = tpu.vector_load %arg19[%get3A_251] {strides = array<i32>} : memref<2000xf32, #tpu.memory_space<vmem>>, vector<16xf32>,
        %get3A_253 = arith.index_cast %add3A_250 : i32 to index
        %get3A_254 = tpu.vector_load %arg21[%get3A_253] {strides = array<i32>} : memref<2000xf32, #tpu.memory_space<vmem>>, vector<16xf32>,
        %add3A_255 = arith.addf %get3A_252, %get3A_254 : vector<16xf32>
        %swap3A_256 = arith.index_cast %add3A_250 : i32 to index
        %swap3A_257 = tpu.vector_load %arg19[%swap3A_256] {strides = array<i32>} : memref<2000xf32, #tpu.memory_space<vmem>>, vector<16xf32>,
        tpu.vector_store %arg19[%swap3A_256], %add3A_255 {strides = array<i32>} : memref<2000xf32, #tpu.memory_space<vmem>>, vector<16xf32>,
        %add3A_258 = arith.constant 96 : i32
        %add3A_259 = arith.addi %mul3A_205, %add3A_258 : i32
        %get3A_260 = arith.index_cast %add3A_259 : i32 to index
        %get3A_261 = tpu.vector_load %arg19[%get3A_260] {strides = array<i32>} : memref<2000xf32, #tpu.memory_space<vmem>>, vector<16xf32>,
        %get3A_262 = arith.index_cast %add3A_259 : i32 to index
        %get3A_263 = tpu.vector_load %arg21[%get3A_262] {strides = array<i32>} : memref<2000xf32, #tpu.memory_space<vmem>>, vector<16xf32>,
        %add3A_264 = arith.addf %get3A_261, %get3A_263 : vector<16xf32>
        %swap3A_265 = arith.index_cast %add3A_259 : i32 to index
        %swap3A_266 = tpu.vector_load %arg19[%swap3A_265] {strides = array<i32>} : memref<2000xf32, #tpu.memory_space<vmem>>, vector<16xf32>,
        tpu.vector_store %arg19[%swap3A_265], %add3A_264 {strides = array<i32>} : memref<2000xf32, #tpu.memory_space<vmem>>, vector<16xf32>,
      }
    }
    %while3A_181 = arith.constant 1 : i32
    scf.for %while3A_185 = %while3A_179 to %while3A_175 step %while3A_181  : i32 {
      %mul3A_186 = arith.constant 16 : i32
      %mul3A_187 = arith.muli %arg0, %mul3A_186 : i32
      %add3A_188 = arith.addi %mul3A_187, %while3A_185 : i32
      %mul3A_189 = arith.constant 100352 : i32
      %mul3A_190 = arith.muli %add3A_188, %mul3A_189 : i32
      %add3A_191 = arith.addi %mul3A_190, %add3A_167 : i32
      "tpu.region"() ({
        %run_scoped3A = tpu.sem_alloc : memref<!tpu.dma_semaphore, #tpu.memory_space<semaphore_mem>>
        %dma_start3A_203 = arith.constant 0 : i32
        %dma_start3A_204 = tpu.memref_slice %arg21[%dma_start3A_203] : memref<2000xf32, #tpu.memory_space<vmem>> -> memref<1568xf32, #tpu.memory_space<vmem>>
        %dma_start3A_205 = tpu.memref_slice %arg11[%add3A_191] : memref<3211264xf32, #tpu.memory_space<hbm>> -> memref<1568xf32, #tpu.memory_space<hbm>>
        %dma_start3A_206 = arith.constant 0 : i32
        %dma_start3A_207 = tpu.memref_slice %arg21[%dma_start3A_206] : memref<2000xf32, #tpu.memory_space<vmem>> -> memref<1568xf32, #tpu.memory_space<vmem>>
        %dma_start3A_208 = tpu.memref_slice %arg11[%add3A_191] : memref<3211264xf32, #tpu.memory_space<hbm>> -> memref<1568xf32, #tpu.memory_space<hbm>>
        tpu.enqueue_dma source(%dma_start3A_208 : memref<1568xf32, #tpu.memory_space<hbm>>) target(%dma_start3A_207 : memref<1568xf32, #tpu.memory_space<vmem>>) target_semaphore(%run_scoped3A : memref<!tpu.dma_semaphore, #tpu.memory_space<semaphore_mem>>)
        %dma_wait3A_209 = arith.constant 0 : i32
        %dma_wait3A_210 = tpu.memref_slice %arg21[%dma_wait3A_209] : memref<2000xf32, #tpu.memory_space<vmem>> -> memref<1568xf32, #tpu.memory_space<vmem>>
        %dma_wait3A_211 = tpu.memref_slice %arg11[%add3A_191] : memref<3211264xf32, #tpu.memory_space<hbm>> -> memref<1568xf32, #tpu.memory_space<hbm>>
        %dma_wait3A_212 = arith.constant 0 : i32
        %dma_wait3A_213 = tpu.memref_slice %arg21[%dma_wait3A_212] : memref<2000xf32, #tpu.memory_space<vmem>> -> memref<1568xf32, #tpu.memory_space<vmem>>
        %dma_wait3A_214 = tpu.memref_slice %arg11[%add3A_191] : memref<3211264xf32, #tpu.memory_space<hbm>> -> memref<1568xf32, #tpu.memory_space<hbm>>
        tpu.wait_dma2 semaphore(%run_scoped3A : memref<!tpu.dma_semaphore, #tpu.memory_space<semaphore_mem>>) src(%dma_wait3A_214 : memref<1568xf32, #tpu.memory_space<hbm>>) dst(%dma_wait3A_213 : memref<1568xf32, #tpu.memory_space<vmem>>)
        tpu.yield
      }) : () -> ()
      %while3A_192 = arith.constant 0 : i32
      %while3A_193 = arith.constant 0 : i32
      %while3A_194 = arith.constant 14 : i32
      %while3A_195 = arith.subi %while3A_194, %while3A_193 : i32
      %while3A_196 = arith.addi %while3A_193, %while3A_195 : i32
      %while3A_197 = arith.constant 1 : i32
      %while3A_198 = arith.divsi %while3A_195, %while3A_197 : i32
      %while3A_199 = arith.muli %while3A_198, %while3A_197 : i32
      %while3A_200 = arith.addi %while3A_193, %while3A_199 : i32
      %while3A_201 = arith.constant 1 : i32
      scf.for %while3A_203 = %while3A_193 to %while3A_200 step %while3A_201  : i32 {
        %mul3A_204 = arith.constant 112 : i32
        %mul3A_205 = arith.muli %while3A_203, %mul3A_204 : i32
        %add3A_206 = arith.constant 0 : i32
        %add3A_207 = arith.addi %mul3A_205, %add3A_206 : i32
        %get3A = arith.index_cast %add3A_207 : i32 to index
        %get3A_208 = tpu.vector_load %arg19[%get3A] {strides = array<i32>} : memref<2000xf32, #tpu.memory_space<vmem>>, vector<16xf32>,
        %get3A_209 = arith.index_cast %add3A_207 : i32 to index
        %get3A_210 = tpu.vector_load %arg21[%get3A_209] {strides = array<i32>} : memref<2000xf32, #tpu.memory_space<vmem>>, vector<16xf32>,
        %add3A_211 = arith.addf %get3A_208, %get3A_210 : vector<16xf32>
        %swap3A = arith.index_cast %add3A_207 : i32 to index
        %swap3A_212 = tpu.vector_load %arg19[%swap3A] {strides = array<i32>} : memref<2000xf32, #tpu.memory_space<vmem>>, vector<16xf32>,
        tpu.vector_store %arg19[%swap3A], %add3A_211 {strides = array<i32>} : memref<2000xf32, #tpu.memory_space<vmem>>, vector<16xf32>,
        %add3A_213 = arith.constant 16 : i32
        %add3A_214 = arith.addi %mul3A_205, %add3A_213 : i32
        %get3A_215 = arith.index_cast %add3A_214 : i32 to index
        %get3A_216 = tpu.vector_load %arg19[%get3A_215] {strides = array<i32>} : memref<2000xf32, #tpu.memory_space<vmem>>, vector<16xf32>,
        %get3A_217 = arith.index_cast %add3A_214 : i32 to index
        %get3A_218 = tpu.vector_load %arg21[%get3A_217] {strides = array<i32>} : memref<2000xf32, #tpu.memory_space<vmem>>, vector<16xf32>,
        %add3A_219 = arith.addf %get3A_216, %get3A_218 : vector<16xf32>
        %swap3A_220 = arith.index_cast %add3A_214 : i32 to index
        %swap3A_221 = tpu.vector_load %arg19[%swap3A_220] {strides = array<i32>} : memref<2000xf32, #tpu.memory_space<vmem>>, vector<16xf32>,
        tpu.vector_store %arg19[%swap3A_220], %add3A_219 {strides = array<i32>} : memref<2000xf32, #tpu.memory_space<vmem>>, vector<16xf32>,
        %add3A_222 = arith.constant 32 : i32
        %add3A_223 = arith.addi %mul3A_205, %add3A_222 : i32
        %get3A_224 = arith.index_cast %add3A_223 : i32 to index
        %get3A_225 = tpu.vector_load %arg19[%get3A_224] {strides = array<i32>} : memref<2000xf32, #tpu.memory_space<vmem>>, vector<16xf32>,
        %get3A_226 = arith.index_cast %add3A_223 : i32 to index
        %get3A_227 = tpu.vector_load %arg21[%get3A_226] {strides = array<i32>} : memref<2000xf32, #tpu.memory_space<vmem>>, vector<16xf32>,
        %add3A_228 = arith.addf %get3A_225, %get3A_227 : vector<16xf32>
        %swap3A_229 = arith.index_cast %add3A_223 : i32 to index
        %swap3A_230 = tpu.vector_load %arg19[%swap3A_229] {strides = array<i32>} : memref<2000xf32, #tpu.memory_space<vmem>>, vector<16xf32>,
        tpu.vector_store %arg19[%swap3A_229], %add3A_228 {strides = array<i32>} : memref<2000xf32, #tpu.memory_space<vmem>>, vector<16xf32>,
        %add3A_231 = arith.constant 48 : i32
        %add3A_232 = arith.addi %mul3A_205, %add3A_231 : i32
        %get3A_233 = arith.index_cast %add3A_232 : i32 to index
        %get3A_234 = tpu.vector_load %arg19[%get3A_233] {strides = array<i32>} : memref<2000xf32, #tpu.memory_space<vmem>>, vector<16xf32>,
        %get3A_235 = arith.index_cast %add3A_232 : i32 to index
        %get3A_236 = tpu.vector_load %arg21[%get3A_235] {strides = array<i32>} : memref<2000xf32, #tpu.memory_space<vmem>>, vector<16xf32>,
        %add3A_237 = arith.addf %get3A_234, %get3A_236 : vector<16xf32>
        %swap3A_238 = arith.index_cast %add3A_232 : i32 to index
        %swap3A_239 = tpu.vector_load %arg19[%swap3A_238] {strides = array<i32>} : memref<2000xf32, #tpu.memory_space<vmem>>, vector<16xf32>,
        tpu.vector_store %arg19[%swap3A_238], %add3A_237 {strides = array<i32>} : memref<2000xf32, #tpu.memory_space<vmem>>, vector<16xf32>,
        %add3A_240 = arith.constant 64 : i32
        %add3A_241 = arith.addi %mul3A_205, %add3A_240 : i32
        %get3A_242 = arith.index_cast %add3A_241 : i32 to index
        %get3A_243 = tpu.vector_load %arg19[%get3A_242] {strides = array<i32>} : memref<2000xf32, #tpu.memory_space<vmem>>, vector<16xf32>,
        %get3A_244 = arith.index_cast %add3A_241 : i32 to index
        %get3A_245 = tpu.vector_load %arg21[%get3A_244] {strides = array<i32>} : memref<2000xf32, #tpu.memory_space<vmem>>, vector<16xf32>,
        %add3A_246 = arith.addf %get3A_243, %get3A_245 : vector<16xf32>
        %swap3A_247 = arith.index_cast %add3A_241 : i32 to index
        %swap3A_248 = tpu.vector_load %arg19[%swap3A_247] {strides = array<i32>} : memref<2000xf32, #tpu.memory_space<vmem>>, vector<16xf32>,
        tpu.vector_store %arg19[%swap3A_247], %add3A_246 {strides = array<i32>} : memref<2000xf32, #tpu.memory_space<vmem>>, vector<16xf32>,
        %add3A_249 = arith.constant 80 : i32
        %add3A_250 = arith.addi %mul3A_205, %add3A_249 : i32
        %get3A_251 = arith.index_cast %add3A_250 : i32 to index
        %get3A_252 = tpu.vector_load %arg19[%get3A_251] {strides = array<i32>} : memref<2000xf32, #tpu.memory_space<vmem>>, vector<16xf32>,
        %get3A_253 = arith.index_cast %add3A_250 : i32 to index
        %get3A_254 = tpu.vector_load %arg21[%get3A_253] {strides = array<i32>} : memref<2000xf32, #tpu.memory_space<vmem>>, vector<16xf32>,
        %add3A_255 = arith.addf %get3A_252, %get3A_254 : vector<16xf32>
        %swap3A_256 = arith.index_cast %add3A_250 : i32 to index
        %swap3A_257 = tpu.vector_load %arg19[%swap3A_256] {strides = array<i32>} : memref<2000xf32, #tpu.memory_space<vmem>>, vector<16xf32>,
        tpu.vector_store %arg19[%swap3A_256], %add3A_255 {strides = array<i32>} : memref<2000xf32, #tpu.memory_space<vmem>>, vector<16xf32>,
        %add3A_258 = arith.constant 96 : i32
        %add3A_259 = arith.addi %mul3A_205, %add3A_258 : i32
        %get3A_260 = arith.index_cast %add3A_259 : i32 to index
        %get3A_261 = tpu.vector_load %arg19[%get3A_260] {strides = array<i32>} : memref<2000xf32, #tpu.memory_space<vmem>>, vector<16xf32>,
        %get3A_262 = arith.index_cast %add3A_259 : i32 to index
        %get3A_263 = tpu.vector_load %arg21[%get3A_262] {strides = array<i32>} : memref<2000xf32, #tpu.memory_space<vmem>>, vector<16xf32>,
        %add3A_264 = arith.addf %get3A_261, %get3A_263 : vector<16xf32>
        %swap3A_265 = arith.index_cast %add3A_259 : i32 to index
        %swap3A_266 = tpu.vector_load %arg19[%swap3A_265] {strides = array<i32>} : memref<2000xf32, #tpu.memory_space<vmem>>, vector<16xf32>,
        tpu.vector_store %arg19[%swap3A_265], %add3A_264 {strides = array<i32>} : memref<2000xf32, #tpu.memory_space<vmem>>, vector<16xf32>,
      }
      %while3A_202 = arith.constant 1 : i32
      scf.for %while3A_203 = %while3A_200 to %while3A_196 step %while3A_202  : i32 {
        %mul3A_204 = arith.constant 112 : i32
        %mul3A_205 = arith.muli %while3A_203, %mul3A_204 : i32
        %add3A_206 = arith.constant 0 : i32
        %add3A_207 = arith.addi %mul3A_205, %add3A_206 : i32
        %get3A = arith.index_cast %add3A_207 : i32 to index
        %get3A_208 = tpu.vector_load %arg19[%get3A] {strides = array<i32>} : memref<2000xf32, #tpu.memory_space<vmem>>, vector<16xf32>,
        %get3A_209 = arith.index_cast %add3A_207 : i32 to index
        %get3A_210 = tpu.vector_load %arg21[%get3A_209] {strides = array<i32>} : memref<2000xf32, #tpu.memory_space<vmem>>, vector<16xf32>,
        %add3A_211 = arith.addf %get3A_208, %get3A_210 : vector<16xf32>
        %swap3A = arith.index_cast %add3A_207 : i32 to index
        %swap3A_212 = tpu.vector_load %arg19[%swap3A] {strides = array<i32>} : memref<2000xf32, #tpu.memory_space<vmem>>, vector<16xf32>,
        tpu.vector_store %arg19[%swap3A], %add3A_211 {strides = array<i32>} : memref<2000xf32, #tpu.memory_space<vmem>>, vector<16xf32>,
        %add3A_213 = arith.constant 16 : i32
        %add3A_214 = arith.addi %mul3A_205, %add3A_213 : i32
        %get3A_215 = arith.index_cast %add3A_214 : i32 to index
        %get3A_216 = tpu.vector_load %arg19[%get3A_215] {strides = array<i32>} : memref<2000xf32, #tpu.memory_space<vmem>>, vector<16xf32>,
        %get3A_217 = arith.index_cast %add3A_214 : i32 to index
        %get3A_218 = tpu.vector_load %arg21[%get3A_217] {strides = array<i32>} : memref<2000xf32, #tpu.memory_space<vmem>>, vector<16xf32>,
        %add3A_219 = arith.addf %get3A_216, %get3A_218 : vector<16xf32>
        %swap3A_220 = arith.index_cast %add3A_214 : i32 to index
        %swap3A_221 = tpu.vector_load %arg19[%swap3A_220] {strides = array<i32>} : memref<2000xf32, #tpu.memory_space<vmem>>, vector<16xf32>,
        tpu.vector_store %arg19[%swap3A_220], %add3A_219 {strides = array<i32>} : memref<2000xf32, #tpu.memory_space<vmem>>, vector<16xf32>,
        %add3A_222 = arith.constant 32 : i32
        %add3A_223 = arith.addi %mul3A_205, %add3A_222 : i32
        %get3A_224 = arith.index_cast %add3A_223 : i32 to index
        %get3A_225 = tpu.vector_load %arg19[%get3A_224] {strides = array<i32>} : memref<2000xf32, #tpu.memory_space<vmem>>, vector<16xf32>,
        %get3A_226 = arith.index_cast %add3A_223 : i32 to index
        %get3A_227 = tpu.vector_load %arg21[%get3A_226] {strides = array<i32>} : memref<2000xf32, #tpu.memory_space<vmem>>, vector<16xf32>,
        %add3A_228 = arith.addf %get3A_225, %get3A_227 : vector<16xf32>
        %swap3A_229 = arith.index_cast %add3A_223 : i32 to index
        %swap3A_230 = tpu.vector_load %arg19[%swap3A_229] {strides = array<i32>} : memref<2000xf32, #tpu.memory_space<vmem>>, vector<16xf32>,
        tpu.vector_store %arg19[%swap3A_229], %add3A_228 {strides = array<i32>} : memref<2000xf32, #tpu.memory_space<vmem>>, vector<16xf32>,
        %add3A_231 = arith.constant 48 : i32
        %add3A_232 = arith.addi %mul3A_205, %add3A_231 : i32
        %get3A_233 = arith.index_cast %add3A_232 : i32 to index
        %get3A_234 = tpu.vector_load %arg19[%get3A_233] {strides = array<i32>} : memref<2000xf32, #tpu.memory_space<vmem>>, vector<16xf32>,
        %get3A_235 = arith.index_cast %add3A_232 : i32 to index
        %get3A_236 = tpu.vector_load %arg21[%get3A_235] {strides = array<i32>} : memref<2000xf32, #tpu.memory_space<vmem>>, vector<16xf32>,
        %add3A_237 = arith.addf %get3A_234, %get3A_236 : vector<16xf32>
        %swap3A_238 = arith.index_cast %add3A_232 : i32 to index
        %swap3A_239 = tpu.vector_load %arg19[%swap3A_238] {strides = array<i32>} : memref<2000xf32, #tpu.memory_space<vmem>>, vector<16xf32>,
        tpu.vector_store %arg19[%swap3A_238], %add3A_237 {strides = array<i32>} : memref<2000xf32, #tpu.memory_space<vmem>>, vector<16xf32>,
        %add3A_240 = arith.constant 64 : i32
        %add3A_241 = arith.addi %mul3A_205, %add3A_240 : i32
        %get3A_242 = arith.index_cast %add3A_241 : i32 to index
        %get3A_243 = tpu.vector_load %arg19[%get3A_242] {strides = array<i32>} : memref<2000xf32, #tpu.memory_space<vmem>>, vector<16xf32>,
        %get3A_244 = arith.index_cast %add3A_241 : i32 to index
        %get3A_245 = tpu.vector_load %arg21[%get3A_244] {strides = array<i32>} : memref<2000xf32, #tpu.memory_space<vmem>>, vector<16xf32>,
        %add3A_246 = arith.addf %get3A_243, %get3A_245 : vector<16xf32>
        %swap3A_247 = arith.index_cast %add3A_241 : i32 to index
        %swap3A_248 = tpu.vector_load %arg19[%swap3A_247] {strides = array<i32>} : memref<2000xf32, #tpu.memory_space<vmem>>, vector<16xf32>,
        tpu.vector_store %arg19[%swap3A_247], %add3A_246 {strides = array<i32>} : memref<2000xf32, #tpu.memory_space<vmem>>, vector<16xf32>,
        %add3A_249 = arith.constant 80 : i32
        %add3A_250 = arith.addi %mul3A_205, %add3A_249 : i32
        %get3A_251 = arith.index_cast %add3A_250 : i32 to index
        %get3A_252 = tpu.vector_load %arg19[%get3A_251] {strides = array<i32>} : memref<2000xf32, #tpu.memory_space<vmem>>, vector<16xf32>,
        %get3A_253 = arith.index_cast %add3A_250 : i32 to index
        %get3A_254 = tpu.vector_load %arg21[%get3A_253] {strides = array<i32>} : memref<2000xf32, #tpu.memory_space<vmem>>, vector<16xf32>,
        %add3A_255 = arith.addf %get3A_252, %get3A_254 : vector<16xf32>
        %swap3A_256 = arith.index_cast %add3A_250 : i32 to index
        %swap3A_257 = tpu.vector_load %arg19[%swap3A_256] {strides = array<i32>} : memref<2000xf32, #tpu.memory_space<vmem>>, vector<16xf32>,
        tpu.vector_store %arg19[%swap3A_256], %add3A_255 {strides = array<i32>} : memref<2000xf32, #tpu.memory_space<vmem>>, vector<16xf32>,
        %add3A_258 = arith.constant 96 : i32
        %add3A_259 = arith.addi %mul3A_205, %add3A_258 : i32
        %get3A_260 = arith.index_cast %add3A_259 : i32 to index
        %get3A_261 = tpu.vector_load %arg19[%get3A_260] {strides = array<i32>} : memref<2000xf32, #tpu.memory_space<vmem>>, vector<16xf32>,
        %get3A_262 = arith.index_cast %add3A_259 : i32 to index
        %get3A_263 = tpu.vector_load %arg21[%get3A_262] {strides = array<i32>} : memref<2000xf32, #tpu.memory_space<vmem>>, vector<16xf32>,
        %add3A_264 = arith.addf %get3A_261, %get3A_263 : vector<16xf32>
        %swap3A_265 = arith.index_cast %add3A_259 : i32 to index
        %swap3A_266 = tpu.vector_load %arg19[%swap3A_265] {strides = array<i32>} : memref<2000xf32, #tpu.memory_space<vmem>>, vector<16xf32>,
        tpu.vector_store %arg19[%swap3A_265], %add3A_264 {strides = array<i32>} : memref<2000xf32, #tpu.memory_space<vmem>>, vector<16xf32>,
      }
    }
    %mul3A_182 = arith.constant 100352 : i32
    %mul3A_183 = arith.muli %arg0, %mul3A_182 : i32
    %add3A_184 = arith.addi %mul3A_183, %add3A_167 : i32
    "tpu.region"() ({
      %run_scoped3A = tpu.sem_alloc : memref<!tpu.dma_semaphore, #tpu.memory_space<semaphore_mem>>
      %dma_start3A_185 = arith.constant 0 : i32
      %dma_start3A_186 = tpu.memref_slice %arg19[%dma_start3A_185] : memref<2000xf32, #tpu.memory_space<vmem>> -> memref<1568xf32, #tpu.memory_space<vmem>>
      %dma_start3A_187 = tpu.memref_slice %arg8[%add3A_184] : memref<200704xf32, #tpu.memory_space<hbm>> -> memref<1568xf32, #tpu.memory_space<hbm>>
      %dma_start3A_188 = tpu.memref_slice %arg8[%add3A_184] : memref<200704xf32, #tpu.memory_space<hbm>> -> memref<1568xf32, #tpu.memory_space<hbm>>
      %dma_start3A_189 = arith.constant 0 : i32
      %dma_start3A_190 = tpu.memref_slice %arg19[%dma_start3A_189] : memref<2000xf32, #tpu.memory_space<vmem>> -> memref<1568xf32, #tpu.memory_space<vmem>>
      tpu.enqueue_dma source(%dma_start3A_190 : memref<1568xf32, #tpu.memory_space<vmem>>) target(%dma_start3A_188 : memref<1568xf32, #tpu.memory_space<hbm>>) target_semaphore(%run_scoped3A : memref<!tpu.dma_semaphore, #tpu.memory_space<semaphore_mem>>)
      %dma_wait3A_191 = arith.constant 0 : i32
      %dma_wait3A_192 = tpu.memref_slice %arg19[%dma_wait3A_191] : memref<2000xf32, #tpu.memory_space<vmem>> -> memref<1568xf32, #tpu.memory_space<vmem>>
      %dma_wait3A_193 = tpu.memref_slice %arg8[%add3A_184] : memref<200704xf32, #tpu.memory_space<hbm>> -> memref<1568xf32, #tpu.memory_space<hbm>>
      %dma_wait3A_194 = tpu.memref_slice %arg8[%add3A_184] : memref<200704xf32, #tpu.memory_space<hbm>> -> memref<1568xf32, #tpu.memory_space<hbm>>
      %dma_wait3A_195 = arith.constant 0 : i32
      %dma_wait3A_196 = tpu.memref_slice %arg19[%dma_wait3A_195] : memref<2000xf32, #tpu.memory_space<vmem>> -> memref<1568xf32, #tpu.memory_space<vmem>>
      tpu.wait_dma2 semaphore(%run_scoped3A : memref<!tpu.dma_semaphore, #tpu.memory_space<semaphore_mem>>) src(%dma_wait3A_196 : memref<1568xf32, #tpu.memory_space<vmem>>) dst(%dma_wait3A_194 : memref<1568xf32, #tpu.memory_space<hbm>>)
      tpu.yield
    }) : () -> ()
    return
  }
}

</mosaic_0001>

<sc_bundles>
// kernel: _sc_part.3.cloned.1.call-start
scs
__scs_entry_jumppad:
0x0: {  	(pc) =	sbr.rel $0x88, $3  }
0x1: {  	(tag) =	ssettag $0x0;
	lr =	simm.s32 $0x1  }
0x2: {  	[smem:$0x3F9B] =	sst lr;
	_ =	strace $0xD0000000  }
0x3: {  	_ = 	snop  }
0x4: {  	_ = 	snop  }
0x5: {  	_ = 	snop  }
0x6: {  	_ = 	snop  }
0x7: {  	_ = 	snop  }
__scs_overlays_trampoline_lowered:
0x8: {  	[smem:$0x3FAA] =	sst s0  }
0x9: {  	[smem:$0x3FAB] =	sst s1  }
0xa: {  	[smem:$0x3FAC] =	sst s2  }
0xb: {  	[smem:$0x3FAD] =	sst s3  }
0xc: {  	[smem:$0x3FAE] =	sst s4  }
0xd: {  	[smem:$0x3FAF] =	sst s5  }
0xe: {  	[smem:$0x3FB0] =	sst s6  }
0xf: {  	[smem:$0x3FB1] =	sst s7  }
0x10: {  	[smem:$0x3FB2] =	sst s8  }
0x11: {  	[smem:$0x3FB3] =	sst s9;
	s0 =	simm.s32 @!p0 $0x0  }
0x12: {  	s1 =	sld [smem:$0x3F99];
	s0 =	simm.s32 @p0 $0x1  }
0x13: {  	[smem:$0x3FB4] =	sst s0;
	s0 =	simm.s32 @!p1 $0x0  }
0x14: {  	s2 =	sld [smem:$0x3F98];
	s0 =	simm.s32 @p1 $0x1  }
0x15: {  	[smem:$0x3FB5] =	sst s0;
	s0 =	simm.s32 @!p2 $0x0  }
0x16: {  	s3 =	sld [smem:$0x3FDB];
	s0 =	simm.s32 @p2 $0x1  }
0x17: {  	s4 =	simm.s32 $0x1BF5;
	[smem:$0x3FB7] =	sst s0  }
0x18: {  	s0 =	sld [smem:$0x3F9A];
	_ =	swait.ge [sflag:s4], $0x0  }
0x19: {  	s7 =	sld [smem:$0x3F9B]  }
0x1a: {  	s8 =	sadd.s32 $0xFFFFE003, lr  }
0x1b: {  	s9 =	sadd.s32 $0xFFFFFEF7, lr;
	s5 =	simm.s32 $0xFFFFFFFF;
	p2 =	slt.u32 s8, $0xFFFFF086  }
0x1c: {  	p1 =	slt.u32 s9, $0xF7A;
	s5 =	simm.s32 @!p2 $0x0  }
0x1d: {  	s5 =	simm.s32 @p1 $0x1;
	p0 =	seq.s32 s7, s2  }
0x1e: {  	s7 =	smul.u32 @!p0 $0xF7A, s2;
	p2 =	seq.s32 @!p0 s5, $0x0  }
0x1f: {  	s9 =	smul.u32 $0xF7A, s1;
	s8 =	simm.s32 @!p0 $0x1BF5;
	p2 =	por !p2, p0  }
0x20: {  	[sflag:s8] =	ssyncset.s32 @!p0 $0xFFFFF086;
	s6 =	sadd.s32 @!p0 s3, s7;
	s7 =	simm.s32 @!p0 $0x108  }
0x21: {  	s3 =	sadd.s32 s3, s9;
	s6 =	sadd.s32 @!p0 $0x88, s6;
	s7 =	simm.s32 @p2 $0x1082  }
0x22: {  	[simem:s7], [sflag:s8] =	dma.local @!p0 [hbm:s6], $0xF7A  }
0x23: {  	s9 =	sor.u32 $0xD0000000, s2;
	s6 =	simm.s32 $0x108;
	_ =	swait.ge @!p0 [sflag:s8], $0x0  }
0x24: {  	s3 =	sadd.s32 $0x88, s3;
	s6 =	simm.s32 @!p1 $0x1082;
	[sflag:s4] =	ssyncset.s32 $0xFFFFF086  }
0x25: {  	[simem:s6], [sflag:s4] =	dma.local [hbm:s3], $0xF7A  }
0x26: {  	[smem:$0x3F9B] =	sst s1;
	(tag) =	ssettag s2;
	_ =	strace s9  }
0x27: {  	s1 =	sld [smem:$0x3FAB]  }
0x28: {  	s2 =	sld [smem:$0x3FAC]  }
0x29: {  	s4 =	sld [smem:$0x3FAE]  }
0x2a: {  	p0 =	seq.s32 s5, $0x0;
	s5 =	sld [smem:$0x3FAF]  }
0x2b: {  	s6 =	sld [smem:$0x3FB0]  }
0x2c: {  	s7 =	sld [smem:$0x3FB1]  }
0x2d: {  	s3 =	simm.s32 $0x108;
	s8 =	sld [smem:$0x3FB2]  }
0x2e: {  	s3 =	simm.s32 @!p0 $0x1082;
	s9 =	sld [smem:$0x3FB3]  }
0x2f: {  	lr =	sadd.s32 s0, s3;
	s0 =	sld [smem:$0x3FAA]  }
0x30: {  	s3 =	sld [smem:$0x3FAD]  }
0x31: {  	[smem:$0x3FB6] =	sst s10  }
0x32: {  	s10 =	sld [smem:$0x3FB4];
	_ =	sdelay $0x3  }
0x33: {  	p0 =	seq.s32 s10, $0x1;
	s10 =	sld [smem:$0x3FB6];
	_ =	sdelay $0x3  }
0x34: {  	[smem:$0x3FB6] =	sst s10  }
0x35: {  	s10 =	sld [smem:$0x3FB5];
	_ =	sdelay $0x3  }
0x36: {  	p1 =	seq.s32 s10, $0x1;
	s10 =	sld [smem:$0x3FB6];
	_ =	sdelay $0x3  }
0x37: {  	[smem:$0x3FB6] =	sst s10  }
0x38: {  	s10 =	sld [smem:$0x3FB7]  }
0x39: {  	_ = 	snop;
	(pc) =	sbr.ind lr, $3  }
0x3a: {  	_ = 	snop  }
0x3b: {  	_ = 	snop  }
0x3c: {  	p2 =	seq.s32 s10, $0x1;
	s10 =	sld [smem:$0x3FB6]  }
0x3d: {  	_ =	shalt  }
0x3e: {  	_ =	shalt  }
0x3f: {  	_ =	shalt  }
0x40: {  	_ =	shalt  }
0x41: {  	_ =	shalt  }
0x42: {  	_ =	shalt  }
0x43: {  	_ =	shalt  }
0x44: {  	_ =	shalt  }
0x45: {  	_ =	shalt  }
0x46: {  	_ =	shalt  }
0x47: {  	_ =	shalt  }
0x48: {  	_ =	shalt  }
0x49: {  	_ =	shalt  }
0x4a: {  	_ =	shalt  }
0x4b: {  	_ =	shalt  }
0x4c: {  	_ =	shalt  }
0x4d: {  	_ =	shalt  }
0x4e: {  	_ =	shalt  }
0x4f: {  	_ =	shalt  }
0x50: {  	_ =	shalt  }
0x51: {  	_ =	shalt  }
0x52: {  	_ =	shalt  }
0x53: {  	_ =	shalt  }
0x54: {  	_ =	shalt  }
0x55: {  	_ =	shalt  }
0x56: {  	_ =	shalt  }
0x57: {  	_ =	shalt  }
0x58: {  	_ =	shalt  }
0x59: {  	_ =	shalt  }
0x5a: {  	_ =	shalt  }
0x5b: {  	_ =	shalt  }
0x5c: {  	_ =	shalt  }
0x5d: {  	_ =	shalt  }
0x5e: {  	_ =	shalt  }
0x5f: {  	_ =	shalt  }
0x60: {  	_ =	shalt  }
0x61: {  	_ =	shalt  }
0x62: {  	_ =	shalt  }
0x63: {  	_ =	shalt  }
0x64: {  	_ =	shalt  }
0x65: {  	_ =	shalt  }
0x66: {  	_ =	shalt  }
0x67: {  	_ =	shalt  }
0x68: {  	_ =	shalt  }
0x69: {  	_ =	shalt  }
0x6a: {  	_ =	shalt  }
0x6b: {  	_ =	shalt  }
0x6c: {  	_ =	shalt  }
0x6d: {  	_ =	shalt  }
0x6e: {  	_ =	shalt  }
0x6f: {  	_ =	shalt  }
0x70: {  	_ =	shalt  }
0x71: {  	_ =	shalt  }
0x72: {  	_ =	shalt  }
0x73: {  	_ =	shalt  }
0x74: {  	_ =	shalt  }
0x75: {  	_ =	shalt  }
0x76: {  	_ =	shalt  }
0x77: {  	_ =	shalt  }
0x78: {  	_ =	shalt  }
0x79: {  	_ =	shalt  }
0x7a: {  	_ =	shalt  }
0x7b: {  	_ =	shalt  }
0x7c: {  	_ =	shalt  }
0x7d: {  	_ =	shalt  }
0x7e: {  	_ =	shalt  }
0x7f: {  	_ =	shalt  }
0x80: {  	_ =	shalt  }
0x81: {  	_ =	shalt  }
0x82: {  	_ =	shalt  }
0x83: {  	_ =	shalt  }
0x84: {  	_ =	shalt  }
0x85: {  	_ =	shalt  }
0x86: {  	_ =	shalt  }
0x87: {  	_ =	shalt  }
.Lfunc_end0:
.L_simem_size_0:
called_computation_lowered:
.L_overlay_start_0:
0x88: {  	s2 =	sld [smem:$0x3FD9]  }
0x89: {  	s3 =	sld [smem:$0x3FFE];
	_ =	sdelay $0x1  }
0x8a: {  	s1 =	srdreg.scid  }
0x8b: {  	s0 =	sand.u32 $0x1, s1  }
0x8c: {  	s17 =	sshll.u32 s0, $0xA;
	s2 =	sadd.s32 s3, s2  }
0x8d: {  	s3 =	sadd.s32 s2, s17  }
0x8e: {  	[smem:$0x3FC2] =	sst s3  }
0x8f: {  	_ = 	snop  }
0x90: {  	s3 =	sld [smem:$0x3FC9]  }
0x91: {  	s4 =	sld [smem:$0x3FC8]  }
0x92: {  	s5 =	sld [smem:$0x3FC7]  }
0x93: {  	s6 =	sld [smem:$0x3FC6]  }
0x94: {  	s7 =	sld [smem:$0x3FC5]  }
0x95: {  	s8 =	sld [smem:$0x3FC4]  }
0x96: {  	s9 =	sld [smem:$0x3FD0];
	(tm) =	ssettm $0x1  }
0x97: {  	s10 =	sld [smem:$0x3FFB];
	_ =	sdelay $0x3  }
0x98: {  	_ =	strace s10  }
0x99: {  	s10 =	sld [smem:$0x3FFC];
	_ =	sdelay $0x3  }
0x9a: {  	_ =	strace s10  }
0x9b: {  	s10 =	sld [smem:$0x3FFD];
	_ =	sdelay $0x3  }
0x9c: {  	_ =	strace s10  }
0x9d: {  	_ =	strace $0x8FFFFFFF  }
0x9e: {  	s18 =	sld [smem:$0x3FDB];
	_ =	sdelay $0x1  }
0x9f: {  	s11 =	simm.s32 $_scs_section_size  }
0xa0: {  	s12 =	simm.s32 $_size__tile_overlayer_lowered;
	s13 =	simm.s32 $_tile_overlayer_lowered  }
0xa1: {  	s21 =	simm.s32 $0x1BFF;
	s20 =	sshll.u32 s13, $0x1;
	s10 =	sadd.s32 s11, s18  }
0xa2: {  	s14 =	simm.s32 $0x0;
	s19 =	sshll.u32 s12, $0x1;
	s12 =	sadd.s32 s20, s10  }
0xa3: {  	[timem:s14], [sflag:s21] =	dma.local [hbm:s12], s19  }
0xa4: {  	_ =	swait.ge [sflag:s21], s19  }
0xa5: {  	s11 =	ssub.s32 $0x0, s19;
	[sflag:s21] =	ssyncset.done $0x0  }
0xa6: {  	[sflag:s21] =	ssyncadd.s32 s11;
	_ =	sdelay $0x1  }
0xa7: {  	s22 =	simm.s32 $0x1B8B  }
0xa8: {  	_ =	swait.ge [sflag:s22], $0x1  }
0xa9: {  	[sflag:s22] =	ssyncset.done $0x0  }
0xaa: {  	s23 =	simm.s32 $0x1B8E;
	[sflag:s22] =	ssyncadd.s32 $0xFFFFFFFF  }
0xab: {  	s24 =	simm.s32 $execute0_lowered;
	[smem:$0x3FD2] =	sst s23  }
0xac: {  	s11 =	sshll.u32 s24, $0x1;
	_ =	strace $0x80000046;
	[dreg:$0x1] =	wrdreg $0xFFFFFFFF  }
0xad: {  	s25 =	simm.s32 $_size_execute0_lowered;
	s10 =	sadd.s32 s10, s11;
	[dreg:$0x0] =	wrdreg $0x0  }
0xae: {  	s11 =	sshll.u32 s25, $0x1;
	[dreg:$0x2] =	wrdreg s10  }
0xaf: {  	[dreg:$0x3] =	wrdreg s11  }
0xb0: {  	[dreg:$0x4] =	wrdreg $0xC0  }
0xb1: {  	_ =	task [dreg:s14], $0x5FFFF  }
0xb2: {  	[dreg:$0x1] =	wrdreg $0xFFFFFFFF  }
0xb3: {  	[dreg:$0x0] =	wrdreg $0x60  }
0xb4: {  	[dreg:$0x2] =	wrdreg s3  }
0xb5: {  	[dreg:$0x3] =	wrdreg s4  }
0xb6: {  	[dreg:$0x4] =	wrdreg s5  }
0xb7: {  	[dreg:$0x5] =	wrdreg s6  }
0xb8: {  	[dreg:$0x6] =	wrdreg s7  }
0xb9: {  	[dreg:$0x7] =	wrdreg s8  }
0xba: {  	s26 =	sadd.s32 $0x800, s2;
	[dreg:$0x8] =	wrdreg s9  }
0xbb: {  	s28 =	sadd.s32 $0xC3D00, s2;
	[dreg:$0x9] =	wrdreg s26  }
0xbc: {  	s2 =	sadd.s32 $0x187200, s2;
	[dreg:$0xa] =	wrdreg s28  }
0xbd: {  	[dreg:$0xb] =	wrdreg s2  }
0xbe: {  	[dreg:$0xc] =	wrdreg $0x9  }
0xbf: {  	_ =	task.clear_ibuf [dreg:s14], $0xDFFFF;
	_ =	strace $0x90000046  }
0xc0: {  	s29 =	simm.s32 $0x9;
	_ =	strace $0x80000048  }
0xc1: {  	_ =	swait.ge [sflag:s29], $0x1  }
0xc2: {  	[sflag:s29] =	ssyncadd.s32 $0xFFFFFFFF  }
0xc3: {  	_ =	strace $0x90000048  }
0xc4: {  	_ =	sfence  }
0xc5: {  	s30 =	sld [smem:$0x0];
	_ =	sdelay $0x2  }
0xc6: {  	s31 =	sshll.u32 s1, $0xD;
	s1 =	sshrl.u32 s1, $0x2  }
0xc7: {  	s3 =	sand.u32 $0x4000, s31;
	s1 =	sadd.s32 s1, s30  }
0xc8: {  	s0 =	sor.u32 s3, s0;
	s1 =	sshll.u32 s1, $0x11  }
0xc9: {  	s0 =	sor.u32 s1, s0  }
0xca: {  	s0 =	sadd.s32 $0x8F2B, s0  }
0xcb: {  	[sflag:s0] =	ssyncadd.remote.s32 $0x1  }
0xcc: {  	_ =	sfence.sel $0xFFFF  }
0xcd: {  	[dreg:$0x0] =	wrdreg $0xFFFFFFFF;
	(pc) =	sbr.abs _section_cstart, $3  }
0xce: {  	[dreg:$0x1] =	wrdreg $0xFFFFFFFF  }
0xcf: {  	_ =	task.clear_ibuf [dreg:s14], $0x2FFFF;
	_ =	strace $0x9FFFFFFF  }
0xd0: {  	(tm) =	ssettm $0x7FFFFFFF  }
0xd1: {  	_ =	shalt  }
tec
execute0_lowered:
.L_overlay_start_1:
0x0: {  	(tag) =	ssettag $0x1  }
0x1: {  	s0 =	rddreg [dreg:$0x0]  }
0x2: {  	s1 =	rddreg [dreg:$0x1]  }
0x3: {  	s20 =	rddreg [dreg:$0x2]  }
0x4: {  	s3 =	rddreg [dreg:$0x3]  }
0x5: {  	s2 =	rddreg [dreg:$0x6]  }
0x6: {  	s7 =	rddreg [dreg:$0x7]  }
0x7: {  	s9 =	rddreg [dreg:$0x8]  }
0x8: {  	s10 =	rddreg [dreg:$0x9];
	s4 =	srdreg.scid  }
0x9: {  	s14 =	stileid.u32;
	s11 =	simm.s32 $0x0;
	s29 =	simm.s32 $0x1E000  }
0xa: {  	s4 =	sand.u32 $0x1, s4;
	s12 =	smul.u32 $0x1880, s14;
	[smem:$0x7FF] =	sst s11  }
0xb: {  	s5 =	smul.u32 $0x18800, s4;
	_ =	strace $0x80000047;
	s6 =	ssub.s32 $0x2, s4  }
0xc: {  	s13 =	sshll.u32 s4, $0x4;
	s4 =	smul.u32 $0x188000, s4;
	s8 =	sshrl.u32 s6, $0x1  }
0xd: {  	s15 =	sor.u32 s14, s13;
	s17 =	sadd.s32 $0xC40, s12;
	s18 =	sadd.s32 $0x1260, s12  }
0xe: {  	s16 =	sadd.s32 s12, s5;
	s6 =	ssub.s32 s6, s8;
	s14 =	smul.u32 $0x30D40, s15  }
0xf: {  	s19 =	sadd.s32 s5, s17;
	s22 =	sadd.s32 s4, s17;
	s25 =	sshrl.u32 s16, $0x3  }
0x10: {  	s16 =	sadd.s32 $0x620, s12;
	s28 =	sshrl.u32 s19, $0x3;
	s19 =	smul.u32 $0x3100, s15  }
0x11: {  	s15 =	sshrl.u32 s22, $0x3;
	s6 =	smax.u32 s6, $0x1;
	s8 =	sadd.s32 s2, s25  }
0x12: {  	s26 =	sadd.s32 s5, s16;
	s5 =	sadd.s32 s5, s18;
	[dreg:$0xf] =	wrdreg s6  }
0x13: {  	s21 =	sadd.s32 s4, s16;
	s24 =	sadd.s32 s15, s10;
	[dreg:$0xb] =	wrdreg s8  }
0x14: {  	s8 =	sshrl.u32 s26, $0x3;
	[dreg:$0x13] =	wrdreg s24;
	s26 =	sshrl.u32 s14, $0x3  }
0x15: {  	s15 =	simm.s32 $0x5;
	s8 =	sadd.s32 s2, s8;
	[dreg:$0x15] =	wrdreg s26  }
0x16: {  	s6 =	simm.s32 $0x0;
	s30 =	sadd.s32 s0, s26;
	[dreg:$0xc] =	wrdreg s8  }
0x17: {  	s5 =	sshrl.u32 s5, $0x3;
	s31 =	sadd.s32 s1, s26;
	[dreg:$0x16] =	wrdreg s30  }
0x18: {  	s24 =	simm.s32 $0x1B000;
	s8 =	sadd.s32 s2, s28;
	[dreg:$0x17] =	wrdreg s31  }
0x19: {  	s2 =	sadd.s32 s2, s5;
	s5 =	sadd.s32 s19, s10;
	[dreg:$0xd] =	wrdreg s8  }
0x1a: {  	s28 =	sadd.s32 s20, s26;
	s20 =	simm.s32 $0x19000;
	[dreg:$0xe] =	wrdreg s2  }
0x1b: {  	s19 =	simm.s32 $0x1A000;
	s8 =	sadd.s32 s12, s4;
	[dreg:$0x10] =	wrdreg s5  }
0x1c: {  	s4 =	sadd.s32 s4, s18;
	[dreg:$0x18] =	wrdreg s28;
	s2 =	sshrl.u32 s8, $0x3  }
0x1d: {  	s5 =	simm.s32 $0x1C800;
	s8 =	sshrl.u32 s21, $0x3;
	s2 =	sadd.s32 s2, s10  }
0x1e: {  	s4 =	sshrl.u32 s4, $0x3;
	s23 =	sadd.s32 s8, s10;
	[dreg:$0x11] =	wrdreg s2  }
0x1f: {  	s21 =	simm.s32 $0x1;
	s25 =	sadd.s32 s4, s10;
	[dreg:$0x12] =	wrdreg s23  }
0x20: {  	s4 =	sadd.s32 $0x7D0, s14;
	[dreg:$0x14] =	wrdreg s25;
	s2 =	sadd.s32 s3, s26  }
0x21: {  	v0 =	vimm.f32 $0.0e+00;
	s8 =	sadd.s32 $0xFA0, s14;
	s23 =	simm.s32 $0x2;
	[dreg:$0x19] =	wrdreg s2  }
.LBB2_1:
0x22: {  	[dreg:$0x1a] =	wrdreg s6  }
0x23: {  	s2 =	rddreg [dreg:$0x4]  }
0x24: {  	[tilespmem:s11], [sflag:$0x5] =	stream.linear.gather [hbm4b:s2+s11], $0x186A0, $0x38;
	[tilespmem:$0x1E800] =	vst v63  }
0x25: {  	_ =	swait.ge [sflag:s15], $0x186A0  }
0x26: {  	[sflag:s15] =	ssyncset.done $0x0  }
0x27: {  	s28 =	simm.s32 $0x18800;
	[sflag:s15] =	ssyncadd.s32 $0xFFFE7960  }
0x28: {  	[tilespmem:s28], [sflag:$0x1] =	stream.linear.gather [hbm4b:s30+s11], $0x7D0, $0x38;
	[tilespmem:$0x1E800] =	vst v63  }
0x29: {  	s26 =	simm.s32 $0x0;
	s30 =	simm.s32 $0x19800  }
0x2a: {  	[tilespmem:s30], [sflag:$0x1] =	stream.linear.gather [hbm4b:s31+s11], $0x7D0, $0x38;
	[tilespmem:$0x1E800] =	vst v63  }
.LBB2_2:
0x2b: {  	s25 =	smul.u32 $0xFA0, s26;
	_ =	sdelay $0x1  }
0x2c: {  	s2 =	sadd.s32 s25, s4  }
0x2d: {  	s28 =	sshrl.u32 s2, $0x3  }
0x2e: {  	s2 =	sadd.s32 s0, s28  }
0x2f: {  	[tilespmem:s20], [sflag:$0x2] =	stream.linear.gather [hbm4b:s2+s11], $0x7D0, $0x38;
	[tilespmem:$0x1E800] =	vst v63  }
0x30: {  	s22 =	sadd.s32 s1, s28  }
0x31: {  	[tilespmem:s19], [sflag:$0x2] =	stream.linear.gather [hbm4b:s22+s11], $0x7D0, $0x38;
	[tilespmem:$0x1E800] =	vst v63  }
0x32: {  	_ =	swait.ge [sflag:s21], $0x7D0  }
0x33: {  	[sflag:s21] =	ssyncset.done $0x0  }
0x34: {  	[sflag:s21] =	ssyncadd.s32 $0xFFFFF830  }
0x35: {  	_ =	swait.ge [sflag:s21], $0x7D0  }
0x36: {  	p0 =	seq.s32 s26, $0x0;
	[sflag:s21] =	ssyncset.done $0x0  }
0x37: {  	s2 =	simm.s32 @!p0 $0x3;
	[sflag:s21] =	ssyncadd.s32 $0xFFFFF830  }
0x38: {  	_ =	swait.ge @!p0 [sflag:s2], $0x7D0  }
0x39: {  	[sflag:s2] =	ssyncset.done @!p0 $0x0  }
0x3a: {  	s6 =	simm.s32 $0x0;
	[sflag:s2] =	ssyncadd.s32 @!p0 $0xFFFFF830  }
0x3b: {  	v1 =	vld [tilespmem:s6+$0x18800]  }
0x3c: {  	v2 =	vld [tilespmem:s6+$0x19800];
	_ =	sdelay $0x3  }
0x3d: {  	vm0 =	vgt.s32 v1, $0x0  }
0x3e: {  	v1 =	vnsel vm0, $0x0, v1;
	vm0 =	vgt.s32 v2, $0x0  }
0x3f: {  	v1 =	vmin.u32 v1, $0x1869F;
	v2 =	vnsel vm0, $0x0, v2  }
0x40: {  	v2 =	vmin.u32 v2, $0x1869F  }
0x41: {  	v3 =	vld [tilespmem:s6+$0x18810]  }
0x42: {  	v4 =	vld [tilespmem:s6+$0x19810];
	_ =	sdelay $0x1  }
0x43: {  	v5 =	vld.idx.msk [tilespmem:v1+s11+$0x0], $0xffff  }
0x44: {  	v6 =	vld.idx.msk [tilespmem:v2+s11+$0x0], $0xffff  }
0x45: {  	vm0 =	vgt.s32 v3, $0x0  }
0x46: {  	v3 =	vnsel vm0, $0x0, v3;
	vm0 =	vgt.s32 v4, $0x0  }
0x47: {  	v4 =	vnsel vm0, $0x0, v4;
	v3 =	vmin.u32 v3, $0x1869F  }
0x48: {  	v4 =	vmin.u32 v4, $0x1869F  }
0x49: {  	v7 =	vld [tilespmem:s6+$0x18820];
	vm0 =	vgt.f32 v6, v5  }
0x4a: {  	v8 =	vld [tilespmem:s6+$0x19820];
	v1 =	vsel vm0, v2, v1  }
0x4b: {  	[tilespmem:s6+$0x1A800] =	vst v1  }
0x4c: {  	v1 =	vld.idx.msk [tilespmem:v3+s11+$0x0], $0xffff  }
0x4d: {  	v2 =	vld.idx.msk [tilespmem:v4+s11+$0x0], $0xffff  }
0x4e: {  	vm0 =	vgt.s32 v7, $0x0  }
0x4f: {  	v6 =	vnsel vm0, $0x0, v7;
	vm0 =	vgt.s32 v8, $0x0  }
0x50: {  	v7 =	vnsel vm0, $0x0, v8;
	v6 =	vmin.u32 v6, $0x1869F  }
0x51: {  	v7 =	vmin.u32 v7, $0x1869F  }
0x52: {  	v9 =	vld [tilespmem:s6+$0x18830];
	vm0 =	vgt.f32 v2, v1  }
0x53: {  	v10 =	vld [tilespmem:s6+$0x19830];
	v1 =	vsel vm0, v4, v3  }
0x54: {  	[tilespmem:s6+$0x1A810] =	vst v1  }
0x55: {  	v1 =	vld.idx.msk [tilespmem:v6+s11+$0x0], $0xffff  }
0x56: {  	v2 =	vld.idx.msk [tilespmem:v7+s11+$0x0], $0xffff  }
0x57: {  	vm0 =	vgt.s32 v9, $0x0  }
0x58: {  	v3 =	vnsel vm0, $0x0, v9;
	vm0 =	vgt.s32 v10, $0x0  }
0x59: {  	v4 =	vnsel vm0, $0x0, v10;
	v3 =	vmin.u32 v3, $0x1869F  }
0x5a: {  	v4 =	vmin.u32 v4, $0x1869F  }
0x5b: {  	v11 =	vld [tilespmem:s6+$0x18840];
	vm0 =	vgt.f32 v2, v1  }
0x5c: {  	v5 =	vld [tilespmem:s6+$0x19840];
	v1 =	vsel vm0, v7, v6  }
0x5d: {  	[tilespmem:s6+$0x1A820] =	vst v1  }
0x5e: {  	v6 =	vld.idx.msk [tilespmem:v3+s11+$0x0], $0xffff  }
0x5f: {  	v7 =	vld.idx.msk [tilespmem:v4+s11+$0x0], $0xffff  }
0x60: {  	vm0 =	vgt.s32 v11, $0x0  }
0x61: {  	v1 =	vnsel vm0, $0x0, v11;
	vm0 =	vgt.s32 v5, $0x0  }
0x62: {  	v2 =	vnsel vm0, $0x0, v5;
	v1 =	vmin.u32 v1, $0x1869F  }
0x63: {  	v2 =	vmin.u32 v2, $0x1869F  }
0x64: {  	s31 =	simm.s32 $0x50;
	vm0 =	vgt.f32 v7, v6  }
0x65: {  	v8 =	vld [tilespmem:s31+$0x18800];
	v3 =	vsel vm0, v4, v3  }
0x66: {  	v7 =	vld [tilespmem:s31+$0x19800];
	[tilespmem:s6+$0x1A830] =	vst v3  }
0x67: {  	v5 =	vld.idx.msk [tilespmem:v1+s11+$0x0], $0xffff  }
0x68: {  	v6 =	vld.idx.msk [tilespmem:v2+s11+$0x0], $0xffff  }
0x69: {  	v3 =	vld [tilespmem:s31+$0x18810]  }
0x6a: {  	s30 =	sadd.s32 s14, s25;
	s22 =	simm.s32 $0x280;
	vm0 =	vgt.s32 v8, $0x0;
	v4 =	vld [tilespmem:s31+$0x19810]  }
.LBB2_3:
0x6b: {  	p1 =	sne.s32 s22, $0x1E00;
	v8 =	vnsel vm0, $0x0, v8;
	vm0 =	vgt.s32 v7, $0x0;
	v9 =	vld [tilespmem:s31+$0x18820];
	s2 =	smov.u32 s22;
	s22 =	sadd.s32 $0x140, s22  }
0x6c: {  	v8 =	vmin.u32 v8, $0x1869F;
	v7 =	vnsel vm0, $0x0, v7;
	v10 =	vld [tilespmem:s31+$0x19820]  }
0x6d: {  	v7 =	vmin.u32 v7, $0x1869F;
	v11 =	vld [tilespmem:s31+$0x18830]  }
0x6e: {  	vm1 =	vgt.f32 v6, v5;
	vm0 =	vgt.s32 v3, $0x0;
	v12 =	vld [tilespmem:s31+$0x19830]  }
0x6f: {  	v1 =	vsel vm1, v2, v1;
	v3 =	vnsel vm0, $0x0, v3;
	vm0 =	vgt.s32 v4, $0x0;
	v5 =	vld [tilespmem:s31+$0x18840]  }
0x70: {  	v2 =	vnsel vm0, $0x0, v4;
	vm0 =	vgt.s32 v9, $0x0;
	v4 =	vld [tilespmem:s31+$0x19840];
	[tilespmem:s6+$0x1A840] =	vst v1;
	s6 =	smov.u32 s31  }
0x71: {  	v1 =	vld.idx.msk [tilespmem:v8+s11+$0x0], $0xffff;
	v6 =	vnsel vm0, $0x0, v9;
	vm0 =	vgt.s32 v10, $0x0  }
0x72: {  	v9 =	vld.idx.msk [tilespmem:v7+s11+$0x0], $0xffff;
	v10 =	vnsel vm0, $0x0, v10;
	vm0 =	vgt.s32 v11, $0x0  }
0x73: {  	v11 =	vnsel vm0, $0x0, v11;
	vm0 =	vgt.s32 v12, $0x0  }
0x74: {  	v12 =	vnsel vm0, $0x0, v12;
	vm0 =	vgt.s32 v5, $0x0  }
0x75: {  	v5 =	vnsel vm0, $0x0, v5;
	vm0 =	vgt.s32 v4, $0x0  }
0x76: {  	v3 =	vmin.u32 v3, $0x1869F;
	v2 =	vmin.u32 v2, $0x1869F;
	v4 =	vnsel vm0, $0x0, v4;
	_ =	sdelay $0x1  }
0x77: {  	vm0 =	vgt.f32 v9, v1  }
0x78: {  	v1 =	vsel vm0, v7, v8  }
0x79: {  	[tilespmem:s6+$0x1A800] =	vst v1  }
0x7a: {  	v1 =	vld.idx.msk [tilespmem:v3+s11+$0x0], $0xffff  }
0x7b: {  	v7 =	vld.idx.msk [tilespmem:v2+s11+$0x0], $0xffff;
	_ =	sdelay $0x3  }
0x7c: {  	v6 =	vmin.u32 v6, $0x1869F;
	v8 =	vmin.u32 v10, $0x1869F;
	_ =	sdelay $0x1  }
0x7d: {  	vm0 =	vgt.f32 v7, v1  }
0x7e: {  	v1 =	vsel vm0, v2, v3  }
0x7f: {  	[tilespmem:s6+$0x1A810] =	vst v1  }
0x80: {  	v1 =	vld.idx.msk [tilespmem:v6+s11+$0x0], $0xffff  }
0x81: {  	v2 =	vld.idx.msk [tilespmem:v8+s11+$0x0], $0xffff;
	_ =	sdelay $0x3  }
0x82: {  	v7 =	vmin.u32 v12, $0x1869F;
	v3 =	vmin.u32 v11, $0x1869F;
	_ =	sdelay $0x1  }
0x83: {  	vm0 =	vgt.f32 v2, v1  }
0x84: {  	v1 =	vsel vm0, v8, v6  }
0x85: {  	[tilespmem:s6+$0x1A820] =	vst v1  }
0x86: {  	v6 =	vld.idx.msk [tilespmem:v3+s11+$0x0], $0xffff  }
0x87: {  	v8 =	vld.idx.msk [tilespmem:v7+s11+$0x0], $0xffff;
	_ =	sdelay $0x3  }
0x88: {  	v2 =	vmin.u32 v4, $0x1869F;
	v1 =	vmin.u32 v5, $0x1869F;
	_ =	sdelay $0x1  }
0x89: {  	s31 =	sshra.s32 s2, $0x2;
	vm0 =	vgt.f32 v8, v6  }
0x8a: {  	v3 =	vsel vm0, v7, v3;
	v8 =	vld [tilespmem:s31+$0x18800]  }
.Ltmp0:
0x8b: {  	v7 =	vld [tilespmem:s31+$0x19800];
	[tilespmem:s6+$0x1A830] =	vst v3;
	(pc) =	sbr.rel @p1 .LBB2_3-.Ltmp0, $4  }
0x8c: {  	v5 =	vld.idx.msk [tilespmem:v1+s11+$0x0], $0xffff  }
0x8d: {  	v6 =	vld.idx.msk [tilespmem:v2+s11+$0x0], $0xffff  }
0x8e: {  	v3 =	vld [tilespmem:s31+$0x18810]  }
0x8f: {  	vm0 =	vgt.s32 v8, $0x0;
	v4 =	vld [tilespmem:s31+$0x19810]  }
0x90: {  	v9 =	vld [tilespmem:s31+$0x18820];
	v8 =	vnsel vm0, $0x0, v8;
	vm0 =	vgt.s32 v7, $0x0  }
0x91: {  	v10 =	vld [tilespmem:s31+$0x19820];
	v8 =	vmin.u32 v8, $0x1869F;
	v7 =	vnsel vm0, $0x0, v7  }
0x92: {  	v11 =	vld [tilespmem:s31+$0x18830];
	v7 =	vmin.u32 v7, $0x1869F  }
0x93: {  	v12 =	vld [tilespmem:s31+$0x19830];
	vm0 =	vgt.f32 v6, v5  }
0x94: {  	v5 =	vld [tilespmem:s31+$0x18840];
	v1 =	vsel vm0, v2, v1  }
0x95: {  	v2 =	vld [tilespmem:s31+$0x19840];
	[tilespmem:s6+$0x1A840] =	vst v1  }
0x96: {  	v1 =	vld.idx.msk [tilespmem:v8+s11+$0x0], $0xffff  }
0x97: {  	v6 =	vld.idx.msk [tilespmem:v7+s11+$0x0], $0xffff  }
0x98: {  	vm0 =	vgt.s32 v3, $0x0  }
0x99: {  	v3 =	vnsel vm0, $0x0, v3;
	vm0 =	vgt.s32 v4, $0x0  }
0x9a: {  	v4 =	vnsel vm0, $0x0, v4;
	v3 =	vmin.u32 v3, $0x1869F  }
0x9b: {  	v4 =	vmin.u32 v4, $0x1869F  }
0x9c: {  	vm0 =	vgt.f32 v6, v1  }
0x9d: {  	v1 =	vsel vm0, v7, v8  }
0x9e: {  	[tilespmem:s31+$0x1A800] =	vst v1  }
0x9f: {  	v1 =	vld.idx.msk [tilespmem:v3+s11+$0x0], $0xffff  }
0xa0: {  	v6 =	vld.idx.msk [tilespmem:v4+s11+$0x0], $0xffff  }
0xa1: {  	vm0 =	vgt.s32 v9, $0x0  }
0xa2: {  	v7 =	vnsel vm0, $0x0, v9;
	vm0 =	vgt.s32 v10, $0x0  }
0xa3: {  	v8 =	vnsel vm0, $0x0, v10;
	v7 =	vmin.u32 v7, $0x1869F  }
0xa4: {  	v8 =	vmin.u32 v8, $0x1869F  }
0xa5: {  	vm0 =	vgt.f32 v6, v1  }
0xa6: {  	v1 =	vsel vm0, v4, v3  }
0xa7: {  	[tilespmem:s31+$0x1A810] =	vst v1  }
0xa8: {  	v1 =	vld.idx.msk [tilespmem:v7+s11+$0x0], $0xffff  }
0xa9: {  	v3 =	vld.idx.msk [tilespmem:v8+s11+$0x0], $0xffff  }
0xaa: {  	vm0 =	vgt.s32 v11, $0x0  }
0xab: {  	v4 =	vnsel vm0, $0x0, v11;
	vm0 =	vgt.s32 v12, $0x0  }
0xac: {  	v6 =	vnsel vm0, $0x0, v12;
	v4 =	vmin.u32 v4, $0x1869F  }
0xad: {  	v6 =	vmin.u32 v6, $0x1869F  }
0xae: {  	vm0 =	vgt.f32 v3, v1  }
0xaf: {  	v1 =	vsel vm0, v8, v7  }
0xb0: {  	[tilespmem:s31+$0x1A820] =	vst v1  }
0xb1: {  	v1 =	vld.idx.msk [tilespmem:v4+s11+$0x0], $0xffff  }
0xb2: {  	v3 =	vld.idx.msk [tilespmem:v6+s11+$0x0], $0xffff  }
0xb3: {  	vm0 =	vgt.s32 v5, $0x0  }
0xb4: {  	v5 =	vnsel vm0, $0x0, v5;
	vm0 =	vgt.s32 v2, $0x0  }
0xb5: {  	v2 =	vnsel vm0, $0x0, v2;
	v5 =	vmin.u32 v5, $0x1869F  }
0xb6: {  	v2 =	vmin.u32 v2, $0x1869F  }
0xb7: {  	vm0 =	vgt.f32 v3, v1  }
0xb8: {  	v1 =	vsel vm0, v6, v4  }
0xb9: {  	[tilespmem:s31+$0x1A830] =	vst v1  }
0xba: {  	v1 =	vld.idx.msk [tilespmem:v5+s11+$0x0], $0xffff  }
0xbb: {  	v3 =	vld.idx.msk [tilespmem:v2+s11+$0x0], $0xffff;
	_ =	sdelay $0x4  }
0xbc: {  	vm0 =	vgt.f32 v3, v1  }
0xbd: {  	s2 =	sshrl.u32 s30, $0x3;
	v1 =	vsel vm0, v2, v5  }
0xbe: {  	p1 =	seq.s32 s26, $0x31;
	s2 =	sadd.s32 s2, s7;
	[tilespmem:s31+$0x1A840] =	vst v1;
	s31 =	simm.s32 $0x1A800  }
0xbf: {  	[hbm4b:s2+s11] =	stream.linear.scatter [tilespmem:s31], [sflag:$0x3], $0x7D0, $0x38;
	[tilespmem:$0x1E800] =	vst v63  }
0xc0: {  	s2 =	sadd.s32 @!p1 s25, s8  }
0xc1: {  	s2 =	sshrl.u32 @!p1 s2, $0x3  }
0xc2: {  	s22 =	simm.s32 @!p1 $0x0;
	s25 =	simm.s32 @!p1 $0x18800;
	s6 =	sadd.s32 @!p1 s0, s2  }
0xc3: {  	[tilespmem:s25], [sflag:$0x1] =	stream.linear.gather @!p1 [hbm4b:s6+s22], $0x7D0, $0x38;
	[tilespmem:$0x1E800] =	vst v63  }
0xc4: {  	s2 =	sadd.s32 @!p1 s1, s2;
	s6 =	simm.s32 @!p1 $0x19800  }
0xc5: {  	[tilespmem:s6], [sflag:$0x1] =	stream.linear.gather @!p1 [hbm4b:s2+s22], $0x7D0, $0x38;
	[tilespmem:$0x1E800] =	vst v63  }
0xc6: {  	_ =	swait.ge [sflag:s23], $0x7D0  }
0xc7: {  	[sflag:s23] =	ssyncset.done $0x0  }
0xc8: {  	[sflag:s23] =	ssyncadd.s32 $0xFFFFF830  }
0xc9: {  	_ =	swait.ge [sflag:s23], $0x7D0  }
0xca: {  	[sflag:s23] =	ssyncset.done $0x0  }
0xcb: {  	s2 =	simm.s32 @!p0 $0x4;
	[sflag:s23] =	ssyncadd.s32 $0xFFFFF830  }
0xcc: {  	_ =	swait.ge @!p0 [sflag:s2], $0x7D0  }
0xcd: {  	[sflag:s2] =	ssyncset.done @!p0 $0x0  }
0xce: {  	s6 =	simm.s32 $0x0;
	[sflag:s2] =	ssyncadd.s32 @!p0 $0xFFFFF830  }
0xcf: {  	v1 =	vld [tilespmem:s6+$0x19000]  }
0xd0: {  	v2 =	vld [tilespmem:s6+$0x1A000];
	_ =	sdelay $0x3  }
0xd1: {  	vm0 =	vgt.s32 v1, $0x0  }
0xd2: {  	v1 =	vnsel vm0, $0x0, v1;
	vm0 =	vgt.s32 v2, $0x0  }
0xd3: {  	v1 =	vmin.u32 v1, $0x1869F;
	v2 =	vnsel vm0, $0x0, v2  }
0xd4: {  	v2 =	vmin.u32 v2, $0x1869F  }
0xd5: {  	v3 =	vld [tilespmem:s6+$0x19010]  }
0xd6: {  	v4 =	vld [tilespmem:s6+$0x1A010];
	_ =	sdelay $0x1  }
0xd7: {  	v5 =	vld.idx.msk [tilespmem:v1+s11+$0x0], $0xffff  }
0xd8: {  	v6 =	vld.idx.msk [tilespmem:v2+s11+$0x0], $0xffff  }
0xd9: {  	vm0 =	vgt.s32 v3, $0x0  }
0xda: {  	v3 =	vnsel vm0, $0x0, v3;
	vm0 =	vgt.s32 v4, $0x0  }
0xdb: {  	v4 =	vnsel vm0, $0x0, v4;
	v3 =	vmin.u32 v3, $0x1869F  }
0xdc: {  	v4 =	vmin.u32 v4, $0x1869F  }
0xdd: {  	v7 =	vld [tilespmem:s6+$0x19020];
	vm0 =	vgt.f32 v6, v5  }
0xde: {  	v8 =	vld [tilespmem:s6+$0x1A020];
	v1 =	vsel vm0, v2, v1  }
0xdf: {  	[tilespmem:s6+$0x1B000] =	vst v1  }
0xe0: {  	v1 =	vld.idx.msk [tilespmem:v3+s11+$0x0], $0xffff  }
0xe1: {  	v2 =	vld.idx.msk [tilespmem:v4+s11+$0x0], $0xffff  }
0xe2: {  	vm0 =	vgt.s32 v7, $0x0  }
0xe3: {  	v6 =	vnsel vm0, $0x0, v7;
	vm0 =	vgt.s32 v8, $0x0  }
0xe4: {  	v7 =	vnsel vm0, $0x0, v8;
	v6 =	vmin.u32 v6, $0x1869F  }
0xe5: {  	v7 =	vmin.u32 v7, $0x1869F  }
0xe6: {  	v9 =	vld [tilespmem:s6+$0x19030];
	vm0 =	vgt.f32 v2, v1  }
0xe7: {  	v10 =	vld [tilespmem:s6+$0x1A030];
	v1 =	vsel vm0, v4, v3  }
0xe8: {  	[tilespmem:s6+$0x1B010] =	vst v1  }
0xe9: {  	v1 =	vld.idx.msk [tilespmem:v6+s11+$0x0], $0xffff  }
0xea: {  	v2 =	vld.idx.msk [tilespmem:v7+s11+$0x0], $0xffff  }
0xeb: {  	vm0 =	vgt.s32 v9, $0x0  }
0xec: {  	v3 =	vnsel vm0, $0x0, v9;
	vm0 =	vgt.s32 v10, $0x0  }
0xed: {  	v4 =	vnsel vm0, $0x0, v10;
	v3 =	vmin.u32 v3, $0x1869F  }
0xee: {  	v4 =	vmin.u32 v4, $0x1869F  }
0xef: {  	v11 =	vld [tilespmem:s6+$0x19040];
	vm0 =	vgt.f32 v2, v1  }
0xf0: {  	v5 =	vld [tilespmem:s6+$0x1A040];
	v1 =	vsel vm0, v7, v6  }
0xf1: {  	[tilespmem:s6+$0x1B020] =	vst v1  }
0xf2: {  	v6 =	vld.idx.msk [tilespmem:v3+s11+$0x0], $0xffff  }
0xf3: {  	v7 =	vld.idx.msk [tilespmem:v4+s11+$0x0], $0xffff  }
0xf4: {  	vm0 =	vgt.s32 v11, $0x0  }
0xf5: {  	v1 =	vnsel vm0, $0x0, v11;
	vm0 =	vgt.s32 v5, $0x0  }
0xf6: {  	v2 =	vnsel vm0, $0x0, v5;
	v1 =	vmin.u32 v1, $0x1869F  }
0xf7: {  	v2 =	vmin.u32 v2, $0x1869F  }
0xf8: {  	s25 =	simm.s32 $0x50;
	vm0 =	vgt.f32 v7, v6  }
0xf9: {  	v8 =	vld [tilespmem:s25+$0x19000];
	v3 =	vsel vm0, v4, v3  }
0xfa: {  	v7 =	vld [tilespmem:s25+$0x1A000];
	[tilespmem:s6+$0x1B030] =	vst v3  }
0xfb: {  	v5 =	vld.idx.msk [tilespmem:v1+s11+$0x0], $0xffff  }
0xfc: {  	v6 =	vld.idx.msk [tilespmem:v2+s11+$0x0], $0xffff  }
0xfd: {  	v4 =	vld [tilespmem:s25+$0x19010]  }
0xfe: {  	s22 =	simm.s32 $0x280;
	vm0 =	vgt.s32 v8, $0x0;
	v3 =	vld [tilespmem:s25+$0x1A010]  }
.LBB2_5:
0xff: {  	p0 =	sne.s32 s22, $0x1E00;
	v8 =	vnsel vm0, $0x0, v8;
	vm0 =	vgt.s32 v7, $0x0;
	v9 =	vld [tilespmem:s25+$0x19020];
	s2 =	smov.u32 s22;
	s22 =	sadd.s32 $0x140, s22  }
0x100: {  	v8 =	vmin.u32 v8, $0x1869F;
	v7 =	vnsel vm0, $0x0, v7;
	v10 =	vld [tilespmem:s25+$0x1A020]  }
0x101: {  	v7 =	vmin.u32 v7, $0x1869F;
	v11 =	vld [tilespmem:s25+$0x19030]  }
0x102: {  	vm1 =	vgt.f32 v6, v5;
	vm0 =	vgt.s32 v4, $0x0;
	v12 =	vld [tilespmem:s25+$0x1A030]  }
0x103: {  	v1 =	vsel vm1, v2, v1;
	v4 =	vnsel vm0, $0x0, v4;
	vm0 =	vgt.s32 v3, $0x0;
	v5 =	vld [tilespmem:s25+$0x19040]  }
0x104: {  	v2 =	vnsel vm0, $0x0, v3;
	vm0 =	vgt.s32 v9, $0x0;
	v3 =	vld [tilespmem:s25+$0x1A040];
	[tilespmem:s6+$0x1B040] =	vst v1;
	s6 =	smov.u32 s25  }
0x105: {  	v1 =	vld.idx.msk [tilespmem:v8+s11+$0x0], $0xffff;
	v6 =	vnsel vm0, $0x0, v9;
	vm0 =	vgt.s32 v10, $0x0  }
0x106: {  	v9 =	vld.idx.msk [tilespmem:v7+s11+$0x0], $0xffff;
	v10 =	vnsel vm0, $0x0, v10;
	vm0 =	vgt.s32 v11, $0x0  }
0x107: {  	v11 =	vnsel vm0, $0x0, v11;
	vm0 =	vgt.s32 v12, $0x0  }
0x108: {  	v12 =	vnsel vm0, $0x0, v12;
	vm0 =	vgt.s32 v5, $0x0  }
0x109: {  	v5 =	vnsel vm0, $0x0, v5;
	vm0 =	vgt.s32 v3, $0x0  }
0x10a: {  	v4 =	vmin.u32 v4, $0x1869F;
	v2 =	vmin.u32 v2, $0x1869F;
	v3 =	vnsel vm0, $0x0, v3;
	_ =	sdelay $0x1  }
0x10b: {  	vm0 =	vgt.f32 v9, v1  }
0x10c: {  	v1 =	vsel vm0, v7, v8  }
0x10d: {  	[tilespmem:s6+$0x1B000] =	vst v1  }
0x10e: {  	v1 =	vld.idx.msk [tilespmem:v4+s11+$0x0], $0xffff  }
0x10f: {  	v7 =	vld.idx.msk [tilespmem:v2+s11+$0x0], $0xffff;
	_ =	sdelay $0x3  }
0x110: {  	v6 =	vmin.u32 v6, $0x1869F;
	v8 =	vmin.u32 v10, $0x1869F;
	_ =	sdelay $0x1  }
0x111: {  	vm0 =	vgt.f32 v7, v1  }
0x112: {  	v1 =	vsel vm0, v2, v4  }
0x113: {  	[tilespmem:s6+$0x1B010] =	vst v1  }
0x114: {  	v1 =	vld.idx.msk [tilespmem:v6+s11+$0x0], $0xffff  }
0x115: {  	v2 =	vld.idx.msk [tilespmem:v8+s11+$0x0], $0xffff;
	_ =	sdelay $0x3  }
0x116: {  	v7 =	vmin.u32 v12, $0x1869F;
	v4 =	vmin.u32 v11, $0x1869F;
	_ =	sdelay $0x1  }
0x117: {  	vm0 =	vgt.f32 v2, v1  }
0x118: {  	v1 =	vsel vm0, v8, v6  }
0x119: {  	[tilespmem:s6+$0x1B020] =	vst v1  }
0x11a: {  	v6 =	vld.idx.msk [tilespmem:v4+s11+$0x0], $0xffff  }
0x11b: {  	v8 =	vld.idx.msk [tilespmem:v7+s11+$0x0], $0xffff;
	_ =	sdelay $0x3  }
0x11c: {  	v2 =	vmin.u32 v3, $0x1869F;
	v1 =	vmin.u32 v5, $0x1869F;
	_ =	sdelay $0x1  }
0x11d: {  	s25 =	sshra.s32 s2, $0x2;
	vm0 =	vgt.f32 v8, v6  }
0x11e: {  	v3 =	vsel vm0, v7, v4;
	v8 =	vld [tilespmem:s25+$0x19000]  }
.Ltmp1:
0x11f: {  	v7 =	vld [tilespmem:s25+$0x1A000];
	[tilespmem:s6+$0x1B030] =	vst v3;
	(pc) =	sbr.rel @p0 .LBB2_5-.Ltmp1, $4  }
0x120: {  	v5 =	vld.idx.msk [tilespmem:v1+s11+$0x0], $0xffff  }
0x121: {  	v6 =	vld.idx.msk [tilespmem:v2+s11+$0x0], $0xffff  }
0x122: {  	v4 =	vld [tilespmem:s25+$0x19010]  }
0x123: {  	vm0 =	vgt.s32 v8, $0x0;
	v3 =	vld [tilespmem:s25+$0x1A010]  }
0x124: {  	v9 =	vld [tilespmem:s25+$0x19020];
	v8 =	vnsel vm0, $0x0, v8;
	vm13 =	vgt.s32 v7, $0x0  }
0x125: {  	v10 =	vld [tilespmem:s25+$0x1A020];
	v8 =	vmin.u32 v8, $0x1869F;
	v7 =	vnsel vm13, $0x0, v7  }
0x126: {  	v11 =	vld [tilespmem:s25+$0x19030];
	v7 =	vmin.u32 v7, $0x1869F  }
0x127: {  	v12 =	vld [tilespmem:s25+$0x1A030];
	vm14 =	vgt.f32 v6, v5  }
0x128: {  	v57 =	vld [tilespmem:s25+$0x19040];
	v1 =	vsel vm14, v2, v1  }
0x129: {  	v2 =	vld [tilespmem:s25+$0x1A040];
	[tilespmem:s6+$0x1B040] =	vst v1  }
0x12a: {  	v1 =	vld.idx.msk [tilespmem:v8+s11+$0x0], $0xffff  }
0x12b: {  	v58 =	vld.idx.msk [tilespmem:v7+s11+$0x0], $0xffff  }
0x12c: {  	vm15 =	vgt.s32 v4, $0x0  }
0x12d: {  	v4 =	vnsel vm15, $0x0, v4;
	vm4 =	vgt.s32 v3, $0x0  }
0x12e: {  	v3 =	vnsel vm4, $0x0, v3;
	v4 =	vmin.u32 v4, $0x1869F  }
0x12f: {  	v3 =	vmin.u32 v3, $0x1869F  }
0x130: {  	vm5 =	vgt.f32 v58, v1  }
0x131: {  	v1 =	vsel vm5, v7, v8  }
0x132: {  	[tilespmem:s25+$0x1B000] =	vst v1  }
0x133: {  	v1 =	vld.idx.msk [tilespmem:v4+s11+$0x0], $0xffff  }
0x134: {  	v59 =	vld.idx.msk [tilespmem:v3+s11+$0x0], $0xffff  }
0x135: {  	vm6 =	vgt.s32 v9, $0x0  }
0x136: {  	vm7 =	vgt.s32 v10, $0x0;
	v60 =	vnsel vm6, $0x0, v9  }
0x137: {  	v61 =	vnsel vm7, $0x0, v10;
	v7 =	vmin.u32 v60, $0x1869F  }
0x138: {  	v8 =	vmin.u32 v61, $0x1869F  }
0x139: {  	vm8 =	vgt.f32 v59, v1  }
0x13a: {  	v1 =	vsel vm8, v3, v4  }
0x13b: {  	[tilespmem:s25+$0x1B010] =	vst v1  }
0x13c: {  	v1 =	vld.idx.msk [tilespmem:v7+s11+$0x0], $0xffff  }
0x13d: {  	v3 =	vld.idx.msk [tilespmem:v8+s11+$0x0], $0xffff  }
0x13e: {  	vm9 =	vgt.s32 v11, $0x0  }
0x13f: {  	vm10 =	vgt.s32 v12, $0x0;
	v62 =	vnsel vm9, $0x0, v11  }
0x140: {  	v63 =	vnsel vm10, $0x0, v12;
	v4 =	vmin.u32 v62, $0x1869F  }
0x141: {  	v6 =	vmin.u32 v63, $0x1869F  }
0x142: {  	vm11 =	vgt.f32 v3, v1  }
0x143: {  	v1 =	vsel vm11, v8, v7  }
0x144: {  	[tilespmem:s25+$0x1B020] =	vst v1  }
0x145: {  	v1 =	vld.idx.msk [tilespmem:v4+s11+$0x0], $0xffff  }
0x146: {  	v3 =	vld.idx.msk [tilespmem:v6+s11+$0x0], $0xffff  }
0x147: {  	vm12 =	vgt.s32 v57, $0x0  }
0x148: {  	v5 =	vnsel vm12, $0x0, v57;
	vm13 =	vgt.s32 v2, $0x0  }
0x149: {  	v5 =	vmin.u32 v5, $0x1869F;
	v2 =	vnsel vm13, $0x0, v2  }
0x14a: {  	v2 =	vmin.u32 v2, $0x1869F  }
0x14b: {  	vm14 =	vgt.f32 v3, v1  }
0x14c: {  	v1 =	vsel vm14, v6, v4  }
0x14d: {  	[tilespmem:s25+$0x1B030] =	vst v1  }
0x14e: {  	v1 =	vld.idx.msk [tilespmem:v5+s11+$0x0], $0xffff  }
0x14f: {  	v3 =	vld.idx.msk [tilespmem:v2+s11+$0x0], $0xffff;
	_ =	sdelay $0x1  }
0x150: {  	s26 =	sadd.s32 $0x1, s26  }
0x151: {  	p0 =	sne.s32 s26, $0x32  }
.Ltmp2:
0x152: {  	_ = 	snop;
	(pc) =	sbr.rel @p0 .LBB2_2-.Ltmp2, $4  }
0x153: {  	vm15 =	vgt.f32 v3, v1  }
0x154: {  	v1 =	vsel vm15, v2, v5  }
0x155: {  	s2 =	sadd.s32 s28, s7;
	[tilespmem:s25+$0x1B040] =	vst v1  }
0x156: {  	[hbm4b:s2+s11] =	stream.linear.scatter [tilespmem:s24], [sflag:$0x4], $0x7D0, $0x38;
	[tilespmem:$0x1E800] =	vst v63  }
0x157: {  	s2 =	simm.s32 $0x3  }
0x158: {  	_ =	swait.ge [sflag:s2], $0x7D0  }
0x159: {  	[sflag:s2] =	ssyncset.done $0x0  }
0x15a: {  	s6 =	simm.s32 $0x4;
	[sflag:s2] =	ssyncadd.s32 $0xFFFFF830  }
0x15b: {  	_ =	swait.ge [sflag:s6], $0x7D0  }
0x15c: {  	[sflag:s6] =	ssyncset.done $0x0  }
0x15d: {  	[sflag:s6] =	ssyncadd.s32 $0xFFFFF830  }
0x15e: {  	s26 =	simm.s32 $0x0;
	s2 =	rddreg [dreg:$0x5]  }
0x15f: {  	[tilespmem:s26], [sflag:$0x5] =	stream.linear.gather [hbm4b:s2+s26], $0x186A0, $0x38;
	[tilespmem:$0x1E800] =	vst v63  }
0x160: {  	_ =	swait.ge [sflag:s15], $0x186A0  }
0x161: {  	s6 =	simm.s32 $0x1A800;
	[sflag:s15] =	ssyncset.done $0x0;
	s22 =	rddreg [dreg:$0x15]  }
0x162: {  	s25 =	rddreg [dreg:$0x18];
	[sflag:s15] =	ssyncadd.s32 $0xFFFE7960;
	s2 =	sadd.s32 s22, s7  }
0x163: {  	[tilespmem:s6], [sflag:$0x1] =	stream.linear.gather [hbm4b:s2+s26], $0x7D0, $0x38;
	[tilespmem:$0x1E800] =	vst v63  }
0x164: {  	s28 =	simm.s32 $0x1B800;
	s30 =	rddreg [dreg:$0x19]  }
0x165: {  	[tilespmem:s28], [sflag:$0x1] =	stream.linear.gather [hbm4b:s25+s26], $0x7D0, $0x38;
	[tilespmem:$0x1E800] =	vst v63  }
0x166: {  	s31 =	rddreg [dreg:$0x2]  }
0x167: {  	[tilespmem:s5], [sflag:$0x1] =	stream.linear.gather [hbm4b:s30+s26], $0x7D0, $0x38;
	[tilespmem:$0x1E800] =	vst v63  }
.LBB2_8:
0x168: {  	s6 =	smul.u32 $0xFA0, s26;
	_ =	sdelay $0x1  }
0x169: {  	s2 =	sadd.s32 s6, s4  }
0x16a: {  	s28 =	sshrl.u32 s2, $0x3  }
0x16b: {  	s2 =	sadd.s32 s7, s28  }
0x16c: {  	[tilespmem:s24], [sflag:$0x2] =	stream.linear.gather [hbm4b:s2+s11], $0x7D0, $0x38;
	[tilespmem:$0x1E800] =	vst v63  }
0x16d: {  	s22 =	simm.s32 $0x1C000;
	s25 =	sadd.s32 s31, s28  }
0x16e: {  	[tilespmem:s22], [sflag:$0x2] =	stream.linear.gather [hbm4b:s25+s11], $0x7D0, $0x38;
	[tilespmem:$0x1E800] =	vst v63  }
0x16f: {  	s22 =	sadd.s32 s3, s28;
	s25 =	simm.s32 $0x1D000  }
0x170: {  	[tilespmem:s25], [sflag:$0x2] =	stream.linear.gather [hbm4b:s22+s11], $0x7D0, $0x38;
	[tilespmem:$0x1E800] =	vst v63  }
0x171: {  	_ =	swait.ge [sflag:s21], $0x7D0  }
0x172: {  	[sflag:s21] =	ssyncset.done $0x0  }
0x173: {  	[sflag:s21] =	ssyncadd.s32 $0xFFFFF830  }
0x174: {  	_ =	swait.ge [sflag:s21], $0x7D0  }
0x175: {  	[sflag:s21] =	ssyncset.done $0x0  }
0x176: {  	[sflag:s21] =	ssyncadd.s32 $0xFFFFF830  }
0x177: {  	_ =	swait.ge [sflag:s21], $0x7D0  }
0x178: {  	p0 =	seq.s32 s26, $0x0;
	[sflag:s21] =	ssyncset.done $0x0  }
0x179: {  	s2 =	simm.s32 @!p0 $0x3;
	[sflag:s21] =	ssyncadd.s32 $0xFFFFF830  }
0x17a: {  	_ =	swait.ge @!p0 [sflag:s2], $0x7D0  }
0x17b: {  	[sflag:s2] =	ssyncset.done @!p0 $0x0  }
0x17c: {  	s30 =	simm.s32 $0x0;
	[sflag:s2] =	ssyncadd.s32 @!p0 $0xFFFFF830  }
0x17d: {  	v1 =	vld [tilespmem:s30+$0x1A800];
	_ =	sdelay $0x6  }
0x17e: {  	v2 =	vld [tilespmem:s30+$0x1B800]  }
0x17f: {  	v1 =	vld.idx.msk [tilespmem:v1+s11+$0x0], $0xffff  }
0x180: {  	v3 =	vld [tilespmem:s30+$0x1C800]  }
0x181: {  	v4 =	vld [tilespmem:s30+$0x1A810];
	_ =	sdelay $0x2  }
0x182: {  	v1 =	vmul.f32 v2, v1;
	_ =	sdelay $0x1  }
0x183: {  	v1 =	vmul.f32 v3, v1;
	_ =	sdelay $0x1  }
0x184: {  	v2 =	vld [tilespmem:s30+$0x1B810];
	[tilespmem:s30+$0x1D800] =	vst v1  }
0x185: {  	v1 =	vld.idx.msk [tilespmem:v4+s11+$0x0], $0xffff  }
0x186: {  	v3 =	vld [tilespmem:s30+$0x1C810]  }
0x187: {  	v4 =	vld [tilespmem:s30+$0x1A820];
	_ =	sdelay $0x2  }
0x188: {  	v1 =	vmul.f32 v2, v1;
	_ =	sdelay $0x1  }
0x189: {  	v1 =	vmul.f32 v3, v1;
	_ =	sdelay $0x1  }
0x18a: {  	v2 =	vld [tilespmem:s30+$0x1B820];
	[tilespmem:s30+$0x1D810] =	vst v1  }
0x18b: {  	v1 =	vld.idx.msk [tilespmem:v4+s11+$0x0], $0xffff  }
0x18c: {  	v3 =	vld [tilespmem:s30+$0x1C820]  }
0x18d: {  	v4 =	vld [tilespmem:s30+$0x1A830];
	_ =	sdelay $0x2  }
0x18e: {  	v1 =	vmul.f32 v2, v1;
	_ =	sdelay $0x1  }
0x18f: {  	v1 =	vmul.f32 v3, v1;
	_ =	sdelay $0x1  }
0x190: {  	v2 =	vld [tilespmem:s30+$0x1B830];
	[tilespmem:s30+$0x1D820] =	vst v1  }
0x191: {  	v1 =	vld.idx.msk [tilespmem:v4+s11+$0x0], $0xffff  }
0x192: {  	v3 =	vld [tilespmem:s30+$0x1C830]  }
0x193: {  	v4 =	vld [tilespmem:s30+$0x1A840];
	_ =	sdelay $0x2  }
0x194: {  	v1 =	vmul.f32 v2, v1;
	_ =	sdelay $0x1  }
0x195: {  	v1 =	vmul.f32 v3, v1;
	_ =	sdelay $0x1  }
0x196: {  	v2 =	vld [tilespmem:s30+$0x1B840];
	[tilespmem:s30+$0x1D830] =	vst v1  }
0x197: {  	v1 =	vld.idx.msk [tilespmem:v4+s11+$0x0], $0xffff  }
0x198: {  	s25 =	sadd.s32 s14, s6;
	s22 =	simm.s32 $0x280;
	s2 =	simm.s32 $0x50;
	v3 =	vld [tilespmem:s30+$0x1C840]  }
.LBB2_9:
0x199: {  	p1 =	sne.s32 s22, $0x1E00;
	v4 =	vld [tilespmem:s2+$0x1A800];
	_ =	sdelay $0x2  }
0x19a: {  	v1 =	vmul.f32 v2, v1;
	_ =	sdelay $0x1  }
0x19b: {  	v1 =	vmul.f32 v3, v1;
	_ =	sdelay $0x1  }
0x19c: {  	[tilespmem:s30+$0x1D840] =	vst v1;
	s30 =	smov.u32 s2  }
0x19d: {  	v1 =	vld.idx.msk [tilespmem:v4+s11+$0x0], $0xffff  }
0x19e: {  	v2 =	vld [tilespmem:s30+$0x1B800]  }
0x19f: {  	v3 =	vld [tilespmem:s30+$0x1C800]  }
0x1a0: {  	v4 =	vld [tilespmem:s30+$0x1A810];
	_ =	sdelay $0x2  }
0x1a1: {  	v1 =	vmul.f32 v2, v1;
	_ =	sdelay $0x1  }
0x1a2: {  	v1 =	vmul.f32 v3, v1;
	_ =	sdelay $0x1  }
0x1a3: {  	[tilespmem:s30+$0x1D800] =	vst v1  }
0x1a4: {  	v1 =	vld.idx.msk [tilespmem:v4+s11+$0x0], $0xffff  }
0x1a5: {  	v2 =	vld [tilespmem:s30+$0x1B810]  }
0x1a6: {  	v3 =	vld [tilespmem:s30+$0x1C810]  }
0x1a7: {  	v4 =	vld [tilespmem:s30+$0x1A820];
	_ =	sdelay $0x2  }
0x1a8: {  	v1 =	vmul.f32 v2, v1;
	_ =	sdelay $0x1  }
0x1a9: {  	v1 =	vmul.f32 v3, v1;
	_ =	sdelay $0x1  }
0x1aa: {  	[tilespmem:s30+$0x1D810] =	vst v1  }
0x1ab: {  	v1 =	vld.idx.msk [tilespmem:v4+s11+$0x0], $0xffff  }
0x1ac: {  	v2 =	vld [tilespmem:s30+$0x1B820]  }
0x1ad: {  	v3 =	vld [tilespmem:s30+$0x1C820]  }
0x1ae: {  	v4 =	vld [tilespmem:s30+$0x1A830];
	_ =	sdelay $0x2  }
0x1af: {  	v1 =	vmul.f32 v2, v1;
	_ =	sdelay $0x1  }
0x1b0: {  	v1 =	vmul.f32 v3, v1;
	_ =	sdelay $0x1  }
0x1b1: {  	[tilespmem:s30+$0x1D820] =	vst v1  }
0x1b2: {  	v1 =	vld.idx.msk [tilespmem:v4+s11+$0x0], $0xffff  }
0x1b3: {  	v2 =	vld [tilespmem:s30+$0x1B830]  }
0x1b4: {  	v3 =	vld [tilespmem:s30+$0x1C830]  }
0x1b5: {  	v4 =	vld [tilespmem:s30+$0x1A840];
	_ =	sdelay $0x2  }
0x1b6: {  	v1 =	vmul.f32 v2, v1;
	_ =	sdelay $0x1  }
0x1b7: {  	v1 =	vmul.f32 v3, v1  }
.Ltmp3:
0x1b8: {  	(pc) =	sbr.rel @p1 .LBB2_9-.Ltmp3, $4  }
0x1b9: {  	[tilespmem:s30+$0x1D830] =	vst v1  }
0x1ba: {  	v1 =	vld.idx.msk [tilespmem:v4+s11+$0x0], $0xffff  }
0x1bb: {  	v2 =	vld [tilespmem:s30+$0x1B840]  }
0x1bc: {  	s2 =	sshra.s32 s22, $0x2;
	s22 =	sadd.s32 $0x140, s22;
	v3 =	vld [tilespmem:s30+$0x1C840]  }
0x1bd: {  	v4 =	vld [tilespmem:s2+$0x1A800];
	_ =	sdelay $0x2  }
0x1be: {  	v1 =	vmul.f32 v2, v1;
	_ =	sdelay $0x1  }
0x1bf: {  	v1 =	vmul.f32 v3, v1;
	_ =	sdelay $0x1  }
0x1c0: {  	[tilespmem:s30+$0x1D840] =	vst v1  }
0x1c1: {  	v1 =	vld.idx.msk [tilespmem:v4+s11+$0x0], $0xffff  }
0x1c2: {  	v2 =	vld [tilespmem:s2+$0x1B800]  }
0x1c3: {  	v3 =	vld [tilespmem:s2+$0x1C800]  }
0x1c4: {  	v4 =	vld [tilespmem:s2+$0x1A810];
	_ =	sdelay $0x2  }
0x1c5: {  	v1 =	vmul.f32 v2, v1;
	_ =	sdelay $0x1  }
0x1c6: {  	v1 =	vmul.f32 v3, v1;
	_ =	sdelay $0x1  }
0x1c7: {  	v2 =	vld [tilespmem:s2+$0x1B810];
	[tilespmem:s2+$0x1D800] =	vst v1  }
0x1c8: {  	v1 =	vld.idx.msk [tilespmem:v4+s11+$0x0], $0xffff  }
0x1c9: {  	v3 =	vld [tilespmem:s2+$0x1C810]  }
0x1ca: {  	v4 =	vld [tilespmem:s2+$0x1A820];
	_ =	sdelay $0x2  }
0x1cb: {  	v1 =	vmul.f32 v2, v1;
	_ =	sdelay $0x1  }
0x1cc: {  	v1 =	vmul.f32 v3, v1;
	_ =	sdelay $0x1  }
0x1cd: {  	v2 =	vld [tilespmem:s2+$0x1B820];
	[tilespmem:s2+$0x1D810] =	vst v1  }
0x1ce: {  	v1 =	vld.idx.msk [tilespmem:v4+s11+$0x0], $0xffff  }
0x1cf: {  	v3 =	vld [tilespmem:s2+$0x1C820]  }
0x1d0: {  	v4 =	vld [tilespmem:s2+$0x1A830];
	_ =	sdelay $0x2  }
0x1d1: {  	v1 =	vmul.f32 v2, v1;
	_ =	sdelay $0x1  }
0x1d2: {  	v1 =	vmul.f32 v3, v1;
	_ =	sdelay $0x1  }
0x1d3: {  	v2 =	vld [tilespmem:s2+$0x1B830];
	[tilespmem:s2+$0x1D820] =	vst v1  }
0x1d4: {  	v1 =	vld.idx.msk [tilespmem:v4+s11+$0x0], $0xffff  }
0x1d5: {  	v3 =	vld [tilespmem:s2+$0x1C830]  }
0x1d6: {  	v4 =	vld [tilespmem:s2+$0x1A840];
	_ =	sdelay $0x2  }
0x1d7: {  	v1 =	vmul.f32 v2, v1;
	_ =	sdelay $0x1  }
0x1d8: {  	v1 =	vmul.f32 v3, v1;
	_ =	sdelay $0x1  }
0x1d9: {  	v2 =	vld [tilespmem:s2+$0x1B840];
	[tilespmem:s2+$0x1D830] =	vst v1  }
0x1da: {  	v1 =	vld.idx.msk [tilespmem:v4+s11+$0x0], $0xffff;
	_ =	sdelay $0x1  }
0x1db: {  	v3 =	vld [tilespmem:s2+$0x1C840];
	_ =	sdelay $0x2  }
0x1dc: {  	v1 =	vmul.f32 v2, v1;
	_ =	sdelay $0x1  }
0x1dd: {  	v1 =	vmul.f32 v3, v1  }
0x1de: {  	s22 =	sshrl.u32 s25, $0x3;
	p1 =	seq.s32 s26, $0x31  }
0x1df: {  	s25 =	sadd.s32 s22, s9;
	s30 =	simm.s32 $0x1D800;
	[tilespmem:s2+$0x1D840] =	vst v1;
	s2 =	sadd.s32 @!p1 s6, s8  }
0x1e0: {  	[hbm4b:s25+s11] =	stream.linear.scatter [tilespmem:s30], [sflag:$0x3], $0x7D0, $0x38;
	[tilespmem:$0x1E800] =	vst v63  }
0x1e1: {  	s2 =	sshrl.u32 @!p1 s2, $0x3  }
0x1e2: {  	s22 =	simm.s32 @!p1 $0x0;
	s25 =	simm.s32 @!p1 $0x1A800;
	s6 =	sadd.s32 @!p1 s7, s2  }
0x1e3: {  	[tilespmem:s25], [sflag:$0x1] =	stream.linear.gather @!p1 [hbm4b:s6+s22], $0x7D0, $0x38;
	[tilespmem:$0x1E800] =	vst v63  }
0x1e4: {  	s6 =	sadd.s32 @!p1 s31, s2;
	s25 =	simm.s32 @!p1 $0x1B800  }
0x1e5: {  	[tilespmem:s25], [sflag:$0x1] =	stream.linear.gather @!p1 [hbm4b:s6+s22], $0x7D0, $0x38;
	[tilespmem:$0x1E800] =	vst v63  }
0x1e6: {  	s2 =	sadd.s32 @!p1 s3, s2;
	s6 =	simm.s32 @!p1 $0x1C800  }
0x1e7: {  	[tilespmem:s6], [sflag:$0x1] =	stream.linear.gather @!p1 [hbm4b:s2+s22], $0x7D0, $0x38;
	[tilespmem:$0x1E800] =	vst v63  }
0x1e8: {  	_ =	swait.ge [sflag:s23], $0x7D0  }
0x1e9: {  	[sflag:s23] =	ssyncset.done $0x0  }
0x1ea: {  	[sflag:s23] =	ssyncadd.s32 $0xFFFFF830  }
0x1eb: {  	_ =	swait.ge [sflag:s23], $0x7D0  }
0x1ec: {  	[sflag:s23] =	ssyncset.done $0x0  }
0x1ed: {  	[sflag:s23] =	ssyncadd.s32 $0xFFFFF830  }
0x1ee: {  	_ =	swait.ge [sflag:s23], $0x7D0  }
0x1ef: {  	[sflag:s23] =	ssyncset.done $0x0  }
0x1f0: {  	s2 =	simm.s32 @!p0 $0x4;
	[sflag:s23] =	ssyncadd.s32 $0xFFFFF830  }
0x1f1: {  	_ =	swait.ge @!p0 [sflag:s2], $0x7D0  }
0x1f2: {  	[sflag:s2] =	ssyncset.done @!p0 $0x0  }
0x1f3: {  	s6 =	simm.s32 $0x0;
	[sflag:s2] =	ssyncadd.s32 @!p0 $0xFFFFF830  }
0x1f4: {  	v1 =	vld [tilespmem:s6+$0x1B000];
	_ =	sdelay $0x6  }
0x1f5: {  	v2 =	vld [tilespmem:s6+$0x1C000]  }
0x1f6: {  	v1 =	vld.idx.msk [tilespmem:v1+s11+$0x0], $0xffff  }
0x1f7: {  	v3 =	vld [tilespmem:s6+$0x1D000]  }
0x1f8: {  	v4 =	vld [tilespmem:s6+$0x1B010];
	_ =	sdelay $0x2  }
0x1f9: {  	v1 =	vmul.f32 v2, v1;
	_ =	sdelay $0x1  }
0x1fa: {  	v1 =	vmul.f32 v3, v1;
	_ =	sdelay $0x1  }
0x1fb: {  	v2 =	vld [tilespmem:s6+$0x1C010];
	[tilespmem:s6+$0x1E000] =	vst v1  }
0x1fc: {  	v1 =	vld.idx.msk [tilespmem:v4+s11+$0x0], $0xffff  }
0x1fd: {  	v3 =	vld [tilespmem:s6+$0x1D010]  }
0x1fe: {  	v4 =	vld [tilespmem:s6+$0x1B020];
	_ =	sdelay $0x2  }
0x1ff: {  	v1 =	vmul.f32 v2, v1;
	_ =	sdelay $0x1  }
0x200: {  	v1 =	vmul.f32 v3, v1;
	_ =	sdelay $0x1  }
0x201: {  	v2 =	vld [tilespmem:s6+$0x1C020];
	[tilespmem:s6+$0x1E010] =	vst v1  }
0x202: {  	v1 =	vld.idx.msk [tilespmem:v4+s11+$0x0], $0xffff  }
0x203: {  	v3 =	vld [tilespmem:s6+$0x1D020]  }
0x204: {  	v4 =	vld [tilespmem:s6+$0x1B030];
	_ =	sdelay $0x2  }
0x205: {  	v1 =	vmul.f32 v2, v1;
	_ =	sdelay $0x1  }
0x206: {  	v1 =	vmul.f32 v3, v1;
	_ =	sdelay $0x1  }
0x207: {  	v2 =	vld [tilespmem:s6+$0x1C030];
	[tilespmem:s6+$0x1E020] =	vst v1  }
0x208: {  	v1 =	vld.idx.msk [tilespmem:v4+s11+$0x0], $0xffff  }
0x209: {  	v3 =	vld [tilespmem:s6+$0x1D030]  }
0x20a: {  	v4 =	vld [tilespmem:s6+$0x1B040];
	_ =	sdelay $0x2  }
0x20b: {  	v1 =	vmul.f32 v2, v1;
	_ =	sdelay $0x1  }
0x20c: {  	v1 =	vmul.f32 v3, v1;
	_ =	sdelay $0x1  }
0x20d: {  	v2 =	vld [tilespmem:s6+$0x1C040];
	[tilespmem:s6+$0x1E030] =	vst v1  }
0x20e: {  	v1 =	vld.idx.msk [tilespmem:v4+s11+$0x0], $0xffff  }
0x20f: {  	s22 =	simm.s32 $0x280;
	s2 =	simm.s32 $0x50;
	v3 =	vld [tilespmem:s6+$0x1D040]  }
.LBB2_11:
0x210: {  	p0 =	sne.s32 s22, $0x1E00;
	v4 =	vld [tilespmem:s2+$0x1B000];
	_ =	sdelay $0x2  }
0x211: {  	v1 =	vmul.f32 v2, v1;
	_ =	sdelay $0x1  }
0x212: {  	v1 =	vmul.f32 v3, v1;
	_ =	sdelay $0x1  }
0x213: {  	[tilespmem:s6+$0x1E040] =	vst v1;
	s6 =	smov.u32 s2  }
0x214: {  	v1 =	vld.idx.msk [tilespmem:v4+s11+$0x0], $0xffff  }
0x215: {  	v2 =	vld [tilespmem:s6+$0x1C000]  }
0x216: {  	v3 =	vld [tilespmem:s6+$0x1D000]  }
0x217: {  	v4 =	vld [tilespmem:s6+$0x1B010];
	_ =	sdelay $0x2  }
0x218: {  	v1 =	vmul.f32 v2, v1;
	_ =	sdelay $0x1  }
0x219: {  	v1 =	vmul.f32 v3, v1;
	_ =	sdelay $0x1  }
0x21a: {  	[tilespmem:s6+$0x1E000] =	vst v1  }
0x21b: {  	v1 =	vld.idx.msk [tilespmem:v4+s11+$0x0], $0xffff  }
0x21c: {  	v2 =	vld [tilespmem:s6+$0x1C010]  }
0x21d: {  	v3 =	vld [tilespmem:s6+$0x1D010]  }
0x21e: {  	v4 =	vld [tilespmem:s6+$0x1B020];
	_ =	sdelay $0x2  }
0x21f: {  	v1 =	vmul.f32 v2, v1;
	_ =	sdelay $0x1  }
0x220: {  	v1 =	vmul.f32 v3, v1;
	_ =	sdelay $0x1  }
0x221: {  	[tilespmem:s6+$0x1E010] =	vst v1  }
0x222: {  	v1 =	vld.idx.msk [tilespmem:v4+s11+$0x0], $0xffff  }
0x223: {  	v2 =	vld [tilespmem:s6+$0x1C020]  }
0x224: {  	v3 =	vld [tilespmem:s6+$0x1D020]  }
0x225: {  	v4 =	vld [tilespmem:s6+$0x1B030];
	_ =	sdelay $0x2  }
0x226: {  	v1 =	vmul.f32 v2, v1;
	_ =	sdelay $0x1  }
0x227: {  	v1 =	vmul.f32 v3, v1;
	_ =	sdelay $0x1  }
0x228: {  	[tilespmem:s6+$0x1E020] =	vst v1  }
0x229: {  	v1 =	vld.idx.msk [tilespmem:v4+s11+$0x0], $0xffff  }
0x22a: {  	v2 =	vld [tilespmem:s6+$0x1C030]  }
0x22b: {  	v3 =	vld [tilespmem:s6+$0x1D030]  }
0x22c: {  	v4 =	vld [tilespmem:s6+$0x1B040];
	_ =	sdelay $0x2  }
0x22d: {  	v1 =	vmul.f32 v2, v1;
	_ =	sdelay $0x1  }
0x22e: {  	v1 =	vmul.f32 v3, v1  }
.Ltmp4:
0x22f: {  	(pc) =	sbr.rel @p0 .LBB2_11-.Ltmp4, $4  }
0x230: {  	[tilespmem:s6+$0x1E030] =	vst v1  }
0x231: {  	v1 =	vld.idx.msk [tilespmem:v4+s11+$0x0], $0xffff  }
0x232: {  	v2 =	vld [tilespmem:s6+$0x1C040]  }
0x233: {  	s2 =	sshra.s32 s22, $0x2;
	s22 =	sadd.s32 $0x140, s22;
	v3 =	vld [tilespmem:s6+$0x1D040]  }
0x234: {  	v4 =	vld [tilespmem:s2+$0x1B000];
	_ =	sdelay $0x2  }
0x235: {  	v1 =	vmul.f32 v2, v1;
	_ =	sdelay $0x1  }
0x236: {  	v1 =	vmul.f32 v3, v1;
	_ =	sdelay $0x1  }
0x237: {  	[tilespmem:s6+$0x1E040] =	vst v1  }
0x238: {  	v1 =	vld.idx.msk [tilespmem:v4+s11+$0x0], $0xffff  }
0x239: {  	v2 =	vld [tilespmem:s2+$0x1C000]  }
0x23a: {  	v3 =	vld [tilespmem:s2+$0x1D000]  }
0x23b: {  	v60 =	vld [tilespmem:s2+$0x1B010];
	_ =	sdelay $0x2  }
0x23c: {  	v1 =	vmul.f32 v2, v1;
	_ =	sdelay $0x1  }
0x23d: {  	v1 =	vmul.f32 v3, v1;
	_ =	sdelay $0x1  }
0x23e: {  	v2 =	vld [tilespmem:s2+$0x1C010];
	[tilespmem:s2+$0x1E000] =	vst v1  }
0x23f: {  	v1 =	vld.idx.msk [tilespmem:v60+s11+$0x0], $0xffff  }
0x240: {  	v61 =	vld [tilespmem:s2+$0x1B020]  }
0x241: {  	v3 =	vld [tilespmem:s2+$0x1D010];
	_ =	sdelay $0x2  }
0x242: {  	v1 =	vmul.f32 v2, v1;
	_ =	sdelay $0x1  }
0x243: {  	v1 =	vmul.f32 v3, v1;
	_ =	sdelay $0x1  }
0x244: {  	v2 =	vld [tilespmem:s2+$0x1C020];
	[tilespmem:s2+$0x1E010] =	vst v1  }
0x245: {  	v1 =	vld.idx.msk [tilespmem:v61+s11+$0x0], $0xffff  }
0x246: {  	v62 =	vld [tilespmem:s2+$0x1B030]  }
0x247: {  	v3 =	vld [tilespmem:s2+$0x1D020];
	_ =	sdelay $0x2  }
0x248: {  	v1 =	vmul.f32 v2, v1;
	_ =	sdelay $0x1  }
0x249: {  	v1 =	vmul.f32 v3, v1;
	_ =	sdelay $0x1  }
0x24a: {  	v2 =	vld [tilespmem:s2+$0x1C030];
	[tilespmem:s2+$0x1E020] =	vst v1  }
0x24b: {  	v1 =	vld.idx.msk [tilespmem:v62+s11+$0x0], $0xffff  }
0x24c: {  	v63 =	vld [tilespmem:s2+$0x1B040]  }
0x24d: {  	v3 =	vld [tilespmem:s2+$0x1D030];
	_ =	sdelay $0x2  }
0x24e: {  	v1 =	vmul.f32 v2, v1;
	_ =	sdelay $0x1  }
0x24f: {  	v1 =	vmul.f32 v3, v1;
	_ =	sdelay $0x1  }
0x250: {  	v2 =	vld [tilespmem:s2+$0x1C040];
	[tilespmem:s2+$0x1E030] =	vst v1  }
0x251: {  	v1 =	vld.idx.msk [tilespmem:v63+s11+$0x0], $0xffff;
	_ =	sdelay $0x1  }
0x252: {  	v3 =	vld [tilespmem:s2+$0x1D040];
	_ =	sdelay $0x1  }
0x253: {  	s26 =	sadd.s32 $0x1, s26  }
0x254: {  	p0 =	sne.s32 s26, $0x32;
	v1 =	vmul.f32 v2, v1  }
.Ltmp5:
0x255: {  	_ = 	snop;
	(pc) =	sbr.rel @p0 .LBB2_8-.Ltmp5, $3  }
0x256: {  	v1 =	vmul.f32 v3, v1;
	_ =	sdelay $0x1  }
0x257: {  	s30 =	sadd.s32 s28, s9;
	[tilespmem:s2+$0x1E040] =	vst v1  }
0x258: {  	[hbm4b:s30+s11] =	stream.linear.scatter [tilespmem:s29], [sflag:$0x4], $0x7D0, $0x38;
	[tilespmem:$0x1E800] =	vst v63  }
0x259: {  	s2 =	simm.s32 $0x3  }
0x25a: {  	_ =	swait.ge [sflag:s2], $0x7D0  }
0x25b: {  	[sflag:s2] =	ssyncset.done $0x0  }
0x25c: {  	s31 =	simm.s32 $0x4;
	[sflag:s2] =	ssyncadd.s32 $0xFFFFF830  }
0x25d: {  	_ =	swait.ge [sflag:s31], $0x7D0  }
0x25e: {  	[sflag:s31] =	ssyncset.done $0x0  }
0x25f: {  	s6 =	simm.s32 $0x200;
	s2 =	simm.s32 $0x0;
	[sflag:s31] =	ssyncadd.s32 $0xFFFFF830  }
.LBB2_14:
0x260: {  	p0 =	sne.s32 s6, $0x61E00;
	[tilespmem:s2+$0x70] =	vst v0  }
0x261: {  	[tilespmem:s2+$0x0] =	vst v0  }
0x262: {  	[tilespmem:s2+$0x10] =	vst v0  }
.Ltmp6:
0x263: {  	[tilespmem:s2+$0x20] =	vst v0;
	(pc) =	sbr.rel @p0 .LBB2_14-.Ltmp6, $4  }
0x264: {  	[tilespmem:s2+$0x30] =	vst v0  }
0x265: {  	[tilespmem:s2+$0x40] =	vst v0  }
0x266: {  	[tilespmem:s2+$0x50] =	vst v0  }
0x267: {  	[tilespmem:s2+$0x60] =	vst v0;
	s2 =	sshra.s32 s6, $0x2;
	s6 =	sadd.s32 $0x200, s6  }
0x268: {  	[tilespmem:s2+$0x70] =	vst v0  }
0x269: {  	[tilespmem:s2+$0x0] =	vst v0  }
0x26a: {  	[tilespmem:s2+$0x10] =	vst v0  }
0x26b: {  	[tilespmem:s2+$0x20] =	vst v0  }
0x26c: {  	[tilespmem:s2+$0x30] =	vst v0  }
0x26d: {  	[tilespmem:s2+$0x40] =	vst v0  }
0x26e: {  	[tilespmem:s2+$0x50] =	vst v0;
	s30 =	rddreg [dreg:$0x16]  }
0x26f: {  	[tilespmem:s2+$0x60] =	vst v0;
	s6 =	simm.s32 $0x0;
	s25 =	simm.s32 $0x18800;
	s31 =	rddreg [dreg:$0x17]  }
0x270: {  	[tilespmem:s25], [sflag:$0x1] =	stream.linear.gather [hbm4b:s30+s6], $0x7D0, $0x38;
	[tilespmem:$0x1E800] =	vst v63  }
0x271: {  	s26 =	simm.s32 $0x19800;
	s28 =	rddreg [dreg:$0x15]  }
0x272: {  	[tilespmem:s26], [sflag:$0x1] =	stream.linear.gather [hbm4b:s31+s6], $0x7D0, $0x38;
	[tilespmem:$0x1E800] =	vst v63  }
0x273: {  	s22 =	simm.s32 $0x1D800;
	s2 =	sadd.s32 s28, s9;
	s25 =	simm.s32 $0x0  }
0x274: {  	[tilespmem:s22], [sflag:$0x1] =	stream.linear.gather [hbm4b:s2+s6], $0x7D0, $0x38;
	[tilespmem:$0x1E800] =	vst v63  }
.LBB2_16:
0x275: {  	s2 =	smul.u32 $0xFA0, s25;
	_ =	sdelay $0x1  }
0x276: {  	s22 =	sadd.s32 s2, s4  }
0x277: {  	s22 =	sshrl.u32 s22, $0x3  }
0x278: {  	s26 =	sadd.s32 s0, s22  }
0x279: {  	[tilespmem:s20], [sflag:$0x2] =	stream.linear.gather [hbm4b:s26+s6], $0x7D0, $0x38;
	[tilespmem:$0x1E800] =	vst v63  }
0x27a: {  	s28 =	sadd.s32 s1, s22  }
0x27b: {  	[tilespmem:s19], [sflag:$0x2] =	stream.linear.gather [hbm4b:s28+s6], $0x7D0, $0x38;
	[tilespmem:$0x1E800] =	vst v63  }
0x27c: {  	s22 =	sadd.s32 s9, s22  }
0x27d: {  	[tilespmem:s29], [sflag:$0x2] =	stream.linear.gather [hbm4b:s22+s6], $0x7D0, $0x38;
	[tilespmem:$0x1E800] =	vst v63  }
0x27e: {  	_ =	swait.ge [sflag:s21], $0x7D0  }
0x27f: {  	[sflag:s21] =	ssyncset.done $0x0  }
0x280: {  	[sflag:s21] =	ssyncadd.s32 $0xFFFFF830  }
0x281: {  	_ =	swait.ge [sflag:s21], $0x7D0  }
0x282: {  	[sflag:s21] =	ssyncset.done $0x0  }
0x283: {  	[sflag:s21] =	ssyncadd.s32 $0xFFFFF830  }
0x284: {  	_ =	swait.ge [sflag:s21], $0x7D0  }
0x285: {  	[sflag:s21] =	ssyncset.done $0x0  }
0x286: {  	s22 =	simm.s32 $0x0;
	[sflag:s21] =	ssyncadd.s32 $0xFFFFF830  }
.LBB2_17:
0x287: {  	s26 =	sshra.s32 s22, $0x2  }
0x288: {  	v1 =	vld [tilespmem:s26+$0x18800]  }
0x289: {  	v2 =	vld [tilespmem:s26+$0x19800];
	_ =	sdelay $0x3  }
0x28a: {  	vm0 =	vgt.s32 v1, $0x0  }
0x28b: {  	v3 =	vld [tilespmem:s26+$0x1D800];
	vm7 =	vgt.s32 v2, $0x0;
	v1 =	vnsel vm0, $0x0, v1  }
0x28c: {  	v2 =	vnsel vm7, $0x0, v2;
	v1 =	vmin.u32 v1, $0x1869F  }
0x28d: {  	v2 =	vmin.u32 v2, $0x1869F;
	_ =	sdelay $0x2  }
0x28e: {  	v4 =	vsub.f32 $0.0e+00, v3  }
0x28f: {  	[tilespmem:v1+s11+$0x0] =	vst.idx.add.f32.msk $0xffff, v3  }
0x290: {  	[tilespmem:v2+s11+$0x0] =	vst.idx.add.f32.msk $0xffff, v4  }
0x291: {  	v1 =	vld [tilespmem:s26+$0x18810]  }
0x292: {  	v2 =	vld [tilespmem:s26+$0x19810];
	_ =	sdelay $0x3  }
0x293: {  	vm8 =	vgt.s32 v1, $0x0  }
0x294: {  	v3 =	vld [tilespmem:s26+$0x1D810];
	vm9 =	vgt.s32 v2, $0x0;
	v1 =	vnsel vm8, $0x0, v1  }
0x295: {  	v2 =	vnsel vm9, $0x0, v2;
	v1 =	vmin.u32 v1, $0x1869F  }
0x296: {  	v2 =	vmin.u32 v2, $0x1869F;
	_ =	sdelay $0x2  }
0x297: {  	v60 =	vsub.f32 $0.0e+00, v3  }
0x298: {  	[tilespmem:v1+s11+$0x0] =	vst.idx.add.f32.msk $0xffff, v3  }
0x299: {  	[tilespmem:v2+s11+$0x0] =	vst.idx.add.f32.msk $0xffff, v60  }
0x29a: {  	v1 =	vld [tilespmem:s26+$0x18820]  }
0x29b: {  	v2 =	vld [tilespmem:s26+$0x19820];
	_ =	sdelay $0x3  }
0x29c: {  	vm10 =	vgt.s32 v1, $0x0  }
0x29d: {  	v3 =	vld [tilespmem:s26+$0x1D820];
	vm11 =	vgt.s32 v2, $0x0;
	v1 =	vnsel vm10, $0x0, v1  }
0x29e: {  	v2 =	vnsel vm11, $0x0, v2;
	v1 =	vmin.u32 v1, $0x1869F  }
0x29f: {  	v2 =	vmin.u32 v2, $0x1869F;
	_ =	sdelay $0x2  }
0x2a0: {  	v61 =	vsub.f32 $0.0e+00, v3  }
0x2a1: {  	[tilespmem:v1+s11+$0x0] =	vst.idx.add.f32.msk $0xffff, v3  }
0x2a2: {  	[tilespmem:v2+s11+$0x0] =	vst.idx.add.f32.msk $0xffff, v61  }
0x2a3: {  	v1 =	vld [tilespmem:s26+$0x18830]  }
0x2a4: {  	v2 =	vld [tilespmem:s26+$0x19830];
	_ =	sdelay $0x3  }
0x2a5: {  	vm12 =	vgt.s32 v1, $0x0  }
0x2a6: {  	v3 =	vld [tilespmem:s26+$0x1D830];
	vm13 =	vgt.s32 v2, $0x0;
	v1 =	vnsel vm12, $0x0, v1  }
0x2a7: {  	v2 =	vnsel vm13, $0x0, v2;
	v1 =	vmin.u32 v1, $0x1869F  }
0x2a8: {  	v2 =	vmin.u32 v2, $0x1869F;
	_ =	sdelay $0x2  }
0x2a9: {  	v62 =	vsub.f32 $0.0e+00, v3  }
0x2aa: {  	[tilespmem:v1+s11+$0x0] =	vst.idx.add.f32.msk $0xffff, v3  }
0x2ab: {  	[tilespmem:v2+s11+$0x0] =	vst.idx.add.f32.msk $0xffff, v62  }
0x2ac: {  	v1 =	vld [tilespmem:s26+$0x18840]  }
0x2ad: {  	v2 =	vld [tilespmem:s26+$0x19840];
	_ =	sdelay $0x3  }
0x2ae: {  	vm14 =	vgt.s32 v1, $0x0  }
0x2af: {  	v3 =	vld [tilespmem:s26+$0x1D840];
	vm15 =	vgt.s32 v2, $0x0;
	v1 =	vnsel vm14, $0x0, v1  }
0x2b0: {  	v2 =	vnsel vm15, $0x0, v2;
	v1 =	vmin.u32 v1, $0x1869F  }
0x2b1: {  	p0 =	sne.s32 s22, $0x1E00;
	v2 =	vmin.u32 v2, $0x1869F  }
.Ltmp7:
0x2b2: {  	_ = 	snop;
	(pc) =	sbr.rel @p0 .LBB2_17-.Ltmp7, $4  }
0x2b3: {  	_ = 	snop  }
0x2b4: {  	v63 =	vsub.f32 $0.0e+00, v3  }
0x2b5: {  	[tilespmem:v1+s11+$0x0] =	vst.idx.add.f32.msk $0xffff, v3  }
0x2b6: {  	s22 =	sadd.s32 $0x140, s22;
	[tilespmem:v2+s11+$0x0] =	vst.idx.add.f32.msk $0xffff, v63  }
0x2b7: {  	p0 =	seq.s32 s25, $0x31  }
0x2b8: {  	s2 =	sadd.s32 @!p0 s2, s8  }
0x2b9: {  	s2 =	sshrl.u32 @!p0 s2, $0x3  }
0x2ba: {  	s26 =	simm.s32 @!p0 $0x0;
	s28 =	simm.s32 @!p0 $0x18800;
	s22 =	sadd.s32 @!p0 s0, s2  }
0x2bb: {  	[tilespmem:s28], [sflag:$0x1] =	stream.linear.gather @!p0 [hbm4b:s22+s26], $0x7D0, $0x38;
	[tilespmem:$0x1E800] =	vst v63  }
0x2bc: {  	s22 =	sadd.s32 @!p0 s1, s2;
	s28 =	simm.s32 @!p0 $0x19800  }
0x2bd: {  	[tilespmem:s28], [sflag:$0x1] =	stream.linear.gather @!p0 [hbm4b:s22+s26], $0x7D0, $0x38;
	[tilespmem:$0x1E800] =	vst v63  }
0x2be: {  	s2 =	sadd.s32 @!p0 s9, s2;
	s22 =	simm.s32 @!p0 $0x1D800  }
0x2bf: {  	[tilespmem:s22], [sflag:$0x1] =	stream.linear.gather @!p0 [hbm4b:s2+s26], $0x7D0, $0x38;
	[tilespmem:$0x1E800] =	vst v63  }
0x2c0: {  	_ =	swait.ge [sflag:s23], $0x7D0  }
0x2c1: {  	[sflag:s23] =	ssyncset.done $0x0  }
0x2c2: {  	[sflag:s23] =	ssyncadd.s32 $0xFFFFF830  }
0x2c3: {  	_ =	swait.ge [sflag:s23], $0x7D0  }
0x2c4: {  	[sflag:s23] =	ssyncset.done $0x0  }
0x2c5: {  	[sflag:s23] =	ssyncadd.s32 $0xFFFFF830  }
0x2c6: {  	_ =	swait.ge [sflag:s23], $0x7D0  }
0x2c7: {  	[sflag:s23] =	ssyncset.done $0x0  }
0x2c8: {  	s2 =	simm.s32 $0x0;
	[sflag:s23] =	ssyncadd.s32 $0xFFFFF830  }
.LBB2_19:
0x2c9: {  	s22 =	sshra.s32 s2, $0x2  }
0x2ca: {  	v1 =	vld [tilespmem:s22+$0x19000]  }
0x2cb: {  	v2 =	vld [tilespmem:s22+$0x1A000];
	_ =	sdelay $0x3  }
0x2cc: {  	vm0 =	vgt.s32 v1, $0x0  }
0x2cd: {  	v3 =	vld [tilespmem:s22+$0x1E000];
	vm7 =	vgt.s32 v2, $0x0;
	v1 =	vnsel vm0, $0x0, v1  }
0x2ce: {  	v2 =	vnsel vm7, $0x0, v2;
	v1 =	vmin.u32 v1, $0x1869F  }
0x2cf: {  	v2 =	vmin.u32 v2, $0x1869F;
	_ =	sdelay $0x2  }
0x2d0: {  	v4 =	vsub.f32 $0.0e+00, v3  }
0x2d1: {  	[tilespmem:v1+s11+$0x0] =	vst.idx.add.f32.msk $0xffff, v3  }
0x2d2: {  	[tilespmem:v2+s11+$0x0] =	vst.idx.add.f32.msk $0xffff, v4  }
0x2d3: {  	v1 =	vld [tilespmem:s22+$0x19010]  }
0x2d4: {  	v2 =	vld [tilespmem:s22+$0x1A010];
	_ =	sdelay $0x3  }
0x2d5: {  	vm8 =	vgt.s32 v1, $0x0  }
0x2d6: {  	v3 =	vld [tilespmem:s22+$0x1E010];
	vm9 =	vgt.s32 v2, $0x0;
	v1 =	vnsel vm8, $0x0, v1  }
0x2d7: {  	v2 =	vnsel vm9, $0x0, v2;
	v1 =	vmin.u32 v1, $0x1869F  }
0x2d8: {  	v2 =	vmin.u32 v2, $0x1869F;
	_ =	sdelay $0x2  }
0x2d9: {  	v60 =	vsub.f32 $0.0e+00, v3  }
0x2da: {  	[tilespmem:v1+s11+$0x0] =	vst.idx.add.f32.msk $0xffff, v3  }
0x2db: {  	[tilespmem:v2+s11+$0x0] =	vst.idx.add.f32.msk $0xffff, v60  }
0x2dc: {  	v1 =	vld [tilespmem:s22+$0x19020]  }
0x2dd: {  	v2 =	vld [tilespmem:s22+$0x1A020];
	_ =	sdelay $0x3  }
0x2de: {  	vm10 =	vgt.s32 v1, $0x0  }
0x2df: {  	v3 =	vld [tilespmem:s22+$0x1E020];
	vm11 =	vgt.s32 v2, $0x0;
	v1 =	vnsel vm10, $0x0, v1  }
0x2e0: {  	v2 =	vnsel vm11, $0x0, v2;
	v1 =	vmin.u32 v1, $0x1869F  }
0x2e1: {  	v2 =	vmin.u32 v2, $0x1869F;
	_ =	sdelay $0x2  }
0x2e2: {  	v61 =	vsub.f32 $0.0e+00, v3  }
0x2e3: {  	[tilespmem:v1+s11+$0x0] =	vst.idx.add.f32.msk $0xffff, v3  }
0x2e4: {  	[tilespmem:v2+s11+$0x0] =	vst.idx.add.f32.msk $0xffff, v61  }
0x2e5: {  	v1 =	vld [tilespmem:s22+$0x19030]  }
0x2e6: {  	v2 =	vld [tilespmem:s22+$0x1A030];
	_ =	sdelay $0x3  }
0x2e7: {  	vm12 =	vgt.s32 v1, $0x0  }
0x2e8: {  	v3 =	vld [tilespmem:s22+$0x1E030];
	vm13 =	vgt.s32 v2, $0x0;
	v1 =	vnsel vm12, $0x0, v1  }
0x2e9: {  	v2 =	vnsel vm13, $0x0, v2;
	v1 =	vmin.u32 v1, $0x1869F  }
0x2ea: {  	v2 =	vmin.u32 v2, $0x1869F;
	_ =	sdelay $0x2  }
0x2eb: {  	v62 =	vsub.f32 $0.0e+00, v3  }
0x2ec: {  	[tilespmem:v1+s11+$0x0] =	vst.idx.add.f32.msk $0xffff, v3  }
0x2ed: {  	[tilespmem:v2+s11+$0x0] =	vst.idx.add.f32.msk $0xffff, v62  }
0x2ee: {  	v1 =	vld [tilespmem:s22+$0x19040]  }
0x2ef: {  	v2 =	vld [tilespmem:s22+$0x1A040];
	_ =	sdelay $0x3  }
0x2f0: {  	vm14 =	vgt.s32 v1, $0x0  }
0x2f1: {  	v3 =	vld [tilespmem:s22+$0x1E040];
	vm15 =	vgt.s32 v2, $0x0;
	v1 =	vnsel vm14, $0x0, v1  }
0x2f2: {  	v2 =	vnsel vm15, $0x0, v2;
	v1 =	vmin.u32 v1, $0x1869F  }
0x2f3: {  	p0 =	sne.s32 s2, $0x1E00;
	v2 =	vmin.u32 v2, $0x1869F  }
.Ltmp8:
0x2f4: {  	_ = 	snop;
	(pc) =	sbr.rel @p0 .LBB2_19-.Ltmp8, $4  }
0x2f5: {  	_ = 	snop  }
0x2f6: {  	v63 =	vsub.f32 $0.0e+00, v3  }
0x2f7: {  	[tilespmem:v1+s11+$0x0] =	vst.idx.add.f32.msk $0xffff, v3  }
0x2f8: {  	s2 =	sadd.s32 $0x140, s2;
	[tilespmem:v2+s11+$0x0] =	vst.idx.add.f32.msk $0xffff, v63  }
0x2f9: {  	s25 =	sadd.s32 $0x1, s25  }
0x2fa: {  	p0 =	sne.s32 s25, $0x32  }
.Ltmp9:
0x2fb: {  	_ = 	snop;
	(pc) =	sbr.rel @p0 .LBB2_16-.Ltmp9, $1  }
0x2fc: {  	_ =	sdelay $0x3  }
0x2fd: {  	s2 =	rddreg [dreg:$0x10]  }
0x2fe: {  	[hbm4b:s2+s11] =	stream.linear.scatter [tilespmem:s11], [sflag:$0x5], $0x18800, $0x38;
	[tilespmem:$0x1E800] =	vst v63  }
0x2ff: {  	_ =	swait.ge [sflag:s15], $0x18800  }
0x300: {  	[sflag:s15] =	ssyncset.done $0x0  }
0x301: {  	[sflag:s15] =	ssyncadd.s32 $0xFFFE7800  }
0x302: {  	[bflag:$0x0] =	sbarrier.arrive $0xFFFF  }
0x303: {  	s26 =	simm.s32 $0x1B800;
	s28 =	rddreg [dreg:$0x11]  }
0x304: {  	[tilespmem:s26], [sflag:$0x5] =	stream.linear.gather [hbm4b:s28+s11], $0x620, $0x38;
	[tilespmem:$0x1E800] =	vst v63  }
0x305: {  	_ =	swait.ge [sflag:s15], $0x620  }
0x306: {  	[sflag:s15] =	ssyncset.done $0x0  }
0x307: {  	s2 =	simm.s32 $0x1;
	[sflag:s15] =	ssyncadd.s32 $0xFFFFF9E0  }
.LBB2_22:
0x308: {  	s6 =	sadd.s32 s13, s2  }
0x309: {  	s6 =	smul.u32 $0x18800, s6;
	_ =	sdelay $0x1  }
0x30a: {  	s6 =	sadd.s32 s12, s6  }
0x30b: {  	s6 =	sshrl.u32 s6, $0x3  }
0x30c: {  	s22 =	simm.s32 $0x0;
	s6 =	sadd.s32 s10, s6  }
0x30d: {  	[tilespmem:s5], [sflag:$0x5] =	stream.linear.gather [hbm4b:s6+s22], $0x620, $0x38;
	[tilespmem:$0x1E800] =	vst v63  }
0x30e: {  	_ =	swait.ge [sflag:s15], $0x620  }
0x30f: {  	[sflag:s15] =	ssyncset.done $0x0  }
0x310: {  	s6 =	simm.s32 $0x0;
	[sflag:s15] =	ssyncadd.s32 $0xFFFFF9E0  }
0x311: {  	v7 =	vld [tilespmem:s6+$0x1C800]  }
0x312: {  	v6 =	vld [tilespmem:s6+$0x1C810]  }
0x313: {  	v5 =	vld [tilespmem:s6+$0x1C820]  }
0x314: {  	v4 =	vld [tilespmem:s6+$0x1C830]  }
0x315: {  	v3 =	vld [tilespmem:s6+$0x1C840]  }
0x316: {  	v2 =	vld [tilespmem:s6+$0x1C850]  }
0x317: {  	v1 =	vld [tilespmem:s6+$0x1C860]  }
0x318: {  	v12 =	vld [tilespmem:s6+$0x1B800]  }
0x319: {  	v11 =	vld [tilespmem:s6+$0x1B810]  }
0x31a: {  	v10 =	vld [tilespmem:s6+$0x1B820]  }
0x31b: {  	v9 =	vld [tilespmem:s6+$0x1B830]  }
0x31c: {  	v8 =	vld [tilespmem:s6+$0x1B840]  }
0x31d: {  	s22 =	simm.s32 $0x1C0;
	v12 =	vadd.f32 v7, v12;
	v7 =	vld [tilespmem:s6+$0x1B850]  }
.LBB2_23:
0x31e: {  	s25 =	sshra.s32 s22, $0x2;
	p0 =	sne.s32 s22, $0x16C0;
	v11 =	vadd.f32 v6, v11;
	v13 =	vld [tilespmem:s6+$0x1B860]  }
0x31f: {  	v14 =	vld [tilespmem:s25+$0x1C800];
	[tilespmem:s6+$0x1B800] =	vst v12;
	v10 =	vadd.f32 v5, v10  }
0x320: {  	v6 =	vld [tilespmem:s25+$0x1C810];
	[tilespmem:s6+$0x1B810] =	vst v11;
	v9 =	vadd.f32 v4, v9  }
0x321: {  	v5 =	vld [tilespmem:s25+$0x1C820];
	[tilespmem:s6+$0x1B820] =	vst v10;
	v8 =	vadd.f32 v3, v8  }
0x322: {  	v4 =	vld [tilespmem:s25+$0x1C830];
	[tilespmem:s6+$0x1B830] =	vst v9;
	v7 =	vadd.f32 v2, v7  }
0x323: {  	v3 =	vld [tilespmem:s25+$0x1C840];
	[tilespmem:s6+$0x1B840] =	vst v8;
	v8 =	vadd.f32 v1, v13  }
0x324: {  	v2 =	vld [tilespmem:s25+$0x1C850];
	[tilespmem:s6+$0x1B850] =	vst v7  }
0x325: {  	v1 =	vld [tilespmem:s25+$0x1C860];
	[tilespmem:s6+$0x1B860] =	vst v8;
	s6 =	smov.u32 s25  }
0x326: {  	v7 =	vld [tilespmem:s6+$0x1B800]  }
.Ltmp10:
0x327: {  	v11 =	vld [tilespmem:s6+$0x1B810];
	(pc) =	sbr.rel @p0 .LBB2_23-.Ltmp10, $4  }
0x328: {  	v10 =	vld [tilespmem:s6+$0x1B820]  }
0x329: {  	v9 =	vld [tilespmem:s6+$0x1B830]  }
0x32a: {  	v8 =	vld [tilespmem:s6+$0x1B840]  }
0x32b: {  	s22 =	sadd.s32 $0x1C0, s22;
	v12 =	vadd.f32 v14, v7;
	v7 =	vld [tilespmem:s6+$0x1B850]  }
0x32c: {  	v6 =	vadd.f32 v6, v11;
	v63 =	vld [tilespmem:s6+$0x1B860]  }
0x32d: {  	s2 =	sadd.s32 $0x1, s2;
	[tilespmem:s6+$0x1B800] =	vst v12;
	v5 =	vadd.f32 v5, v10  }
0x32e: {  	p0 =	sne.s32 s2, $0x10;
	[tilespmem:s6+$0x1B810] =	vst v6;
	v4 =	vadd.f32 v4, v9  }
.Ltmp11:
0x32f: {  	[tilespmem:s6+$0x1B820] =	vst v5;
	v3 =	vadd.f32 v3, v8;
	(pc) =	sbr.rel @p0 .LBB2_22-.Ltmp11, $4  }
0x330: {  	[tilespmem:s6+$0x1B830] =	vst v4;
	v2 =	vadd.f32 v2, v7  }
0x331: {  	[tilespmem:s6+$0x1B840] =	vst v3;
	v1 =	vadd.f32 v1, v63  }
0x332: {  	[tilespmem:s6+$0x1B850] =	vst v2  }
0x333: {  	[tilespmem:s6+$0x1B860] =	vst v1  }
0x334: {  	s2 =	rddreg [dreg:$0xb]  }
0x335: {  	[hbm4b:s2+s11] =	stream.linear.scatter [tilespmem:s26], [sflag:$0x5], $0x620, $0x38;
	[tilespmem:$0x1E800] =	vst v63  }
0x336: {  	_ =	swait.ge [sflag:s15], $0x620  }
0x337: {  	[sflag:s15] =	ssyncset.done $0x0  }
0x338: {  	s28 =	rddreg [dreg:$0x12];
	[sflag:s15] =	ssyncadd.s32 $0xFFFFF9E0  }
0x339: {  	[tilespmem:s26], [sflag:$0x5] =	stream.linear.gather [hbm4b:s28+s11], $0x620, $0x38;
	[tilespmem:$0x1E800] =	vst v63  }
0x33a: {  	_ =	swait.ge [sflag:s15], $0x620  }
0x33b: {  	[sflag:s15] =	ssyncset.done $0x0  }
0x33c: {  	s2 =	simm.s32 $0x1;
	[sflag:s15] =	ssyncadd.s32 $0xFFFFF9E0  }
.LBB2_26:
0x33d: {  	s6 =	sadd.s32 s13, s2  }
0x33e: {  	s6 =	smul.u32 $0x18800, s6;
	_ =	sdelay $0x1  }
0x33f: {  	s6 =	sadd.s32 s16, s6  }
0x340: {  	s6 =	sshrl.u32 s6, $0x3  }
0x341: {  	s22 =	simm.s32 $0x0;
	s6 =	sadd.s32 s10, s6  }
0x342: {  	[tilespmem:s5], [sflag:$0x5] =	stream.linear.gather [hbm4b:s6+s22], $0x620, $0x38;
	[tilespmem:$0x1E800] =	vst v63  }
0x343: {  	_ =	swait.ge [sflag:s15], $0x620  }
0x344: {  	[sflag:s15] =	ssyncset.done $0x0  }
0x345: {  	s6 =	simm.s32 $0x0;
	[sflag:s15] =	ssyncadd.s32 $0xFFFFF9E0  }
0x346: {  	v7 =	vld [tilespmem:s6+$0x1C800]  }
0x347: {  	v6 =	vld [tilespmem:s6+$0x1C810]  }
0x348: {  	v5 =	vld [tilespmem:s6+$0x1C820]  }
0x349: {  	v4 =	vld [tilespmem:s6+$0x1C830]  }
0x34a: {  	v3 =	vld [tilespmem:s6+$0x1C840]  }
0x34b: {  	v2 =	vld [tilespmem:s6+$0x1C850]  }
0x34c: {  	v1 =	vld [tilespmem:s6+$0x1C860]  }
0x34d: {  	v12 =	vld [tilespmem:s6+$0x1B800]  }
0x34e: {  	v11 =	vld [tilespmem:s6+$0x1B810]  }
0x34f: {  	v10 =	vld [tilespmem:s6+$0x1B820]  }
0x350: {  	v9 =	vld [tilespmem:s6+$0x1B830]  }
0x351: {  	v8 =	vld [tilespmem:s6+$0x1B840]  }
0x352: {  	s22 =	simm.s32 $0x1C0;
	v12 =	vadd.f32 v7, v12;
	v7 =	vld [tilespmem:s6+$0x1B850]  }
.LBB2_27:
0x353: {  	s25 =	sshra.s32 s22, $0x2;
	p0 =	sne.s32 s22, $0x16C0;
	v11 =	vadd.f32 v6, v11;
	v13 =	vld [tilespmem:s6+$0x1B860]  }
0x354: {  	v14 =	vld [tilespmem:s25+$0x1C800];
	[tilespmem:s6+$0x1B800] =	vst v12;
	v10 =	vadd.f32 v5, v10  }
0x355: {  	v6 =	vld [tilespmem:s25+$0x1C810];
	[tilespmem:s6+$0x1B810] =	vst v11;
	v9 =	vadd.f32 v4, v9  }
0x356: {  	v5 =	vld [tilespmem:s25+$0x1C820];
	[tilespmem:s6+$0x1B820] =	vst v10;
	v8 =	vadd.f32 v3, v8  }
0x357: {  	v4 =	vld [tilespmem:s25+$0x1C830];
	[tilespmem:s6+$0x1B830] =	vst v9;
	v7 =	vadd.f32 v2, v7  }
0x358: {  	v3 =	vld [tilespmem:s25+$0x1C840];
	[tilespmem:s6+$0x1B840] =	vst v8;
	v8 =	vadd.f32 v1, v13  }
0x359: {  	v2 =	vld [tilespmem:s25+$0x1C850];
	[tilespmem:s6+$0x1B850] =	vst v7  }
0x35a: {  	v1 =	vld [tilespmem:s25+$0x1C860];
	[tilespmem:s6+$0x1B860] =	vst v8;
	s6 =	smov.u32 s25  }
0x35b: {  	v7 =	vld [tilespmem:s6+$0x1B800]  }
.Ltmp12:
0x35c: {  	v11 =	vld [tilespmem:s6+$0x1B810];
	(pc) =	sbr.rel @p0 .LBB2_27-.Ltmp12, $4  }
0x35d: {  	v10 =	vld [tilespmem:s6+$0x1B820]  }
0x35e: {  	v9 =	vld [tilespmem:s6+$0x1B830]  }
0x35f: {  	v8 =	vld [tilespmem:s6+$0x1B840]  }
0x360: {  	s22 =	sadd.s32 $0x1C0, s22;
	v12 =	vadd.f32 v14, v7;
	v7 =	vld [tilespmem:s6+$0x1B850]  }
0x361: {  	v6 =	vadd.f32 v6, v11;
	v63 =	vld [tilespmem:s6+$0x1B860]  }
0x362: {  	s2 =	sadd.s32 $0x1, s2;
	[tilespmem:s6+$0x1B800] =	vst v12;
	v5 =	vadd.f32 v5, v10  }
0x363: {  	p0 =	sne.s32 s2, $0x10;
	[tilespmem:s6+$0x1B810] =	vst v6;
	v4 =	vadd.f32 v4, v9  }
.Ltmp13:
0x364: {  	[tilespmem:s6+$0x1B820] =	vst v5;
	v3 =	vadd.f32 v3, v8;
	(pc) =	sbr.rel @p0 .LBB2_26-.Ltmp13, $4  }
0x365: {  	[tilespmem:s6+$0x1B830] =	vst v4;
	v2 =	vadd.f32 v2, v7  }
0x366: {  	[tilespmem:s6+$0x1B840] =	vst v3;
	v1 =	vadd.f32 v1, v63  }
0x367: {  	[tilespmem:s6+$0x1B850] =	vst v2  }
0x368: {  	[tilespmem:s6+$0x1B860] =	vst v1  }
0x369: {  	s2 =	rddreg [dreg:$0xc]  }
0x36a: {  	[hbm4b:s2+s11] =	stream.linear.scatter [tilespmem:s26], [sflag:$0x5], $0x620, $0x38;
	[tilespmem:$0x1E800] =	vst v63  }
0x36b: {  	_ =	swait.ge [sflag:s15], $0x620  }
0x36c: {  	[sflag:s15] =	ssyncset.done $0x0  }
0x36d: {  	s28 =	rddreg [dreg:$0x13];
	[sflag:s15] =	ssyncadd.s32 $0xFFFFF9E0  }
0x36e: {  	[tilespmem:s26], [sflag:$0x5] =	stream.linear.gather [hbm4b:s28+s11], $0x620, $0x38;
	[tilespmem:$0x1E800] =	vst v63  }
0x36f: {  	_ =	swait.ge [sflag:s15], $0x620  }
0x370: {  	[sflag:s15] =	ssyncset.done $0x0  }
0x371: {  	s2 =	simm.s32 $0x1;
	[sflag:s15] =	ssyncadd.s32 $0xFFFFF9E0  }
.LBB2_30:
0x372: {  	s6 =	sadd.s32 s13, s2  }
0x373: {  	s6 =	smul.u32 $0x18800, s6;
	_ =	sdelay $0x1  }
0x374: {  	s6 =	sadd.s32 s17, s6  }
0x375: {  	s6 =	sshrl.u32 s6, $0x3  }
0x376: {  	s22 =	simm.s32 $0x0;
	s6 =	sadd.s32 s10, s6  }
0x377: {  	[tilespmem:s5], [sflag:$0x5] =	stream.linear.gather [hbm4b:s6+s22], $0x620, $0x38;
	[tilespmem:$0x1E800] =	vst v63  }
0x378: {  	_ =	swait.ge [sflag:s15], $0x620  }
0x379: {  	[sflag:s15] =	ssyncset.done $0x0  }
0x37a: {  	s6 =	simm.s32 $0x0;
	[sflag:s15] =	ssyncadd.s32 $0xFFFFF9E0  }
0x37b: {  	v7 =	vld [tilespmem:s6+$0x1C800]  }
0x37c: {  	v6 =	vld [tilespmem:s6+$0x1C810]  }
0x37d: {  	v5 =	vld [tilespmem:s6+$0x1C820]  }
0x37e: {  	v4 =	vld [tilespmem:s6+$0x1C830]  }
0x37f: {  	v3 =	vld [tilespmem:s6+$0x1C840]  }
0x380: {  	v2 =	vld [tilespmem:s6+$0x1C850]  }
0x381: {  	v1 =	vld [tilespmem:s6+$0x1C860]  }
0x382: {  	v12 =	vld [tilespmem:s6+$0x1B800]  }
0x383: {  	v11 =	vld [tilespmem:s6+$0x1B810]  }
0x384: {  	v10 =	vld [tilespmem:s6+$0x1B820]  }
0x385: {  	v9 =	vld [tilespmem:s6+$0x1B830]  }
0x386: {  	v8 =	vld [tilespmem:s6+$0x1B840]  }
0x387: {  	s22 =	simm.s32 $0x1C0;
	v12 =	vadd.f32 v7, v12;
	v7 =	vld [tilespmem:s6+$0x1B850]  }
.LBB2_31:
0x388: {  	s25 =	sshra.s32 s22, $0x2;
	p0 =	sne.s32 s22, $0x16C0;
	v11 =	vadd.f32 v6, v11;
	v13 =	vld [tilespmem:s6+$0x1B860]  }
0x389: {  	v14 =	vld [tilespmem:s25+$0x1C800];
	[tilespmem:s6+$0x1B800] =	vst v12;
	v10 =	vadd.f32 v5, v10  }
0x38a: {  	v6 =	vld [tilespmem:s25+$0x1C810];
	[tilespmem:s6+$0x1B810] =	vst v11;
	v9 =	vadd.f32 v4, v9  }
0x38b: {  	v5 =	vld [tilespmem:s25+$0x1C820];
	[tilespmem:s6+$0x1B820] =	vst v10;
	v8 =	vadd.f32 v3, v8  }
0x38c: {  	v4 =	vld [tilespmem:s25+$0x1C830];
	[tilespmem:s6+$0x1B830] =	vst v9;
	v7 =	vadd.f32 v2, v7  }
0x38d: {  	v3 =	vld [tilespmem:s25+$0x1C840];
	[tilespmem:s6+$0x1B840] =	vst v8;
	v8 =	vadd.f32 v1, v13  }
0x38e: {  	v2 =	vld [tilespmem:s25+$0x1C850];
	[tilespmem:s6+$0x1B850] =	vst v7  }
0x38f: {  	v1 =	vld [tilespmem:s25+$0x1C860];
	[tilespmem:s6+$0x1B860] =	vst v8;
	s6 =	smov.u32 s25  }
0x390: {  	v7 =	vld [tilespmem:s6+$0x1B800]  }
.Ltmp14:
0x391: {  	v11 =	vld [tilespmem:s6+$0x1B810];
	(pc) =	sbr.rel @p0 .LBB2_31-.Ltmp14, $4  }
0x392: {  	v10 =	vld [tilespmem:s6+$0x1B820]  }
0x393: {  	v9 =	vld [tilespmem:s6+$0x1B830]  }
0x394: {  	v8 =	vld [tilespmem:s6+$0x1B840]  }
0x395: {  	s22 =	sadd.s32 $0x1C0, s22;
	v12 =	vadd.f32 v14, v7;
	v7 =	vld [tilespmem:s6+$0x1B850]  }
0x396: {  	v6 =	vadd.f32 v6, v11;
	v63 =	vld [tilespmem:s6+$0x1B860]  }
0x397: {  	s2 =	sadd.s32 $0x1, s2;
	[tilespmem:s6+$0x1B800] =	vst v12;
	v5 =	vadd.f32 v5, v10  }
0x398: {  	p0 =	sne.s32 s2, $0x10;
	[tilespmem:s6+$0x1B810] =	vst v6;
	v4 =	vadd.f32 v4, v9  }
.Ltmp15:
0x399: {  	[tilespmem:s6+$0x1B820] =	vst v5;
	v3 =	vadd.f32 v3, v8;
	(pc) =	sbr.rel @p0 .LBB2_30-.Ltmp15, $4  }
0x39a: {  	[tilespmem:s6+$0x1B830] =	vst v4;
	v2 =	vadd.f32 v2, v7  }
0x39b: {  	[tilespmem:s6+$0x1B840] =	vst v3;
	v1 =	vadd.f32 v1, v63  }
0x39c: {  	[tilespmem:s6+$0x1B850] =	vst v2  }
0x39d: {  	[tilespmem:s6+$0x1B860] =	vst v1  }
0x39e: {  	s2 =	rddreg [dreg:$0xd]  }
0x39f: {  	[hbm4b:s2+s11] =	stream.linear.scatter [tilespmem:s26], [sflag:$0x5], $0x620, $0x38;
	[tilespmem:$0x1E800] =	vst v63  }
0x3a0: {  	_ =	swait.ge [sflag:s15], $0x620  }
0x3a1: {  	[sflag:s15] =	ssyncset.done $0x0  }
0x3a2: {  	s28 =	rddreg [dreg:$0x14];
	[sflag:s15] =	ssyncadd.s32 $0xFFFFF9E0  }
0x3a3: {  	[tilespmem:s26], [sflag:$0x5] =	stream.linear.gather [hbm4b:s28+s11], $0x620, $0x38;
	[tilespmem:$0x1E800] =	vst v63  }
0x3a4: {  	_ =	swait.ge [sflag:s15], $0x620  }
0x3a5: {  	[sflag:s15] =	ssyncset.done $0x0  }
0x3a6: {  	s2 =	simm.s32 $0x1;
	[sflag:s15] =	ssyncadd.s32 $0xFFFFF9E0  }
.LBB2_34:
0x3a7: {  	s6 =	sadd.s32 s13, s2  }
0x3a8: {  	s6 =	smul.u32 $0x18800, s6;
	_ =	sdelay $0x1  }
0x3a9: {  	s6 =	sadd.s32 s18, s6  }
0x3aa: {  	s6 =	sshrl.u32 s6, $0x3  }
0x3ab: {  	s22 =	simm.s32 $0x0;
	s6 =	sadd.s32 s10, s6  }
0x3ac: {  	[tilespmem:s5], [sflag:$0x5] =	stream.linear.gather [hbm4b:s6+s22], $0x620, $0x38;
	[tilespmem:$0x1E800] =	vst v63  }
0x3ad: {  	_ =	swait.ge [sflag:s15], $0x620  }
0x3ae: {  	[sflag:s15] =	ssyncset.done $0x0  }
0x3af: {  	s6 =	simm.s32 $0x0;
	[sflag:s15] =	ssyncadd.s32 $0xFFFFF9E0  }
0x3b0: {  	v7 =	vld [tilespmem:s6+$0x1C800]  }
0x3b1: {  	v6 =	vld [tilespmem:s6+$0x1C810]  }
0x3b2: {  	v5 =	vld [tilespmem:s6+$0x1C820]  }
0x3b3: {  	v4 =	vld [tilespmem:s6+$0x1C830]  }
0x3b4: {  	v3 =	vld [tilespmem:s6+$0x1C840]  }
0x3b5: {  	v2 =	vld [tilespmem:s6+$0x1C850]  }
0x3b6: {  	v1 =	vld [tilespmem:s6+$0x1C860]  }
0x3b7: {  	v12 =	vld [tilespmem:s6+$0x1B800]  }
0x3b8: {  	v11 =	vld [tilespmem:s6+$0x1B810]  }
0x3b9: {  	v10 =	vld [tilespmem:s6+$0x1B820]  }
0x3ba: {  	v9 =	vld [tilespmem:s6+$0x1B830]  }
0x3bb: {  	v8 =	vld [tilespmem:s6+$0x1B840]  }
0x3bc: {  	s22 =	simm.s32 $0x1C0;
	v12 =	vadd.f32 v7, v12;
	v7 =	vld [tilespmem:s6+$0x1B850]  }
.LBB2_35:
0x3bd: {  	s25 =	sshra.s32 s22, $0x2;
	p0 =	sne.s32 s22, $0x16C0;
	v11 =	vadd.f32 v6, v11;
	v13 =	vld [tilespmem:s6+$0x1B860]  }
0x3be: {  	v14 =	vld [tilespmem:s25+$0x1C800];
	[tilespmem:s6+$0x1B800] =	vst v12;
	v10 =	vadd.f32 v5, v10  }
0x3bf: {  	v6 =	vld [tilespmem:s25+$0x1C810];
	[tilespmem:s6+$0x1B810] =	vst v11;
	v9 =	vadd.f32 v4, v9  }
0x3c0: {  	v5 =	vld [tilespmem:s25+$0x1C820];
	[tilespmem:s6+$0x1B820] =	vst v10;
	v8 =	vadd.f32 v3, v8  }
0x3c1: {  	v4 =	vld [tilespmem:s25+$0x1C830];
	[tilespmem:s6+$0x1B830] =	vst v9;
	v7 =	vadd.f32 v2, v7  }
0x3c2: {  	v3 =	vld [tilespmem:s25+$0x1C840];
	[tilespmem:s6+$0x1B840] =	vst v8;
	v8 =	vadd.f32 v1, v13  }
0x3c3: {  	v2 =	vld [tilespmem:s25+$0x1C850];
	[tilespmem:s6+$0x1B850] =	vst v7  }
0x3c4: {  	v1 =	vld [tilespmem:s25+$0x1C860];
	[tilespmem:s6+$0x1B860] =	vst v8;
	s6 =	smov.u32 s25  }
0x3c5: {  	v7 =	vld [tilespmem:s6+$0x1B800]  }
.Ltmp16:
0x3c6: {  	v11 =	vld [tilespmem:s6+$0x1B810];
	(pc) =	sbr.rel @p0 .LBB2_35-.Ltmp16, $4  }
0x3c7: {  	v10 =	vld [tilespmem:s6+$0x1B820]  }
0x3c8: {  	v9 =	vld [tilespmem:s6+$0x1B830]  }
0x3c9: {  	v8 =	vld [tilespmem:s6+$0x1B840]  }
0x3ca: {  	s22 =	sadd.s32 $0x1C0, s22;
	v12 =	vadd.f32 v14, v7;
	v7 =	vld [tilespmem:s6+$0x1B850]  }
0x3cb: {  	v6 =	vadd.f32 v6, v11;
	v63 =	vld [tilespmem:s6+$0x1B860]  }
0x3cc: {  	s2 =	sadd.s32 $0x1, s2;
	[tilespmem:s6+$0x1B800] =	vst v12;
	v5 =	vadd.f32 v5, v10  }
0x3cd: {  	p0 =	sne.s32 s2, $0x10;
	[tilespmem:s6+$0x1B810] =	vst v6;
	v4 =	vadd.f32 v4, v9  }
.Ltmp17:
0x3ce: {  	[tilespmem:s6+$0x1B820] =	vst v5;
	v3 =	vadd.f32 v3, v8;
	(pc) =	sbr.rel @p0 .LBB2_34-.Ltmp17, $4  }
0x3cf: {  	[tilespmem:s6+$0x1B830] =	vst v4;
	v2 =	vadd.f32 v2, v7  }
0x3d0: {  	[tilespmem:s6+$0x1B840] =	vst v3;
	v1 =	vadd.f32 v1, v63  }
0x3d1: {  	[tilespmem:s6+$0x1B850] =	vst v2  }
0x3d2: {  	[tilespmem:s6+$0x1B860] =	vst v1  }
0x3d3: {  	s2 =	rddreg [dreg:$0xe]  }
0x3d4: {  	[hbm4b:s2+s11] =	stream.linear.scatter [tilespmem:s26], [sflag:$0x5], $0x620, $0x38;
	[tilespmem:$0x1E800] =	vst v63  }
0x3d5: {  	_ =	swait.ge [sflag:s15], $0x620  }
0x3d6: {  	s6 =	rddreg [dreg:$0x1a]  }
0x3d7: {  	s28 =	rddreg [dreg:$0xf];
	s6 =	sadd.s32 $0x1, s6  }
0x3d8: {  	p0 =	sne.s32 s6, s28  }
.Ltmp18:
0x3d9: {  	_ = 	snop;
	(pc) =	sbr.rel @p0 .LBB2_1-.Ltmp18, $3  }
0x3da: {  	_ =	sdelay $0x1  }
0x3db: {  	[sflag:s15] =	ssyncset.done $0x0  }
0x3dc: {  	[sflag:s15] =	ssyncadd.s32 $0xFFFFF9E0  }
0x3dd: {  	_ =	sfence.sel $0x180000  }
0x3de: {  	[bflag:$0x0] =	sbarrier.arrive $0xFFFF  }
0x3df: {  	_ =	strace $0x90000047  }
0x3e0: {  	s0 =	stileid.u32;
	[bflag:$0x2] =	sbarrier.arrive $0xFFFF  }
0x3e1: {  	p0 =	sne.s32 s0, $0x0;
	s0 =	rddreg [dreg:$0xa]  }
0x3e2: {  	s0 =	sadd.s32 @!p0 $0x100000, s0  }
0x3e3: {  	[sflag:s0] =	ssyncadd.tile.s32 @!p0 $0x1;
	_ =	shalt  }
.Lfunc_end2:
_tile_overlayer_lowered:
.L_overlay_start_2:
0x3e4: {  	(tag) =	ssettag $0x2  }
0x3e5: {  	s0 =	rddreg [dreg:$0x0];
	s2 =	stileid.u32  }
0x3e6: {  	s1 =	rddreg [dreg:$0x1];
	p0 =	sne.s32 s2, $0x0  }
0x3e7: {  	s3 =	rddreg [dreg:$0x2];
	[bflag:$0x3] =	sbarrier.arrive $0xFFFF;
	s2 =	simm.s32 @!p0 $0x1C05  }
0x3e8: {  	[timem:s3], [sflag:s2] =	dma.local @!p0 [hbm:s0], s1  }
0x3e9: {  	s0 =	simm.s32 @!p0 $0x5  }
0x3ea: {  	_ =	swait.ge @!p0 [sflag:s0], s1  }
0x3eb: {  	s1 =	ssub.s32 @!p0 $0x0, s1;
	[sflag:s0] =	ssyncset.done @!p0 $0x0  }
0x3ec: {  	[sflag:s0] =	ssyncadd.s32 @!p0 s1  }
0x3ed: {  	[bflag:$0x3] =	sbarrier.arrive $0xFFFF  }
0x3ee: {  	_ =	shalt  }

</sc_bundles>
